<compile_context>
chip_gen: v7x
topology: tpu7x:2x2x1
jax: 0.10.2.dev20260603
libtpu: 0.0.44.dev20260713+nightly
codegen_flags: <defaults>
</compile_context>

<pallas_src>
import functools

import jax
import jax.numpy as jnp
from jax import lax
from jax.experimental import pallas as pl
from jax.experimental.pallas import tpu as pltpu
from jax.experimental.pallas import tpu_sc as plsc

_NUM_POINTS = 32
_CROP = 224
_THRESHOLD = 0.15
_QROWS = 56
_N_SC = 8
_N_TC = _NUM_POINTS - _N_SC
_UPT = 3


def _sample_yx(salience_map):
    H, W = salience_map.shape
    prob = salience_map.reshape(-1)
    y_t = max(_CROP // 2, int(_THRESHOLD * H))
    x_t = max(_CROP // 2, int(_THRESHOLD * H))
    border_mask = jnp.zeros((H, W), dtype=salience_map.dtype)
    border_mask = border_mask.at[y_t:H - y_t, x_t:W - x_t].set(1.0)
    border_mask = border_mask.reshape(-1)
    p = prob * border_mask
    p = p / p.sum()
    p = jax.lax.stop_gradient(p)
    skey = jax.random.key(42)
    p_cuml = jnp.cumsum(p)
    rq = p_cuml[-1] * (1 - jax.random.uniform(skey, (_NUM_POINTS,),
                                              dtype=p_cuml.dtype))
    idx = jnp.searchsorted(p_cuml, rq, method='compare_all').astype(jnp.int32)
    y = idx // W
    x = idx % W
    return y, x


_SC_MESH = plsc.VectorSubcoreMesh(core_axis_name="c", subcore_axis_name="s")


@functools.partial(
    pl.kernel,
    mesh=_SC_MESH,
    out_type=jax.ShapeDtypeStruct((_N_SC * 3 * _CROP, _CROP), jnp.float32),
    scratch_types=[
        pltpu.VMEM((_UPT * _QROWS,), jnp.int32),
        [pltpu.VMEM((_QROWS, 512), jnp.float32) for _ in range(2)],
        [pltpu.VMEM((_QROWS, _CROP), jnp.float32) for _ in range(2)],
        pltpu.VMEM((16,), jnp.int32),
        pltpu.SemaphoreType.DMA,
        pltpu.SemaphoreType.DMA,
    ],
    compiler_params=pltpu.CompilerParams(needs_layout_passes=False),
)
def _sc_crop_kernel(rows_hbm, idx_hbm, left_hbm, out_hbm,
                    idx_v, g_vs, l_vs, lw_v, sem_g, sem_o):
    wid = lax.axis_index("s") * 2 + lax.axis_index("c")

    pltpu.sync_copy(
        idx_hbm.at[pl.ds(wid * _UPT * _QROWS, _UPT * _QROWS)], idx_v)
    idx_vs = [idx_v.at[pl.ds(u * _QROWS, _QROWS)] for u in range(_UPT)]
    pltpu.sync_copy(left_hbm.at[pl.ds(wid * 16, 16)], lw_v)
    lane = lax.iota(jnp.int32, 16)
    lv = lax.reduce_sum_p.bind(
        jnp.where(lane == 0, lw_v[...], 0), axes=(0,))
    srcs = [lane + lv + 16 * j for j in range(14)]
    dsts = [lane + 16 * j for j in range(14)]

    out_base = []
    for uu in range(_UPT):
        g = wid * _UPT + uu
        k = g // 12
        u = g - k * 12
        out_base.append((k * 3 + u // 4) * _CROP + (u % 4) * _QROWS)

    gcp = [None, None]
    ocp = [None, None]
    gcp[0] = pltpu.async_copy(rows_hbm.at[idx_vs[0]], g_vs[0], sem_g)
    for uu in range(_UPT):
        b = uu % 2
        gcp[b].wait()
        if uu + 1 < _UPT:
            gcp[1 - b] = pltpu.async_copy(
                rows_hbm.at[idx_vs[uu + 1]], g_vs[1 - b], sem_g)
        if ocp[b] is not None:
            ocp[b].wait()
        g_v, l_v = g_vs[b], l_vs[b]

        def body(i, row_idx):
            for r in range(8):
                for j in range(14):
                    chunk = plsc.load_gather(g_v, [row_idx, srcs[j]])
                    plsc.store_scatter(l_v, [row_idx, dsts[j]], chunk)
                row_idx = row_idx + 1
            return row_idx

        lax.fori_loop(0, _QROWS // 8, body,
                      jnp.zeros((16,), dtype=jnp.int32))
        ocp[b] = pltpu.async_copy(
            l_v, out_hbm.at[pl.ds(out_base[uu], _QROWS), :], sem_o)
    for b in range(2):
        if ocp[b] is not None:
            ocp[b].wait()


def _tc_crop_kernel(top_ref, left_ref, img_ref, out_ref):
    i = pl.program_id(0)
    t = top_ref[i]
    l = left_ref[i]
    a0 = t // 8
    dt = t - a0 * 8
    slab = img_ref[:, pl.ds(a0, 29), :, :]
    slab = slab.reshape(3, 232, 512)
    slab = pltpu.roll(slab, -l, axis=2)[:, :, :_CROP]
    out_ref[0] = jax.lax.switch(
        dt, [(lambda d: (lambda: slab[:, d:d + _CROP, :]))(d)
             for d in range(8)])


def kernel(img, salience_map):
    y, x = _sample_yx(salience_map)
    half = _CROP // 2
    top = (y - half).astype(jnp.int32)
    left = (x - half).astype(jnp.int32)
    C, H, W = img.shape

    top_sc = top[_N_TC:]
    left_sc = left[_N_TC:]
    rows = img.reshape(C * H, W)
    cc = jnp.arange(3, dtype=jnp.int32)[None, :, None, None] * H
    qq = jnp.arange(4, dtype=jnp.int32)[None, None, :, None] * _QROWS
    ii = jnp.arange(_QROWS, dtype=jnp.int32)[None, None, None, :]
    idx = (top_sc[:, None, None, None] + cc + qq + ii).reshape(-1)
    tile_crop = (jnp.arange(32, dtype=jnp.int32) * _UPT) // 12
    lpad = jnp.zeros((32, 16), jnp.int32).at[:, 0].set(left_sc[tile_crop])

    out_tc = pl.pallas_call(
        _tc_crop_kernel,
        grid=(_N_TC,),
        in_specs=[
            pl.BlockSpec(memory_space=pltpu.SMEM),
            pl.BlockSpec(memory_space=pltpu.SMEM),
            pl.BlockSpec((C, H // 8, 8, W), lambda i: (0, 0, 0, 0)),
        ],
        out_specs=pl.BlockSpec((1, C, _CROP, _CROP), lambda i: (i, 0, 0, 0)),
        out_shape=jax.ShapeDtypeStruct((_N_TC, C, _CROP, _CROP), img.dtype),
    )(top[:_N_TC], left[:_N_TC], img.reshape(C, H // 8, 8, W))

    out_sc = _sc_crop_kernel(rows, idx, lpad.reshape(-1))

    return jnp.concatenate(
        [out_tc, out_sc.reshape(_N_SC, C, _CROP, _CROP)], axis=0)

# --- scband reference (transcript-rebuilt; emitter-appended) ---
"""Pipeline reference for scband-salience-sampling-10307921510684 (READ-ONLY COPY).

The authoritative reference and input builder live on the scoring server;
editing this copy changes nothing except your own understanding.
"""

import jax, jax.numpy as jnp
import numpy as np

NUM_POINTS = 32
CROP = 224
THRESHOLD = 0.15


def setup_inputs(seed: int = 0):
    key = jax.random.key(seed)
    k1, k2 = jax.random.split(key)
    img = jax.random.normal(k1, (3, 512, 512), dtype=jnp.float32)
    salience_map = jax.random.uniform(k2, (512, 512), dtype=jnp.float32)
    return {"img": img, "salience_map": salience_map}


def _sample_points(salience_map, num_points, crop_size, threshold=THRESHOLD):
    H, W = salience_map.shape
    prob = salience_map.reshape(-1)
    # original code uses prob_arr.shape[0] (H) for both thresholds
    y_t = max(crop_size // 2, int(threshold * H))
    x_t = max(crop_size // 2, int(threshold * H))
    border_mask = jnp.zeros((H, W), dtype=salience_map.dtype)
    border_mask = border_mask.at[y_t:H - y_t, x_t:W - x_t].set(1.0)
    border_mask = border_mask.reshape(-1)
    p = prob * border_mask
    p = p / p.sum()
    # sampling is non-differentiable; stop_gradient matches np.random.choice semantics
    p = jax.lax.stop_gradient(p)
    skey = jax.random.key(42)
    idx = jax.random.choice(skey, prob.shape[0], shape=(num_points,), replace=True, p=p)
    y = idx // W
    x = idx % W
    return y, x


def reference(img, salience_map):
    y, x = _sample_points(salience_map, NUM_POINTS, CROP)
    half = CROP // 2
    top = (y - half).astype(jnp.int32)
    left = (x - half).astype(jnp.int32)
    C = img.shape[0]

    def crop_one(t, l):
        return jax.lax.dynamic_slice(img, (jnp.int32(0), t, l), (C, CROP, CROP))

    crops = jax.vmap(crop_one)(top, left)
    return crops

if __name__ == "__main__":
    import jax
    _d = setup_inputs()
    print(jax.jit(kernel)(*tuple(_d.values())))

</pallas_src>

<mosaic_0001>
#map = affine_map<(d0, d1) -> (0, 0)>
#map1 = affine_map<(d0, d1) -> (0)>
module attributes {stable_mosaic.version = 14 : i64} {
  func.func @_sc_crop_kernel(%arg0: i32, %arg1: i32, %arg2: memref<1536x512xf32, #tpu.memory_space<hbm>>, %arg3: memref<5376xi32, #tpu.memory_space<hbm>>, %arg4: memref<512xi32, #tpu.memory_space<hbm>>, %arg5: memref<5376x224xf32, #tpu.memory_space<hbm>>, %arg6: memref<168xi32, #tpu.memory_space<vmem>>, %arg7: memref<56x512xf32, #tpu.memory_space<vmem>>, %arg8: memref<56x512xf32, #tpu.memory_space<vmem>>, %arg9: memref<56x224xf32, #tpu.memory_space<vmem>>, %arg10: memref<56x224xf32, #tpu.memory_space<vmem>>, %arg11: memref<16xi32, #tpu.memory_space<vmem>>, %arg12: memref<!tpu.dma_semaphore, #tpu.memory_space<semaphore_mem>>, %arg13: memref<!tpu.dma_semaphore, #tpu.memory_space<semaphore_mem>>) attributes {dimension_semantics = [#tpu.dimension_semantics<core_parallel>, #tpu.dimension_semantics<subcore_parallel>], iteration_bounds = array<i64: 2, 16>, scalar_prefetch = 0 : i64, scratch_operands = 8 : i64, tpu.core_type = #tpu.core_type<sc_vector_subcore>, window_params = [{transform_indices = #map}, {transform_indices = #map1}, {transform_indices = #map1}, {transform_indices = #map}]} {
    %mul3A = arith.constant 2 : i32
    %mul3A_0 = arith.muli %arg1, %mul3A : i32
    %add3A = arith.addi %mul3A_0, %arg0 : i32
    %mul3A_1 = arith.constant 3 : i32
    %mul3A_2 = arith.muli %add3A, %mul3A_1 : i32
    %mul3A_3 = arith.constant 56 : i32
    %mul3A_4 = arith.muli %mul3A_2, %mul3A_3 : i32
    "tpu.region"() ({
      %run_scoped3A = tpu.sem_alloc : memref<!tpu.dma_semaphore, #tpu.memory_space<semaphore_mem>>
      %dma_start3A_430 = tpu.memref_slice %arg3[%mul3A_4] : memref<5376xi32, #tpu.memory_space<hbm>> -> memref<168xi32, #tpu.memory_space<hbm>>
      %dma_start3A_431 = tpu.memref_slice %arg3[%mul3A_4] : memref<5376xi32, #tpu.memory_space<hbm>> -> memref<168xi32, #tpu.memory_space<hbm>>
      tpu.enqueue_dma source(%dma_start3A_431 : memref<168xi32, #tpu.memory_space<hbm>>) target(%arg6 : memref<168xi32, #tpu.memory_space<vmem>>) target_semaphore(%run_scoped3A : memref<!tpu.dma_semaphore, #tpu.memory_space<semaphore_mem>>)
      %dma_wait3A_432 = tpu.memref_slice %arg3[%mul3A_4] : memref<5376xi32, #tpu.memory_space<hbm>> -> memref<168xi32, #tpu.memory_space<hbm>>
      %dma_wait3A_433 = tpu.memref_slice %arg3[%mul3A_4] : memref<5376xi32, #tpu.memory_space<hbm>> -> memref<168xi32, #tpu.memory_space<hbm>>
      tpu.wait_dma2 semaphore(%run_scoped3A : memref<!tpu.dma_semaphore, #tpu.memory_space<semaphore_mem>>) src(%dma_wait3A_433 : memref<168xi32, #tpu.memory_space<hbm>>) dst(%arg6 : memref<168xi32, #tpu.memory_space<vmem>>)
      tpu.yield
    }) : () -> ()
    %mul3A_5 = arith.constant 16 : i32
    %mul3A_6 = arith.muli %add3A, %mul3A_5 : i32
    "tpu.region"() ({
      %run_scoped3A = tpu.sem_alloc : memref<!tpu.dma_semaphore, #tpu.memory_space<semaphore_mem>>
      %dma_start3A_430 = tpu.memref_slice %arg4[%mul3A_6] : memref<512xi32, #tpu.memory_space<hbm>> -> memref<16xi32, #tpu.memory_space<hbm>>
      %dma_start3A_431 = tpu.memref_slice %arg4[%mul3A_6] : memref<512xi32, #tpu.memory_space<hbm>> -> memref<16xi32, #tpu.memory_space<hbm>>
      tpu.enqueue_dma source(%dma_start3A_431 : memref<16xi32, #tpu.memory_space<hbm>>) target(%arg11 : memref<16xi32, #tpu.memory_space<vmem>>) target_semaphore(%run_scoped3A : memref<!tpu.dma_semaphore, #tpu.memory_space<semaphore_mem>>)
      %dma_wait3A_432 = tpu.memref_slice %arg4[%mul3A_6] : memref<512xi32, #tpu.memory_space<hbm>> -> memref<16xi32, #tpu.memory_space<hbm>>
      %dma_wait3A_433 = tpu.memref_slice %arg4[%mul3A_6] : memref<512xi32, #tpu.memory_space<hbm>> -> memref<16xi32, #tpu.memory_space<hbm>>
      tpu.wait_dma2 semaphore(%run_scoped3A : memref<!tpu.dma_semaphore, #tpu.memory_space<semaphore_mem>>) src(%dma_wait3A_433 : memref<16xi32, #tpu.memory_space<hbm>>) dst(%arg11 : memref<16xi32, #tpu.memory_space<vmem>>)
      tpu.yield
    }) : () -> ()
    %iota3A = tpu.iota {dimensions = array<i32: 0>} : vector<16xi32>
    %eq3A = arith.constant 0 : i32
    %eq3A_7 = vector.broadcast %eq3A : i32 to vector<16xi32>
    %eq3A_8 = arith.cmpi eq, %iota3A, %eq3A_7 : vector<16xi32>
    %get3A = arith.constant 0 : index
    %get3A_9 = tpu.vector_load %arg11[%get3A] {strides = array<i32>} : memref<16xi32, #tpu.memory_space<vmem>>, vector<16xi32>,
    %jit3A = arith.constant 0 : i32
    %broadcast_in_dim3A = vector.broadcast %jit3A : i32 to vector<16xi32>
    %select_n3A = arith.select %eq3A_8, %get3A_9, %broadcast_in_dim3A : vector<16xi1>, vector<16xi32>
    %reduce_sum3A = arith.constant true
    %reduce_sum3A_10 = vector.broadcast %reduce_sum3A : i1 to vector<16xi1>
    %reduce_sum3A_11 = tpu.scan <sum>, %select_n3A masked %reduce_sum3A_10 : vector<16xi32>, vector<16xi1> -> vector<16xi32>
    %reduce_sum3A_12 = vector.extract %reduce_sum3A_11[15] : i32 from vector<16xi32>
    %add3A_13 = vector.broadcast %reduce_sum3A_12 : i32 to vector<16xi32>
    %add3A_14 = arith.addi %iota3A, %add3A_13 : vector<16xi32>
    %add3A_15 = arith.constant 0 : i32
    %add3A_16 = vector.broadcast %add3A_15 : i32 to vector<16xi32>
    %add3A_17 = arith.addi %add3A_14, %add3A_16 : vector<16xi32>
    %add3A_18 = vector.broadcast %reduce_sum3A_12 : i32 to vector<16xi32>
    %add3A_19 = arith.addi %iota3A, %add3A_18 : vector<16xi32>
    %add3A_20 = arith.constant 16 : i32
    %add3A_21 = vector.broadcast %add3A_20 : i32 to vector<16xi32>
    %add3A_22 = arith.addi %add3A_19, %add3A_21 : vector<16xi32>
    %add3A_23 = vector.broadcast %reduce_sum3A_12 : i32 to vector<16xi32>
    %add3A_24 = arith.addi %iota3A, %add3A_23 : vector<16xi32>
    %add3A_25 = arith.constant 32 : i32
    %add3A_26 = vector.broadcast %add3A_25 : i32 to vector<16xi32>
    %add3A_27 = arith.addi %add3A_24, %add3A_26 : vector<16xi32>
    %add3A_28 = vector.broadcast %reduce_sum3A_12 : i32 to vector<16xi32>
    %add3A_29 = arith.addi %iota3A, %add3A_28 : vector<16xi32>
    %add3A_30 = arith.constant 48 : i32
    %add3A_31 = vector.broadcast %add3A_30 : i32 to vector<16xi32>
    %add3A_32 = arith.addi %add3A_29, %add3A_31 : vector<16xi32>
    %add3A_33 = vector.broadcast %reduce_sum3A_12 : i32 to vector<16xi32>
    %add3A_34 = arith.addi %iota3A, %add3A_33 : vector<16xi32>
    %add3A_35 = arith.constant 64 : i32
    %add3A_36 = vector.broadcast %add3A_35 : i32 to vector<16xi32>
    %add3A_37 = arith.addi %add3A_34, %add3A_36 : vector<16xi32>
    %add3A_38 = vector.broadcast %reduce_sum3A_12 : i32 to vector<16xi32>
    %add3A_39 = arith.addi %iota3A, %add3A_38 : vector<16xi32>
    %add3A_40 = arith.constant 80 : i32
    %add3A_41 = vector.broadcast %add3A_40 : i32 to vector<16xi32>
    %add3A_42 = arith.addi %add3A_39, %add3A_41 : vector<16xi32>
    %add3A_43 = vector.broadcast %reduce_sum3A_12 : i32 to vector<16xi32>
    %add3A_44 = arith.addi %iota3A, %add3A_43 : vector<16xi32>
    %add3A_45 = arith.constant 96 : i32
    %add3A_46 = vector.broadcast %add3A_45 : i32 to vector<16xi32>
    %add3A_47 = arith.addi %add3A_44, %add3A_46 : vector<16xi32>
    %add3A_48 = vector.broadcast %reduce_sum3A_12 : i32 to vector<16xi32>
    %add3A_49 = arith.addi %iota3A, %add3A_48 : vector<16xi32>
    %add3A_50 = arith.constant 112 : i32
    %add3A_51 = vector.broadcast %add3A_50 : i32 to vector<16xi32>
    %add3A_52 = arith.addi %add3A_49, %add3A_51 : vector<16xi32>
    %add3A_53 = vector.broadcast %reduce_sum3A_12 : i32 to vector<16xi32>
    %add3A_54 = arith.addi %iota3A, %add3A_53 : vector<16xi32>
    %add3A_55 = arith.constant 128 : i32
    %add3A_56 = vector.broadcast %add3A_55 : i32 to vector<16xi32>
    %add3A_57 = arith.addi %add3A_54, %add3A_56 : vector<16xi32>
    %add3A_58 = vector.broadcast %reduce_sum3A_12 : i32 to vector<16xi32>
    %add3A_59 = arith.addi %iota3A, %add3A_58 : vector<16xi32>
    %add3A_60 = arith.constant 144 : i32
    %add3A_61 = vector.broadcast %add3A_60 : i32 to vector<16xi32>
    %add3A_62 = arith.addi %add3A_59, %add3A_61 : vector<16xi32>
    %add3A_63 = vector.broadcast %reduce_sum3A_12 : i32 to vector<16xi32>
    %add3A_64 = arith.addi %iota3A, %add3A_63 : vector<16xi32>
    %add3A_65 = arith.constant 160 : i32
    %add3A_66 = vector.broadcast %add3A_65 : i32 to vector<16xi32>
    %add3A_67 = arith.addi %add3A_64, %add3A_66 : vector<16xi32>
    %add3A_68 = vector.broadcast %reduce_sum3A_12 : i32 to vector<16xi32>
    %add3A_69 = arith.addi %iota3A, %add3A_68 : vector<16xi32>
    %add3A_70 = arith.constant 176 : i32
    %add3A_71 = vector.broadcast %add3A_70 : i32 to vector<16xi32>
    %add3A_72 = arith.addi %add3A_69, %add3A_71 : vector<16xi32>
    %add3A_73 = vector.broadcast %reduce_sum3A_12 : i32 to vector<16xi32>
    %add3A_74 = arith.addi %iota3A, %add3A_73 : vector<16xi32>
    %add3A_75 = arith.constant 192 : i32
    %add3A_76 = vector.broadcast %add3A_75 : i32 to vector<16xi32>
    %add3A_77 = arith.addi %add3A_74, %add3A_76 : vector<16xi32>
    %add3A_78 = vector.broadcast %reduce_sum3A_12 : i32 to vector<16xi32>
    %add3A_79 = arith.addi %iota3A, %add3A_78 : vector<16xi32>
    %add3A_80 = arith.constant 208 : i32
    %add3A_81 = vector.broadcast %add3A_80 : i32 to vector<16xi32>
    %add3A_82 = arith.addi %add3A_79, %add3A_81 : vector<16xi32>
    %add3A_83 = arith.constant 0 : i32
    %add3A_84 = vector.broadcast %add3A_83 : i32 to vector<16xi32>
    %add3A_85 = arith.addi %iota3A, %add3A_84 : vector<16xi32>
    %add3A_86 = arith.constant 16 : i32
    %add3A_87 = vector.broadcast %add3A_86 : i32 to vector<16xi32>
    %add3A_88 = arith.addi %iota3A, %add3A_87 : vector<16xi32>
    %add3A_89 = arith.constant 32 : i32
    %add3A_90 = vector.broadcast %add3A_89 : i32 to vector<16xi32>
    %add3A_91 = arith.addi %iota3A, %add3A_90 : vector<16xi32>
    %add3A_92 = arith.constant 48 : i32
    %add3A_93 = vector.broadcast %add3A_92 : i32 to vector<16xi32>
    %add3A_94 = arith.addi %iota3A, %add3A_93 : vector<16xi32>
    %add3A_95 = arith.constant 64 : i32
    %add3A_96 = vector.broadcast %add3A_95 : i32 to vector<16xi32>
    %add3A_97 = arith.addi %iota3A, %add3A_96 : vector<16xi32>
    %add3A_98 = arith.constant 80 : i32
    %add3A_99 = vector.broadcast %add3A_98 : i32 to vector<16xi32>
    %add3A_100 = arith.addi %iota3A, %add3A_99 : vector<16xi32>
    %add3A_101 = arith.constant 96 : i32
    %add3A_102 = vector.broadcast %add3A_101 : i32 to vector<16xi32>
    %add3A_103 = arith.addi %iota3A, %add3A_102 : vector<16xi32>
    %add3A_104 = arith.constant 112 : i32
    %add3A_105 = vector.broadcast %add3A_104 : i32 to vector<16xi32>
    %add3A_106 = arith.addi %iota3A, %add3A_105 : vector<16xi32>
    %add3A_107 = arith.constant 128 : i32
    %add3A_108 = vector.broadcast %add3A_107 : i32 to vector<16xi32>
    %add3A_109 = arith.addi %iota3A, %add3A_108 : vector<16xi32>
    %add3A_110 = arith.constant 144 : i32
    %add3A_111 = vector.broadcast %add3A_110 : i32 to vector<16xi32>
    %add3A_112 = arith.addi %iota3A, %add3A_111 : vector<16xi32>
    %add3A_113 = arith.constant 160 : i32
    %add3A_114 = vector.broadcast %add3A_113 : i32 to vector<16xi32>
    %add3A_115 = arith.addi %iota3A, %add3A_114 : vector<16xi32>
    %add3A_116 = arith.constant 176 : i32
    %add3A_117 = vector.broadcast %add3A_116 : i32 to vector<16xi32>
    %add3A_118 = arith.addi %iota3A, %add3A_117 : vector<16xi32>
    %add3A_119 = arith.constant 192 : i32
    %add3A_120 = vector.broadcast %add3A_119 : i32 to vector<16xi32>
    %add3A_121 = arith.addi %iota3A, %add3A_120 : vector<16xi32>
    %add3A_122 = arith.constant 208 : i32
    %add3A_123 = vector.broadcast %add3A_122 : i32 to vector<16xi32>
    %add3A_124 = arith.addi %iota3A, %add3A_123 : vector<16xi32>
    %mul3A_125 = arith.constant 3 : i32
    %mul3A_126 = arith.muli %add3A, %mul3A_125 : i32
    %add3A_127 = arith.constant 0 : i32
    %add3A_128 = arith.addi %mul3A_126, %add3A_127 : i32
    %jit3A_129 = arith.constant 12 : i32
    %div3A = arith.divsi %add3A_128, %jit3A_129 : i32
    %sign3A = arith.constant 0 : i32
    %sign3A_130 = arith.cmpi sgt, %add3A_128, %sign3A : i32
    %sign3A_131 = arith.extui %sign3A_130 : i1 to i32
    %sign3A_132 = arith.constant 0 : i32
    %sign3A_133 = arith.cmpi slt, %add3A_128, %sign3A_132 : i32
    %sign3A_134 = arith.extui %sign3A_133 : i1 to i32
    %sign3A_135 = arith.subi %sign3A_131, %sign3A_134 : i32
    %sign3A_136 = arith.constant 0 : i32
    %sign3A_137 = arith.cmpi sgt, %jit3A_129, %sign3A_136 : i32
    %sign3A_138 = arith.extui %sign3A_137 : i1 to i32
    %sign3A_139 = arith.constant 0 : i32
    %sign3A_140 = arith.cmpi slt, %jit3A_129, %sign3A_139 : i32
    %sign3A_141 = arith.extui %sign3A_140 : i1 to i32
    %sign3A_142 = arith.subi %sign3A_138, %sign3A_141 : i32
    %ne3A = arith.cmpi ne, %sign3A_135, %sign3A_142 : i32
    %rem3A = arith.remsi %add3A_128, %jit3A_129 : i32
    %ne3A_143 = arith.constant 0 : i32
    %ne3A_144 = arith.cmpi ne, %rem3A, %ne3A_143 : i32
    %and3A = arith.andi %ne3A, %ne3A_144 : i1
    %sub3A = arith.constant 1 : i32
    %sub3A_145 = arith.subi %div3A, %sub3A : i32
    %select_n3A_146 = arith.select %and3A, %sub3A_145, %div3A : i32
    %mul3A_147 = arith.constant 12 : i32
    %mul3A_148 = arith.muli %select_n3A_146, %mul3A_147 : i32
    %sub3A_149 = arith.subi %add3A_128, %mul3A_148 : i32
    %mul3A_150 = arith.constant 3 : i32
    %mul3A_151 = arith.muli %select_n3A_146, %mul3A_150 : i32
    %jit3A_152 = arith.constant 4 : i32
    %div3A_153 = arith.divsi %sub3A_149, %jit3A_152 : i32
    %sign3A_154 = arith.constant 0 : i32
    %sign3A_155 = arith.cmpi sgt, %sub3A_149, %sign3A_154 : i32
    %sign3A_156 = arith.extui %sign3A_155 : i1 to i32
    %sign3A_157 = arith.constant 0 : i32
    %sign3A_158 = arith.cmpi slt, %sub3A_149, %sign3A_157 : i32
    %sign3A_159 = arith.extui %sign3A_158 : i1 to i32
    %sign3A_160 = arith.subi %sign3A_156, %sign3A_159 : i32
    %sign3A_161 = arith.constant 0 : i32
    %sign3A_162 = arith.cmpi sgt, %jit3A_152, %sign3A_161 : i32
    %sign3A_163 = arith.extui %sign3A_162 : i1 to i32
    %sign3A_164 = arith.constant 0 : i32
    %sign3A_165 = arith.cmpi slt, %jit3A_152, %sign3A_164 : i32
    %sign3A_166 = arith.extui %sign3A_165 : i1 to i32
    %sign3A_167 = arith.subi %sign3A_163, %sign3A_166 : i32
    %ne3A_168 = arith.cmpi ne, %sign3A_160, %sign3A_167 : i32
    %rem3A_169 = arith.remsi %sub3A_149, %jit3A_152 : i32
    %ne3A_170 = arith.constant 0 : i32
    %ne3A_171 = arith.cmpi ne, %rem3A_169, %ne3A_170 : i32
    %and3A_172 = arith.andi %ne3A_168, %ne3A_171 : i1
    %sub3A_173 = arith.constant 1 : i32
    %sub3A_174 = arith.subi %div3A_153, %sub3A_173 : i32
    %select_n3A_175 = arith.select %and3A_172, %sub3A_174, %div3A_153 : i32
    %add3A_176 = arith.addi %mul3A_151, %select_n3A_175 : i32
    %mul3A_177 = arith.constant 224 : i32
    %mul3A_178 = arith.muli %add3A_176, %mul3A_177 : i32
    %jit3A_179 = arith.constant 4 : i32
    %eq3A_180 = arith.constant 0 : i32
    %eq3A_181 = arith.cmpi eq, %jit3A_179, %eq3A_180 : i32
    %jit3A_182 = arith.constant 1 : i32
    %select_n3A_183 = arith.select %eq3A_181, %jit3A_182, %jit3A_179 : i32
    %rem3A_184 = arith.remsi %sub3A_149, %select_n3A_183 : i32
    %ne3A_185 = arith.constant 0 : i32
    %ne3A_186 = arith.cmpi ne, %rem3A_184, %ne3A_185 : i32
    %lt3A = arith.constant 0 : i32
    %lt3A_187 = arith.cmpi slt, %rem3A_184, %lt3A : i32
    %lt3A_188 = arith.constant 0 : i32
    %lt3A_189 = arith.cmpi slt, %select_n3A_183, %lt3A_188 : i32
    %ne3A_190 = arith.xori %lt3A_187, %lt3A_189 : i1
    %and3A_191 = arith.andi %ne3A_190, %ne3A_186 : i1
    %add3A_192 = arith.addi %rem3A_184, %select_n3A_183 : i32
    %select_n3A_193 = arith.select %and3A_191, %add3A_192, %rem3A_184 : i32
    %mul3A_194 = arith.constant 56 : i32
    %mul3A_195 = arith.muli %select_n3A_193, %mul3A_194 : i32
    %add3A_196 = arith.addi %mul3A_178, %mul3A_195 : i32
    %mul3A_197 = arith.constant 3 : i32
    %mul3A_198 = arith.muli %add3A, %mul3A_197 : i32
    %add3A_199 = arith.constant 1 : i32
    %add3A_200 = arith.addi %mul3A_198, %add3A_199 : i32
    %jit3A_201 = arith.constant 12 : i32
    %div3A_202 = arith.divsi %add3A_200, %jit3A_201 : i32
    %sign3A_203 = arith.constant 0 : i32
    %sign3A_204 = arith.cmpi sgt, %add3A_200, %sign3A_203 : i32
    %sign3A_205 = arith.extui %sign3A_204 : i1 to i32
    %sign3A_206 = arith.constant 0 : i32
    %sign3A_207 = arith.cmpi slt, %add3A_200, %sign3A_206 : i32
    %sign3A_208 = arith.extui %sign3A_207 : i1 to i32
    %sign3A_209 = arith.subi %sign3A_205, %sign3A_208 : i32
    %sign3A_210 = arith.constant 0 : i32
    %sign3A_211 = arith.cmpi sgt, %jit3A_201, %sign3A_210 : i32
    %sign3A_212 = arith.extui %sign3A_211 : i1 to i32
    %sign3A_213 = arith.constant 0 : i32
    %sign3A_214 = arith.cmpi slt, %jit3A_201, %sign3A_213 : i32
    %sign3A_215 = arith.extui %sign3A_214 : i1 to i32
    %sign3A_216 = arith.subi %sign3A_212, %sign3A_215 : i32
    %ne3A_217 = arith.cmpi ne, %sign3A_209, %sign3A_216 : i32
    %rem3A_218 = arith.remsi %add3A_200, %jit3A_201 : i32
    %ne3A_219 = arith.constant 0 : i32
    %ne3A_220 = arith.cmpi ne, %rem3A_218, %ne3A_219 : i32
    %and3A_221 = arith.andi %ne3A_217, %ne3A_220 : i1
    %sub3A_222 = arith.constant 1 : i32
    %sub3A_223 = arith.subi %div3A_202, %sub3A_222 : i32
    %select_n3A_224 = arith.select %and3A_221, %sub3A_223, %div3A_202 : i32
    %mul3A_225 = arith.constant 12 : i32
    %mul3A_226 = arith.muli %select_n3A_224, %mul3A_225 : i32
    %sub3A_227 = arith.subi %add3A_200, %mul3A_226 : i32
    %mul3A_228 = arith.constant 3 : i32
    %mul3A_229 = arith.muli %select_n3A_224, %mul3A_228 : i32
    %jit3A_230 = arith.constant 4 : i32
    %div3A_231 = arith.divsi %sub3A_227, %jit3A_230 : i32
    %sign3A_232 = arith.constant 0 : i32
    %sign3A_233 = arith.cmpi sgt, %sub3A_227, %sign3A_232 : i32
    %sign3A_234 = arith.extui %sign3A_233 : i1 to i32
    %sign3A_235 = arith.constant 0 : i32
    %sign3A_236 = arith.cmpi slt, %sub3A_227, %sign3A_235 : i32
    %sign3A_237 = arith.extui %sign3A_236 : i1 to i32
    %sign3A_238 = arith.subi %sign3A_234, %sign3A_237 : i32
    %sign3A_239 = arith.constant 0 : i32
    %sign3A_240 = arith.cmpi sgt, %jit3A_230, %sign3A_239 : i32
    %sign3A_241 = arith.extui %sign3A_240 : i1 to i32
    %sign3A_242 = arith.constant 0 : i32
    %sign3A_243 = arith.cmpi slt, %jit3A_230, %sign3A_242 : i32
    %sign3A_244 = arith.extui %sign3A_243 : i1 to i32
    %sign3A_245 = arith.subi %sign3A_241, %sign3A_244 : i32
    %ne3A_246 = arith.cmpi ne, %sign3A_238, %sign3A_245 : i32
    %rem3A_247 = arith.remsi %sub3A_227, %jit3A_230 : i32
    %ne3A_248 = arith.constant 0 : i32
    %ne3A_249 = arith.cmpi ne, %rem3A_247, %ne3A_248 : i32
    %and3A_250 = arith.andi %ne3A_246, %ne3A_249 : i1
    %sub3A_251 = arith.constant 1 : i32
    %sub3A_252 = arith.subi %div3A_231, %sub3A_251 : i32
    %select_n3A_253 = arith.select %and3A_250, %sub3A_252, %div3A_231 : i32
    %add3A_254 = arith.addi %mul3A_229, %select_n3A_253 : i32
    %mul3A_255 = arith.constant 224 : i32
    %mul3A_256 = arith.muli %add3A_254, %mul3A_255 : i32
    %jit3A_257 = arith.constant 4 : i32
    %eq3A_258 = arith.constant 0 : i32
    %eq3A_259 = arith.cmpi eq, %jit3A_257, %eq3A_258 : i32
    %jit3A_260 = arith.constant 1 : i32
    %select_n3A_261 = arith.select %eq3A_259, %jit3A_260, %jit3A_257 : i32
    %rem3A_262 = arith.remsi %sub3A_227, %select_n3A_261 : i32
    %ne3A_263 = arith.constant 0 : i32
    %ne3A_264 = arith.cmpi ne, %rem3A_262, %ne3A_263 : i32
    %lt3A_265 = arith.constant 0 : i32
    %lt3A_266 = arith.cmpi slt, %rem3A_262, %lt3A_265 : i32
    %lt3A_267 = arith.constant 0 : i32
    %lt3A_268 = arith.cmpi slt, %select_n3A_261, %lt3A_267 : i32
    %ne3A_269 = arith.xori %lt3A_266, %lt3A_268 : i1
    %and3A_270 = arith.andi %ne3A_269, %ne3A_264 : i1
    %add3A_271 = arith.addi %rem3A_262, %select_n3A_261 : i32
    %select_n3A_272 = arith.select %and3A_270, %add3A_271, %rem3A_262 : i32
    %mul3A_273 = arith.constant 56 : i32
    %mul3A_274 = arith.muli %select_n3A_272, %mul3A_273 : i32
    %add3A_275 = arith.addi %mul3A_256, %mul3A_274 : i32
    %mul3A_276 = arith.constant 3 : i32
    %mul3A_277 = arith.muli %add3A, %mul3A_276 : i32
    %add3A_278 = arith.constant 2 : i32
    %add3A_279 = arith.addi %mul3A_277, %add3A_278 : i32
    %jit3A_280 = arith.constant 12 : i32
    %div3A_281 = arith.divsi %add3A_279, %jit3A_280 : i32
    %sign3A_282 = arith.constant 0 : i32
    %sign3A_283 = arith.cmpi sgt, %add3A_279, %sign3A_282 : i32
    %sign3A_284 = arith.extui %sign3A_283 : i1 to i32
    %sign3A_285 = arith.constant 0 : i32
    %sign3A_286 = arith.cmpi slt, %add3A_279, %sign3A_285 : i32
    %sign3A_287 = arith.extui %sign3A_286 : i1 to i32
    %sign3A_288 = arith.subi %sign3A_284, %sign3A_287 : i32
    %sign3A_289 = arith.constant 0 : i32
    %sign3A_290 = arith.cmpi sgt, %jit3A_280, %sign3A_289 : i32
    %sign3A_291 = arith.extui %sign3A_290 : i1 to i32
    %sign3A_292 = arith.constant 0 : i32
    %sign3A_293 = arith.cmpi slt, %jit3A_280, %sign3A_292 : i32
    %sign3A_294 = arith.extui %sign3A_293 : i1 to i32
    %sign3A_295 = arith.subi %sign3A_291, %sign3A_294 : i32
    %ne3A_296 = arith.cmpi ne, %sign3A_288, %sign3A_295 : i32
    %rem3A_297 = arith.remsi %add3A_279, %jit3A_280 : i32
    %ne3A_298 = arith.constant 0 : i32
    %ne3A_299 = arith.cmpi ne, %rem3A_297, %ne3A_298 : i32
    %and3A_300 = arith.andi %ne3A_296, %ne3A_299 : i1
    %sub3A_301 = arith.constant 1 : i32
    %sub3A_302 = arith.subi %div3A_281, %sub3A_301 : i32
    %select_n3A_303 = arith.select %and3A_300, %sub3A_302, %div3A_281 : i32
    %mul3A_304 = arith.constant 12 : i32
    %mul3A_305 = arith.muli %select_n3A_303, %mul3A_304 : i32
    %sub3A_306 = arith.subi %add3A_279, %mul3A_305 : i32
    %mul3A_307 = arith.constant 3 : i32
    %mul3A_308 = arith.muli %select_n3A_303, %mul3A_307 : i32
    %jit3A_309 = arith.constant 4 : i32
    %div3A_310 = arith.divsi %sub3A_306, %jit3A_309 : i32
    %sign3A_311 = arith.constant 0 : i32
    %sign3A_312 = arith.cmpi sgt, %sub3A_306, %sign3A_311 : i32
    %sign3A_313 = arith.extui %sign3A_312 : i1 to i32
    %sign3A_314 = arith.constant 0 : i32
    %sign3A_315 = arith.cmpi slt, %sub3A_306, %sign3A_314 : i32
    %sign3A_316 = arith.extui %sign3A_315 : i1 to i32
    %sign3A_317 = arith.subi %sign3A_313, %sign3A_316 : i32
    %sign3A_318 = arith.constant 0 : i32
    %sign3A_319 = arith.cmpi sgt, %jit3A_309, %sign3A_318 : i32
    %sign3A_320 = arith.extui %sign3A_319 : i1 to i32
    %sign3A_321 = arith.constant 0 : i32
    %sign3A_322 = arith.cmpi slt, %jit3A_309, %sign3A_321 : i32
    %sign3A_323 = arith.extui %sign3A_322 : i1 to i32
    %sign3A_324 = arith.subi %sign3A_320, %sign3A_323 : i32
    %ne3A_325 = arith.cmpi ne, %sign3A_317, %sign3A_324 : i32
    %rem3A_326 = arith.remsi %sub3A_306, %jit3A_309 : i32
    %ne3A_327 = arith.constant 0 : i32
    %ne3A_328 = arith.cmpi ne, %rem3A_326, %ne3A_327 : i32
    %and3A_329 = arith.andi %ne3A_325, %ne3A_328 : i1
    %sub3A_330 = arith.constant 1 : i32
    %sub3A_331 = arith.subi %div3A_310, %sub3A_330 : i32
    %select_n3A_332 = arith.select %and3A_329, %sub3A_331, %div3A_310 : i32
    %add3A_333 = arith.addi %mul3A_308, %select_n3A_332 : i32
    %mul3A_334 = arith.constant 224 : i32
    %mul3A_335 = arith.muli %add3A_333, %mul3A_334 : i32
    %jit3A_336 = arith.constant 4 : i32
    %eq3A_337 = arith.constant 0 : i32
    %eq3A_338 = arith.cmpi eq, %jit3A_336, %eq3A_337 : i32
    %jit3A_339 = arith.constant 1 : i32
    %select_n3A_340 = arith.select %eq3A_338, %jit3A_339, %jit3A_336 : i32
    %rem3A_341 = arith.remsi %sub3A_306, %select_n3A_340 : i32
    %ne3A_342 = arith.constant 0 : i32
    %ne3A_343 = arith.cmpi ne, %rem3A_341, %ne3A_342 : i32
    %lt3A_344 = arith.constant 0 : i32
    %lt3A_345 = arith.cmpi slt, %rem3A_341, %lt3A_344 : i32
    %lt3A_346 = arith.constant 0 : i32
    %lt3A_347 = arith.cmpi slt, %select_n3A_340, %lt3A_346 : i32
    %ne3A_348 = arith.xori %lt3A_345, %lt3A_347 : i1
    %and3A_349 = arith.andi %ne3A_348, %ne3A_343 : i1
    %add3A_350 = arith.addi %rem3A_341, %select_n3A_340 : i32
    %select_n3A_351 = arith.select %and3A_349, %add3A_350, %rem3A_341 : i32
    %mul3A_352 = arith.constant 56 : i32
    %mul3A_353 = arith.muli %select_n3A_351, %mul3A_352 : i32
    %add3A_354 = arith.addi %mul3A_335, %mul3A_353 : i32
    %dma_start3A = arith.constant 0 : i32
    %dma_start3A_355 = tpu.memref_slice %arg6[%dma_start3A] : memref<168xi32, #tpu.memory_space<vmem>> -> memref<56xi32, #tpu.memory_space<vmem>>
    %dma_start3A_356 = arith.constant 0 : i32
    %dma_start3A_357 = arith.constant 0 : i32
    %dma_start3A_358 = tpu.memref_slice %arg2[%dma_start3A_356, %dma_start3A_357] : memref<1536x512xf32, #tpu.memory_space<hbm>> -> memref<1536x512xf32, #tpu.memory_space<hbm>>
    tpu.enqueue_indirect_dma source(%dma_start3A_358 : memref<1536x512xf32, #tpu.memory_space<hbm>>) target(%arg7 : memref<56x512xf32, #tpu.memory_space<vmem>>) offsets(%dma_start3A_355 : memref<56xi32, #tpu.memory_space<vmem>>) semaphore(%arg12 : memref<!tpu.dma_semaphore, #tpu.memory_space<semaphore_mem>>)
    %dma_wait3A = arith.constant 0 : i32
    %dma_wait3A_359 = tpu.memref_slice %arg6[%dma_wait3A] : memref<168xi32, #tpu.memory_space<vmem>> -> memref<56xi32, #tpu.memory_space<vmem>>
    %dma_wait3A_360 = arith.constant 0 : i32
    %dma_wait3A_361 = arith.constant 0 : i32
    %dma_wait3A_362 = tpu.memref_slice %arg2[%dma_wait3A_360, %dma_wait3A_361] : memref<1536x512xf32, #tpu.memory_space<hbm>> -> memref<1536x512xf32, #tpu.memory_space<hbm>>
    tpu.wait_indirect_dma semaphore(%arg12 : memref<!tpu.dma_semaphore, #tpu.memory_space<semaphore_mem>>) src(%dma_wait3A_362 : memref<1536x512xf32, #tpu.memory_space<hbm>>) dst(%arg7 : memref<56x512xf32, #tpu.memory_space<vmem>>)
    %dma_start3A_363 = arith.constant 56 : i32
    %dma_start3A_364 = tpu.memref_slice %arg6[%dma_start3A_363] : memref<168xi32, #tpu.memory_space<vmem>> -> memref<56xi32, #tpu.memory_space<vmem>>
    %dma_start3A_365 = arith.constant 0 : i32
    %dma_start3A_366 = arith.constant 0 : i32
    %dma_start3A_367 = tpu.memref_slice %arg2[%dma_start3A_365, %dma_start3A_366] : memref<1536x512xf32, #tpu.memory_space<hbm>> -> memref<1536x512xf32, #tpu.memory_space<hbm>>
    tpu.enqueue_indirect_dma source(%dma_start3A_367 : memref<1536x512xf32, #tpu.memory_space<hbm>>) target(%arg8 : memref<56x512xf32, #tpu.memory_space<vmem>>) offsets(%dma_start3A_364 : memref<56xi32, #tpu.memory_space<vmem>>) semaphore(%arg12 : memref<!tpu.dma_semaphore, #tpu.memory_space<semaphore_mem>>)
    %broadcast_in_dim3A_368 = arith.constant 0 : i32
    %broadcast_in_dim3A_369 = vector.broadcast %broadcast_in_dim3A_368 : i32 to vector<16xi32>
    %scan3A = arith.constant 0 : i32
    %scan3A_370 = arith.constant 7 : i32
    %scan3A_371 = arith.addi %scan3A, %scan3A_370 : i32
    %scan3A_372 = arith.constant 1 : i32
    %scan3A_373 = scf.for %scan3A_430 = %scan3A to %scan3A_371 step %scan3A_372 iter_args(%scan3A_431 = %broadcast_in_dim3A_369) -> (vector<16xi32>)  : i32 {
      %gather3A = tpu.vector_load_idx %arg7[%scan3A_431, %add3A_17] : memref<56x512xf32, #tpu.memory_space<vmem>>[vector<16xi32>, vector<16xi32>], vector<16xf32>,
      tpu.vector_store_idx %arg9[%scan3A_431, %add3A_85], %gather3A : memref<56x224xf32, #tpu.memory_space<vmem>>[vector<16xi32>, vector<16xi32>], vector<16xf32>,
      %gather3A_432 = tpu.vector_load_idx %arg7[%scan3A_431, %add3A_22] : memref<56x512xf32, #tpu.memory_space<vmem>>[vector<16xi32>, vector<16xi32>], vector<16xf32>,
      tpu.vector_store_idx %arg9[%scan3A_431, %add3A_88], %gather3A_432 : memref<56x224xf32, #tpu.memory_space<vmem>>[vector<16xi32>, vector<16xi32>], vector<16xf32>,
      %gather3A_433 = tpu.vector_load_idx %arg7[%scan3A_431, %add3A_27] : memref<56x512xf32, #tpu.memory_space<vmem>>[vector<16xi32>, vector<16xi32>], vector<16xf32>,
      tpu.vector_store_idx %arg9[%scan3A_431, %add3A_91], %gather3A_433 : memref<56x224xf32, #tpu.memory_space<vmem>>[vector<16xi32>, vector<16xi32>], vector<16xf32>,
      %gather3A_434 = tpu.vector_load_idx %arg7[%scan3A_431, %add3A_32] : memref<56x512xf32, #tpu.memory_space<vmem>>[vector<16xi32>, vector<16xi32>], vector<16xf32>,
      tpu.vector_store_idx %arg9[%scan3A_431, %add3A_94], %gather3A_434 : memref<56x224xf32, #tpu.memory_space<vmem>>[vector<16xi32>, vector<16xi32>], vector<16xf32>,
      %gather3A_435 = tpu.vector_load_idx %arg7[%scan3A_431, %add3A_37] : memref<56x512xf32, #tpu.memory_space<vmem>>[vector<16xi32>, vector<16xi32>], vector<16xf32>,
      tpu.vector_store_idx %arg9[%scan3A_431, %add3A_97], %gather3A_435 : memref<56x224xf32, #tpu.memory_space<vmem>>[vector<16xi32>, vector<16xi32>], vector<16xf32>,
      %gather3A_436 = tpu.vector_load_idx %arg7[%scan3A_431, %add3A_42] : memref<56x512xf32, #tpu.memory_space<vmem>>[vector<16xi32>, vector<16xi32>], vector<16xf32>,
      tpu.vector_store_idx %arg9[%scan3A_431, %add3A_100], %gather3A_436 : memref<56x224xf32, #tpu.memory_space<vmem>>[vector<16xi32>, vector<16xi32>], vector<16xf32>,
      %gather3A_437 = tpu.vector_load_idx %arg7[%scan3A_431, %add3A_47] : memref<56x512xf32, #tpu.memory_space<vmem>>[vector<16xi32>, vector<16xi32>], vector<16xf32>,
      tpu.vector_store_idx %arg9[%scan3A_431, %add3A_103], %gather3A_437 : memref<56x224xf32, #tpu.memory_space<vmem>>[vector<16xi32>, vector<16xi32>], vector<16xf32>,
      %gather3A_438 = tpu.vector_load_idx %arg7[%scan3A_431, %add3A_52] : memref<56x512xf32, #tpu.memory_space<vmem>>[vector<16xi32>, vector<16xi32>], vector<16xf32>,
      tpu.vector_store_idx %arg9[%scan3A_431, %add3A_106], %gather3A_438 : memref<56x224xf32, #tpu.memory_space<vmem>>[vector<16xi32>, vector<16xi32>], vector<16xf32>,
      %gather3A_439 = tpu.vector_load_idx %arg7[%scan3A_431, %add3A_57] : memref<56x512xf32, #tpu.memory_space<vmem>>[vector<16xi32>, vector<16xi32>], vector<16xf32>,
      tpu.vector_store_idx %arg9[%scan3A_431, %add3A_109], %gather3A_439 : memref<56x224xf32, #tpu.memory_space<vmem>>[vector<16xi32>, vector<16xi32>], vector<16xf32>,
      %gather3A_440 = tpu.vector_load_idx %arg7[%scan3A_431, %add3A_62] : memref<56x512xf32, #tpu.memory_space<vmem>>[vector<16xi32>, vector<16xi32>], vector<16xf32>,
      tpu.vector_store_idx %arg9[%scan3A_431, %add3A_112], %gather3A_440 : memref<56x224xf32, #tpu.memory_space<vmem>>[vector<16xi32>, vector<16xi32>], vector<16xf32>,
      %gather3A_441 = tpu.vector_load_idx %arg7[%scan3A_431, %add3A_67] : memref<56x512xf32, #tpu.memory_space<vmem>>[vector<16xi32>, vector<16xi32>], vector<16xf32>,
      tpu.vector_store_idx %arg9[%scan3A_431, %add3A_115], %gather3A_441 : memref<56x224xf32, #tpu.memory_space<vmem>>[vector<16xi32>, vector<16xi32>], vector<16xf32>,
      %gather3A_442 = tpu.vector_load_idx %arg7[%scan3A_431, %add3A_72] : memref<56x512xf32, #tpu.memory_space<vmem>>[vector<16xi32>, vector<16xi32>], vector<16xf32>,
      tpu.vector_store_idx %arg9[%scan3A_431, %add3A_118], %gather3A_442 : memref<56x224xf32, #tpu.memory_space<vmem>>[vector<16xi32>, vector<16xi32>], vector<16xf32>,
      %gather3A_443 = tpu.vector_load_idx %arg7[%scan3A_431, %add3A_77] : memref<56x512xf32, #tpu.memory_space<vmem>>[vector<16xi32>, vector<16xi32>], vector<16xf32>,
      tpu.vector_store_idx %arg9[%scan3A_431, %add3A_121], %gather3A_443 : memref<56x224xf32, #tpu.memory_space<vmem>>[vector<16xi32>, vector<16xi32>], vector<16xf32>,
      %gather3A_444 = tpu.vector_load_idx %arg7[%scan3A_431, %add3A_82] : memref<56x512xf32, #tpu.memory_space<vmem>>[vector<16xi32>, vector<16xi32>], vector<16xf32>,
      tpu.vector_store_idx %arg9[%scan3A_431, %add3A_124], %gather3A_444 : memref<56x224xf32, #tpu.memory_space<vmem>>[vector<16xi32>, vector<16xi32>], vector<16xf32>,
      %add3A_445 = arith.constant 1 : i32
      %add3A_446 = vector.broadcast %add3A_445 : i32 to vector<16xi32>
      %add3A_447 = arith.addi %scan3A_431, %add3A_446 : vector<16xi32>
      %gather3A_448 = tpu.vector_load_idx %arg7[%add3A_447, %add3A_17] : memref<56x512xf32, #tpu.memory_space<vmem>>[vector<16xi32>, vector<16xi32>], vector<16xf32>,
      tpu.vector_store_idx %arg9[%add3A_447, %add3A_85], %gather3A_448 : memref<56x224xf32, #tpu.memory_space<vmem>>[vector<16xi32>, vector<16xi32>], vector<16xf32>,
      %gather3A_449 = tpu.vector_load_idx %arg7[%add3A_447, %add3A_22] : memref<56x512xf32, #tpu.memory_space<vmem>>[vector<16xi32>, vector<16xi32>], vector<16xf32>,
      tpu.vector_store_idx %arg9[%add3A_447, %add3A_88], %gather3A_449 : memref<56x224xf32, #tpu.memory_space<vmem>>[vector<16xi32>, vector<16xi32>], vector<16xf32>,
      %gather3A_450 = tpu.vector_load_idx %arg7[%add3A_447, %add3A_27] : memref<56x512xf32, #tpu.memory_space<vmem>>[vector<16xi32>, vector<16xi32>], vector<16xf32>,
      tpu.vector_store_idx %arg9[%add3A_447, %add3A_91], %gather3A_450 : memref<56x224xf32, #tpu.memory_space<vmem>>[vector<16xi32>, vector<16xi32>], vector<16xf32>,
      %gather3A_451 = tpu.vector_load_idx %arg7[%add3A_447, %add3A_32] : memref<56x512xf32, #tpu.memory_space<vmem>>[vector<16xi32>, vector<16xi32>], vector<16xf32>,
      tpu.vector_store_idx %arg9[%add3A_447, %add3A_94], %gather3A_451 : memref<56x224xf32, #tpu.memory_space<vmem>>[vector<16xi32>, vector<16xi32>], vector<16xf32>,
      %gather3A_452 = tpu.vector_load_idx %arg7[%add3A_447, %add3A_37] : memref<56x512xf32, #tpu.memory_space<vmem>>[vector<16xi32>, vector<16xi32>], vector<16xf32>,
      tpu.vector_store_idx %arg9[%add3A_447, %add3A_97], %gather3A_452 : memref<56x224xf32, #tpu.memory_space<vmem>>[vector<16xi32>, vector<16xi32>], vector<16xf32>,
      %gather3A_453 = tpu.vector_load_idx %arg7[%add3A_447, %add3A_42] : memref<56x512xf32, #tpu.memory_space<vmem>>[vector<16xi32>, vector<16xi32>], vector<16xf32>,
      tpu.vector_store_idx %arg9[%add3A_447, %add3A_100], %gather3A_453 : memref<56x224xf32, #tpu.memory_space<vmem>>[vector<16xi32>, vector<16xi32>], vector<16xf32>,
      %gather3A_454 = tpu.vector_load_idx %arg7[%add3A_447, %add3A_47] : memref<56x512xf32, #tpu.memory_space<vmem>>[vector<16xi32>, vector<16xi32>], vector<16xf32>,
      tpu.vector_store_idx %arg9[%add3A_447, %add3A_103], %gather3A_454 : memref<56x224xf32, #tpu.memory_space<vmem>>[vector<16xi32>, vector<16xi32>], vector<16xf32>,
      %gather3A_455 = tpu.vector_load_idx %arg7[%add3A_447, %add3A_52] : memref<56x512xf32, #tpu.memory_space<vmem>>[vector<16xi32>, vector<16xi32>], vector<16xf32>,
      tpu.vector_store_idx %arg9[%add3A_447, %add3A_106], %gather3A_455 : memref<56x224xf32, #tpu.memory_space<vmem>>[vector<16xi32>, vector<16xi32>], vector<16xf32>,
      %gather3A_456 = tpu.vector_load_idx %arg7[%add3A_447, %add3A_57] : memref<56x512xf32, #tpu.memory_space<vmem>>[vector<16xi32>, vector<16xi32>], vector<16xf32>,
      tpu.vector_store_idx %arg9[%add3A_447, %add3A_109], %gather3A_456 : memref<56x224xf32, #tpu.memory_space<vmem>>[vector<16xi32>, vector<16xi32>], vector<16xf32>,
      %gather3A_457 = tpu.vector_load_idx %arg7[%add3A_447, %add3A_62] : memref<56x512xf32, #tpu.memory_space<vmem>>[vector<16xi32>, vector<16xi32>], vector<16xf32>,
      tpu.vector_store_idx %arg9[%add3A_447, %add3A_112], %gather3A_457 : memref<56x224xf32, #tpu.memory_space<vmem>>[vector<16xi32>, vector<16xi32>], vector<16xf32>,
      %gather3A_458 = tpu.vector_load_idx %arg7[%add3A_447, %add3A_67] : memref<56x512xf32, #tpu.memory_space<vmem>>[vector<16xi32>, vector<16xi32>], vector<16xf32>,
      tpu.vector_store_idx %arg9[%add3A_447, %add3A_115], %gather3A_458 : memref<56x224xf32, #tpu.memory_space<vmem>>[vector<16xi32>, vector<16xi32>], vector<16xf32>,
      %gather3A_459 = tpu.vector_load_idx %arg7[%add3A_447, %add3A_72] : memref<56x512xf32, #tpu.memory_space<vmem>>[vector<16xi32>, vector<16xi32>], vector<16xf32>,
      tpu.vector_store_idx %arg9[%add3A_447, %add3A_118], %gather3A_459 : memref<56x224xf32, #tpu.memory_space<vmem>>[vector<16xi32>, vector<16xi32>], vector<16xf32>,
      %gather3A_460 = tpu.vector_load_idx %arg7[%add3A_447, %add3A_77] : memref<56x512xf32, #tpu.memory_space<vmem>>[vector<16xi32>, vector<16xi32>], vector<16xf32>,
      tpu.vector_store_idx %arg9[%add3A_447, %add3A_121], %gather3A_460 : memref<56x224xf32, #tpu.memory_space<vmem>>[vector<16xi32>, vector<16xi32>], vector<16xf32>,
      %gather3A_461 = tpu.vector_load_idx %arg7[%add3A_447, %add3A_82] : memref<56x512xf32, #tpu.memory_space<vmem>>[vector<16xi32>, vector<16xi32>], vector<16xf32>,
      tpu.vector_store_idx %arg9[%add3A_447, %add3A_124], %gather3A_461 : memref<56x224xf32, #tpu.memory_space<vmem>>[vector<16xi32>, vector<16xi32>], vector<16xf32>,
      %add3A_462 = arith.constant 1 : i32
      %add3A_463 = vector.broadcast %add3A_462 : i32 to vector<16xi32>
      %add3A_464 = arith.addi %add3A_447, %add3A_463 : vector<16xi32>
      %gather3A_465 = tpu.vector_load_idx %arg7[%add3A_464, %add3A_17] : memref<56x512xf32, #tpu.memory_space<vmem>>[vector<16xi32>, vector<16xi32>], vector<16xf32>,
      tpu.vector_store_idx %arg9[%add3A_464, %add3A_85], %gather3A_465 : memref<56x224xf32, #tpu.memory_space<vmem>>[vector<16xi32>, vector<16xi32>], vector<16xf32>,
      %gather3A_466 = tpu.vector_load_idx %arg7[%add3A_464, %add3A_22] : memref<56x512xf32, #tpu.memory_space<vmem>>[vector<16xi32>, vector<16xi32>], vector<16xf32>,
      tpu.vector_store_idx %arg9[%add3A_464, %add3A_88], %gather3A_466 : memref<56x224xf32, #tpu.memory_space<vmem>>[vector<16xi32>, vector<16xi32>], vector<16xf32>,
      %gather3A_467 = tpu.vector_load_idx %arg7[%add3A_464, %add3A_27] : memref<56x512xf32, #tpu.memory_space<vmem>>[vector<16xi32>, vector<16xi32>], vector<16xf32>,
      tpu.vector_store_idx %arg9[%add3A_464, %add3A_91], %gather3A_467 : memref<56x224xf32, #tpu.memory_space<vmem>>[vector<16xi32>, vector<16xi32>], vector<16xf32>,
      %gather3A_468 = tpu.vector_load_idx %arg7[%add3A_464, %add3A_32] : memref<56x512xf32, #tpu.memory_space<vmem>>[vector<16xi32>, vector<16xi32>], vector<16xf32>,
      tpu.vector_store_idx %arg9[%add3A_464, %add3A_94], %gather3A_468 : memref<56x224xf32, #tpu.memory_space<vmem>>[vector<16xi32>, vector<16xi32>], vector<16xf32>,
      %gather3A_469 = tpu.vector_load_idx %arg7[%add3A_464, %add3A_37] : memref<56x512xf32, #tpu.memory_space<vmem>>[vector<16xi32>, vector<16xi32>], vector<16xf32>,
      tpu.vector_store_idx %arg9[%add3A_464, %add3A_97], %gather3A_469 : memref<56x224xf32, #tpu.memory_space<vmem>>[vector<16xi32>, vector<16xi32>], vector<16xf32>,
      %gather3A_470 = tpu.vector_load_idx %arg7[%add3A_464, %add3A_42] : memref<56x512xf32, #tpu.memory_space<vmem>>[vector<16xi32>, vector<16xi32>], vector<16xf32>,
      tpu.vector_store_idx %arg9[%add3A_464, %add3A_100], %gather3A_470 : memref<56x224xf32, #tpu.memory_space<vmem>>[vector<16xi32>, vector<16xi32>], vector<16xf32>,
      %gather3A_471 = tpu.vector_load_idx %arg7[%add3A_464, %add3A_47] : memref<56x512xf32, #tpu.memory_space<vmem>>[vector<16xi32>, vector<16xi32>], vector<16xf32>,
      tpu.vector_store_idx %arg9[%add3A_464, %add3A_103], %gather3A_471 : memref<56x224xf32, #tpu.memory_space<vmem>>[vector<16xi32>, vector<16xi32>], vector<16xf32>,
      %gather3A_472 = tpu.vector_load_idx %arg7[%add3A_464, %add3A_52] : memref<56x512xf32, #tpu.memory_space<vmem>>[vector<16xi32>, vector<16xi32>], vector<16xf32>,
      tpu.vector_store_idx %arg9[%add3A_464, %add3A_106], %gather3A_472 : memref<56x224xf32, #tpu.memory_space<vmem>>[vector<16xi32>, vector<16xi32>], vector<16xf32>,
      %gather3A_473 = tpu.vector_load_idx %arg7[%add3A_464, %add3A_57] : memref<56x512xf32, #tpu.memory_space<vmem>>[vector<16xi32>, vector<16xi32>], vector<16xf32>,
      tpu.vector_store_idx %arg9[%add3A_464, %add3A_109], %gather3A_473 : memref<56x224xf32, #tpu.memory_space<vmem>>[vector<16xi32>, vector<16xi32>], vector<16xf32>,
      %gather3A_474 = tpu.vector_load_idx %arg7[%add3A_464, %add3A_62] : memref<56x512xf32, #tpu.memory_space<vmem>>[vector<16xi32>, vector<16xi32>], vector<16xf32>,
      tpu.vector_store_idx %arg9[%add3A_464, %add3A_112], %gather3A_474 : memref<56x224xf32, #tpu.memory_space<vmem>>[vector<16xi32>, vector<16xi32>], vector<16xf32>,
      %gather3A_475 = tpu.vector_load_idx %arg7[%add3A_464, %add3A_67] : memref<56x512xf32, #tpu.memory_space<vmem>>[vector<16xi32>, vector<16xi32>], vector<16xf32>,
      tpu.vector_store_idx %arg9[%add3A_464, %add3A_115], %gather3A_475 : memref<56x224xf32, #tpu.memory_space<vmem>>[vector<16xi32>, vector<16xi32>], vector<16xf32>,
      %gather3A_476 = tpu.vector_load_idx %arg7[%add3A_464, %add3A_72] : memref<56x512xf32, #tpu.memory_space<vmem>>[vector<16xi32>, vector<16xi32>], vector<16xf32>,
      tpu.vector_store_idx %arg9[%add3A_464, %add3A_118], %gather3A_476 : memref<56x224xf32, #tpu.memory_space<vmem>>[vector<16xi32>, vector<16xi32>], vector<16xf32>,
      %gather3A_477 = tpu.vector_load_idx %arg7[%add3A_464, %add3A_77] : memref<56x512xf32, #tpu.memory_space<vmem>>[vector<16xi32>, vector<16xi32>], vector<16xf32>,
      tpu.vector_store_idx %arg9[%add3A_464, %add3A_121], %gather3A_477 : memref<56x224xf32, #tpu.memory_space<vmem>>[vector<16xi32>, vector<16xi32>], vector<16xf32>,
      %gather3A_478 = tpu.vector_load_idx %arg7[%add3A_464, %add3A_82] : memref<56x512xf32, #tpu.memory_space<vmem>>[vector<16xi32>, vector<16xi32>], vector<16xf32>,
      tpu.vector_store_idx %arg9[%add3A_464, %add3A_124], %gather3A_478 : memref<56x224xf32, #tpu.memory_space<vmem>>[vector<16xi32>, vector<16xi32>], vector<16xf32>,
      %add3A_479 = arith.constant 1 : i32
      %add3A_480 = vector.broadcast %add3A_479 : i32 to vector<16xi32>
      %add3A_481 = arith.addi %add3A_464, %add3A_480 : vector<16xi32>
      %gather3A_482 = tpu.vector_load_idx %arg7[%add3A_481, %add3A_17] : memref<56x512xf32, #tpu.memory_space<vmem>>[vector<16xi32>, vector<16xi32>], vector<16xf32>,
      tpu.vector_store_idx %arg9[%add3A_481, %add3A_85], %gather3A_482 : memref<56x224xf32, #tpu.memory_space<vmem>>[vector<16xi32>, vector<16xi32>], vector<16xf32>,
      %gather3A_483 = tpu.vector_load_idx %arg7[%add3A_481, %add3A_22] : memref<56x512xf32, #tpu.memory_space<vmem>>[vector<16xi32>, vector<16xi32>], vector<16xf32>,
      tpu.vector_store_idx %arg9[%add3A_481, %add3A_88], %gather3A_483 : memref<56x224xf32, #tpu.memory_space<vmem>>[vector<16xi32>, vector<16xi32>], vector<16xf32>,
      %gather3A_484 = tpu.vector_load_idx %arg7[%add3A_481, %add3A_27] : memref<56x512xf32, #tpu.memory_space<vmem>>[vector<16xi32>, vector<16xi32>], vector<16xf32>,
      tpu.vector_store_idx %arg9[%add3A_481, %add3A_91], %gather3A_484 : memref<56x224xf32, #tpu.memory_space<vmem>>[vector<16xi32>, vector<16xi32>], vector<16xf32>,
      %gather3A_485 = tpu.vector_load_idx %arg7[%add3A_481, %add3A_32] : memref<56x512xf32, #tpu.memory_space<vmem>>[vector<16xi32>, vector<16xi32>], vector<16xf32>,
      tpu.vector_store_idx %arg9[%add3A_481, %add3A_94], %gather3A_485 : memref<56x224xf32, #tpu.memory_space<vmem>>[vector<16xi32>, vector<16xi32>], vector<16xf32>,
      %gather3A_486 = tpu.vector_load_idx %arg7[%add3A_481, %add3A_37] : memref<56x512xf32, #tpu.memory_space<vmem>>[vector<16xi32>, vector<16xi32>], vector<16xf32>,
      tpu.vector_store_idx %arg9[%add3A_481, %add3A_97], %gather3A_486 : memref<56x224xf32, #tpu.memory_space<vmem>>[vector<16xi32>, vector<16xi32>], vector<16xf32>,
      %gather3A_487 = tpu.vector_load_idx %arg7[%add3A_481, %add3A_42] : memref<56x512xf32, #tpu.memory_space<vmem>>[vector<16xi32>, vector<16xi32>], vector<16xf32>,
      tpu.vector_store_idx %arg9[%add3A_481, %add3A_100], %gather3A_487 : memref<56x224xf32, #tpu.memory_space<vmem>>[vector<16xi32>, vector<16xi32>], vector<16xf32>,
      %gather3A_488 = tpu.vector_load_idx %arg7[%add3A_481, %add3A_47] : memref<56x512xf32, #tpu.memory_space<vmem>>[vector<16xi32>, vector<16xi32>], vector<16xf32>,
      tpu.vector_store_idx %arg9[%add3A_481, %add3A_103], %gather3A_488 : memref<56x224xf32, #tpu.memory_space<vmem>>[vector<16xi32>, vector<16xi32>], vector<16xf32>,
      %gather3A_489 = tpu.vector_load_idx %arg7[%add3A_481, %add3A_52] : memref<56x512xf32, #tpu.memory_space<vmem>>[vector<16xi32>, vector<16xi32>], vector<16xf32>,
      tpu.vector_store_idx %arg9[%add3A_481, %add3A_106], %gather3A_489 : memref<56x224xf32, #tpu.memory_space<vmem>>[vector<16xi32>, vector<16xi32>], vector<16xf32>,
      %gather3A_490 = tpu.vector_load_idx %arg7[%add3A_481, %add3A_57] : memref<56x512xf32, #tpu.memory_space<vmem>>[vector<16xi32>, vector<16xi32>], vector<16xf32>,
      tpu.vector_store_idx %arg9[%add3A_481, %add3A_109], %gather3A_490 : memref<56x224xf32, #tpu.memory_space<vmem>>[vector<16xi32>, vector<16xi32>], vector<16xf32>,
      %gather3A_491 = tpu.vector_load_idx %arg7[%add3A_481, %add3A_62] : memref<56x512xf32, #tpu.memory_space<vmem>>[vector<16xi32>, vector<16xi32>], vector<16xf32>,
      tpu.vector_store_idx %arg9[%add3A_481, %add3A_112], %gather3A_491 : memref<56x224xf32, #tpu.memory_space<vmem>>[vector<16xi32>, vector<16xi32>], vector<16xf32>,
      %gather3A_492 = tpu.vector_load_idx %arg7[%add3A_481, %add3A_67] : memref<56x512xf32, #tpu.memory_space<vmem>>[vector<16xi32>, vector<16xi32>], vector<16xf32>,
      tpu.vector_store_idx %arg9[%add3A_481, %add3A_115], %gather3A_492 : memref<56x224xf32, #tpu.memory_space<vmem>>[vector<16xi32>, vector<16xi32>], vector<16xf32>,
      %gather3A_493 = tpu.vector_load_idx %arg7[%add3A_481, %add3A_72] : memref<56x512xf32, #tpu.memory_space<vmem>>[vector<16xi32>, vector<16xi32>], vector<16xf32>,
      tpu.vector_store_idx %arg9[%add3A_481, %add3A_118], %gather3A_493 : memref<56x224xf32, #tpu.memory_space<vmem>>[vector<16xi32>, vector<16xi32>], vector<16xf32>,
      %gather3A_494 = tpu.vector_load_idx %arg7[%add3A_481, %add3A_77] : memref<56x512xf32, #tpu.memory_space<vmem>>[vector<16xi32>, vector<16xi32>], vector<16xf32>,
      tpu.vector_store_idx %arg9[%add3A_481, %add3A_121], %gather3A_494 : memref<56x224xf32, #tpu.memory_space<vmem>>[vector<16xi32>, vector<16xi32>], vector<16xf32>,
      %gather3A_495 = tpu.vector_load_idx %arg7[%add3A_481, %add3A_82] : memref<56x512xf32, #tpu.memory_space<vmem>>[vector<16xi32>, vector<16xi32>], vector<16xf32>,
      tpu.vector_store_idx %arg9[%add3A_481, %add3A_124], %gather3A_495 : memref<56x224xf32, #tpu.memory_space<vmem>>[vector<16xi32>, vector<16xi32>], vector<16xf32>,
      %add3A_496 = arith.constant 1 : i32
      %add3A_497 = vector.broadcast %add3A_496 : i32 to vector<16xi32>
      %add3A_498 = arith.addi %add3A_481, %add3A_497 : vector<16xi32>
      %gather3A_499 = tpu.vector_load_idx %arg7[%add3A_498, %add3A_17] : memref<56x512xf32, #tpu.memory_space<vmem>>[vector<16xi32>, vector<16xi32>], vector<16xf32>,
      tpu.vector_store_idx %arg9[%add3A_498, %add3A_85], %gather3A_499 : memref<56x224xf32, #tpu.memory_space<vmem>>[vector<16xi32>, vector<16xi32>], vector<16xf32>,
      %gather3A_500 = tpu.vector_load_idx %arg7[%add3A_498, %add3A_22] : memref<56x512xf32, #tpu.memory_space<vmem>>[vector<16xi32>, vector<16xi32>], vector<16xf32>,
      tpu.vector_store_idx %arg9[%add3A_498, %add3A_88], %gather3A_500 : memref<56x224xf32, #tpu.memory_space<vmem>>[vector<16xi32>, vector<16xi32>], vector<16xf32>,
      %gather3A_501 = tpu.vector_load_idx %arg7[%add3A_498, %add3A_27] : memref<56x512xf32, #tpu.memory_space<vmem>>[vector<16xi32>, vector<16xi32>], vector<16xf32>,
      tpu.vector_store_idx %arg9[%add3A_498, %add3A_91], %gather3A_501 : memref<56x224xf32, #tpu.memory_space<vmem>>[vector<16xi32>, vector<16xi32>], vector<16xf32>,
      %gather3A_502 = tpu.vector_load_idx %arg7[%add3A_498, %add3A_32] : memref<56x512xf32, #tpu.memory_space<vmem>>[vector<16xi32>, vector<16xi32>], vector<16xf32>,
      tpu.vector_store_idx %arg9[%add3A_498, %add3A_94], %gather3A_502 : memref<56x224xf32, #tpu.memory_space<vmem>>[vector<16xi32>, vector<16xi32>], vector<16xf32>,
      %gather3A_503 = tpu.vector_load_idx %arg7[%add3A_498, %add3A_37] : memref<56x512xf32, #tpu.memory_space<vmem>>[vector<16xi32>, vector<16xi32>], vector<16xf32>,
      tpu.vector_store_idx %arg9[%add3A_498, %add3A_97], %gather3A_503 : memref<56x224xf32, #tpu.memory_space<vmem>>[vector<16xi32>, vector<16xi32>], vector<16xf32>,
      %gather3A_504 = tpu.vector_load_idx %arg7[%add3A_498, %add3A_42] : memref<56x512xf32, #tpu.memory_space<vmem>>[vector<16xi32>, vector<16xi32>], vector<16xf32>,
      tpu.vector_store_idx %arg9[%add3A_498, %add3A_100], %gather3A_504 : memref<56x224xf32, #tpu.memory_space<vmem>>[vector<16xi32>, vector<16xi32>], vector<16xf32>,
      %gather3A_505 = tpu.vector_load_idx %arg7[%add3A_498, %add3A_47] : memref<56x512xf32, #tpu.memory_space<vmem>>[vector<16xi32>, vector<16xi32>], vector<16xf32>,
      tpu.vector_store_idx %arg9[%add3A_498, %add3A_103], %gather3A_505 : memref<56x224xf32, #tpu.memory_space<vmem>>[vector<16xi32>, vector<16xi32>], vector<16xf32>,
      %gather3A_506 = tpu.vector_load_idx %arg7[%add3A_498, %add3A_52] : memref<56x512xf32, #tpu.memory_space<vmem>>[vector<16xi32>, vector<16xi32>], vector<16xf32>,
      tpu.vector_store_idx %arg9[%add3A_498, %add3A_106], %gather3A_506 : memref<56x224xf32, #tpu.memory_space<vmem>>[vector<16xi32>, vector<16xi32>], vector<16xf32>,
      %gather3A_507 = tpu.vector_load_idx %arg7[%add3A_498, %add3A_57] : memref<56x512xf32, #tpu.memory_space<vmem>>[vector<16xi32>, vector<16xi32>], vector<16xf32>,
      tpu.vector_store_idx %arg9[%add3A_498, %add3A_109], %gather3A_507 : memref<56x224xf32, #tpu.memory_space<vmem>>[vector<16xi32>, vector<16xi32>], vector<16xf32>,
      %gather3A_508 = tpu.vector_load_idx %arg7[%add3A_498, %add3A_62] : memref<56x512xf32, #tpu.memory_space<vmem>>[vector<16xi32>, vector<16xi32>], vector<16xf32>,
      tpu.vector_store_idx %arg9[%add3A_498, %add3A_112], %gather3A_508 : memref<56x224xf32, #tpu.memory_space<vmem>>[vector<16xi32>, vector<16xi32>], vector<16xf32>,
      %gather3A_509 = tpu.vector_load_idx %arg7[%add3A_498, %add3A_67] : memref<56x512xf32, #tpu.memory_space<vmem>>[vector<16xi32>, vector<16xi32>], vector<16xf32>,
      tpu.vector_store_idx %arg9[%add3A_498, %add3A_115], %gather3A_509 : memref<56x224xf32, #tpu.memory_space<vmem>>[vector<16xi32>, vector<16xi32>], vector<16xf32>,
      %gather3A_510 = tpu.vector_load_idx %arg7[%add3A_498, %add3A_72] : memref<56x512xf32, #tpu.memory_space<vmem>>[vector<16xi32>, vector<16xi32>], vector<16xf32>,
      tpu.vector_store_idx %arg9[%add3A_498, %add3A_118], %gather3A_510 : memref<56x224xf32, #tpu.memory_space<vmem>>[vector<16xi32>, vector<16xi32>], vector<16xf32>,
      %gather3A_511 = tpu.vector_load_idx %arg7[%add3A_498, %add3A_77] : memref<56x512xf32, #tpu.memory_space<vmem>>[vector<16xi32>, vector<16xi32>], vector<16xf32>,
      tpu.vector_store_idx %arg9[%add3A_498, %add3A_121], %gather3A_511 : memref<56x224xf32, #tpu.memory_space<vmem>>[vector<16xi32>, vector<16xi32>], vector<16xf32>,
      %gather3A_512 = tpu.vector_load_idx %arg7[%add3A_498, %add3A_82] : memref<56x512xf32, #tpu.memory_space<vmem>>[vector<16xi32>, vector<16xi32>], vector<16xf32>,
      tpu.vector_store_idx %arg9[%add3A_498, %add3A_124], %gather3A_512 : memref<56x224xf32, #tpu.memory_space<vmem>>[vector<16xi32>, vector<16xi32>], vector<16xf32>,
      %add3A_513 = arith.constant 1 : i32
      %add3A_514 = vector.broadcast %add3A_513 : i32 to vector<16xi32>
      %add3A_515 = arith.addi %add3A_498, %add3A_514 : vector<16xi32>
      %gather3A_516 = tpu.vector_load_idx %arg7[%add3A_515, %add3A_17] : memref<56x512xf32, #tpu.memory_space<vmem>>[vector<16xi32>, vector<16xi32>], vector<16xf32>,
      tpu.vector_store_idx %arg9[%add3A_515, %add3A_85], %gather3A_516 : memref<56x224xf32, #tpu.memory_space<vmem>>[vector<16xi32>, vector<16xi32>], vector<16xf32>,
      %gather3A_517 = tpu.vector_load_idx %arg7[%add3A_515, %add3A_22] : memref<56x512xf32, #tpu.memory_space<vmem>>[vector<16xi32>, vector<16xi32>], vector<16xf32>,
      tpu.vector_store_idx %arg9[%add3A_515, %add3A_88], %gather3A_517 : memref<56x224xf32, #tpu.memory_space<vmem>>[vector<16xi32>, vector<16xi32>], vector<16xf32>,
      %gather3A_518 = tpu.vector_load_idx %arg7[%add3A_515, %add3A_27] : memref<56x512xf32, #tpu.memory_space<vmem>>[vector<16xi32>, vector<16xi32>], vector<16xf32>,
      tpu.vector_store_idx %arg9[%add3A_515, %add3A_91], %gather3A_518 : memref<56x224xf32, #tpu.memory_space<vmem>>[vector<16xi32>, vector<16xi32>], vector<16xf32>,
      %gather3A_519 = tpu.vector_load_idx %arg7[%add3A_515, %add3A_32] : memref<56x512xf32, #tpu.memory_space<vmem>>[vector<16xi32>, vector<16xi32>], vector<16xf32>,
      tpu.vector_store_idx %arg9[%add3A_515, %add3A_94], %gather3A_519 : memref<56x224xf32, #tpu.memory_space<vmem>>[vector<16xi32>, vector<16xi32>], vector<16xf32>,
      %gather3A_520 = tpu.vector_load_idx %arg7[%add3A_515, %add3A_37] : memref<56x512xf32, #tpu.memory_space<vmem>>[vector<16xi32>, vector<16xi32>], vector<16xf32>,
      tpu.vector_store_idx %arg9[%add3A_515, %add3A_97], %gather3A_520 : memref<56x224xf32, #tpu.memory_space<vmem>>[vector<16xi32>, vector<16xi32>], vector<16xf32>,
      %gather3A_521 = tpu.vector_load_idx %arg7[%add3A_515, %add3A_42] : memref<56x512xf32, #tpu.memory_space<vmem>>[vector<16xi32>, vector<16xi32>], vector<16xf32>,
      tpu.vector_store_idx %arg9[%add3A_515, %add3A_100], %gather3A_521 : memref<56x224xf32, #tpu.memory_space<vmem>>[vector<16xi32>, vector<16xi32>], vector<16xf32>,
      %gather3A_522 = tpu.vector_load_idx %arg7[%add3A_515, %add3A_47] : memref<56x512xf32, #tpu.memory_space<vmem>>[vector<16xi32>, vector<16xi32>], vector<16xf32>,
      tpu.vector_store_idx %arg9[%add3A_515, %add3A_103], %gather3A_522 : memref<56x224xf32, #tpu.memory_space<vmem>>[vector<16xi32>, vector<16xi32>], vector<16xf32>,
      %gather3A_523 = tpu.vector_load_idx %arg7[%add3A_515, %add3A_52] : memref<56x512xf32, #tpu.memory_space<vmem>>[vector<16xi32>, vector<16xi32>], vector<16xf32>,
      tpu.vector_store_idx %arg9[%add3A_515, %add3A_106], %gather3A_523 : memref<56x224xf32, #tpu.memory_space<vmem>>[vector<16xi32>, vector<16xi32>], vector<16xf32>,
      %gather3A_524 = tpu.vector_load_idx %arg7[%add3A_515, %add3A_57] : memref<56x512xf32, #tpu.memory_space<vmem>>[vector<16xi32>, vector<16xi32>], vector<16xf32>,
      tpu.vector_store_idx %arg9[%add3A_515, %add3A_109], %gather3A_524 : memref<56x224xf32, #tpu.memory_space<vmem>>[vector<16xi32>, vector<16xi32>], vector<16xf32>,
      %gather3A_525 = tpu.vector_load_idx %arg7[%add3A_515, %add3A_62] : memref<56x512xf32, #tpu.memory_space<vmem>>[vector<16xi32>, vector<16xi32>], vector<16xf32>,
      tpu.vector_store_idx %arg9[%add3A_515, %add3A_112], %gather3A_525 : memref<56x224xf32, #tpu.memory_space<vmem>>[vector<16xi32>, vector<16xi32>], vector<16xf32>,
      %gather3A_526 = tpu.vector_load_idx %arg7[%add3A_515, %add3A_67] : memref<56x512xf32, #tpu.memory_space<vmem>>[vector<16xi32>, vector<16xi32>], vector<16xf32>,
      tpu.vector_store_idx %arg9[%add3A_515, %add3A_115], %gather3A_526 : memref<56x224xf32, #tpu.memory_space<vmem>>[vector<16xi32>, vector<16xi32>], vector<16xf32>,
      %gather3A_527 = tpu.vector_load_idx %arg7[%add3A_515, %add3A_72] : memref<56x512xf32, #tpu.memory_space<vmem>>[vector<16xi32>, vector<16xi32>], vector<16xf32>,
      tpu.vector_store_idx %arg9[%add3A_515, %add3A_118], %gather3A_527 : memref<56x224xf32, #tpu.memory_space<vmem>>[vector<16xi32>, vector<16xi32>], vector<16xf32>,
      %gather3A_528 = tpu.vector_load_idx %arg7[%add3A_515, %add3A_77] : memref<56x512xf32, #tpu.memory_space<vmem>>[vector<16xi32>, vector<16xi32>], vector<16xf32>,
      tpu.vector_store_idx %arg9[%add3A_515, %add3A_121], %gather3A_528 : memref<56x224xf32, #tpu.memory_space<vmem>>[vector<16xi32>, vector<16xi32>], vector<16xf32>,
      %gather3A_529 = tpu.vector_load_idx %arg7[%add3A_515, %add3A_82] : memref<56x512xf32, #tpu.memory_space<vmem>>[vector<16xi32>, vector<16xi32>], vector<16xf32>,
      tpu.vector_store_idx %arg9[%add3A_515, %add3A_124], %gather3A_529 : memref<56x224xf32, #tpu.memory_space<vmem>>[vector<16xi32>, vector<16xi32>], vector<16xf32>,
      %add3A_530 = arith.constant 1 : i32
      %add3A_531 = vector.broadcast %add3A_530 : i32 to vector<16xi32>
      %add3A_532 = arith.addi %add3A_515, %add3A_531 : vector<16xi32>
      %gather3A_533 = tpu.vector_load_idx %arg7[%add3A_532, %add3A_17] : memref<56x512xf32, #tpu.memory_space<vmem>>[vector<16xi32>, vector<16xi32>], vector<16xf32>,
      tpu.vector_store_idx %arg9[%add3A_532, %add3A_85], %gather3A_533 : memref<56x224xf32, #tpu.memory_space<vmem>>[vector<16xi32>, vector<16xi32>], vector<16xf32>,
      %gather3A_534 = tpu.vector_load_idx %arg7[%add3A_532, %add3A_22] : memref<56x512xf32, #tpu.memory_space<vmem>>[vector<16xi32>, vector<16xi32>], vector<16xf32>,
      tpu.vector_store_idx %arg9[%add3A_532, %add3A_88], %gather3A_534 : memref<56x224xf32, #tpu.memory_space<vmem>>[vector<16xi32>, vector<16xi32>], vector<16xf32>,
      %gather3A_535 = tpu.vector_load_idx %arg7[%add3A_532, %add3A_27] : memref<56x512xf32, #tpu.memory_space<vmem>>[vector<16xi32>, vector<16xi32>], vector<16xf32>,
      tpu.vector_store_idx %arg9[%add3A_532, %add3A_91], %gather3A_535 : memref<56x224xf32, #tpu.memory_space<vmem>>[vector<16xi32>, vector<16xi32>], vector<16xf32>,
      %gather3A_536 = tpu.vector_load_idx %arg7[%add3A_532, %add3A_32] : memref<56x512xf32, #tpu.memory_space<vmem>>[vector<16xi32>, vector<16xi32>], vector<16xf32>,
      tpu.vector_store_idx %arg9[%add3A_532, %add3A_94], %gather3A_536 : memref<56x224xf32, #tpu.memory_space<vmem>>[vector<16xi32>, vector<16xi32>], vector<16xf32>,
      %gather3A_537 = tpu.vector_load_idx %arg7[%add3A_532, %add3A_37] : memref<56x512xf32, #tpu.memory_space<vmem>>[vector<16xi32>, vector<16xi32>], vector<16xf32>,
      tpu.vector_store_idx %arg9[%add3A_532, %add3A_97], %gather3A_537 : memref<56x224xf32, #tpu.memory_space<vmem>>[vector<16xi32>, vector<16xi32>], vector<16xf32>,
      %gather3A_538 = tpu.vector_load_idx %arg7[%add3A_532, %add3A_42] : memref<56x512xf32, #tpu.memory_space<vmem>>[vector<16xi32>, vector<16xi32>], vector<16xf32>,
      tpu.vector_store_idx %arg9[%add3A_532, %add3A_100], %gather3A_538 : memref<56x224xf32, #tpu.memory_space<vmem>>[vector<16xi32>, vector<16xi32>], vector<16xf32>,
      %gather3A_539 = tpu.vector_load_idx %arg7[%add3A_532, %add3A_47] : memref<56x512xf32, #tpu.memory_space<vmem>>[vector<16xi32>, vector<16xi32>], vector<16xf32>,
      tpu.vector_store_idx %arg9[%add3A_532, %add3A_103], %gather3A_539 : memref<56x224xf32, #tpu.memory_space<vmem>>[vector<16xi32>, vector<16xi32>], vector<16xf32>,
      %gather3A_540 = tpu.vector_load_idx %arg7[%add3A_532, %add3A_52] : memref<56x512xf32, #tpu.memory_space<vmem>>[vector<16xi32>, vector<16xi32>], vector<16xf32>,
      tpu.vector_store_idx %arg9[%add3A_532, %add3A_106], %gather3A_540 : memref<56x224xf32, #tpu.memory_space<vmem>>[vector<16xi32>, vector<16xi32>], vector<16xf32>,
      %gather3A_541 = tpu.vector_load_idx %arg7[%add3A_532, %add3A_57] : memref<56x512xf32, #tpu.memory_space<vmem>>[vector<16xi32>, vector<16xi32>], vector<16xf32>,
      tpu.vector_store_idx %arg9[%add3A_532, %add3A_109], %gather3A_541 : memref<56x224xf32, #tpu.memory_space<vmem>>[vector<16xi32>, vector<16xi32>], vector<16xf32>,
      %gather3A_542 = tpu.vector_load_idx %arg7[%add3A_532, %add3A_62] : memref<56x512xf32, #tpu.memory_space<vmem>>[vector<16xi32>, vector<16xi32>], vector<16xf32>,
      tpu.vector_store_idx %arg9[%add3A_532, %add3A_112], %gather3A_542 : memref<56x224xf32, #tpu.memory_space<vmem>>[vector<16xi32>, vector<16xi32>], vector<16xf32>,
      %gather3A_543 = tpu.vector_load_idx %arg7[%add3A_532, %add3A_67] : memref<56x512xf32, #tpu.memory_space<vmem>>[vector<16xi32>, vector<16xi32>], vector<16xf32>,
      tpu.vector_store_idx %arg9[%add3A_532, %add3A_115], %gather3A_543 : memref<56x224xf32, #tpu.memory_space<vmem>>[vector<16xi32>, vector<16xi32>], vector<16xf32>,
      %gather3A_544 = tpu.vector_load_idx %arg7[%add3A_532, %add3A_72] : memref<56x512xf32, #tpu.memory_space<vmem>>[vector<16xi32>, vector<16xi32>], vector<16xf32>,
      tpu.vector_store_idx %arg9[%add3A_532, %add3A_118], %gather3A_544 : memref<56x224xf32, #tpu.memory_space<vmem>>[vector<16xi32>, vector<16xi32>], vector<16xf32>,
      %gather3A_545 = tpu.vector_load_idx %arg7[%add3A_532, %add3A_77] : memref<56x512xf32, #tpu.memory_space<vmem>>[vector<16xi32>, vector<16xi32>], vector<16xf32>,
      tpu.vector_store_idx %arg9[%add3A_532, %add3A_121], %gather3A_545 : memref<56x224xf32, #tpu.memory_space<vmem>>[vector<16xi32>, vector<16xi32>], vector<16xf32>,
      %gather3A_546 = tpu.vector_load_idx %arg7[%add3A_532, %add3A_82] : memref<56x512xf32, #tpu.memory_space<vmem>>[vector<16xi32>, vector<16xi32>], vector<16xf32>,
      tpu.vector_store_idx %arg9[%add3A_532, %add3A_124], %gather3A_546 : memref<56x224xf32, #tpu.memory_space<vmem>>[vector<16xi32>, vector<16xi32>], vector<16xf32>,
      %add3A_547 = arith.constant 1 : i32
      %add3A_548 = vector.broadcast %add3A_547 : i32 to vector<16xi32>
      %add3A_549 = arith.addi %add3A_532, %add3A_548 : vector<16xi32>
      %gather3A_550 = tpu.vector_load_idx %arg7[%add3A_549, %add3A_17] : memref<56x512xf32, #tpu.memory_space<vmem>>[vector<16xi32>, vector<16xi32>], vector<16xf32>,
      tpu.vector_store_idx %arg9[%add3A_549, %add3A_85], %gather3A_550 : memref<56x224xf32, #tpu.memory_space<vmem>>[vector<16xi32>, vector<16xi32>], vector<16xf32>,
      %gather3A_551 = tpu.vector_load_idx %arg7[%add3A_549, %add3A_22] : memref<56x512xf32, #tpu.memory_space<vmem>>[vector<16xi32>, vector<16xi32>], vector<16xf32>,
      tpu.vector_store_idx %arg9[%add3A_549, %add3A_88], %gather3A_551 : memref<56x224xf32, #tpu.memory_space<vmem>>[vector<16xi32>, vector<16xi32>], vector<16xf32>,
      %gather3A_552 = tpu.vector_load_idx %arg7[%add3A_549, %add3A_27] : memref<56x512xf32, #tpu.memory_space<vmem>>[vector<16xi32>, vector<16xi32>], vector<16xf32>,
      tpu.vector_store_idx %arg9[%add3A_549, %add3A_91], %gather3A_552 : memref<56x224xf32, #tpu.memory_space<vmem>>[vector<16xi32>, vector<16xi32>], vector<16xf32>,
      %gather3A_553 = tpu.vector_load_idx %arg7[%add3A_549, %add3A_32] : memref<56x512xf32, #tpu.memory_space<vmem>>[vector<16xi32>, vector<16xi32>], vector<16xf32>,
      tpu.vector_store_idx %arg9[%add3A_549, %add3A_94], %gather3A_553 : memref<56x224xf32, #tpu.memory_space<vmem>>[vector<16xi32>, vector<16xi32>], vector<16xf32>,
      %gather3A_554 = tpu.vector_load_idx %arg7[%add3A_549, %add3A_37] : memref<56x512xf32, #tpu.memory_space<vmem>>[vector<16xi32>, vector<16xi32>], vector<16xf32>,
      tpu.vector_store_idx %arg9[%add3A_549, %add3A_97], %gather3A_554 : memref<56x224xf32, #tpu.memory_space<vmem>>[vector<16xi32>, vector<16xi32>], vector<16xf32>,
      %gather3A_555 = tpu.vector_load_idx %arg7[%add3A_549, %add3A_42] : memref<56x512xf32, #tpu.memory_space<vmem>>[vector<16xi32>, vector<16xi32>], vector<16xf32>,
      tpu.vector_store_idx %arg9[%add3A_549, %add3A_100], %gather3A_555 : memref<56x224xf32, #tpu.memory_space<vmem>>[vector<16xi32>, vector<16xi32>], vector<16xf32>,
      %gather3A_556 = tpu.vector_load_idx %arg7[%add3A_549, %add3A_47] : memref<56x512xf32, #tpu.memory_space<vmem>>[vector<16xi32>, vector<16xi32>], vector<16xf32>,
      tpu.vector_store_idx %arg9[%add3A_549, %add3A_103], %gather3A_556 : memref<56x224xf32, #tpu.memory_space<vmem>>[vector<16xi32>, vector<16xi32>], vector<16xf32>,
      %gather3A_557 = tpu.vector_load_idx %arg7[%add3A_549, %add3A_52] : memref<56x512xf32, #tpu.memory_space<vmem>>[vector<16xi32>, vector<16xi32>], vector<16xf32>,
      tpu.vector_store_idx %arg9[%add3A_549, %add3A_106], %gather3A_557 : memref<56x224xf32, #tpu.memory_space<vmem>>[vector<16xi32>, vector<16xi32>], vector<16xf32>,
      %gather3A_558 = tpu.vector_load_idx %arg7[%add3A_549, %add3A_57] : memref<56x512xf32, #tpu.memory_space<vmem>>[vector<16xi32>, vector<16xi32>], vector<16xf32>,
      tpu.vector_store_idx %arg9[%add3A_549, %add3A_109], %gather3A_558 : memref<56x224xf32, #tpu.memory_space<vmem>>[vector<16xi32>, vector<16xi32>], vector<16xf32>,
      %gather3A_559 = tpu.vector_load_idx %arg7[%add3A_549, %add3A_62] : memref<56x512xf32, #tpu.memory_space<vmem>>[vector<16xi32>, vector<16xi32>], vector<16xf32>,
      tpu.vector_store_idx %arg9[%add3A_549, %add3A_112], %gather3A_559 : memref<56x224xf32, #tpu.memory_space<vmem>>[vector<16xi32>, vector<16xi32>], vector<16xf32>,
      %gather3A_560 = tpu.vector_load_idx %arg7[%add3A_549, %add3A_67] : memref<56x512xf32, #tpu.memory_space<vmem>>[vector<16xi32>, vector<16xi32>], vector<16xf32>,
      tpu.vector_store_idx %arg9[%add3A_549, %add3A_115], %gather3A_560 : memref<56x224xf32, #tpu.memory_space<vmem>>[vector<16xi32>, vector<16xi32>], vector<16xf32>,
      %gather3A_561 = tpu.vector_load_idx %arg7[%add3A_549, %add3A_72] : memref<56x512xf32, #tpu.memory_space<vmem>>[vector<16xi32>, vector<16xi32>], vector<16xf32>,
      tpu.vector_store_idx %arg9[%add3A_549, %add3A_118], %gather3A_561 : memref<56x224xf32, #tpu.memory_space<vmem>>[vector<16xi32>, vector<16xi32>], vector<16xf32>,
      %gather3A_562 = tpu.vector_load_idx %arg7[%add3A_549, %add3A_77] : memref<56x512xf32, #tpu.memory_space<vmem>>[vector<16xi32>, vector<16xi32>], vector<16xf32>,
      tpu.vector_store_idx %arg9[%add3A_549, %add3A_121], %gather3A_562 : memref<56x224xf32, #tpu.memory_space<vmem>>[vector<16xi32>, vector<16xi32>], vector<16xf32>,
      %gather3A_563 = tpu.vector_load_idx %arg7[%add3A_549, %add3A_82] : memref<56x512xf32, #tpu.memory_space<vmem>>[vector<16xi32>, vector<16xi32>], vector<16xf32>,
      tpu.vector_store_idx %arg9[%add3A_549, %add3A_124], %gather3A_563 : memref<56x224xf32, #tpu.memory_space<vmem>>[vector<16xi32>, vector<16xi32>], vector<16xf32>,
      %add3A_564 = arith.constant 1 : i32
      %add3A_565 = vector.broadcast %add3A_564 : i32 to vector<16xi32>
      %add3A_566 = arith.addi %add3A_549, %add3A_565 : vector<16xi32>
      scf.yield %add3A_566 : vector<16xi32>
    }
    %scan3A_374 = arith.constant 7 : i32
    %dma_start3A_375 = arith.constant 0 : i32
    %dma_start3A_376 = tpu.memref_slice %arg5[%add3A_196, %dma_start3A_375] : memref<5376x224xf32, #tpu.memory_space<hbm>> -> memref<56x224xf32, #tpu.memory_space<hbm>>
    %dma_start3A_377 = arith.constant 0 : i32
    %dma_start3A_378 = tpu.memref_slice %arg5[%add3A_196, %dma_start3A_377] : memref<5376x224xf32, #tpu.memory_space<hbm>> -> memref<56x224xf32, #tpu.memory_space<hbm>>
    tpu.enqueue_dma source(%arg9 : memref<56x224xf32, #tpu.memory_space<vmem>>) target(%dma_start3A_378 : memref<56x224xf32, #tpu.memory_space<hbm>>) target_semaphore(%arg13 : memref<!tpu.dma_semaphore, #tpu.memory_space<semaphore_mem>>)
    %dma_wait3A_379 = arith.constant 56 : i32
    %dma_wait3A_380 = tpu.memref_slice %arg6[%dma_wait3A_379] : memref<168xi32, #tpu.memory_space<vmem>> -> memref<56xi32, #tpu.memory_space<vmem>>
    %dma_wait3A_381 = arith.constant 0 : i32
    %dma_wait3A_382 = arith.constant 0 : i32
    %dma_wait3A_383 = tpu.memref_slice %arg2[%dma_wait3A_381, %dma_wait3A_382] : memref<1536x512xf32, #tpu.memory_space<hbm>> -> memref<1536x512xf32, #tpu.memory_space<hbm>>
    tpu.wait_indirect_dma semaphore(%arg12 : memref<!tpu.dma_semaphore, #tpu.memory_space<semaphore_mem>>) src(%dma_wait3A_383 : memref<1536x512xf32, #tpu.memory_space<hbm>>) dst(%arg8 : memref<56x512xf32, #tpu.memory_space<vmem>>)
    %dma_start3A_384 = arith.constant 112 : i32
    %dma_start3A_385 = tpu.memref_slice %arg6[%dma_start3A_384] : memref<168xi32, #tpu.memory_space<vmem>> -> memref<56xi32, #tpu.memory_space<vmem>>
    %dma_start3A_386 = arith.constant 0 : i32
    %dma_start3A_387 = arith.constant 0 : i32
    %dma_start3A_388 = tpu.memref_slice %arg2[%dma_start3A_386, %dma_start3A_387] : memref<1536x512xf32, #tpu.memory_space<hbm>> -> memref<1536x512xf32, #tpu.memory_space<hbm>>
    tpu.enqueue_indirect_dma source(%dma_start3A_388 : memref<1536x512xf32, #tpu.memory_space<hbm>>) target(%arg7 : memref<56x512xf32, #tpu.memory_space<vmem>>) offsets(%dma_start3A_385 : memref<56xi32, #tpu.memory_space<vmem>>) semaphore(%arg12 : memref<!tpu.dma_semaphore, #tpu.memory_space<semaphore_mem>>)
    %broadcast_in_dim3A_389 = arith.constant 0 : i32
    %broadcast_in_dim3A_390 = vector.broadcast %broadcast_in_dim3A_389 : i32 to vector<16xi32>
    %scan3A_391 = arith.constant 0 : i32
    %scan3A_392 = arith.constant 7 : i32
    %scan3A_393 = arith.addi %scan3A_391, %scan3A_392 : i32
    %scan3A_394 = arith.constant 1 : i32
    %scan3A_395 = scf.for %scan3A_430 = %scan3A_391 to %scan3A_393 step %scan3A_394 iter_args(%scan3A_431 = %broadcast_in_dim3A_390) -> (vector<16xi32>)  : i32 {
      %gather3A = tpu.vector_load_idx %arg8[%scan3A_431, %add3A_17] : memref<56x512xf32, #tpu.memory_space<vmem>>[vector<16xi32>, vector<16xi32>], vector<16xf32>,
      tpu.vector_store_idx %arg10[%scan3A_431, %add3A_85], %gather3A : memref<56x224xf32, #tpu.memory_space<vmem>>[vector<16xi32>, vector<16xi32>], vector<16xf32>,
      %gather3A_432 = tpu.vector_load_idx %arg8[%scan3A_431, %add3A_22] : memref<56x512xf32, #tpu.memory_space<vmem>>[vector<16xi32>, vector<16xi32>], vector<16xf32>,
      tpu.vector_store_idx %arg10[%scan3A_431, %add3A_88], %gather3A_432 : memref<56x224xf32, #tpu.memory_space<vmem>>[vector<16xi32>, vector<16xi32>], vector<16xf32>,
      %gather3A_433 = tpu.vector_load_idx %arg8[%scan3A_431, %add3A_27] : memref<56x512xf32, #tpu.memory_space<vmem>>[vector<16xi32>, vector<16xi32>], vector<16xf32>,
      tpu.vector_store_idx %arg10[%scan3A_431, %add3A_91], %gather3A_433 : memref<56x224xf32, #tpu.memory_space<vmem>>[vector<16xi32>, vector<16xi32>], vector<16xf32>,
      %gather3A_434 = tpu.vector_load_idx %arg8[%scan3A_431, %add3A_32] : memref<56x512xf32, #tpu.memory_space<vmem>>[vector<16xi32>, vector<16xi32>], vector<16xf32>,
      tpu.vector_store_idx %arg10[%scan3A_431, %add3A_94], %gather3A_434 : memref<56x224xf32, #tpu.memory_space<vmem>>[vector<16xi32>, vector<16xi32>], vector<16xf32>,
      %gather3A_435 = tpu.vector_load_idx %arg8[%scan3A_431, %add3A_37] : memref<56x512xf32, #tpu.memory_space<vmem>>[vector<16xi32>, vector<16xi32>], vector<16xf32>,
      tpu.vector_store_idx %arg10[%scan3A_431, %add3A_97], %gather3A_435 : memref<56x224xf32, #tpu.memory_space<vmem>>[vector<16xi32>, vector<16xi32>], vector<16xf32>,
      %gather3A_436 = tpu.vector_load_idx %arg8[%scan3A_431, %add3A_42] : memref<56x512xf32, #tpu.memory_space<vmem>>[vector<16xi32>, vector<16xi32>], vector<16xf32>,
      tpu.vector_store_idx %arg10[%scan3A_431, %add3A_100], %gather3A_436 : memref<56x224xf32, #tpu.memory_space<vmem>>[vector<16xi32>, vector<16xi32>], vector<16xf32>,
      %gather3A_437 = tpu.vector_load_idx %arg8[%scan3A_431, %add3A_47] : memref<56x512xf32, #tpu.memory_space<vmem>>[vector<16xi32>, vector<16xi32>], vector<16xf32>,
      tpu.vector_store_idx %arg10[%scan3A_431, %add3A_103], %gather3A_437 : memref<56x224xf32, #tpu.memory_space<vmem>>[vector<16xi32>, vector<16xi32>], vector<16xf32>,
      %gather3A_438 = tpu.vector_load_idx %arg8[%scan3A_431, %add3A_52] : memref<56x512xf32, #tpu.memory_space<vmem>>[vector<16xi32>, vector<16xi32>], vector<16xf32>,
      tpu.vector_store_idx %arg10[%scan3A_431, %add3A_106], %gather3A_438 : memref<56x224xf32, #tpu.memory_space<vmem>>[vector<16xi32>, vector<16xi32>], vector<16xf32>,
      %gather3A_439 = tpu.vector_load_idx %arg8[%scan3A_431, %add3A_57] : memref<56x512xf32, #tpu.memory_space<vmem>>[vector<16xi32>, vector<16xi32>], vector<16xf32>,
      tpu.vector_store_idx %arg10[%scan3A_431, %add3A_109], %gather3A_439 : memref<56x224xf32, #tpu.memory_space<vmem>>[vector<16xi32>, vector<16xi32>], vector<16xf32>,
      %gather3A_440 = tpu.vector_load_idx %arg8[%scan3A_431, %add3A_62] : memref<56x512xf32, #tpu.memory_space<vmem>>[vector<16xi32>, vector<16xi32>], vector<16xf32>,
      tpu.vector_store_idx %arg10[%scan3A_431, %add3A_112], %gather3A_440 : memref<56x224xf32, #tpu.memory_space<vmem>>[vector<16xi32>, vector<16xi32>], vector<16xf32>,
      %gather3A_441 = tpu.vector_load_idx %arg8[%scan3A_431, %add3A_67] : memref<56x512xf32, #tpu.memory_space<vmem>>[vector<16xi32>, vector<16xi32>], vector<16xf32>,
      tpu.vector_store_idx %arg10[%scan3A_431, %add3A_115], %gather3A_441 : memref<56x224xf32, #tpu.memory_space<vmem>>[vector<16xi32>, vector<16xi32>], vector<16xf32>,
      %gather3A_442 = tpu.vector_load_idx %arg8[%scan3A_431, %add3A_72] : memref<56x512xf32, #tpu.memory_space<vmem>>[vector<16xi32>, vector<16xi32>], vector<16xf32>,
      tpu.vector_store_idx %arg10[%scan3A_431, %add3A_118], %gather3A_442 : memref<56x224xf32, #tpu.memory_space<vmem>>[vector<16xi32>, vector<16xi32>], vector<16xf32>,
      %gather3A_443 = tpu.vector_load_idx %arg8[%scan3A_431, %add3A_77] : memref<56x512xf32, #tpu.memory_space<vmem>>[vector<16xi32>, vector<16xi32>], vector<16xf32>,
      tpu.vector_store_idx %arg10[%scan3A_431, %add3A_121], %gather3A_443 : memref<56x224xf32, #tpu.memory_space<vmem>>[vector<16xi32>, vector<16xi32>], vector<16xf32>,
      %gather3A_444 = tpu.vector_load_idx %arg8[%scan3A_431, %add3A_82] : memref<56x512xf32, #tpu.memory_space<vmem>>[vector<16xi32>, vector<16xi32>], vector<16xf32>,
      tpu.vector_store_idx %arg10[%scan3A_431, %add3A_124], %gather3A_444 : memref<56x224xf32, #tpu.memory_space<vmem>>[vector<16xi32>, vector<16xi32>], vector<16xf32>,
      %add3A_445 = arith.constant 1 : i32
      %add3A_446 = vector.broadcast %add3A_445 : i32 to vector<16xi32>
      %add3A_447 = arith.addi %scan3A_431, %add3A_446 : vector<16xi32>
      %gather3A_448 = tpu.vector_load_idx %arg8[%add3A_447, %add3A_17] : memref<56x512xf32, #tpu.memory_space<vmem>>[vector<16xi32>, vector<16xi32>], vector<16xf32>,
      tpu.vector_store_idx %arg10[%add3A_447, %add3A_85], %gather3A_448 : memref<56x224xf32, #tpu.memory_space<vmem>>[vector<16xi32>, vector<16xi32>], vector<16xf32>,
      %gather3A_449 = tpu.vector_load_idx %arg8[%add3A_447, %add3A_22] : memref<56x512xf32, #tpu.memory_space<vmem>>[vector<16xi32>, vector<16xi32>], vector<16xf32>,
      tpu.vector_store_idx %arg10[%add3A_447, %add3A_88], %gather3A_449 : memref<56x224xf32, #tpu.memory_space<vmem>>[vector<16xi32>, vector<16xi32>], vector<16xf32>,
      %gather3A_450 = tpu.vector_load_idx %arg8[%add3A_447, %add3A_27] : memref<56x512xf32, #tpu.memory_space<vmem>>[vector<16xi32>, vector<16xi32>], vector<16xf32>,
      tpu.vector_store_idx %arg10[%add3A_447, %add3A_91], %gather3A_450 : memref<56x224xf32, #tpu.memory_space<vmem>>[vector<16xi32>, vector<16xi32>], vector<16xf32>,
      %gather3A_451 = tpu.vector_load_idx %arg8[%add3A_447, %add3A_32] : memref<56x512xf32, #tpu.memory_space<vmem>>[vector<16xi32>, vector<16xi32>], vector<16xf32>,
      tpu.vector_store_idx %arg10[%add3A_447, %add3A_94], %gather3A_451 : memref<56x224xf32, #tpu.memory_space<vmem>>[vector<16xi32>, vector<16xi32>], vector<16xf32>,
      %gather3A_452 = tpu.vector_load_idx %arg8[%add3A_447, %add3A_37] : memref<56x512xf32, #tpu.memory_space<vmem>>[vector<16xi32>, vector<16xi32>], vector<16xf32>,
      tpu.vector_store_idx %arg10[%add3A_447, %add3A_97], %gather3A_452 : memref<56x224xf32, #tpu.memory_space<vmem>>[vector<16xi32>, vector<16xi32>], vector<16xf32>,
      %gather3A_453 = tpu.vector_load_idx %arg8[%add3A_447, %add3A_42] : memref<56x512xf32, #tpu.memory_space<vmem>>[vector<16xi32>, vector<16xi32>], vector<16xf32>,
      tpu.vector_store_idx %arg10[%add3A_447, %add3A_100], %gather3A_453 : memref<56x224xf32, #tpu.memory_space<vmem>>[vector<16xi32>, vector<16xi32>], vector<16xf32>,
      %gather3A_454 = tpu.vector_load_idx %arg8[%add3A_447, %add3A_47] : memref<56x512xf32, #tpu.memory_space<vmem>>[vector<16xi32>, vector<16xi32>], vector<16xf32>,
      tpu.vector_store_idx %arg10[%add3A_447, %add3A_103], %gather3A_454 : memref<56x224xf32, #tpu.memory_space<vmem>>[vector<16xi32>, vector<16xi32>], vector<16xf32>,
      %gather3A_455 = tpu.vector_load_idx %arg8[%add3A_447, %add3A_52] : memref<56x512xf32, #tpu.memory_space<vmem>>[vector<16xi32>, vector<16xi32>], vector<16xf32>,
      tpu.vector_store_idx %arg10[%add3A_447, %add3A_106], %gather3A_455 : memref<56x224xf32, #tpu.memory_space<vmem>>[vector<16xi32>, vector<16xi32>], vector<16xf32>,
      %gather3A_456 = tpu.vector_load_idx %arg8[%add3A_447, %add3A_57] : memref<56x512xf32, #tpu.memory_space<vmem>>[vector<16xi32>, vector<16xi32>], vector<16xf32>,
      tpu.vector_store_idx %arg10[%add3A_447, %add3A_109], %gather3A_456 : memref<56x224xf32, #tpu.memory_space<vmem>>[vector<16xi32>, vector<16xi32>], vector<16xf32>,
      %gather3A_457 = tpu.vector_load_idx %arg8[%add3A_447, %add3A_62] : memref<56x512xf32, #tpu.memory_space<vmem>>[vector<16xi32>, vector<16xi32>], vector<16xf32>,
      tpu.vector_store_idx %arg10[%add3A_447, %add3A_112], %gather3A_457 : memref<56x224xf32, #tpu.memory_space<vmem>>[vector<16xi32>, vector<16xi32>], vector<16xf32>,
      %gather3A_458 = tpu.vector_load_idx %arg8[%add3A_447, %add3A_67] : memref<56x512xf32, #tpu.memory_space<vmem>>[vector<16xi32>, vector<16xi32>], vector<16xf32>,
      tpu.vector_store_idx %arg10[%add3A_447, %add3A_115], %gather3A_458 : memref<56x224xf32, #tpu.memory_space<vmem>>[vector<16xi32>, vector<16xi32>], vector<16xf32>,
      %gather3A_459 = tpu.vector_load_idx %arg8[%add3A_447, %add3A_72] : memref<56x512xf32, #tpu.memory_space<vmem>>[vector<16xi32>, vector<16xi32>], vector<16xf32>,
      tpu.vector_store_idx %arg10[%add3A_447, %add3A_118], %gather3A_459 : memref<56x224xf32, #tpu.memory_space<vmem>>[vector<16xi32>, vector<16xi32>], vector<16xf32>,
      %gather3A_460 = tpu.vector_load_idx %arg8[%add3A_447, %add3A_77] : memref<56x512xf32, #tpu.memory_space<vmem>>[vector<16xi32>, vector<16xi32>], vector<16xf32>,
      tpu.vector_store_idx %arg10[%add3A_447, %add3A_121], %gather3A_460 : memref<56x224xf32, #tpu.memory_space<vmem>>[vector<16xi32>, vector<16xi32>], vector<16xf32>,
      %gather3A_461 = tpu.vector_load_idx %arg8[%add3A_447, %add3A_82] : memref<56x512xf32, #tpu.memory_space<vmem>>[vector<16xi32>, vector<16xi32>], vector<16xf32>,
      tpu.vector_store_idx %arg10[%add3A_447, %add3A_124], %gather3A_461 : memref<56x224xf32, #tpu.memory_space<vmem>>[vector<16xi32>, vector<16xi32>], vector<16xf32>,
      %add3A_462 = arith.constant 1 : i32
      %add3A_463 = vector.broadcast %add3A_462 : i32 to vector<16xi32>
      %add3A_464 = arith.addi %add3A_447, %add3A_463 : vector<16xi32>
      %gather3A_465 = tpu.vector_load_idx %arg8[%add3A_464, %add3A_17] : memref<56x512xf32, #tpu.memory_space<vmem>>[vector<16xi32>, vector<16xi32>], vector<16xf32>,
      tpu.vector_store_idx %arg10[%add3A_464, %add3A_85], %gather3A_465 : memref<56x224xf32, #tpu.memory_space<vmem>>[vector<16xi32>, vector<16xi32>], vector<16xf32>,
      %gather3A_466 = tpu.vector_load_idx %arg8[%add3A_464, %add3A_22] : memref<56x512xf32, #tpu.memory_space<vmem>>[vector<16xi32>, vector<16xi32>], vector<16xf32>,
      tpu.vector_store_idx %arg10[%add3A_464, %add3A_88], %gather3A_466 : memref<56x224xf32, #tpu.memory_space<vmem>>[vector<16xi32>, vector<16xi32>], vector<16xf32>,
      %gather3A_467 = tpu.vector_load_idx %arg8[%add3A_464, %add3A_27] : memref<56x512xf32, #tpu.memory_space<vmem>>[vector<16xi32>, vector<16xi32>], vector<16xf32>,
      tpu.vector_store_idx %arg10[%add3A_464, %add3A_91], %gather3A_467 : memref<56x224xf32, #tpu.memory_space<vmem>>[vector<16xi32>, vector<16xi32>], vector<16xf32>,
      %gather3A_468 = tpu.vector_load_idx %arg8[%add3A_464, %add3A_32] : memref<56x512xf32, #tpu.memory_space<vmem>>[vector<16xi32>, vector<16xi32>], vector<16xf32>,
      tpu.vector_store_idx %arg10[%add3A_464, %add3A_94], %gather3A_468 : memref<56x224xf32, #tpu.memory_space<vmem>>[vector<16xi32>, vector<16xi32>], vector<16xf32>,
      %gather3A_469 = tpu.vector_load_idx %arg8[%add3A_464, %add3A_37] : memref<56x512xf32, #tpu.memory_space<vmem>>[vector<16xi32>, vector<16xi32>], vector<16xf32>,
      tpu.vector_store_idx %arg10[%add3A_464, %add3A_97], %gather3A_469 : memref<56x224xf32, #tpu.memory_space<vmem>>[vector<16xi32>, vector<16xi32>], vector<16xf32>,
      %gather3A_470 = tpu.vector_load_idx %arg8[%add3A_464, %add3A_42] : memref<56x512xf32, #tpu.memory_space<vmem>>[vector<16xi32>, vector<16xi32>], vector<16xf32>,
      tpu.vector_store_idx %arg10[%add3A_464, %add3A_100], %gather3A_470 : memref<56x224xf32, #tpu.memory_space<vmem>>[vector<16xi32>, vector<16xi32>], vector<16xf32>,
      %gather3A_471 = tpu.vector_load_idx %arg8[%add3A_464, %add3A_47] : memref<56x512xf32, #tpu.memory_space<vmem>>[vector<16xi32>, vector<16xi32>], vector<16xf32>,
      tpu.vector_store_idx %arg10[%add3A_464, %add3A_103], %gather3A_471 : memref<56x224xf32, #tpu.memory_space<vmem>>[vector<16xi32>, vector<16xi32>], vector<16xf32>,
      %gather3A_472 = tpu.vector_load_idx %arg8[%add3A_464, %add3A_52] : memref<56x512xf32, #tpu.memory_space<vmem>>[vector<16xi32>, vector<16xi32>], vector<16xf32>,
      tpu.vector_store_idx %arg10[%add3A_464, %add3A_106], %gather3A_472 : memref<56x224xf32, #tpu.memory_space<vmem>>[vector<16xi32>, vector<16xi32>], vector<16xf32>,
      %gather3A_473 = tpu.vector_load_idx %arg8[%add3A_464, %add3A_57] : memref<56x512xf32, #tpu.memory_space<vmem>>[vector<16xi32>, vector<16xi32>], vector<16xf32>,
      tpu.vector_store_idx %arg10[%add3A_464, %add3A_109], %gather3A_473 : memref<56x224xf32, #tpu.memory_space<vmem>>[vector<16xi32>, vector<16xi32>], vector<16xf32>,
      %gather3A_474 = tpu.vector_load_idx %arg8[%add3A_464, %add3A_62] : memref<56x512xf32, #tpu.memory_space<vmem>>[vector<16xi32>, vector<16xi32>], vector<16xf32>,
      tpu.vector_store_idx %arg10[%add3A_464, %add3A_112], %gather3A_474 : memref<56x224xf32, #tpu.memory_space<vmem>>[vector<16xi32>, vector<16xi32>], vector<16xf32>,
      %gather3A_475 = tpu.vector_load_idx %arg8[%add3A_464, %add3A_67] : memref<56x512xf32, #tpu.memory_space<vmem>>[vector<16xi32>, vector<16xi32>], vector<16xf32>,
      tpu.vector_store_idx %arg10[%add3A_464, %add3A_115], %gather3A_475 : memref<56x224xf32, #tpu.memory_space<vmem>>[vector<16xi32>, vector<16xi32>], vector<16xf32>,
      %gather3A_476 = tpu.vector_load_idx %arg8[%add3A_464, %add3A_72] : memref<56x512xf32, #tpu.memory_space<vmem>>[vector<16xi32>, vector<16xi32>], vector<16xf32>,
      tpu.vector_store_idx %arg10[%add3A_464, %add3A_118], %gather3A_476 : memref<56x224xf32, #tpu.memory_space<vmem>>[vector<16xi32>, vector<16xi32>], vector<16xf32>,
      %gather3A_477 = tpu.vector_load_idx %arg8[%add3A_464, %add3A_77] : memref<56x512xf32, #tpu.memory_space<vmem>>[vector<16xi32>, vector<16xi32>], vector<16xf32>,
      tpu.vector_store_idx %arg10[%add3A_464, %add3A_121], %gather3A_477 : memref<56x224xf32, #tpu.memory_space<vmem>>[vector<16xi32>, vector<16xi32>], vector<16xf32>,
      %gather3A_478 = tpu.vector_load_idx %arg8[%add3A_464, %add3A_82] : memref<56x512xf32, #tpu.memory_space<vmem>>[vector<16xi32>, vector<16xi32>], vector<16xf32>,
      tpu.vector_store_idx %arg10[%add3A_464, %add3A_124], %gather3A_478 : memref<56x224xf32, #tpu.memory_space<vmem>>[vector<16xi32>, vector<16xi32>], vector<16xf32>,
      %add3A_479 = arith.constant 1 : i32
      %add3A_480 = vector.broadcast %add3A_479 : i32 to vector<16xi32>
      %add3A_481 = arith.addi %add3A_464, %add3A_480 : vector<16xi32>
      %gather3A_482 = tpu.vector_load_idx %arg8[%add3A_481, %add3A_17] : memref<56x512xf32, #tpu.memory_space<vmem>>[vector<16xi32>, vector<16xi32>], vector<16xf32>,
      tpu.vector_store_idx %arg10[%add3A_481, %add3A_85], %gather3A_482 : memref<56x224xf32, #tpu.memory_space<vmem>>[vector<16xi32>, vector<16xi32>], vector<16xf32>,
      %gather3A_483 = tpu.vector_load_idx %arg8[%add3A_481, %add3A_22] : memref<56x512xf32, #tpu.memory_space<vmem>>[vector<16xi32>, vector<16xi32>], vector<16xf32>,
      tpu.vector_store_idx %arg10[%add3A_481, %add3A_88], %gather3A_483 : memref<56x224xf32, #tpu.memory_space<vmem>>[vector<16xi32>, vector<16xi32>], vector<16xf32>,
      %gather3A_484 = tpu.vector_load_idx %arg8[%add3A_481, %add3A_27] : memref<56x512xf32, #tpu.memory_space<vmem>>[vector<16xi32>, vector<16xi32>], vector<16xf32>,
      tpu.vector_store_idx %arg10[%add3A_481, %add3A_91], %gather3A_484 : memref<56x224xf32, #tpu.memory_space<vmem>>[vector<16xi32>, vector<16xi32>], vector<16xf32>,
      %gather3A_485 = tpu.vector_load_idx %arg8[%add3A_481, %add3A_32] : memref<56x512xf32, #tpu.memory_space<vmem>>[vector<16xi32>, vector<16xi32>], vector<16xf32>,
      tpu.vector_store_idx %arg10[%add3A_481, %add3A_94], %gather3A_485 : memref<56x224xf32, #tpu.memory_space<vmem>>[vector<16xi32>, vector<16xi32>], vector<16xf32>,
      %gather3A_486 = tpu.vector_load_idx %arg8[%add3A_481, %add3A_37] : memref<56x512xf32, #tpu.memory_space<vmem>>[vector<16xi32>, vector<16xi32>], vector<16xf32>,
      tpu.vector_store_idx %arg10[%add3A_481, %add3A_97], %gather3A_486 : memref<56x224xf32, #tpu.memory_space<vmem>>[vector<16xi32>, vector<16xi32>], vector<16xf32>,
      %gather3A_487 = tpu.vector_load_idx %arg8[%add3A_481, %add3A_42] : memref<56x512xf32, #tpu.memory_space<vmem>>[vector<16xi32>, vector<16xi32>], vector<16xf32>,
      tpu.vector_store_idx %arg10[%add3A_481, %add3A_100], %gather3A_487 : memref<56x224xf32, #tpu.memory_space<vmem>>[vector<16xi32>, vector<16xi32>], vector<16xf32>,
      %gather3A_488 = tpu.vector_load_idx %arg8[%add3A_481, %add3A_47] : memref<56x512xf32, #tpu.memory_space<vmem>>[vector<16xi32>, vector<16xi32>], vector<16xf32>,
      tpu.vector_store_idx %arg10[%add3A_481, %add3A_103], %gather3A_488 : memref<56x224xf32, #tpu.memory_space<vmem>>[vector<16xi32>, vector<16xi32>], vector<16xf32>,
      %gather3A_489 = tpu.vector_load_idx %arg8[%add3A_481, %add3A_52] : memref<56x512xf32, #tpu.memory_space<vmem>>[vector<16xi32>, vector<16xi32>], vector<16xf32>,
      tpu.vector_store_idx %arg10[%add3A_481, %add3A_106], %gather3A_489 : memref<56x224xf32, #tpu.memory_space<vmem>>[vector<16xi32>, vector<16xi32>], vector<16xf32>,
      %gather3A_490 = tpu.vector_load_idx %arg8[%add3A_481, %add3A_57] : memref<56x512xf32, #tpu.memory_space<vmem>>[vector<16xi32>, vector<16xi32>], vector<16xf32>,
      tpu.vector_store_idx %arg10[%add3A_481, %add3A_109], %gather3A_490 : memref<56x224xf32, #tpu.memory_space<vmem>>[vector<16xi32>, vector<16xi32>], vector<16xf32>,
      %gather3A_491 = tpu.vector_load_idx %arg8[%add3A_481, %add3A_62] : memref<56x512xf32, #tpu.memory_space<vmem>>[vector<16xi32>, vector<16xi32>], vector<16xf32>,
      tpu.vector_store_idx %arg10[%add3A_481, %add3A_112], %gather3A_491 : memref<56x224xf32, #tpu.memory_space<vmem>>[vector<16xi32>, vector<16xi32>], vector<16xf32>,
      %gather3A_492 = tpu.vector_load_idx %arg8[%add3A_481, %add3A_67] : memref<56x512xf32, #tpu.memory_space<vmem>>[vector<16xi32>, vector<16xi32>], vector<16xf32>,
      tpu.vector_store_idx %arg10[%add3A_481, %add3A_115], %gather3A_492 : memref<56x224xf32, #tpu.memory_space<vmem>>[vector<16xi32>, vector<16xi32>], vector<16xf32>,
      %gather3A_493 = tpu.vector_load_idx %arg8[%add3A_481, %add3A_72] : memref<56x512xf32, #tpu.memory_space<vmem>>[vector<16xi32>, vector<16xi32>], vector<16xf32>,
      tpu.vector_store_idx %arg10[%add3A_481, %add3A_118], %gather3A_493 : memref<56x224xf32, #tpu.memory_space<vmem>>[vector<16xi32>, vector<16xi32>], vector<16xf32>,
      %gather3A_494 = tpu.vector_load_idx %arg8[%add3A_481, %add3A_77] : memref<56x512xf32, #tpu.memory_space<vmem>>[vector<16xi32>, vector<16xi32>], vector<16xf32>,
      tpu.vector_store_idx %arg10[%add3A_481, %add3A_121], %gather3A_494 : memref<56x224xf32, #tpu.memory_space<vmem>>[vector<16xi32>, vector<16xi32>], vector<16xf32>,
      %gather3A_495 = tpu.vector_load_idx %arg8[%add3A_481, %add3A_82] : memref<56x512xf32, #tpu.memory_space<vmem>>[vector<16xi32>, vector<16xi32>], vector<16xf32>,
      tpu.vector_store_idx %arg10[%add3A_481, %add3A_124], %gather3A_495 : memref<56x224xf32, #tpu.memory_space<vmem>>[vector<16xi32>, vector<16xi32>], vector<16xf32>,
      %add3A_496 = arith.constant 1 : i32
      %add3A_497 = vector.broadcast %add3A_496 : i32 to vector<16xi32>
      %add3A_498 = arith.addi %add3A_481, %add3A_497 : vector<16xi32>
      %gather3A_499 = tpu.vector_load_idx %arg8[%add3A_498, %add3A_17] : memref<56x512xf32, #tpu.memory_space<vmem>>[vector<16xi32>, vector<16xi32>], vector<16xf32>,
      tpu.vector_store_idx %arg10[%add3A_498, %add3A_85], %gather3A_499 : memref<56x224xf32, #tpu.memory_space<vmem>>[vector<16xi32>, vector<16xi32>], vector<16xf32>,
      %gather3A_500 = tpu.vector_load_idx %arg8[%add3A_498, %add3A_22] : memref<56x512xf32, #tpu.memory_space<vmem>>[vector<16xi32>, vector<16xi32>], vector<16xf32>,
      tpu.vector_store_idx %arg10[%add3A_498, %add3A_88], %gather3A_500 : memref<56x224xf32, #tpu.memory_space<vmem>>[vector<16xi32>, vector<16xi32>], vector<16xf32>,
      %gather3A_501 = tpu.vector_load_idx %arg8[%add3A_498, %add3A_27] : memref<56x512xf32, #tpu.memory_space<vmem>>[vector<16xi32>, vector<16xi32>], vector<16xf32>,
      tpu.vector_store_idx %arg10[%add3A_498, %add3A_91], %gather3A_501 : memref<56x224xf32, #tpu.memory_space<vmem>>[vector<16xi32>, vector<16xi32>], vector<16xf32>,
      %gather3A_502 = tpu.vector_load_idx %arg8[%add3A_498, %add3A_32] : memref<56x512xf32, #tpu.memory_space<vmem>>[vector<16xi32>, vector<16xi32>], vector<16xf32>,
      tpu.vector_store_idx %arg10[%add3A_498, %add3A_94], %gather3A_502 : memref<56x224xf32, #tpu.memory_space<vmem>>[vector<16xi32>, vector<16xi32>], vector<16xf32>,
      %gather3A_503 = tpu.vector_load_idx %arg8[%add3A_498, %add3A_37] : memref<56x512xf32, #tpu.memory_space<vmem>>[vector<16xi32>, vector<16xi32>], vector<16xf32>,
      tpu.vector_store_idx %arg10[%add3A_498, %add3A_97], %gather3A_503 : memref<56x224xf32, #tpu.memory_space<vmem>>[vector<16xi32>, vector<16xi32>], vector<16xf32>,
      %gather3A_504 = tpu.vector_load_idx %arg8[%add3A_498, %add3A_42] : memref<56x512xf32, #tpu.memory_space<vmem>>[vector<16xi32>, vector<16xi32>], vector<16xf32>,
      tpu.vector_store_idx %arg10[%add3A_498, %add3A_100], %gather3A_504 : memref<56x224xf32, #tpu.memory_space<vmem>>[vector<16xi32>, vector<16xi32>], vector<16xf32>,
      %gather3A_505 = tpu.vector_load_idx %arg8[%add3A_498, %add3A_47] : memref<56x512xf32, #tpu.memory_space<vmem>>[vector<16xi32>, vector<16xi32>], vector<16xf32>,
      tpu.vector_store_idx %arg10[%add3A_498, %add3A_103], %gather3A_505 : memref<56x224xf32, #tpu.memory_space<vmem>>[vector<16xi32>, vector<16xi32>], vector<16xf32>,
      %gather3A_506 = tpu.vector_load_idx %arg8[%add3A_498, %add3A_52] : memref<56x512xf32, #tpu.memory_space<vmem>>[vector<16xi32>, vector<16xi32>], vector<16xf32>,
      tpu.vector_store_idx %arg10[%add3A_498, %add3A_106], %gather3A_506 : memref<56x224xf32, #tpu.memory_space<vmem>>[vector<16xi32>, vector<16xi32>], vector<16xf32>,
      %gather3A_507 = tpu.vector_load_idx %arg8[%add3A_498, %add3A_57] : memref<56x512xf32, #tpu.memory_space<vmem>>[vector<16xi32>, vector<16xi32>], vector<16xf32>,
      tpu.vector_store_idx %arg10[%add3A_498, %add3A_109], %gather3A_507 : memref<56x224xf32, #tpu.memory_space<vmem>>[vector<16xi32>, vector<16xi32>], vector<16xf32>,
      %gather3A_508 = tpu.vector_load_idx %arg8[%add3A_498, %add3A_62] : memref<56x512xf32, #tpu.memory_space<vmem>>[vector<16xi32>, vector<16xi32>], vector<16xf32>,
      tpu.vector_store_idx %arg10[%add3A_498, %add3A_112], %gather3A_508 : memref<56x224xf32, #tpu.memory_space<vmem>>[vector<16xi32>, vector<16xi32>], vector<16xf32>,
      %gather3A_509 = tpu.vector_load_idx %arg8[%add3A_498, %add3A_67] : memref<56x512xf32, #tpu.memory_space<vmem>>[vector<16xi32>, vector<16xi32>], vector<16xf32>,
      tpu.vector_store_idx %arg10[%add3A_498, %add3A_115], %gather3A_509 : memref<56x224xf32, #tpu.memory_space<vmem>>[vector<16xi32>, vector<16xi32>], vector<16xf32>,
      %gather3A_510 = tpu.vector_load_idx %arg8[%add3A_498, %add3A_72] : memref<56x512xf32, #tpu.memory_space<vmem>>[vector<16xi32>, vector<16xi32>], vector<16xf32>,
      tpu.vector_store_idx %arg10[%add3A_498, %add3A_118], %gather3A_510 : memref<56x224xf32, #tpu.memory_space<vmem>>[vector<16xi32>, vector<16xi32>], vector<16xf32>,
      %gather3A_511 = tpu.vector_load_idx %arg8[%add3A_498, %add3A_77] : memref<56x512xf32, #tpu.memory_space<vmem>>[vector<16xi32>, vector<16xi32>], vector<16xf32>,
      tpu.vector_store_idx %arg10[%add3A_498, %add3A_121], %gather3A_511 : memref<56x224xf32, #tpu.memory_space<vmem>>[vector<16xi32>, vector<16xi32>], vector<16xf32>,
      %gather3A_512 = tpu.vector_load_idx %arg8[%add3A_498, %add3A_82] : memref<56x512xf32, #tpu.memory_space<vmem>>[vector<16xi32>, vector<16xi32>], vector<16xf32>,
      tpu.vector_store_idx %arg10[%add3A_498, %add3A_124], %gather3A_512 : memref<56x224xf32, #tpu.memory_space<vmem>>[vector<16xi32>, vector<16xi32>], vector<16xf32>,
      %add3A_513 = arith.constant 1 : i32
      %add3A_514 = vector.broadcast %add3A_513 : i32 to vector<16xi32>
      %add3A_515 = arith.addi %add3A_498, %add3A_514 : vector<16xi32>
      %gather3A_516 = tpu.vector_load_idx %arg8[%add3A_515, %add3A_17] : memref<56x512xf32, #tpu.memory_space<vmem>>[vector<16xi32>, vector<16xi32>], vector<16xf32>,
      tpu.vector_store_idx %arg10[%add3A_515, %add3A_85], %gather3A_516 : memref<56x224xf32, #tpu.memory_space<vmem>>[vector<16xi32>, vector<16xi32>], vector<16xf32>,
      %gather3A_517 = tpu.vector_load_idx %arg8[%add3A_515, %add3A_22] : memref<56x512xf32, #tpu.memory_space<vmem>>[vector<16xi32>, vector<16xi32>], vector<16xf32>,
      tpu.vector_store_idx %arg10[%add3A_515, %add3A_88], %gather3A_517 : memref<56x224xf32, #tpu.memory_space<vmem>>[vector<16xi32>, vector<16xi32>], vector<16xf32>,
      %gather3A_518 = tpu.vector_load_idx %arg8[%add3A_515, %add3A_27] : memref<56x512xf32, #tpu.memory_space<vmem>>[vector<16xi32>, vector<16xi32>], vector<16xf32>,
      tpu.vector_store_idx %arg10[%add3A_515, %add3A_91], %gather3A_518 : memref<56x224xf32, #tpu.memory_space<vmem>>[vector<16xi32>, vector<16xi32>], vector<16xf32>,
      %gather3A_519 = tpu.vector_load_idx %arg8[%add3A_515, %add3A_32] : memref<56x512xf32, #tpu.memory_space<vmem>>[vector<16xi32>, vector<16xi32>], vector<16xf32>,
      tpu.vector_store_idx %arg10[%add3A_515, %add3A_94], %gather3A_519 : memref<56x224xf32, #tpu.memory_space<vmem>>[vector<16xi32>, vector<16xi32>], vector<16xf32>,
      %gather3A_520 = tpu.vector_load_idx %arg8[%add3A_515, %add3A_37] : memref<56x512xf32, #tpu.memory_space<vmem>>[vector<16xi32>, vector<16xi32>], vector<16xf32>,
      tpu.vector_store_idx %arg10[%add3A_515, %add3A_97], %gather3A_520 : memref<56x224xf32, #tpu.memory_space<vmem>>[vector<16xi32>, vector<16xi32>], vector<16xf32>,
      %gather3A_521 = tpu.vector_load_idx %arg8[%add3A_515, %add3A_42] : memref<56x512xf32, #tpu.memory_space<vmem>>[vector<16xi32>, vector<16xi32>], vector<16xf32>,
      tpu.vector_store_idx %arg10[%add3A_515, %add3A_100], %gather3A_521 : memref<56x224xf32, #tpu.memory_space<vmem>>[vector<16xi32>, vector<16xi32>], vector<16xf32>,
      %gather3A_522 = tpu.vector_load_idx %arg8[%add3A_515, %add3A_47] : memref<56x512xf32, #tpu.memory_space<vmem>>[vector<16xi32>, vector<16xi32>], vector<16xf32>,
      tpu.vector_store_idx %arg10[%add3A_515, %add3A_103], %gather3A_522 : memref<56x224xf32, #tpu.memory_space<vmem>>[vector<16xi32>, vector<16xi32>], vector<16xf32>,
      %gather3A_523 = tpu.vector_load_idx %arg8[%add3A_515, %add3A_52] : memref<56x512xf32, #tpu.memory_space<vmem>>[vector<16xi32>, vector<16xi32>], vector<16xf32>,
      tpu.vector_store_idx %arg10[%add3A_515, %add3A_106], %gather3A_523 : memref<56x224xf32, #tpu.memory_space<vmem>>[vector<16xi32>, vector<16xi32>], vector<16xf32>,
      %gather3A_524 = tpu.vector_load_idx %arg8[%add3A_515, %add3A_57] : memref<56x512xf32, #tpu.memory_space<vmem>>[vector<16xi32>, vector<16xi32>], vector<16xf32>,
      tpu.vector_store_idx %arg10[%add3A_515, %add3A_109], %gather3A_524 : memref<56x224xf32, #tpu.memory_space<vmem>>[vector<16xi32>, vector<16xi32>], vector<16xf32>,
      %gather3A_525 = tpu.vector_load_idx %arg8[%add3A_515, %add3A_62] : memref<56x512xf32, #tpu.memory_space<vmem>>[vector<16xi32>, vector<16xi32>], vector<16xf32>,
      tpu.vector_store_idx %arg10[%add3A_515, %add3A_112], %gather3A_525 : memref<56x224xf32, #tpu.memory_space<vmem>>[vector<16xi32>, vector<16xi32>], vector<16xf32>,
      %gather3A_526 = tpu.vector_load_idx %arg8[%add3A_515, %add3A_67] : memref<56x512xf32, #tpu.memory_space<vmem>>[vector<16xi32>, vector<16xi32>], vector<16xf32>,
      tpu.vector_store_idx %arg10[%add3A_515, %add3A_115], %gather3A_526 : memref<56x224xf32, #tpu.memory_space<vmem>>[vector<16xi32>, vector<16xi32>], vector<16xf32>,
      %gather3A_527 = tpu.vector_load_idx %arg8[%add3A_515, %add3A_72] : memref<56x512xf32, #tpu.memory_space<vmem>>[vector<16xi32>, vector<16xi32>], vector<16xf32>,
      tpu.vector_store_idx %arg10[%add3A_515, %add3A_118], %gather3A_527 : memref<56x224xf32, #tpu.memory_space<vmem>>[vector<16xi32>, vector<16xi32>], vector<16xf32>,
      %gather3A_528 = tpu.vector_load_idx %arg8[%add3A_515, %add3A_77] : memref<56x512xf32, #tpu.memory_space<vmem>>[vector<16xi32>, vector<16xi32>], vector<16xf32>,
      tpu.vector_store_idx %arg10[%add3A_515, %add3A_121], %gather3A_528 : memref<56x224xf32, #tpu.memory_space<vmem>>[vector<16xi32>, vector<16xi32>], vector<16xf32>,
      %gather3A_529 = tpu.vector_load_idx %arg8[%add3A_515, %add3A_82] : memref<56x512xf32, #tpu.memory_space<vmem>>[vector<16xi32>, vector<16xi32>], vector<16xf32>,
      tpu.vector_store_idx %arg10[%add3A_515, %add3A_124], %gather3A_529 : memref<56x224xf32, #tpu.memory_space<vmem>>[vector<16xi32>, vector<16xi32>], vector<16xf32>,
      %add3A_530 = arith.constant 1 : i32
      %add3A_531 = vector.broadcast %add3A_530 : i32 to vector<16xi32>
      %add3A_532 = arith.addi %add3A_515, %add3A_531 : vector<16xi32>
      %gather3A_533 = tpu.vector_load_idx %arg8[%add3A_532, %add3A_17] : memref<56x512xf32, #tpu.memory_space<vmem>>[vector<16xi32>, vector<16xi32>], vector<16xf32>,
      tpu.vector_store_idx %arg10[%add3A_532, %add3A_85], %gather3A_533 : memref<56x224xf32, #tpu.memory_space<vmem>>[vector<16xi32>, vector<16xi32>], vector<16xf32>,
      %gather3A_534 = tpu.vector_load_idx %arg8[%add3A_532, %add3A_22] : memref<56x512xf32, #tpu.memory_space<vmem>>[vector<16xi32>, vector<16xi32>], vector<16xf32>,
      tpu.vector_store_idx %arg10[%add3A_532, %add3A_88], %gather3A_534 : memref<56x224xf32, #tpu.memory_space<vmem>>[vector<16xi32>, vector<16xi32>], vector<16xf32>,
      %gather3A_535 = tpu.vector_load_idx %arg8[%add3A_532, %add3A_27] : memref<56x512xf32, #tpu.memory_space<vmem>>[vector<16xi32>, vector<16xi32>], vector<16xf32>,
      tpu.vector_store_idx %arg10[%add3A_532, %add3A_91], %gather3A_535 : memref<56x224xf32, #tpu.memory_space<vmem>>[vector<16xi32>, vector<16xi32>], vector<16xf32>,
      %gather3A_536 = tpu.vector_load_idx %arg8[%add3A_532, %add3A_32] : memref<56x512xf32, #tpu.memory_space<vmem>>[vector<16xi32>, vector<16xi32>], vector<16xf32>,
      tpu.vector_store_idx %arg10[%add3A_532, %add3A_94], %gather3A_536 : memref<56x224xf32, #tpu.memory_space<vmem>>[vector<16xi32>, vector<16xi32>], vector<16xf32>,
      %gather3A_537 = tpu.vector_load_idx %arg8[%add3A_532, %add3A_37] : memref<56x512xf32, #tpu.memory_space<vmem>>[vector<16xi32>, vector<16xi32>], vector<16xf32>,
      tpu.vector_store_idx %arg10[%add3A_532, %add3A_97], %gather3A_537 : memref<56x224xf32, #tpu.memory_space<vmem>>[vector<16xi32>, vector<16xi32>], vector<16xf32>,
      %gather3A_538 = tpu.vector_load_idx %arg8[%add3A_532, %add3A_42] : memref<56x512xf32, #tpu.memory_space<vmem>>[vector<16xi32>, vector<16xi32>], vector<16xf32>,
      tpu.vector_store_idx %arg10[%add3A_532, %add3A_100], %gather3A_538 : memref<56x224xf32, #tpu.memory_space<vmem>>[vector<16xi32>, vector<16xi32>], vector<16xf32>,
      %gather3A_539 = tpu.vector_load_idx %arg8[%add3A_532, %add3A_47] : memref<56x512xf32, #tpu.memory_space<vmem>>[vector<16xi32>, vector<16xi32>], vector<16xf32>,
      tpu.vector_store_idx %arg10[%add3A_532, %add3A_103], %gather3A_539 : memref<56x224xf32, #tpu.memory_space<vmem>>[vector<16xi32>, vector<16xi32>], vector<16xf32>,
      %gather3A_540 = tpu.vector_load_idx %arg8[%add3A_532, %add3A_52] : memref<56x512xf32, #tpu.memory_space<vmem>>[vector<16xi32>, vector<16xi32>], vector<16xf32>,
      tpu.vector_store_idx %arg10[%add3A_532, %add3A_106], %gather3A_540 : memref<56x224xf32, #tpu.memory_space<vmem>>[vector<16xi32>, vector<16xi32>], vector<16xf32>,
      %gather3A_541 = tpu.vector_load_idx %arg8[%add3A_532, %add3A_57] : memref<56x512xf32, #tpu.memory_space<vmem>>[vector<16xi32>, vector<16xi32>], vector<16xf32>,
      tpu.vector_store_idx %arg10[%add3A_532, %add3A_109], %gather3A_541 : memref<56x224xf32, #tpu.memory_space<vmem>>[vector<16xi32>, vector<16xi32>], vector<16xf32>,
      %gather3A_542 = tpu.vector_load_idx %arg8[%add3A_532, %add3A_62] : memref<56x512xf32, #tpu.memory_space<vmem>>[vector<16xi32>, vector<16xi32>], vector<16xf32>,
      tpu.vector_store_idx %arg10[%add3A_532, %add3A_112], %gather3A_542 : memref<56x224xf32, #tpu.memory_space<vmem>>[vector<16xi32>, vector<16xi32>], vector<16xf32>,
      %gather3A_543 = tpu.vector_load_idx %arg8[%add3A_532, %add3A_67] : memref<56x512xf32, #tpu.memory_space<vmem>>[vector<16xi32>, vector<16xi32>], vector<16xf32>,
      tpu.vector_store_idx %arg10[%add3A_532, %add3A_115], %gather3A_543 : memref<56x224xf32, #tpu.memory_space<vmem>>[vector<16xi32>, vector<16xi32>], vector<16xf32>,
      %gather3A_544 = tpu.vector_load_idx %arg8[%add3A_532, %add3A_72] : memref<56x512xf32, #tpu.memory_space<vmem>>[vector<16xi32>, vector<16xi32>], vector<16xf32>,
      tpu.vector_store_idx %arg10[%add3A_532, %add3A_118], %gather3A_544 : memref<56x224xf32, #tpu.memory_space<vmem>>[vector<16xi32>, vector<16xi32>], vector<16xf32>,
      %gather3A_545 = tpu.vector_load_idx %arg8[%add3A_532, %add3A_77] : memref<56x512xf32, #tpu.memory_space<vmem>>[vector<16xi32>, vector<16xi32>], vector<16xf32>,
      tpu.vector_store_idx %arg10[%add3A_532, %add3A_121], %gather3A_545 : memref<56x224xf32, #tpu.memory_space<vmem>>[vector<16xi32>, vector<16xi32>], vector<16xf32>,
      %gather3A_546 = tpu.vector_load_idx %arg8[%add3A_532, %add3A_82] : memref<56x512xf32, #tpu.memory_space<vmem>>[vector<16xi32>, vector<16xi32>], vector<16xf32>,
      tpu.vector_store_idx %arg10[%add3A_532, %add3A_124], %gather3A_546 : memref<56x224xf32, #tpu.memory_space<vmem>>[vector<16xi32>, vector<16xi32>], vector<16xf32>,
      %add3A_547 = arith.constant 1 : i32
      %add3A_548 = vector.broadcast %add3A_547 : i32 to vector<16xi32>
      %add3A_549 = arith.addi %add3A_532, %add3A_548 : vector<16xi32>
      %gather3A_550 = tpu.vector_load_idx %arg8[%add3A_549, %add3A_17] : memref<56x512xf32, #tpu.memory_space<vmem>>[vector<16xi32>, vector<16xi32>], vector<16xf32>,
      tpu.vector_store_idx %arg10[%add3A_549, %add3A_85], %gather3A_550 : memref<56x224xf32, #tpu.memory_space<vmem>>[vector<16xi32>, vector<16xi32>], vector<16xf32>,
      %gather3A_551 = tpu.vector_load_idx %arg8[%add3A_549, %add3A_22] : memref<56x512xf32, #tpu.memory_space<vmem>>[vector<16xi32>, vector<16xi32>], vector<16xf32>,
      tpu.vector_store_idx %arg10[%add3A_549, %add3A_88], %gather3A_551 : memref<56x224xf32, #tpu.memory_space<vmem>>[vector<16xi32>, vector<16xi32>], vector<16xf32>,
      %gather3A_552 = tpu.vector_load_idx %arg8[%add3A_549, %add3A_27] : memref<56x512xf32, #tpu.memory_space<vmem>>[vector<16xi32>, vector<16xi32>], vector<16xf32>,
      tpu.vector_store_idx %arg10[%add3A_549, %add3A_91], %gather3A_552 : memref<56x224xf32, #tpu.memory_space<vmem>>[vector<16xi32>, vector<16xi32>], vector<16xf32>,
      %gather3A_553 = tpu.vector_load_idx %arg8[%add3A_549, %add3A_32] : memref<56x512xf32, #tpu.memory_space<vmem>>[vector<16xi32>, vector<16xi32>], vector<16xf32>,
      tpu.vector_store_idx %arg10[%add3A_549, %add3A_94], %gather3A_553 : memref<56x224xf32, #tpu.memory_space<vmem>>[vector<16xi32>, vector<16xi32>], vector<16xf32>,
      %gather3A_554 = tpu.vector_load_idx %arg8[%add3A_549, %add3A_37] : memref<56x512xf32, #tpu.memory_space<vmem>>[vector<16xi32>, vector<16xi32>], vector<16xf32>,
      tpu.vector_store_idx %arg10[%add3A_549, %add3A_97], %gather3A_554 : memref<56x224xf32, #tpu.memory_space<vmem>>[vector<16xi32>, vector<16xi32>], vector<16xf32>,
      %gather3A_555 = tpu.vector_load_idx %arg8[%add3A_549, %add3A_42] : memref<56x512xf32, #tpu.memory_space<vmem>>[vector<16xi32>, vector<16xi32>], vector<16xf32>,
      tpu.vector_store_idx %arg10[%add3A_549, %add3A_100], %gather3A_555 : memref<56x224xf32, #tpu.memory_space<vmem>>[vector<16xi32>, vector<16xi32>], vector<16xf32>,
      %gather3A_556 = tpu.vector_load_idx %arg8[%add3A_549, %add3A_47] : memref<56x512xf32, #tpu.memory_space<vmem>>[vector<16xi32>, vector<16xi32>], vector<16xf32>,
      tpu.vector_store_idx %arg10[%add3A_549, %add3A_103], %gather3A_556 : memref<56x224xf32, #tpu.memory_space<vmem>>[vector<16xi32>, vector<16xi32>], vector<16xf32>,
      %gather3A_557 = tpu.vector_load_idx %arg8[%add3A_549, %add3A_52] : memref<56x512xf32, #tpu.memory_space<vmem>>[vector<16xi32>, vector<16xi32>], vector<16xf32>,
      tpu.vector_store_idx %arg10[%add3A_549, %add3A_106], %gather3A_557 : memref<56x224xf32, #tpu.memory_space<vmem>>[vector<16xi32>, vector<16xi32>], vector<16xf32>,
      %gather3A_558 = tpu.vector_load_idx %arg8[%add3A_549, %add3A_57] : memref<56x512xf32, #tpu.memory_space<vmem>>[vector<16xi32>, vector<16xi32>], vector<16xf32>,
      tpu.vector_store_idx %arg10[%add3A_549, %add3A_109], %gather3A_558 : memref<56x224xf32, #tpu.memory_space<vmem>>[vector<16xi32>, vector<16xi32>], vector<16xf32>,
      %gather3A_559 = tpu.vector_load_idx %arg8[%add3A_549, %add3A_62] : memref<56x512xf32, #tpu.memory_space<vmem>>[vector<16xi32>, vector<16xi32>], vector<16xf32>,
      tpu.vector_store_idx %arg10[%add3A_549, %add3A_112], %gather3A_559 : memref<56x224xf32, #tpu.memory_space<vmem>>[vector<16xi32>, vector<16xi32>], vector<16xf32>,
      %gather3A_560 = tpu.vector_load_idx %arg8[%add3A_549, %add3A_67] : memref<56x512xf32, #tpu.memory_space<vmem>>[vector<16xi32>, vector<16xi32>], vector<16xf32>,
      tpu.vector_store_idx %arg10[%add3A_549, %add3A_115], %gather3A_560 : memref<56x224xf32, #tpu.memory_space<vmem>>[vector<16xi32>, vector<16xi32>], vector<16xf32>,
      %gather3A_561 = tpu.vector_load_idx %arg8[%add3A_549, %add3A_72] : memref<56x512xf32, #tpu.memory_space<vmem>>[vector<16xi32>, vector<16xi32>], vector<16xf32>,
      tpu.vector_store_idx %arg10[%add3A_549, %add3A_118], %gather3A_561 : memref<56x224xf32, #tpu.memory_space<vmem>>[vector<16xi32>, vector<16xi32>], vector<16xf32>,
      %gather3A_562 = tpu.vector_load_idx %arg8[%add3A_549, %add3A_77] : memref<56x512xf32, #tpu.memory_space<vmem>>[vector<16xi32>, vector<16xi32>], vector<16xf32>,
      tpu.vector_store_idx %arg10[%add3A_549, %add3A_121], %gather3A_562 : memref<56x224xf32, #tpu.memory_space<vmem>>[vector<16xi32>, vector<16xi32>], vector<16xf32>,
      %gather3A_563 = tpu.vector_load_idx %arg8[%add3A_549, %add3A_82] : memref<56x512xf32, #tpu.memory_space<vmem>>[vector<16xi32>, vector<16xi32>], vector<16xf32>,
      tpu.vector_store_idx %arg10[%add3A_549, %add3A_124], %gather3A_563 : memref<56x224xf32, #tpu.memory_space<vmem>>[vector<16xi32>, vector<16xi32>], vector<16xf32>,
      %add3A_564 = arith.constant 1 : i32
      %add3A_565 = vector.broadcast %add3A_564 : i32 to vector<16xi32>
      %add3A_566 = arith.addi %add3A_549, %add3A_565 : vector<16xi32>
      scf.yield %add3A_566 : vector<16xi32>
    }
    %scan3A_396 = arith.constant 7 : i32
    %dma_start3A_397 = arith.constant 0 : i32
    %dma_start3A_398 = tpu.memref_slice %arg5[%add3A_275, %dma_start3A_397] : memref<5376x224xf32, #tpu.memory_space<hbm>> -> memref<56x224xf32, #tpu.memory_space<hbm>>
    %dma_start3A_399 = arith.constant 0 : i32
    %dma_start3A_400 = tpu.memref_slice %arg5[%add3A_275, %dma_start3A_399] : memref<5376x224xf32, #tpu.memory_space<hbm>> -> memref<56x224xf32, #tpu.memory_space<hbm>>
    tpu.enqueue_dma source(%arg10 : memref<56x224xf32, #tpu.memory_space<vmem>>) target(%dma_start3A_400 : memref<56x224xf32, #tpu.memory_space<hbm>>) target_semaphore(%arg13 : memref<!tpu.dma_semaphore, #tpu.memory_space<semaphore_mem>>)
    %dma_wait3A_401 = arith.constant 112 : i32
    %dma_wait3A_402 = tpu.memref_slice %arg6[%dma_wait3A_401] : memref<168xi32, #tpu.memory_space<vmem>> -> memref<56xi32, #tpu.memory_space<vmem>>
    %dma_wait3A_403 = arith.constant 0 : i32
    %dma_wait3A_404 = arith.constant 0 : i32
    %dma_wait3A_405 = tpu.memref_slice %arg2[%dma_wait3A_403, %dma_wait3A_404] : memref<1536x512xf32, #tpu.memory_space<hbm>> -> memref<1536x512xf32, #tpu.memory_space<hbm>>
    tpu.wait_indirect_dma semaphore(%arg12 : memref<!tpu.dma_semaphore, #tpu.memory_space<semaphore_mem>>) src(%dma_wait3A_405 : memref<1536x512xf32, #tpu.memory_space<hbm>>) dst(%arg7 : memref<56x512xf32, #tpu.memory_space<vmem>>)
    %dma_wait3A_406 = arith.constant 0 : i32
    %dma_wait3A_407 = tpu.memref_slice %arg5[%add3A_196, %dma_wait3A_406] : memref<5376x224xf32, #tpu.memory_space<hbm>> -> memref<56x224xf32, #tpu.memory_space<hbm>>
    %dma_wait3A_408 = arith.constant 0 : i32
    %dma_wait3A_409 = tpu.memref_slice %arg5[%add3A_196, %dma_wait3A_408] : memref<5376x224xf32, #tpu.memory_space<hbm>> -> memref<56x224xf32, #tpu.memory_space<hbm>>
    tpu.wait_dma2 semaphore(%arg13 : memref<!tpu.dma_semaphore, #tpu.memory_space<semaphore_mem>>) src(%arg9 : memref<56x224xf32, #tpu.memory_space<vmem>>) dst(%dma_wait3A_409 : memref<56x224xf32, #tpu.memory_space<hbm>>)
    %broadcast_in_dim3A_410 = arith.constant 0 : i32
    %broadcast_in_dim3A_411 = vector.broadcast %broadcast_in_dim3A_410 : i32 to vector<16xi32>
    %scan3A_412 = arith.constant 0 : i32
    %scan3A_413 = arith.constant 7 : i32
    %scan3A_414 = arith.addi %scan3A_412, %scan3A_413 : i32
    %scan3A_415 = arith.constant 1 : i32
    %scan3A_416 = scf.for %scan3A_430 = %scan3A_412 to %scan3A_414 step %scan3A_415 iter_args(%scan3A_431 = %broadcast_in_dim3A_411) -> (vector<16xi32>)  : i32 {
      %gather3A = tpu.vector_load_idx %arg7[%scan3A_431, %add3A_17] : memref<56x512xf32, #tpu.memory_space<vmem>>[vector<16xi32>, vector<16xi32>], vector<16xf32>,
      tpu.vector_store_idx %arg9[%scan3A_431, %add3A_85], %gather3A : memref<56x224xf32, #tpu.memory_space<vmem>>[vector<16xi32>, vector<16xi32>], vector<16xf32>,
      %gather3A_432 = tpu.vector_load_idx %arg7[%scan3A_431, %add3A_22] : memref<56x512xf32, #tpu.memory_space<vmem>>[vector<16xi32>, vector<16xi32>], vector<16xf32>,
      tpu.vector_store_idx %arg9[%scan3A_431, %add3A_88], %gather3A_432 : memref<56x224xf32, #tpu.memory_space<vmem>>[vector<16xi32>, vector<16xi32>], vector<16xf32>,
      %gather3A_433 = tpu.vector_load_idx %arg7[%scan3A_431, %add3A_27] : memref<56x512xf32, #tpu.memory_space<vmem>>[vector<16xi32>, vector<16xi32>], vector<16xf32>,
      tpu.vector_store_idx %arg9[%scan3A_431, %add3A_91], %gather3A_433 : memref<56x224xf32, #tpu.memory_space<vmem>>[vector<16xi32>, vector<16xi32>], vector<16xf32>,
      %gather3A_434 = tpu.vector_load_idx %arg7[%scan3A_431, %add3A_32] : memref<56x512xf32, #tpu.memory_space<vmem>>[vector<16xi32>, vector<16xi32>], vector<16xf32>,
      tpu.vector_store_idx %arg9[%scan3A_431, %add3A_94], %gather3A_434 : memref<56x224xf32, #tpu.memory_space<vmem>>[vector<16xi32>, vector<16xi32>], vector<16xf32>,
      %gather3A_435 = tpu.vector_load_idx %arg7[%scan3A_431, %add3A_37] : memref<56x512xf32, #tpu.memory_space<vmem>>[vector<16xi32>, vector<16xi32>], vector<16xf32>,
      tpu.vector_store_idx %arg9[%scan3A_431, %add3A_97], %gather3A_435 : memref<56x224xf32, #tpu.memory_space<vmem>>[vector<16xi32>, vector<16xi32>], vector<16xf32>,
      %gather3A_436 = tpu.vector_load_idx %arg7[%scan3A_431, %add3A_42] : memref<56x512xf32, #tpu.memory_space<vmem>>[vector<16xi32>, vector<16xi32>], vector<16xf32>,
      tpu.vector_store_idx %arg9[%scan3A_431, %add3A_100], %gather3A_436 : memref<56x224xf32, #tpu.memory_space<vmem>>[vector<16xi32>, vector<16xi32>], vector<16xf32>,
      %gather3A_437 = tpu.vector_load_idx %arg7[%scan3A_431, %add3A_47] : memref<56x512xf32, #tpu.memory_space<vmem>>[vector<16xi32>, vector<16xi32>], vector<16xf32>,
      tpu.vector_store_idx %arg9[%scan3A_431, %add3A_103], %gather3A_437 : memref<56x224xf32, #tpu.memory_space<vmem>>[vector<16xi32>, vector<16xi32>], vector<16xf32>,
      %gather3A_438 = tpu.vector_load_idx %arg7[%scan3A_431, %add3A_52] : memref<56x512xf32, #tpu.memory_space<vmem>>[vector<16xi32>, vector<16xi32>], vector<16xf32>,
      tpu.vector_store_idx %arg9[%scan3A_431, %add3A_106], %gather3A_438 : memref<56x224xf32, #tpu.memory_space<vmem>>[vector<16xi32>, vector<16xi32>], vector<16xf32>,
      %gather3A_439 = tpu.vector_load_idx %arg7[%scan3A_431, %add3A_57] : memref<56x512xf32, #tpu.memory_space<vmem>>[vector<16xi32>, vector<16xi32>], vector<16xf32>,
      tpu.vector_store_idx %arg9[%scan3A_431, %add3A_109], %gather3A_439 : memref<56x224xf32, #tpu.memory_space<vmem>>[vector<16xi32>, vector<16xi32>], vector<16xf32>,
      %gather3A_440 = tpu.vector_load_idx %arg7[%scan3A_431, %add3A_62] : memref<56x512xf32, #tpu.memory_space<vmem>>[vector<16xi32>, vector<16xi32>], vector<16xf32>,
      tpu.vector_store_idx %arg9[%scan3A_431, %add3A_112], %gather3A_440 : memref<56x224xf32, #tpu.memory_space<vmem>>[vector<16xi32>, vector<16xi32>], vector<16xf32>,
      %gather3A_441 = tpu.vector_load_idx %arg7[%scan3A_431, %add3A_67] : memref<56x512xf32, #tpu.memory_space<vmem>>[vector<16xi32>, vector<16xi32>], vector<16xf32>,
      tpu.vector_store_idx %arg9[%scan3A_431, %add3A_115], %gather3A_441 : memref<56x224xf32, #tpu.memory_space<vmem>>[vector<16xi32>, vector<16xi32>], vector<16xf32>,
      %gather3A_442 = tpu.vector_load_idx %arg7[%scan3A_431, %add3A_72] : memref<56x512xf32, #tpu.memory_space<vmem>>[vector<16xi32>, vector<16xi32>], vector<16xf32>,
      tpu.vector_store_idx %arg9[%scan3A_431, %add3A_118], %gather3A_442 : memref<56x224xf32, #tpu.memory_space<vmem>>[vector<16xi32>, vector<16xi32>], vector<16xf32>,
      %gather3A_443 = tpu.vector_load_idx %arg7[%scan3A_431, %add3A_77] : memref<56x512xf32, #tpu.memory_space<vmem>>[vector<16xi32>, vector<16xi32>], vector<16xf32>,
      tpu.vector_store_idx %arg9[%scan3A_431, %add3A_121], %gather3A_443 : memref<56x224xf32, #tpu.memory_space<vmem>>[vector<16xi32>, vector<16xi32>], vector<16xf32>,
      %gather3A_444 = tpu.vector_load_idx %arg7[%scan3A_431, %add3A_82] : memref<56x512xf32, #tpu.memory_space<vmem>>[vector<16xi32>, vector<16xi32>], vector<16xf32>,
      tpu.vector_store_idx %arg9[%scan3A_431, %add3A_124], %gather3A_444 : memref<56x224xf32, #tpu.memory_space<vmem>>[vector<16xi32>, vector<16xi32>], vector<16xf32>,
      %add3A_445 = arith.constant 1 : i32
      %add3A_446 = vector.broadcast %add3A_445 : i32 to vector<16xi32>
      %add3A_447 = arith.addi %scan3A_431, %add3A_446 : vector<16xi32>
      %gather3A_448 = tpu.vector_load_idx %arg7[%add3A_447, %add3A_17] : memref<56x512xf32, #tpu.memory_space<vmem>>[vector<16xi32>, vector<16xi32>], vector<16xf32>,
      tpu.vector_store_idx %arg9[%add3A_447, %add3A_85], %gather3A_448 : memref<56x224xf32, #tpu.memory_space<vmem>>[vector<16xi32>, vector<16xi32>], vector<16xf32>,
      %gather3A_449 = tpu.vector_load_idx %arg7[%add3A_447, %add3A_22] : memref<56x512xf32, #tpu.memory_space<vmem>>[vector<16xi32>, vector<16xi32>], vector<16xf32>,
      tpu.vector_store_idx %arg9[%add3A_447, %add3A_88], %gather3A_449 : memref<56x224xf32, #tpu.memory_space<vmem>>[vector<16xi32>, vector<16xi32>], vector<16xf32>,
      %gather3A_450 = tpu.vector_load_idx %arg7[%add3A_447, %add3A_27] : memref<56x512xf32, #tpu.memory_space<vmem>>[vector<16xi32>, vector<16xi32>], vector<16xf32>,
      tpu.vector_store_idx %arg9[%add3A_447, %add3A_91], %gather3A_450 : memref<56x224xf32, #tpu.memory_space<vmem>>[vector<16xi32>, vector<16xi32>], vector<16xf32>,
      %gather3A_451 = tpu.vector_load_idx %arg7[%add3A_447, %add3A_32] : memref<56x512xf32, #tpu.memory_space<vmem>>[vector<16xi32>, vector<16xi32>], vector<16xf32>,
      tpu.vector_store_idx %arg9[%add3A_447, %add3A_94], %gather3A_451 : memref<56x224xf32, #tpu.memory_space<vmem>>[vector<16xi32>, vector<16xi32>], vector<16xf32>,
      %gather3A_452 = tpu.vector_load_idx %arg7[%add3A_447, %add3A_37] : memref<56x512xf32, #tpu.memory_space<vmem>>[vector<16xi32>, vector<16xi32>], vector<16xf32>,
      tpu.vector_store_idx %arg9[%add3A_447, %add3A_97], %gather3A_452 : memref<56x224xf32, #tpu.memory_space<vmem>>[vector<16xi32>, vector<16xi32>], vector<16xf32>,
      %gather3A_453 = tpu.vector_load_idx %arg7[%add3A_447, %add3A_42] : memref<56x512xf32, #tpu.memory_space<vmem>>[vector<16xi32>, vector<16xi32>], vector<16xf32>,
      tpu.vector_store_idx %arg9[%add3A_447, %add3A_100], %gather3A_453 : memref<56x224xf32, #tpu.memory_space<vmem>>[vector<16xi32>, vector<16xi32>], vector<16xf32>,
      %gather3A_454 = tpu.vector_load_idx %arg7[%add3A_447, %add3A_47] : memref<56x512xf32, #tpu.memory_space<vmem>>[vector<16xi32>, vector<16xi32>], vector<16xf32>,
      tpu.vector_store_idx %arg9[%add3A_447, %add3A_103], %gather3A_454 : memref<56x224xf32, #tpu.memory_space<vmem>>[vector<16xi32>, vector<16xi32>], vector<16xf32>,
      %gather3A_455 = tpu.vector_load_idx %arg7[%add3A_447, %add3A_52] : memref<56x512xf32, #tpu.memory_space<vmem>>[vector<16xi32>, vector<16xi32>], vector<16xf32>,
      tpu.vector_store_idx %arg9[%add3A_447, %add3A_106], %gather3A_455 : memref<56x224xf32, #tpu.memory_space<vmem>>[vector<16xi32>, vector<16xi32>], vector<16xf32>,
      %gather3A_456 = tpu.vector_load_idx %arg7[%add3A_447, %add3A_57] : memref<56x512xf32, #tpu.memory_space<vmem>>[vector<16xi32>, vector<16xi32>], vector<16xf32>,
      tpu.vector_store_idx %arg9[%add3A_447, %add3A_109], %gather3A_456 : memref<56x224xf32, #tpu.memory_space<vmem>>[vector<16xi32>, vector<16xi32>], vector<16xf32>,
      %gather3A_457 = tpu.vector_load_idx %arg7[%add3A_447, %add3A_62] : memref<56x512xf32, #tpu.memory_space<vmem>>[vector<16xi32>, vector<16xi32>], vector<16xf32>,
      tpu.vector_store_idx %arg9[%add3A_447, %add3A_112], %gather3A_457 : memref<56x224xf32, #tpu.memory_space<vmem>>[vector<16xi32>, vector<16xi32>], vector<16xf32>,
      %gather3A_458 = tpu.vector_load_idx %arg7[%add3A_447, %add3A_67] : memref<56x512xf32, #tpu.memory_space<vmem>>[vector<16xi32>, vector<16xi32>], vector<16xf32>,
      tpu.vector_store_idx %arg9[%add3A_447, %add3A_115], %gather3A_458 : memref<56x224xf32, #tpu.memory_space<vmem>>[vector<16xi32>, vector<16xi32>], vector<16xf32>,
      %gather3A_459 = tpu.vector_load_idx %arg7[%add3A_447, %add3A_72] : memref<56x512xf32, #tpu.memory_space<vmem>>[vector<16xi32>, vector<16xi32>], vector<16xf32>,
      tpu.vector_store_idx %arg9[%add3A_447, %add3A_118], %gather3A_459 : memref<56x224xf32, #tpu.memory_space<vmem>>[vector<16xi32>, vector<16xi32>], vector<16xf32>,
      %gather3A_460 = tpu.vector_load_idx %arg7[%add3A_447, %add3A_77] : memref<56x512xf32, #tpu.memory_space<vmem>>[vector<16xi32>, vector<16xi32>], vector<16xf32>,
      tpu.vector_store_idx %arg9[%add3A_447, %add3A_121], %gather3A_460 : memref<56x224xf32, #tpu.memory_space<vmem>>[vector<16xi32>, vector<16xi32>], vector<16xf32>,
      %gather3A_461 = tpu.vector_load_idx %arg7[%add3A_447, %add3A_82] : memref<56x512xf32, #tpu.memory_space<vmem>>[vector<16xi32>, vector<16xi32>], vector<16xf32>,
      tpu.vector_store_idx %arg9[%add3A_447, %add3A_124], %gather3A_461 : memref<56x224xf32, #tpu.memory_space<vmem>>[vector<16xi32>, vector<16xi32>], vector<16xf32>,
      %add3A_462 = arith.constant 1 : i32
      %add3A_463 = vector.broadcast %add3A_462 : i32 to vector<16xi32>
      %add3A_464 = arith.addi %add3A_447, %add3A_463 : vector<16xi32>
      %gather3A_465 = tpu.vector_load_idx %arg7[%add3A_464, %add3A_17] : memref<56x512xf32, #tpu.memory_space<vmem>>[vector<16xi32>, vector<16xi32>], vector<16xf32>,
      tpu.vector_store_idx %arg9[%add3A_464, %add3A_85], %gather3A_465 : memref<56x224xf32, #tpu.memory_space<vmem>>[vector<16xi32>, vector<16xi32>], vector<16xf32>,
      %gather3A_466 = tpu.vector_load_idx %arg7[%add3A_464, %add3A_22] : memref<56x512xf32, #tpu.memory_space<vmem>>[vector<16xi32>, vector<16xi32>], vector<16xf32>,
      tpu.vector_store_idx %arg9[%add3A_464, %add3A_88], %gather3A_466 : memref<56x224xf32, #tpu.memory_space<vmem>>[vector<16xi32>, vector<16xi32>], vector<16xf32>,
      %gather3A_467 = tpu.vector_load_idx %arg7[%add3A_464, %add3A_27] : memref<56x512xf32, #tpu.memory_space<vmem>>[vector<16xi32>, vector<16xi32>], vector<16xf32>,
      tpu.vector_store_idx %arg9[%add3A_464, %add3A_91], %gather3A_467 : memref<56x224xf32, #tpu.memory_space<vmem>>[vector<16xi32>, vector<16xi32>], vector<16xf32>,
      %gather3A_468 = tpu.vector_load_idx %arg7[%add3A_464, %add3A_32] : memref<56x512xf32, #tpu.memory_space<vmem>>[vector<16xi32>, vector<16xi32>], vector<16xf32>,
      tpu.vector_store_idx %arg9[%add3A_464, %add3A_94], %gather3A_468 : memref<56x224xf32, #tpu.memory_space<vmem>>[vector<16xi32>, vector<16xi32>], vector<16xf32>,
      %gather3A_469 = tpu.vector_load_idx %arg7[%add3A_464, %add3A_37] : memref<56x512xf32, #tpu.memory_space<vmem>>[vector<16xi32>, vector<16xi32>], vector<16xf32>,
      tpu.vector_store_idx %arg9[%add3A_464, %add3A_97], %gather3A_469 : memref<56x224xf32, #tpu.memory_space<vmem>>[vector<16xi32>, vector<16xi32>], vector<16xf32>,
      %gather3A_470 = tpu.vector_load_idx %arg7[%add3A_464, %add3A_42] : memref<56x512xf32, #tpu.memory_space<vmem>>[vector<16xi32>, vector<16xi32>], vector<16xf32>,
      tpu.vector_store_idx %arg9[%add3A_464, %add3A_100], %gather3A_470 : memref<56x224xf32, #tpu.memory_space<vmem>>[vector<16xi32>, vector<16xi32>], vector<16xf32>,
      %gather3A_471 = tpu.vector_load_idx %arg7[%add3A_464, %add3A_47] : memref<56x512xf32, #tpu.memory_space<vmem>>[vector<16xi32>, vector<16xi32>], vector<16xf32>,
      tpu.vector_store_idx %arg9[%add3A_464, %add3A_103], %gather3A_471 : memref<56x224xf32, #tpu.memory_space<vmem>>[vector<16xi32>, vector<16xi32>], vector<16xf32>,
      %gather3A_472 = tpu.vector_load_idx %arg7[%add3A_464, %add3A_52] : memref<56x512xf32, #tpu.memory_space<vmem>>[vector<16xi32>, vector<16xi32>], vector<16xf32>,
      tpu.vector_store_idx %arg9[%add3A_464, %add3A_106], %gather3A_472 : memref<56x224xf32, #tpu.memory_space<vmem>>[vector<16xi32>, vector<16xi32>], vector<16xf32>,
      %gather3A_473 = tpu.vector_load_idx %arg7[%add3A_464, %add3A_57] : memref<56x512xf32, #tpu.memory_space<vmem>>[vector<16xi32>, vector<16xi32>], vector<16xf32>,
      tpu.vector_store_idx %arg9[%add3A_464, %add3A_109], %gather3A_473 : memref<56x224xf32, #tpu.memory_space<vmem>>[vector<16xi32>, vector<16xi32>], vector<16xf32>,
      %gather3A_474 = tpu.vector_load_idx %arg7[%add3A_464, %add3A_62] : memref<56x512xf32, #tpu.memory_space<vmem>>[vector<16xi32>, vector<16xi32>], vector<16xf32>,
      tpu.vector_store_idx %arg9[%add3A_464, %add3A_112], %gather3A_474 : memref<56x224xf32, #tpu.memory_space<vmem>>[vector<16xi32>, vector<16xi32>], vector<16xf32>,
      %gather3A_475 = tpu.vector_load_idx %arg7[%add3A_464, %add3A_67] : memref<56x512xf32, #tpu.memory_space<vmem>>[vector<16xi32>, vector<16xi32>], vector<16xf32>,
      tpu.vector_store_idx %arg9[%add3A_464, %add3A_115], %gather3A_475 : memref<56x224xf32, #tpu.memory_space<vmem>>[vector<16xi32>, vector<16xi32>], vector<16xf32>,
      %gather3A_476 = tpu.vector_load_idx %arg7[%add3A_464, %add3A_72] : memref<56x512xf32, #tpu.memory_space<vmem>>[vector<16xi32>, vector<16xi32>], vector<16xf32>,
      tpu.vector_store_idx %arg9[%add3A_464, %add3A_118], %gather3A_476 : memref<56x224xf32, #tpu.memory_space<vmem>>[vector<16xi32>, vector<16xi32>], vector<16xf32>,
      %gather3A_477 = tpu.vector_load_idx %arg7[%add3A_464, %add3A_77] : memref<56x512xf32, #tpu.memory_space<vmem>>[vector<16xi32>, vector<16xi32>], vector<16xf32>,
      tpu.vector_store_idx %arg9[%add3A_464, %add3A_121], %gather3A_477 : memref<56x224xf32, #tpu.memory_space<vmem>>[vector<16xi32>, vector<16xi32>], vector<16xf32>,
      %gather3A_478 = tpu.vector_load_idx %arg7[%add3A_464, %add3A_82] : memref<56x512xf32, #tpu.memory_space<vmem>>[vector<16xi32>, vector<16xi32>], vector<16xf32>,
      tpu.vector_store_idx %arg9[%add3A_464, %add3A_124], %gather3A_478 : memref<56x224xf32, #tpu.memory_space<vmem>>[vector<16xi32>, vector<16xi32>], vector<16xf32>,
      %add3A_479 = arith.constant 1 : i32
      %add3A_480 = vector.broadcast %add3A_479 : i32 to vector<16xi32>
      %add3A_481 = arith.addi %add3A_464, %add3A_480 : vector<16xi32>
      %gather3A_482 = tpu.vector_load_idx %arg7[%add3A_481, %add3A_17] : memref<56x512xf32, #tpu.memory_space<vmem>>[vector<16xi32>, vector<16xi32>], vector<16xf32>,
      tpu.vector_store_idx %arg9[%add3A_481, %add3A_85], %gather3A_482 : memref<56x224xf32, #tpu.memory_space<vmem>>[vector<16xi32>, vector<16xi32>], vector<16xf32>,
      %gather3A_483 = tpu.vector_load_idx %arg7[%add3A_481, %add3A_22] : memref<56x512xf32, #tpu.memory_space<vmem>>[vector<16xi32>, vector<16xi32>], vector<16xf32>,
      tpu.vector_store_idx %arg9[%add3A_481, %add3A_88], %gather3A_483 : memref<56x224xf32, #tpu.memory_space<vmem>>[vector<16xi32>, vector<16xi32>], vector<16xf32>,
      %gather3A_484 = tpu.vector_load_idx %arg7[%add3A_481, %add3A_27] : memref<56x512xf32, #tpu.memory_space<vmem>>[vector<16xi32>, vector<16xi32>], vector<16xf32>,
      tpu.vector_store_idx %arg9[%add3A_481, %add3A_91], %gather3A_484 : memref<56x224xf32, #tpu.memory_space<vmem>>[vector<16xi32>, vector<16xi32>], vector<16xf32>,
      %gather3A_485 = tpu.vector_load_idx %arg7[%add3A_481, %add3A_32] : memref<56x512xf32, #tpu.memory_space<vmem>>[vector<16xi32>, vector<16xi32>], vector<16xf32>,
      tpu.vector_store_idx %arg9[%add3A_481, %add3A_94], %gather3A_485 : memref<56x224xf32, #tpu.memory_space<vmem>>[vector<16xi32>, vector<16xi32>], vector<16xf32>,
      %gather3A_486 = tpu.vector_load_idx %arg7[%add3A_481, %add3A_37] : memref<56x512xf32, #tpu.memory_space<vmem>>[vector<16xi32>, vector<16xi32>], vector<16xf32>,
      tpu.vector_store_idx %arg9[%add3A_481, %add3A_97], %gather3A_486 : memref<56x224xf32, #tpu.memory_space<vmem>>[vector<16xi32>, vector<16xi32>], vector<16xf32>,
      %gather3A_487 = tpu.vector_load_idx %arg7[%add3A_481, %add3A_42] : memref<56x512xf32, #tpu.memory_space<vmem>>[vector<16xi32>, vector<16xi32>], vector<16xf32>,
      tpu.vector_store_idx %arg9[%add3A_481, %add3A_100], %gather3A_487 : memref<56x224xf32, #tpu.memory_space<vmem>>[vector<16xi32>, vector<16xi32>], vector<16xf32>,
      %gather3A_488 = tpu.vector_load_idx %arg7[%add3A_481, %add3A_47] : memref<56x512xf32, #tpu.memory_space<vmem>>[vector<16xi32>, vector<16xi32>], vector<16xf32>,
      tpu.vector_store_idx %arg9[%add3A_481, %add3A_103], %gather3A_488 : memref<56x224xf32, #tpu.memory_space<vmem>>[vector<16xi32>, vector<16xi32>], vector<16xf32>,
      %gather3A_489 = tpu.vector_load_idx %arg7[%add3A_481, %add3A_52] : memref<56x512xf32, #tpu.memory_space<vmem>>[vector<16xi32>, vector<16xi32>], vector<16xf32>,
      tpu.vector_store_idx %arg9[%add3A_481, %add3A_106], %gather3A_489 : memref<56x224xf32, #tpu.memory_space<vmem>>[vector<16xi32>, vector<16xi32>], vector<16xf32>,
      %gather3A_490 = tpu.vector_load_idx %arg7[%add3A_481, %add3A_57] : memref<56x512xf32, #tpu.memory_space<vmem>>[vector<16xi32>, vector<16xi32>], vector<16xf32>,
      tpu.vector_store_idx %arg9[%add3A_481, %add3A_109], %gather3A_490 : memref<56x224xf32, #tpu.memory_space<vmem>>[vector<16xi32>, vector<16xi32>], vector<16xf32>,
      %gather3A_491 = tpu.vector_load_idx %arg7[%add3A_481, %add3A_62] : memref<56x512xf32, #tpu.memory_space<vmem>>[vector<16xi32>, vector<16xi32>], vector<16xf32>,
      tpu.vector_store_idx %arg9[%add3A_481, %add3A_112], %gather3A_491 : memref<56x224xf32, #tpu.memory_space<vmem>>[vector<16xi32>, vector<16xi32>], vector<16xf32>,
      %gather3A_492 = tpu.vector_load_idx %arg7[%add3A_481, %add3A_67] : memref<56x512xf32, #tpu.memory_space<vmem>>[vector<16xi32>, vector<16xi32>], vector<16xf32>,
      tpu.vector_store_idx %arg9[%add3A_481, %add3A_115], %gather3A_492 : memref<56x224xf32, #tpu.memory_space<vmem>>[vector<16xi32>, vector<16xi32>], vector<16xf32>,
      %gather3A_493 = tpu.vector_load_idx %arg7[%add3A_481, %add3A_72] : memref<56x512xf32, #tpu.memory_space<vmem>>[vector<16xi32>, vector<16xi32>], vector<16xf32>,
      tpu.vector_store_idx %arg9[%add3A_481, %add3A_118], %gather3A_493 : memref<56x224xf32, #tpu.memory_space<vmem>>[vector<16xi32>, vector<16xi32>], vector<16xf32>,
      %gather3A_494 = tpu.vector_load_idx %arg7[%add3A_481, %add3A_77] : memref<56x512xf32, #tpu.memory_space<vmem>>[vector<16xi32>, vector<16xi32>], vector<16xf32>,
      tpu.vector_store_idx %arg9[%add3A_481, %add3A_121], %gather3A_494 : memref<56x224xf32, #tpu.memory_space<vmem>>[vector<16xi32>, vector<16xi32>], vector<16xf32>,
      %gather3A_495 = tpu.vector_load_idx %arg7[%add3A_481, %add3A_82] : memref<56x512xf32, #tpu.memory_space<vmem>>[vector<16xi32>, vector<16xi32>], vector<16xf32>,
      tpu.vector_store_idx %arg9[%add3A_481, %add3A_124], %gather3A_495 : memref<56x224xf32, #tpu.memory_space<vmem>>[vector<16xi32>, vector<16xi32>], vector<16xf32>,
      %add3A_496 = arith.constant 1 : i32
      %add3A_497 = vector.broadcast %add3A_496 : i32 to vector<16xi32>
      %add3A_498 = arith.addi %add3A_481, %add3A_497 : vector<16xi32>
      %gather3A_499 = tpu.vector_load_idx %arg7[%add3A_498, %add3A_17] : memref<56x512xf32, #tpu.memory_space<vmem>>[vector<16xi32>, vector<16xi32>], vector<16xf32>,
      tpu.vector_store_idx %arg9[%add3A_498, %add3A_85], %gather3A_499 : memref<56x224xf32, #tpu.memory_space<vmem>>[vector<16xi32>, vector<16xi32>], vector<16xf32>,
      %gather3A_500 = tpu.vector_load_idx %arg7[%add3A_498, %add3A_22] : memref<56x512xf32, #tpu.memory_space<vmem>>[vector<16xi32>, vector<16xi32>], vector<16xf32>,
      tpu.vector_store_idx %arg9[%add3A_498, %add3A_88], %gather3A_500 : memref<56x224xf32, #tpu.memory_space<vmem>>[vector<16xi32>, vector<16xi32>], vector<16xf32>,
      %gather3A_501 = tpu.vector_load_idx %arg7[%add3A_498, %add3A_27] : memref<56x512xf32, #tpu.memory_space<vmem>>[vector<16xi32>, vector<16xi32>], vector<16xf32>,
      tpu.vector_store_idx %arg9[%add3A_498, %add3A_91], %gather3A_501 : memref<56x224xf32, #tpu.memory_space<vmem>>[vector<16xi32>, vector<16xi32>], vector<16xf32>,
      %gather3A_502 = tpu.vector_load_idx %arg7[%add3A_498, %add3A_32] : memref<56x512xf32, #tpu.memory_space<vmem>>[vector<16xi32>, vector<16xi32>], vector<16xf32>,
      tpu.vector_store_idx %arg9[%add3A_498, %add3A_94], %gather3A_502 : memref<56x224xf32, #tpu.memory_space<vmem>>[vector<16xi32>, vector<16xi32>], vector<16xf32>,
      %gather3A_503 = tpu.vector_load_idx %arg7[%add3A_498, %add3A_37] : memref<56x512xf32, #tpu.memory_space<vmem>>[vector<16xi32>, vector<16xi32>], vector<16xf32>,
      tpu.vector_store_idx %arg9[%add3A_498, %add3A_97], %gather3A_503 : memref<56x224xf32, #tpu.memory_space<vmem>>[vector<16xi32>, vector<16xi32>], vector<16xf32>,
      %gather3A_504 = tpu.vector_load_idx %arg7[%add3A_498, %add3A_42] : memref<56x512xf32, #tpu.memory_space<vmem>>[vector<16xi32>, vector<16xi32>], vector<16xf32>,
      tpu.vector_store_idx %arg9[%add3A_498, %add3A_100], %gather3A_504 : memref<56x224xf32, #tpu.memory_space<vmem>>[vector<16xi32>, vector<16xi32>], vector<16xf32>,
      %gather3A_505 = tpu.vector_load_idx %arg7[%add3A_498, %add3A_47] : memref<56x512xf32, #tpu.memory_space<vmem>>[vector<16xi32>, vector<16xi32>], vector<16xf32>,
      tpu.vector_store_idx %arg9[%add3A_498, %add3A_103], %gather3A_505 : memref<56x224xf32, #tpu.memory_space<vmem>>[vector<16xi32>, vector<16xi32>], vector<16xf32>,
      %gather3A_506 = tpu.vector_load_idx %arg7[%add3A_498, %add3A_52] : memref<56x512xf32, #tpu.memory_space<vmem>>[vector<16xi32>, vector<16xi32>], vector<16xf32>,
      tpu.vector_store_idx %arg9[%add3A_498, %add3A_106], %gather3A_506 : memref<56x224xf32, #tpu.memory_space<vmem>>[vector<16xi32>, vector<16xi32>], vector<16xf32>,
      %gather3A_507 = tpu.vector_load_idx %arg7[%add3A_498, %add3A_57] : memref<56x512xf32, #tpu.memory_space<vmem>>[vector<16xi32>, vector<16xi32>], vector<16xf32>,
      tpu.vector_store_idx %arg9[%add3A_498, %add3A_109], %gather3A_507 : memref<56x224xf32, #tpu.memory_space<vmem>>[vector<16xi32>, vector<16xi32>], vector<16xf32>,
      %gather3A_508 = tpu.vector_load_idx %arg7[%add3A_498, %add3A_62] : memref<56x512xf32, #tpu.memory_space<vmem>>[vector<16xi32>, vector<16xi32>], vector<16xf32>,
      tpu.vector_store_idx %arg9[%add3A_498, %add3A_112], %gather3A_508 : memref<56x224xf32, #tpu.memory_space<vmem>>[vector<16xi32>, vector<16xi32>], vector<16xf32>,
      %gather3A_509 = tpu.vector_load_idx %arg7[%add3A_498, %add3A_67] : memref<56x512xf32, #tpu.memory_space<vmem>>[vector<16xi32>, vector<16xi32>], vector<16xf32>,
      tpu.vector_store_idx %arg9[%add3A_498, %add3A_115], %gather3A_509 : memref<56x224xf32, #tpu.memory_space<vmem>>[vector<16xi32>, vector<16xi32>], vector<16xf32>,
      %gather3A_510 = tpu.vector_load_idx %arg7[%add3A_498, %add3A_72] : memref<56x512xf32, #tpu.memory_space<vmem>>[vector<16xi32>, vector<16xi32>], vector<16xf32>,
      tpu.vector_store_idx %arg9[%add3A_498, %add3A_118], %gather3A_510 : memref<56x224xf32, #tpu.memory_space<vmem>>[vector<16xi32>, vector<16xi32>], vector<16xf32>,
      %gather3A_511 = tpu.vector_load_idx %arg7[%add3A_498, %add3A_77] : memref<56x512xf32, #tpu.memory_space<vmem>>[vector<16xi32>, vector<16xi32>], vector<16xf32>,
      tpu.vector_store_idx %arg9[%add3A_498, %add3A_121], %gather3A_511 : memref<56x224xf32, #tpu.memory_space<vmem>>[vector<16xi32>, vector<16xi32>], vector<16xf32>,
      %gather3A_512 = tpu.vector_load_idx %arg7[%add3A_498, %add3A_82] : memref<56x512xf32, #tpu.memory_space<vmem>>[vector<16xi32>, vector<16xi32>], vector<16xf32>,
      tpu.vector_store_idx %arg9[%add3A_498, %add3A_124], %gather3A_512 : memref<56x224xf32, #tpu.memory_space<vmem>>[vector<16xi32>, vector<16xi32>], vector<16xf32>,
      %add3A_513 = arith.constant 1 : i32
      %add3A_514 = vector.broadcast %add3A_513 : i32 to vector<16xi32>
      %add3A_515 = arith.addi %add3A_498, %add3A_514 : vector<16xi32>
      %gather3A_516 = tpu.vector_load_idx %arg7[%add3A_515, %add3A_17] : memref<56x512xf32, #tpu.memory_space<vmem>>[vector<16xi32>, vector<16xi32>], vector<16xf32>,
      tpu.vector_store_idx %arg9[%add3A_515, %add3A_85], %gather3A_516 : memref<56x224xf32, #tpu.memory_space<vmem>>[vector<16xi32>, vector<16xi32>], vector<16xf32>,
      %gather3A_517 = tpu.vector_load_idx %arg7[%add3A_515, %add3A_22] : memref<56x512xf32, #tpu.memory_space<vmem>>[vector<16xi32>, vector<16xi32>], vector<16xf32>,
      tpu.vector_store_idx %arg9[%add3A_515, %add3A_88], %gather3A_517 : memref<56x224xf32, #tpu.memory_space<vmem>>[vector<16xi32>, vector<16xi32>], vector<16xf32>,
      %gather3A_518 = tpu.vector_load_idx %arg7[%add3A_515, %add3A_27] : memref<56x512xf32, #tpu.memory_space<vmem>>[vector<16xi32>, vector<16xi32>], vector<16xf32>,
      tpu.vector_store_idx %arg9[%add3A_515, %add3A_91], %gather3A_518 : memref<56x224xf32, #tpu.memory_space<vmem>>[vector<16xi32>, vector<16xi32>], vector<16xf32>,
      %gather3A_519 = tpu.vector_load_idx %arg7[%add3A_515, %add3A_32] : memref<56x512xf32, #tpu.memory_space<vmem>>[vector<16xi32>, vector<16xi32>], vector<16xf32>,
      tpu.vector_store_idx %arg9[%add3A_515, %add3A_94], %gather3A_519 : memref<56x224xf32, #tpu.memory_space<vmem>>[vector<16xi32>, vector<16xi32>], vector<16xf32>,
      %gather3A_520 = tpu.vector_load_idx %arg7[%add3A_515, %add3A_37] : memref<56x512xf32, #tpu.memory_space<vmem>>[vector<16xi32>, vector<16xi32>], vector<16xf32>,
      tpu.vector_store_idx %arg9[%add3A_515, %add3A_97], %gather3A_520 : memref<56x224xf32, #tpu.memory_space<vmem>>[vector<16xi32>, vector<16xi32>], vector<16xf32>,
      %gather3A_521 = tpu.vector_load_idx %arg7[%add3A_515, %add3A_42] : memref<56x512xf32, #tpu.memory_space<vmem>>[vector<16xi32>, vector<16xi32>], vector<16xf32>,
      tpu.vector_store_idx %arg9[%add3A_515, %add3A_100], %gather3A_521 : memref<56x224xf32, #tpu.memory_space<vmem>>[vector<16xi32>, vector<16xi32>], vector<16xf32>,
      %gather3A_522 = tpu.vector_load_idx %arg7[%add3A_515, %add3A_47] : memref<56x512xf32, #tpu.memory_space<vmem>>[vector<16xi32>, vector<16xi32>], vector<16xf32>,
      tpu.vector_store_idx %arg9[%add3A_515, %add3A_103], %gather3A_522 : memref<56x224xf32, #tpu.memory_space<vmem>>[vector<16xi32>, vector<16xi32>], vector<16xf32>,
      %gather3A_523 = tpu.vector_load_idx %arg7[%add3A_515, %add3A_52] : memref<56x512xf32, #tpu.memory_space<vmem>>[vector<16xi32>, vector<16xi32>], vector<16xf32>,
      tpu.vector_store_idx %arg9[%add3A_515, %add3A_106], %gather3A_523 : memref<56x224xf32, #tpu.memory_space<vmem>>[vector<16xi32>, vector<16xi32>], vector<16xf32>,
      %gather3A_524 = tpu.vector_load_idx %arg7[%add3A_515, %add3A_57] : memref<56x512xf32, #tpu.memory_space<vmem>>[vector<16xi32>, vector<16xi32>], vector<16xf32>,
      tpu.vector_store_idx %arg9[%add3A_515, %add3A_109], %gather3A_524 : memref<56x224xf32, #tpu.memory_space<vmem>>[vector<16xi32>, vector<16xi32>], vector<16xf32>,
      %gather3A_525 = tpu.vector_load_idx %arg7[%add3A_515, %add3A_62] : memref<56x512xf32, #tpu.memory_space<vmem>>[vector<16xi32>, vector<16xi32>], vector<16xf32>,
      tpu.vector_store_idx %arg9[%add3A_515, %add3A_112], %gather3A_525 : memref<56x224xf32, #tpu.memory_space<vmem>>[vector<16xi32>, vector<16xi32>], vector<16xf32>,
      %gather3A_526 = tpu.vector_load_idx %arg7[%add3A_515, %add3A_67] : memref<56x512xf32, #tpu.memory_space<vmem>>[vector<16xi32>, vector<16xi32>], vector<16xf32>,
      tpu.vector_store_idx %arg9[%add3A_515, %add3A_115], %gather3A_526 : memref<56x224xf32, #tpu.memory_space<vmem>>[vector<16xi32>, vector<16xi32>], vector<16xf32>,
      %gather3A_527 = tpu.vector_load_idx %arg7[%add3A_515, %add3A_72] : memref<56x512xf32, #tpu.memory_space<vmem>>[vector<16xi32>, vector<16xi32>], vector<16xf32>,
      tpu.vector_store_idx %arg9[%add3A_515, %add3A_118], %gather3A_527 : memref<56x224xf32, #tpu.memory_space<vmem>>[vector<16xi32>, vector<16xi32>], vector<16xf32>,
      %gather3A_528 = tpu.vector_load_idx %arg7[%add3A_515, %add3A_77] : memref<56x512xf32, #tpu.memory_space<vmem>>[vector<16xi32>, vector<16xi32>], vector<16xf32>,
      tpu.vector_store_idx %arg9[%add3A_515, %add3A_121], %gather3A_528 : memref<56x224xf32, #tpu.memory_space<vmem>>[vector<16xi32>, vector<16xi32>], vector<16xf32>,
      %gather3A_529 = tpu.vector_load_idx %arg7[%add3A_515, %add3A_82] : memref<56x512xf32, #tpu.memory_space<vmem>>[vector<16xi32>, vector<16xi32>], vector<16xf32>,
      tpu.vector_store_idx %arg9[%add3A_515, %add3A_124], %gather3A_529 : memref<56x224xf32, #tpu.memory_space<vmem>>[vector<16xi32>, vector<16xi32>], vector<16xf32>,
      %add3A_530 = arith.constant 1 : i32
      %add3A_531 = vector.broadcast %add3A_530 : i32 to vector<16xi32>
      %add3A_532 = arith.addi %add3A_515, %add3A_531 : vector<16xi32>
      %gather3A_533 = tpu.vector_load_idx %arg7[%add3A_532, %add3A_17] : memref<56x512xf32, #tpu.memory_space<vmem>>[vector<16xi32>, vector<16xi32>], vector<16xf32>,
      tpu.vector_store_idx %arg9[%add3A_532, %add3A_85], %gather3A_533 : memref<56x224xf32, #tpu.memory_space<vmem>>[vector<16xi32>, vector<16xi32>], vector<16xf32>,
      %gather3A_534 = tpu.vector_load_idx %arg7[%add3A_532, %add3A_22] : memref<56x512xf32, #tpu.memory_space<vmem>>[vector<16xi32>, vector<16xi32>], vector<16xf32>,
      tpu.vector_store_idx %arg9[%add3A_532, %add3A_88], %gather3A_534 : memref<56x224xf32, #tpu.memory_space<vmem>>[vector<16xi32>, vector<16xi32>], vector<16xf32>,
      %gather3A_535 = tpu.vector_load_idx %arg7[%add3A_532, %add3A_27] : memref<56x512xf32, #tpu.memory_space<vmem>>[vector<16xi32>, vector<16xi32>], vector<16xf32>,
      tpu.vector_store_idx %arg9[%add3A_532, %add3A_91], %gather3A_535 : memref<56x224xf32, #tpu.memory_space<vmem>>[vector<16xi32>, vector<16xi32>], vector<16xf32>,
      %gather3A_536 = tpu.vector_load_idx %arg7[%add3A_532, %add3A_32] : memref<56x512xf32, #tpu.memory_space<vmem>>[vector<16xi32>, vector<16xi32>], vector<16xf32>,
      tpu.vector_store_idx %arg9[%add3A_532, %add3A_94], %gather3A_536 : memref<56x224xf32, #tpu.memory_space<vmem>>[vector<16xi32>, vector<16xi32>], vector<16xf32>,
      %gather3A_537 = tpu.vector_load_idx %arg7[%add3A_532, %add3A_37] : memref<56x512xf32, #tpu.memory_space<vmem>>[vector<16xi32>, vector<16xi32>], vector<16xf32>,
      tpu.vector_store_idx %arg9[%add3A_532, %add3A_97], %gather3A_537 : memref<56x224xf32, #tpu.memory_space<vmem>>[vector<16xi32>, vector<16xi32>], vector<16xf32>,
      %gather3A_538 = tpu.vector_load_idx %arg7[%add3A_532, %add3A_42] : memref<56x512xf32, #tpu.memory_space<vmem>>[vector<16xi32>, vector<16xi32>], vector<16xf32>,
      tpu.vector_store_idx %arg9[%add3A_532, %add3A_100], %gather3A_538 : memref<56x224xf32, #tpu.memory_space<vmem>>[vector<16xi32>, vector<16xi32>], vector<16xf32>,
      %gather3A_539 = tpu.vector_load_idx %arg7[%add3A_532, %add3A_47] : memref<56x512xf32, #tpu.memory_space<vmem>>[vector<16xi32>, vector<16xi32>], vector<16xf32>,
      tpu.vector_store_idx %arg9[%add3A_532, %add3A_103], %gather3A_539 : memref<56x224xf32, #tpu.memory_space<vmem>>[vector<16xi32>, vector<16xi32>], vector<16xf32>,
      %gather3A_540 = tpu.vector_load_idx %arg7[%add3A_532, %add3A_52] : memref<56x512xf32, #tpu.memory_space<vmem>>[vector<16xi32>, vector<16xi32>], vector<16xf32>,
      tpu.vector_store_idx %arg9[%add3A_532, %add3A_106], %gather3A_540 : memref<56x224xf32, #tpu.memory_space<vmem>>[vector<16xi32>, vector<16xi32>], vector<16xf32>,
      %gather3A_541 = tpu.vector_load_idx %arg7[%add3A_532, %add3A_57] : memref<56x512xf32, #tpu.memory_space<vmem>>[vector<16xi32>, vector<16xi32>], vector<16xf32>,
      tpu.vector_store_idx %arg9[%add3A_532, %add3A_109], %gather3A_541 : memref<56x224xf32, #tpu.memory_space<vmem>>[vector<16xi32>, vector<16xi32>], vector<16xf32>,
      %gather3A_542 = tpu.vector_load_idx %arg7[%add3A_532, %add3A_62] : memref<56x512xf32, #tpu.memory_space<vmem>>[vector<16xi32>, vector<16xi32>], vector<16xf32>,
      tpu.vector_store_idx %arg9[%add3A_532, %add3A_112], %gather3A_542 : memref<56x224xf32, #tpu.memory_space<vmem>>[vector<16xi32>, vector<16xi32>], vector<16xf32>,
      %gather3A_543 = tpu.vector_load_idx %arg7[%add3A_532, %add3A_67] : memref<56x512xf32, #tpu.memory_space<vmem>>[vector<16xi32>, vector<16xi32>], vector<16xf32>,
      tpu.vector_store_idx %arg9[%add3A_532, %add3A_115], %gather3A_543 : memref<56x224xf32, #tpu.memory_space<vmem>>[vector<16xi32>, vector<16xi32>], vector<16xf32>,
      %gather3A_544 = tpu.vector_load_idx %arg7[%add3A_532, %add3A_72] : memref<56x512xf32, #tpu.memory_space<vmem>>[vector<16xi32>, vector<16xi32>], vector<16xf32>,
      tpu.vector_store_idx %arg9[%add3A_532, %add3A_118], %gather3A_544 : memref<56x224xf32, #tpu.memory_space<vmem>>[vector<16xi32>, vector<16xi32>], vector<16xf32>,
      %gather3A_545 = tpu.vector_load_idx %arg7[%add3A_532, %add3A_77] : memref<56x512xf32, #tpu.memory_space<vmem>>[vector<16xi32>, vector<16xi32>], vector<16xf32>,
      tpu.vector_store_idx %arg9[%add3A_532, %add3A_121], %gather3A_545 : memref<56x224xf32, #tpu.memory_space<vmem>>[vector<16xi32>, vector<16xi32>], vector<16xf32>,
      %gather3A_546 = tpu.vector_load_idx %arg7[%add3A_532, %add3A_82] : memref<56x512xf32, #tpu.memory_space<vmem>>[vector<16xi32>, vector<16xi32>], vector<16xf32>,
      tpu.vector_store_idx %arg9[%add3A_532, %add3A_124], %gather3A_546 : memref<56x224xf32, #tpu.memory_space<vmem>>[vector<16xi32>, vector<16xi32>], vector<16xf32>,
      %add3A_547 = arith.constant 1 : i32
      %add3A_548 = vector.broadcast %add3A_547 : i32 to vector<16xi32>
      %add3A_549 = arith.addi %add3A_532, %add3A_548 : vector<16xi32>
      %gather3A_550 = tpu.vector_load_idx %arg7[%add3A_549, %add3A_17] : memref<56x512xf32, #tpu.memory_space<vmem>>[vector<16xi32>, vector<16xi32>], vector<16xf32>,
      tpu.vector_store_idx %arg9[%add3A_549, %add3A_85], %gather3A_550 : memref<56x224xf32, #tpu.memory_space<vmem>>[vector<16xi32>, vector<16xi32>], vector<16xf32>,
      %gather3A_551 = tpu.vector_load_idx %arg7[%add3A_549, %add3A_22] : memref<56x512xf32, #tpu.memory_space<vmem>>[vector<16xi32>, vector<16xi32>], vector<16xf32>,
      tpu.vector_store_idx %arg9[%add3A_549, %add3A_88], %gather3A_551 : memref<56x224xf32, #tpu.memory_space<vmem>>[vector<16xi32>, vector<16xi32>], vector<16xf32>,
      %gather3A_552 = tpu.vector_load_idx %arg7[%add3A_549, %add3A_27] : memref<56x512xf32, #tpu.memory_space<vmem>>[vector<16xi32>, vector<16xi32>], vector<16xf32>,
      tpu.vector_store_idx %arg9[%add3A_549, %add3A_91], %gather3A_552 : memref<56x224xf32, #tpu.memory_space<vmem>>[vector<16xi32>, vector<16xi32>], vector<16xf32>,
      %gather3A_553 = tpu.vector_load_idx %arg7[%add3A_549, %add3A_32] : memref<56x512xf32, #tpu.memory_space<vmem>>[vector<16xi32>, vector<16xi32>], vector<16xf32>,
      tpu.vector_store_idx %arg9[%add3A_549, %add3A_94], %gather3A_553 : memref<56x224xf32, #tpu.memory_space<vmem>>[vector<16xi32>, vector<16xi32>], vector<16xf32>,
      %gather3A_554 = tpu.vector_load_idx %arg7[%add3A_549, %add3A_37] : memref<56x512xf32, #tpu.memory_space<vmem>>[vector<16xi32>, vector<16xi32>], vector<16xf32>,
      tpu.vector_store_idx %arg9[%add3A_549, %add3A_97], %gather3A_554 : memref<56x224xf32, #tpu.memory_space<vmem>>[vector<16xi32>, vector<16xi32>], vector<16xf32>,
      %gather3A_555 = tpu.vector_load_idx %arg7[%add3A_549, %add3A_42] : memref<56x512xf32, #tpu.memory_space<vmem>>[vector<16xi32>, vector<16xi32>], vector<16xf32>,
      tpu.vector_store_idx %arg9[%add3A_549, %add3A_100], %gather3A_555 : memref<56x224xf32, #tpu.memory_space<vmem>>[vector<16xi32>, vector<16xi32>], vector<16xf32>,
      %gather3A_556 = tpu.vector_load_idx %arg7[%add3A_549, %add3A_47] : memref<56x512xf32, #tpu.memory_space<vmem>>[vector<16xi32>, vector<16xi32>], vector<16xf32>,
      tpu.vector_store_idx %arg9[%add3A_549, %add3A_103], %gather3A_556 : memref<56x224xf32, #tpu.memory_space<vmem>>[vector<16xi32>, vector<16xi32>], vector<16xf32>,
      %gather3A_557 = tpu.vector_load_idx %arg7[%add3A_549, %add3A_52] : memref<56x512xf32, #tpu.memory_space<vmem>>[vector<16xi32>, vector<16xi32>], vector<16xf32>,
      tpu.vector_store_idx %arg9[%add3A_549, %add3A_106], %gather3A_557 : memref<56x224xf32, #tpu.memory_space<vmem>>[vector<16xi32>, vector<16xi32>], vector<16xf32>,
      %gather3A_558 = tpu.vector_load_idx %arg7[%add3A_549, %add3A_57] : memref<56x512xf32, #tpu.memory_space<vmem>>[vector<16xi32>, vector<16xi32>], vector<16xf32>,
      tpu.vector_store_idx %arg9[%add3A_549, %add3A_109], %gather3A_558 : memref<56x224xf32, #tpu.memory_space<vmem>>[vector<16xi32>, vector<16xi32>], vector<16xf32>,
      %gather3A_559 = tpu.vector_load_idx %arg7[%add3A_549, %add3A_62] : memref<56x512xf32, #tpu.memory_space<vmem>>[vector<16xi32>, vector<16xi32>], vector<16xf32>,
      tpu.vector_store_idx %arg9[%add3A_549, %add3A_112], %gather3A_559 : memref<56x224xf32, #tpu.memory_space<vmem>>[vector<16xi32>, vector<16xi32>], vector<16xf32>,
      %gather3A_560 = tpu.vector_load_idx %arg7[%add3A_549, %add3A_67] : memref<56x512xf32, #tpu.memory_space<vmem>>[vector<16xi32>, vector<16xi32>], vector<16xf32>,
      tpu.vector_store_idx %arg9[%add3A_549, %add3A_115], %gather3A_560 : memref<56x224xf32, #tpu.memory_space<vmem>>[vector<16xi32>, vector<16xi32>], vector<16xf32>,
      %gather3A_561 = tpu.vector_load_idx %arg7[%add3A_549, %add3A_72] : memref<56x512xf32, #tpu.memory_space<vmem>>[vector<16xi32>, vector<16xi32>], vector<16xf32>,
      tpu.vector_store_idx %arg9[%add3A_549, %add3A_118], %gather3A_561 : memref<56x224xf32, #tpu.memory_space<vmem>>[vector<16xi32>, vector<16xi32>], vector<16xf32>,
      %gather3A_562 = tpu.vector_load_idx %arg7[%add3A_549, %add3A_77] : memref<56x512xf32, #tpu.memory_space<vmem>>[vector<16xi32>, vector<16xi32>], vector<16xf32>,
      tpu.vector_store_idx %arg9[%add3A_549, %add3A_121], %gather3A_562 : memref<56x224xf32, #tpu.memory_space<vmem>>[vector<16xi32>, vector<16xi32>], vector<16xf32>,
      %gather3A_563 = tpu.vector_load_idx %arg7[%add3A_549, %add3A_82] : memref<56x512xf32, #tpu.memory_space<vmem>>[vector<16xi32>, vector<16xi32>], vector<16xf32>,
      tpu.vector_store_idx %arg9[%add3A_549, %add3A_124], %gather3A_563 : memref<56x224xf32, #tpu.memory_space<vmem>>[vector<16xi32>, vector<16xi32>], vector<16xf32>,
      %add3A_564 = arith.constant 1 : i32
      %add3A_565 = vector.broadcast %add3A_564 : i32 to vector<16xi32>
      %add3A_566 = arith.addi %add3A_549, %add3A_565 : vector<16xi32>
      scf.yield %add3A_566 : vector<16xi32>
    }
    %scan3A_417 = arith.constant 7 : i32
    %dma_start3A_418 = arith.constant 0 : i32
    %dma_start3A_419 = tpu.memref_slice %arg5[%add3A_354, %dma_start3A_418] : memref<5376x224xf32, #tpu.memory_space<hbm>> -> memref<56x224xf32, #tpu.memory_space<hbm>>
    %dma_start3A_420 = arith.constant 0 : i32
    %dma_start3A_421 = tpu.memref_slice %arg5[%add3A_354, %dma_start3A_420] : memref<5376x224xf32, #tpu.memory_space<hbm>> -> memref<56x224xf32, #tpu.memory_space<hbm>>
    tpu.enqueue_dma source(%arg9 : memref<56x224xf32, #tpu.memory_space<vmem>>) target(%dma_start3A_421 : memref<56x224xf32, #tpu.memory_space<hbm>>) target_semaphore(%arg13 : memref<!tpu.dma_semaphore, #tpu.memory_space<semaphore_mem>>)
    %dma_wait3A_422 = arith.constant 0 : i32
    %dma_wait3A_423 = tpu.memref_slice %arg5[%add3A_354, %dma_wait3A_422] : memref<5376x224xf32, #tpu.memory_space<hbm>> -> memref<56x224xf32, #tpu.memory_space<hbm>>
    %dma_wait3A_424 = arith.constant 0 : i32
    %dma_wait3A_425 = tpu.memref_slice %arg5[%add3A_354, %dma_wait3A_424] : memref<5376x224xf32, #tpu.memory_space<hbm>> -> memref<56x224xf32, #tpu.memory_space<hbm>>
    tpu.wait_dma2 semaphore(%arg13 : memref<!tpu.dma_semaphore, #tpu.memory_space<semaphore_mem>>) src(%arg9 : memref<56x224xf32, #tpu.memory_space<vmem>>) dst(%dma_wait3A_425 : memref<56x224xf32, #tpu.memory_space<hbm>>)
    %dma_wait3A_426 = arith.constant 0 : i32
    %dma_wait3A_427 = tpu.memref_slice %arg5[%add3A_275, %dma_wait3A_426] : memref<5376x224xf32, #tpu.memory_space<hbm>> -> memref<56x224xf32, #tpu.memory_space<hbm>>
    %dma_wait3A_428 = arith.constant 0 : i32
    %dma_wait3A_429 = tpu.memref_slice %arg5[%add3A_275, %dma_wait3A_428] : memref<5376x224xf32, #tpu.memory_space<hbm>> -> memref<56x224xf32, #tpu.memory_space<hbm>>
    tpu.wait_dma2 semaphore(%arg13 : memref<!tpu.dma_semaphore, #tpu.memory_space<semaphore_mem>>) src(%arg10 : memref<56x224xf32, #tpu.memory_space<vmem>>) dst(%dma_wait3A_429 : memref<56x224xf32, #tpu.memory_space<hbm>>)
    return
  }
}

module attributes {stable_mosaic.version = 14 : i64} {
  func.func @_tc_crop_kernel(%arg0: i32, %arg1: memref<24xi32, #tpu.memory_space<smem>>, %arg2: memref<24xi32, #tpu.memory_space<smem>>, %arg3: memref<3x64x8x512xf32, #tpu.memory_space<vmem>>, %arg4: memref<1x3x224x224xf32, #tpu.memory_space<vmem>>) attributes {dimension_semantics = [#tpu.dimension_semantics<arbitrary>], iteration_bounds = array<i64: 24>, scalar_prefetch = 0 : i64, scratch_operands = 0 : i64, tpu.core_type = #tpu.core_type<tc>, window_params = [{transform_indices = @transform_0, window_bounds = array<i64: 24>}, {transform_indices = @transform_1, window_bounds = array<i64: 24>}, {pipeline_mode = #tpu.pipeline_mode<synchronous>, transform_indices = @transform_2, window_bounds = array<i64: 3, 64, 8, 512>}, {transform_indices = @transform_3, window_bounds = array<i64: 1, 3, 224, 224>}]} {
    %get3A = arith.index_cast %arg0 : i32 to index
    %get3A_0 = memref.load %arg1[%get3A] : memref<24xi32, #tpu.memory_space<smem>>
    %get3A_1 = arith.index_cast %arg0 : i32 to index
    %get3A_2 = memref.load %arg2[%get3A_1] : memref<24xi32, #tpu.memory_space<smem>>
    %jit3A = arith.constant 8 : i32
    %div3A = arith.divsi %get3A_0, %jit3A : i32
    %sign3A = arith.constant 0 : i32
    %sign3A_3 = arith.cmpi sgt, %get3A_0, %sign3A : i32
    %sign3A_4 = arith.extui %sign3A_3 : i1 to i32
    %sign3A_5 = arith.constant 0 : i32
    %sign3A_6 = arith.cmpi slt, %get3A_0, %sign3A_5 : i32
    %sign3A_7 = arith.extui %sign3A_6 : i1 to i32
    %sign3A_8 = arith.subi %sign3A_4, %sign3A_7 : i32
    %sign3A_9 = arith.constant 0 : i32
    %sign3A_10 = arith.cmpi sgt, %jit3A, %sign3A_9 : i32
    %sign3A_11 = arith.extui %sign3A_10 : i1 to i32
    %sign3A_12 = arith.constant 0 : i32
    %sign3A_13 = arith.cmpi slt, %jit3A, %sign3A_12 : i32
    %sign3A_14 = arith.extui %sign3A_13 : i1 to i32
    %sign3A_15 = arith.subi %sign3A_11, %sign3A_14 : i32
    %ne3A = arith.cmpi ne, %sign3A_8, %sign3A_15 : i32
    %rem3A = arith.remsi %get3A_0, %jit3A : i32
    %ne3A_16 = arith.constant 0 : i32
    %ne3A_17 = arith.cmpi ne, %rem3A, %ne3A_16 : i32
    %and3A = arith.andi %ne3A, %ne3A_17 : i1
    %sub3A = arith.constant 1 : i32
    %sub3A_18 = arith.subi %div3A, %sub3A : i32
    %select_n3A = arith.select %and3A, %sub3A_18, %div3A : i32
    %mul3A = arith.constant 8 : i32
    %mul3A_19 = arith.muli %select_n3A, %mul3A : i32
    %sub3A_20 = arith.subi %get3A_0, %mul3A_19 : i32
    %get3A_21 = arith.constant 0 : index
    %get3A_22 = arith.index_cast %select_n3A : i32 to index
    %get3A_23 = arith.constant 0 : index
    %get3A_24 = arith.constant 0 : index
    %get3A_25 = vector.load %arg3[%get3A_21, %get3A_22, %get3A_23, %get3A_24] : memref<3x64x8x512xf32, #tpu.memory_space<vmem>>, vector<3x29x8x512xf32>
    %reshape3A = vector.shape_cast %get3A_25 : vector<3x29x8x512xf32> to vector<3x232x512xf32>
    %neg3A = arith.constant 0 : i32
    %neg3A_26 = arith.subi %neg3A, %get3A_2 : i32
    %roll3A = tpu.dynamic_rotate %reshape3A by %neg3A_26 dim 2 : vector<3x232x512xf32>, i32 -> vector<3x232x512xf32>
    %slice3A = vector.extract_strided_slice %roll3A {offsets = [0, 0, 0], sizes = [3, 232, 224], strides = [1, 1, 1]} : vector<3x232x512xf32> to vector<3x232x224xf32>
    %clamp3A = arith.constant 0 : i32
    %clamp3A_27 = arith.constant 7 : i32
    %clamp3A_28 = arith.maxsi %sub3A_20, %clamp3A : i32
    %clamp3A_29 = arith.minsi %clamp3A_28, %clamp3A_27 : i32
    %cond3A = arith.constant 0 : i32
    %cond3A_30 = arith.cmpi ne, %clamp3A_29, %cond3A : i32
    %cond3A_31 = scf.if %cond3A_30 -> (vector<3x224x224xf32>) {
      %cond3A_38 = arith.constant 1 : i32
      %cond3A_39 = arith.subi %clamp3A_29, %cond3A_38 : i32
      %cond3A_40 = arith.constant 0 : i32
      %cond3A_41 = arith.cmpi ne, %cond3A_39, %cond3A_40 : i32
      %cond3A_42 = scf.if %cond3A_41 -> (vector<3x224x224xf32>) {
        %cond3A_43 = arith.constant 1 : i32
        %cond3A_44 = arith.subi %cond3A_39, %cond3A_43 : i32
        %cond3A_45 = arith.constant 0 : i32
        %cond3A_46 = arith.cmpi ne, %cond3A_44, %cond3A_45 : i32
        %cond3A_47 = scf.if %cond3A_46 -> (vector<3x224x224xf32>) {
          %cond3A_48 = arith.constant 1 : i32
          %cond3A_49 = arith.subi %cond3A_44, %cond3A_48 : i32
          %cond3A_50 = arith.constant 0 : i32
          %cond3A_51 = arith.cmpi ne, %cond3A_49, %cond3A_50 : i32
          %cond3A_52 = scf.if %cond3A_51 -> (vector<3x224x224xf32>) {
            %cond3A_53 = arith.constant 1 : i32
            %cond3A_54 = arith.subi %cond3A_49, %cond3A_53 : i32
            %cond3A_55 = arith.constant 0 : i32
            %cond3A_56 = arith.cmpi ne, %cond3A_54, %cond3A_55 : i32
            %cond3A_57 = scf.if %cond3A_56 -> (vector<3x224x224xf32>) {
              %cond3A_58 = arith.constant 1 : i32
              %cond3A_59 = arith.subi %cond3A_54, %cond3A_58 : i32
              %cond3A_60 = arith.constant 0 : i32
              %cond3A_61 = arith.cmpi ne, %cond3A_59, %cond3A_60 : i32
              %cond3A_62 = scf.if %cond3A_61 -> (vector<3x224x224xf32>) {
                %cond3A_63 = arith.constant 1 : i32
                %cond3A_64 = arith.subi %cond3A_59, %cond3A_63 : i32
                %cond3A_65 = arith.constant 0 : i32
                %cond3A_66 = arith.cmpi ne, %cond3A_64, %cond3A_65 : i32
                %cond3A_67 = scf.if %cond3A_66 -> (vector<3x224x224xf32>) {
                  %slice3A_68 = vector.extract_strided_slice %slice3A {offsets = [0, 7, 0], sizes = [3, 224, 224], strides = [1, 1, 1]} : vector<3x232x224xf32> to vector<3x224x224xf32>
                  scf.yield %slice3A_68 : vector<3x224x224xf32>
                } else {
                  %slice3A_68 = vector.extract_strided_slice %slice3A {offsets = [0, 6, 0], sizes = [3, 224, 224], strides = [1, 1, 1]} : vector<3x232x224xf32> to vector<3x224x224xf32>
                  scf.yield %slice3A_68 : vector<3x224x224xf32>
                }
                scf.yield %cond3A_67 : vector<3x224x224xf32>
              } else {
                %slice3A_63 = vector.extract_strided_slice %slice3A {offsets = [0, 5, 0], sizes = [3, 224, 224], strides = [1, 1, 1]} : vector<3x232x224xf32> to vector<3x224x224xf32>
                scf.yield %slice3A_63 : vector<3x224x224xf32>
              }
              scf.yield %cond3A_62 : vector<3x224x224xf32>
            } else {
              %slice3A_58 = vector.extract_strided_slice %slice3A {offsets = [0, 4, 0], sizes = [3, 224, 224], strides = [1, 1, 1]} : vector<3x232x224xf32> to vector<3x224x224xf32>
              scf.yield %slice3A_58 : vector<3x224x224xf32>
            }
            scf.yield %cond3A_57 : vector<3x224x224xf32>
          } else {
            %slice3A_53 = vector.extract_strided_slice %slice3A {offsets = [0, 3, 0], sizes = [3, 224, 224], strides = [1, 1, 1]} : vector<3x232x224xf32> to vector<3x224x224xf32>
            scf.yield %slice3A_53 : vector<3x224x224xf32>
          }
          scf.yield %cond3A_52 : vector<3x224x224xf32>
        } else {
          %slice3A_48 = vector.extract_strided_slice %slice3A {offsets = [0, 2, 0], sizes = [3, 224, 224], strides = [1, 1, 1]} : vector<3x232x224xf32> to vector<3x224x224xf32>
          scf.yield %slice3A_48 : vector<3x224x224xf32>
        }
        scf.yield %cond3A_47 : vector<3x224x224xf32>
      } else {
        %slice3A_43 = vector.extract_strided_slice %slice3A {offsets = [0, 1, 0], sizes = [3, 224, 224], strides = [1, 1, 1]} : vector<3x232x224xf32> to vector<3x224x224xf32>
        scf.yield %slice3A_43 : vector<3x224x224xf32>
      }
      scf.yield %cond3A_42 : vector<3x224x224xf32>
    } else {
      %slice3A_38 = vector.extract_strided_slice %slice3A {offsets = [0, 0, 0], sizes = [3, 224, 224], strides = [1, 1, 1]} : vector<3x232x224xf32> to vector<3x224x224xf32>
      scf.yield %slice3A_38 : vector<3x224x224xf32>
    }
    %swap3A = arith.constant 0 : index
    %swap3A_32 = arith.constant 0 : index
    %swap3A_33 = arith.constant 0 : index
    %swap3A_34 = arith.constant 0 : index
    %swap3A_35 = vector.load %arg4[%swap3A, %swap3A_32, %swap3A_33, %swap3A_34] : memref<1x3x224x224xf32, #tpu.memory_space<vmem>>, vector<1x3x224x224xf32>
    %swap3A_36 = vector.shape_cast %swap3A_35 : vector<1x3x224x224xf32> to vector<3x224x224xf32>
    %swap3A_37 = vector.shape_cast %cond3A_31 : vector<3x224x224xf32> to vector<1x3x224x224xf32>
    tpu.vector_store %arg4[%swap3A, %swap3A_32, %swap3A_33, %swap3A_34], %swap3A_37 {strides = array<i32>} : memref<1x3x224x224xf32, #tpu.memory_space<vmem>>, vector<1x3x224x224xf32>,
    return
  }
  func.func @transform_0(%arg0: i32) -> i32 {
    %c0_i32 = arith.constant 0 : i32
    %c0_i32_0 = arith.constant 0 : i32
    return %c0_i32 : i32
  }
  func.func @transform_1(%arg0: i32) -> i32 {
    %c0_i32 = arith.constant 0 : i32
    %c0_i32_0 = arith.constant 0 : i32
    return %c0_i32 : i32
  }
  func.func @transform_2(%arg0: i32) -> (i32, i32, i32, i32) {
    %c0_i32 = arith.constant 0 : i32
    %c0_i32_0 = arith.constant 0 : i32
    %c0_i32_1 = arith.constant 0 : i32
    %c0_i32_2 = arith.constant 0 : i32
    %c0_i32_3 = arith.constant 0 : i32
    return %c0_i32, %c0_i32_0, %c0_i32_1, %c0_i32_2 : i32, i32, i32, i32
  }
  func.func @transform_3(%arg0: i32) -> (i32, i32, i32, i32) {
    %c0_i32 = arith.constant 0 : i32
    %c0_i32_0 = arith.constant 0 : i32
    %c0_i32_1 = arith.constant 0 : i32
    %c0_i32_2 = arith.constant 0 : i32
    return %arg0, %c0_i32, %c0_i32_0, %c0_i32_1 : i32, i32, i32, i32
  }
}

</mosaic_0001>

<sc_bundles>
// kernel: kernel.4.cloned.1.call-start
scs
__scs_entry_jumppad:
0x0: {  	(pc) =	sbr.rel $0x88, $3  }
0x1: {  	(tag) =	ssettag $0x0;
	lr =	simm.s32 $0x1  }
0x2: {  	[smem:$0x3F9F] =	sst lr;
	_ =	strace $0xD0000000  }
0x3: {  	_ = 	snop  }
0x4: {  	_ = 	snop  }
0x5: {  	_ = 	snop  }
0x6: {  	_ = 	snop  }
0x7: {  	_ = 	snop  }
__scs_overlays_trampoline_lowered:
0x8: {  	[smem:$0x3FAE] =	sst s0  }
0x9: {  	[smem:$0x3FAF] =	sst s1  }
0xa: {  	[smem:$0x3FB0] =	sst s2  }
0xb: {  	[smem:$0x3FB1] =	sst s3  }
0xc: {  	[smem:$0x3FB2] =	sst s4  }
0xd: {  	[smem:$0x3FB3] =	sst s5  }
0xe: {  	[smem:$0x3FB4] =	sst s6  }
0xf: {  	[smem:$0x3FB5] =	sst s7  }
0x10: {  	[smem:$0x3FB6] =	sst s8  }
0x11: {  	[smem:$0x3FB7] =	sst s9;
	s0 =	simm.s32 @!p0 $0x0  }
0x12: {  	s1 =	sld [smem:$0x3F9D];
	s0 =	simm.s32 @p0 $0x1  }
0x13: {  	[smem:$0x3FB8] =	sst s0;
	s0 =	simm.s32 @!p1 $0x0  }
0x14: {  	s2 =	sld [smem:$0x3F9C];
	s0 =	simm.s32 @p1 $0x1  }
0x15: {  	[smem:$0x3FB9] =	sst s0;
	s0 =	simm.s32 @!p2 $0x0  }
0x16: {  	s3 =	sld [smem:$0x3FDB];
	s0 =	simm.s32 @p2 $0x1  }
0x17: {  	s4 =	simm.s32 $0x1BF5;
	[smem:$0x3FBB] =	sst s0  }
0x18: {  	s0 =	sld [smem:$0x3F9E];
	_ =	swait.ge [sflag:s4], $0x0  }
0x19: {  	s7 =	sld [smem:$0x3F9F]  }
0x1a: {  	s8 =	sadd.s32 $0xFFFFE003, lr  }
0x1b: {  	s9 =	sadd.s32 $0xFFFFFEF7, lr;
	s5 =	simm.s32 $0xFFFFFFFF;
	p2 =	slt.u32 s8, $0xFFFFF086  }
0x1c: {  	p1 =	slt.u32 s9, $0xF7A;
	s5 =	simm.s32 @!p2 $0x0  }
0x1d: {  	s5 =	simm.s32 @p1 $0x1;
	p0 =	seq.s32 s7, s2  }
0x1e: {  	s7 =	smul.u32 @!p0 $0xF7A, s2;
	p2 =	seq.s32 @!p0 s5, $0x0  }
0x1f: {  	s9 =	smul.u32 $0xF7A, s1;
	s8 =	simm.s32 @!p0 $0x1BF5;
	p2 =	por !p2, p0  }
0x20: {  	[sflag:s8] =	ssyncset.s32 @!p0 $0xFFFFF086;
	s6 =	sadd.s32 @!p0 s3, s7;
	s7 =	simm.s32 @!p0 $0x108  }
0x21: {  	s3 =	sadd.s32 s3, s9;
	s6 =	sadd.s32 @!p0 $0x88, s6;
	s7 =	simm.s32 @p2 $0x1082  }
0x22: {  	[simem:s7], [sflag:s8] =	dma.local @!p0 [hbm:s6], $0xF7A  }
0x23: {  	s9 =	sor.u32 $0xD0000000, s2;
	s6 =	simm.s32 $0x108;
	_ =	swait.ge @!p0 [sflag:s8], $0x0  }
0x24: {  	s3 =	sadd.s32 $0x88, s3;
	s6 =	simm.s32 @!p1 $0x1082;
	[sflag:s4] =	ssyncset.s32 $0xFFFFF086  }
0x25: {  	[simem:s6], [sflag:s4] =	dma.local [hbm:s3], $0xF7A  }
0x26: {  	[smem:$0x3F9F] =	sst s1;
	(tag) =	ssettag s2;
	_ =	strace s9  }
0x27: {  	s1 =	sld [smem:$0x3FAF]  }
0x28: {  	s2 =	sld [smem:$0x3FB0]  }
0x29: {  	s4 =	sld [smem:$0x3FB2]  }
0x2a: {  	p0 =	seq.s32 s5, $0x0;
	s5 =	sld [smem:$0x3FB3]  }
0x2b: {  	s6 =	sld [smem:$0x3FB4]  }
0x2c: {  	s7 =	sld [smem:$0x3FB5]  }
0x2d: {  	s3 =	simm.s32 $0x108;
	s8 =	sld [smem:$0x3FB6]  }
0x2e: {  	s3 =	simm.s32 @!p0 $0x1082;
	s9 =	sld [smem:$0x3FB7]  }
0x2f: {  	lr =	sadd.s32 s0, s3;
	s0 =	sld [smem:$0x3FAE]  }
0x30: {  	s3 =	sld [smem:$0x3FB1]  }
0x31: {  	[smem:$0x3FBA] =	sst s10  }
0x32: {  	s10 =	sld [smem:$0x3FB8];
	_ =	sdelay $0x3  }
0x33: {  	p0 =	seq.s32 s10, $0x1;
	s10 =	sld [smem:$0x3FBA];
	_ =	sdelay $0x3  }
0x34: {  	[smem:$0x3FBA] =	sst s10  }
0x35: {  	s10 =	sld [smem:$0x3FB9];
	_ =	sdelay $0x3  }
0x36: {  	p1 =	seq.s32 s10, $0x1;
	s10 =	sld [smem:$0x3FBA];
	_ =	sdelay $0x3  }
0x37: {  	[smem:$0x3FBA] =	sst s10  }
0x38: {  	s10 =	sld [smem:$0x3FBB]  }
0x39: {  	_ = 	snop;
	(pc) =	sbr.ind lr, $3  }
0x3a: {  	_ = 	snop  }
0x3b: {  	_ = 	snop  }
0x3c: {  	p2 =	seq.s32 s10, $0x1;
	s10 =	sld [smem:$0x3FBA]  }
0x3d: {  	_ =	shalt  }
0x3e: {  	_ =	shalt  }
0x3f: {  	_ =	shalt  }
0x40: {  	_ =	shalt  }
0x41: {  	_ =	shalt  }
0x42: {  	_ =	shalt  }
0x43: {  	_ =	shalt  }
0x44: {  	_ =	shalt  }
0x45: {  	_ =	shalt  }
0x46: {  	_ =	shalt  }
0x47: {  	_ =	shalt  }
0x48: {  	_ =	shalt  }
0x49: {  	_ =	shalt  }
0x4a: {  	_ =	shalt  }
0x4b: {  	_ =	shalt  }
0x4c: {  	_ =	shalt  }
0x4d: {  	_ =	shalt  }
0x4e: {  	_ =	shalt  }
0x4f: {  	_ =	shalt  }
0x50: {  	_ =	shalt  }
0x51: {  	_ =	shalt  }
0x52: {  	_ =	shalt  }
0x53: {  	_ =	shalt  }
0x54: {  	_ =	shalt  }
0x55: {  	_ =	shalt  }
0x56: {  	_ =	shalt  }
0x57: {  	_ =	shalt  }
0x58: {  	_ =	shalt  }
0x59: {  	_ =	shalt  }
0x5a: {  	_ =	shalt  }
0x5b: {  	_ =	shalt  }
0x5c: {  	_ =	shalt  }
0x5d: {  	_ =	shalt  }
0x5e: {  	_ =	shalt  }
0x5f: {  	_ =	shalt  }
0x60: {  	_ =	shalt  }
0x61: {  	_ =	shalt  }
0x62: {  	_ =	shalt  }
0x63: {  	_ =	shalt  }
0x64: {  	_ =	shalt  }
0x65: {  	_ =	shalt  }
0x66: {  	_ =	shalt  }
0x67: {  	_ =	shalt  }
0x68: {  	_ =	shalt  }
0x69: {  	_ =	shalt  }
0x6a: {  	_ =	shalt  }
0x6b: {  	_ =	shalt  }
0x6c: {  	_ =	shalt  }
0x6d: {  	_ =	shalt  }
0x6e: {  	_ =	shalt  }
0x6f: {  	_ =	shalt  }
0x70: {  	_ =	shalt  }
0x71: {  	_ =	shalt  }
0x72: {  	_ =	shalt  }
0x73: {  	_ =	shalt  }
0x74: {  	_ =	shalt  }
0x75: {  	_ =	shalt  }
0x76: {  	_ =	shalt  }
0x77: {  	_ =	shalt  }
0x78: {  	_ =	shalt  }
0x79: {  	_ =	shalt  }
0x7a: {  	_ =	shalt  }
0x7b: {  	_ =	shalt  }
0x7c: {  	_ =	shalt  }
0x7d: {  	_ =	shalt  }
0x7e: {  	_ =	shalt  }
0x7f: {  	_ =	shalt  }
0x80: {  	_ =	shalt  }
0x81: {  	_ =	shalt  }
0x82: {  	_ =	shalt  }
0x83: {  	_ =	shalt  }
0x84: {  	_ =	shalt  }
0x85: {  	_ =	shalt  }
0x86: {  	_ =	shalt  }
0x87: {  	_ =	shalt  }
.Lfunc_end0:
.L_simem_size_0:
called_computation_lowered:
.L_overlay_start_0:
0x88: {  	s2 =	sld [smem:$0x3FD9]  }
0x89: {  	s3 =	sld [smem:$0x3FFE];
	_ =	sdelay $0x1  }
0x8a: {  	s1 =	srdreg.scid  }
0x8b: {  	s0 =	sand.u32 $0x1, s1  }
0x8c: {  	s17 =	sshll.u32 s0, $0xA;
	s2 =	sadd.s32 s3, s2  }
0x8d: {  	s2 =	sadd.s32 s2, s17  }
0x8e: {  	[smem:$0x3FC6] =	sst s2  }
0x8f: {  	_ = 	snop  }
0x90: {  	s2 =	sld [smem:$0x3FC9]  }
0x91: {  	s18 =	sld [smem:$0x3FD0];
	(tm) =	ssettm $0x1  }
0x92: {  	s4 =	sld [smem:$0x3FFB];
	_ =	sdelay $0x3  }
0x93: {  	_ =	strace s4  }
0x94: {  	s4 =	sld [smem:$0x3FFC];
	_ =	sdelay $0x3  }
0x95: {  	_ =	strace s4  }
0x96: {  	s4 =	sld [smem:$0x3FFD];
	_ =	sdelay $0x3  }
0x97: {  	_ =	strace s4  }
0x98: {  	_ =	strace $0x8FFFFFFF  }
0x99: {  	s19 =	sld [smem:$0x3FDB];
	_ =	sdelay $0x1  }
0x9a: {  	s5 =	simm.s32 $_scs_section_size  }
0x9b: {  	s6 =	simm.s32 $_size__tile_overlayer_lowered;
	s7 =	simm.s32 $_tile_overlayer_lowered  }
0x9c: {  	s22 =	simm.s32 $0x1BFF;
	s21 =	sshll.u32 s7, $0x1;
	s4 =	sadd.s32 s5, s19  }
0x9d: {  	s8 =	simm.s32 $0x0;
	s20 =	sshll.u32 s6, $0x1;
	s6 =	sadd.s32 s21, s4  }
0x9e: {  	[timem:s8], [sflag:s22] =	dma.local [hbm:s6], s20  }
0x9f: {  	_ =	swait.ge [sflag:s22], s20  }
0xa0: {  	s5 =	ssub.s32 $0x0, s20;
	[sflag:s22] =	ssyncset.done $0x0  }
0xa1: {  	[sflag:s22] =	ssyncadd.s32 s5;
	_ =	sdelay $0x1  }
0xa2: {  	s23 =	simm.s32 $0x1B8B  }
0xa3: {  	_ =	swait.ge [sflag:s23], $0x1  }
0xa4: {  	[sflag:s23] =	ssyncset.done $0x0  }
0xa5: {  	s25 =	simm.s32 $0x1B8E;
	s24 =	sld [smem:$0x3FFE];
	[sflag:s23] =	ssyncadd.s32 $0xFFFFFFFF  }
0xa6: {  	s26 =	simm.s32 $execute0_lowered;
	[smem:$0x3FD2] =	sst s25  }
0xa7: {  	s6 =	sshll.u32 s26, $0x1;
	_ =	strace $0x80000046;
	[dreg:$0x1] =	wrdreg $0xFFFFFFFF  }
0xa8: {  	s28 =	simm.s32 $_size_execute0_lowered;
	s4 =	sadd.s32 s4, s6;
	[dreg:$0x0] =	wrdreg $0x0  }
0xa9: {  	s6 =	sshll.u32 s28, $0x1;
	[dreg:$0x2] =	wrdreg s4  }
0xaa: {  	[dreg:$0x3] =	wrdreg s6  }
0xab: {  	[dreg:$0x4] =	wrdreg $0xC0  }
0xac: {  	_ =	task [dreg:s8], $0x5FFFF  }
0xad: {  	[dreg:$0x1] =	wrdreg $0xFFFFFFFF  }
0xae: {  	[dreg:$0x0] =	wrdreg $0x60  }
0xaf: {  	[dreg:$0x2] =	wrdreg s2  }
0xb0: {  	[dreg:$0x3] =	wrdreg s18  }
0xb1: {  	[dreg:$0x4] =	wrdreg s24  }
0xb2: {  	[dreg:$0x5] =	wrdreg $0x9  }
0xb3: {  	_ =	task.clear_ibuf [dreg:s8], $0x6FFFF;
	_ =	strace $0x90000046  }
0xb4: {  	s29 =	simm.s32 $0x9;
	_ =	strace $0x80000048  }
0xb5: {  	_ =	swait.ge [sflag:s29], $0x1  }
0xb6: {  	[sflag:s29] =	ssyncadd.s32 $0xFFFFFFFF  }
0xb7: {  	_ =	strace $0x90000048  }
0xb8: {  	_ =	sfence  }
0xb9: {  	s30 =	sld [smem:$0x0];
	_ =	sdelay $0x2  }
0xba: {  	s31 =	sshll.u32 s1, $0xD;
	s1 =	sshrl.u32 s1, $0x2  }
0xbb: {  	s3 =	sand.u32 $0x4000, s31;
	s1 =	sadd.s32 s1, s30  }
0xbc: {  	s0 =	sor.u32 s3, s0;
	s1 =	sshll.u32 s1, $0x11  }
0xbd: {  	s0 =	sor.u32 s1, s0  }
0xbe: {  	s0 =	sadd.s32 $0x8F2B, s0  }
0xbf: {  	[sflag:s0] =	ssyncadd.remote.s32 $0x1  }
0xc0: {  	_ =	sfence.sel $0xFFFF  }
0xc1: {  	[dreg:$0x0] =	wrdreg $0xFFFFFFFF;
	(pc) =	sbr.abs _section_cstart, $3  }
0xc2: {  	[dreg:$0x1] =	wrdreg $0xFFFFFFFF  }
0xc3: {  	_ =	task.clear_ibuf [dreg:s8], $0x2FFFF;
	_ =	strace $0x9FFFFFFF  }
0xc4: {  	(tm) =	ssettm $0x7FFFFFFF  }
0xc5: {  	_ =	shalt  }
tec
execute0_lowered:
.L_overlay_start_1:
0x0: {  	(tag) =	ssettag $0x1  }
0x1: {  	s0 =	srdreg.scid;
	s2 =	rddreg [dreg:$0x0]  }
0x2: {  	s1 =	stileid.u32;
	s5 =	rddreg [dreg:$0x2]  }
0x3: {  	s4 =	sand.u32 $0x1, s0;
	s20 =	sshll.u32 s1, $0x1;
	s8 =	sshrl.u32 s1, $0x1  }
0x4: {  	s28 =	simm.s32 $0x6900;
	s0 =	sor.u32 s4, s20;
	s3 =	smul.u32 $0xFFFFFFF4, s8  }
0x5: {  	s29 =	simm.s32 $0x7100;
	s30 =	simm.s32 $0x2;
	s7 =	smul.u32 $0x3, s0  }
0x6: {  	s31 =	simm.s32 $0x0;
	s1 =	rddreg [dreg:$0x1];
	s11 =	smul.u32 $0x201, s0  }
0x7: {  	s15 =	sadd.s32 $0x200, s5;
	s8 =	smul.u32 $0x3, s8;
	s4 =	ssub.s32 $0x2, s4  }
0x8: {  	s9 =	sadd.s32 s3, s7;
	s11 =	sadd.s32 $0xAB, s11;
	s21 =	sadd.s32 $0x2, s7  }
0x9: {  	s3 =	simm.s32 $0x0;
	s11 =	sshrl.u32 s11, $0xB;
	s22 =	smul.u32 $0xAB, s21  }
0xa: {  	s6 =	sshll.u32 s9, $0x18;
	[smem:$0x7FF] =	sst s3;
	s13 =	smul.u32 $0xFFFFFFF4, s11  }
0xb: {  	p0 =	slt.s32 s9, $0x1;
	s6 =	sshra.s32 s6, $0x1F;
	s11 =	smul.u32 $0x3, s11  }
0xc: {  	_ =	strace $0x80000047;
	s10 =	sand.u32 $0x3, s6;
	s6 =	smul.u32 $0x15, s0  }
0xd: {  	s0 =	sshll.u32 s0, $0x1;
	s10 =	sadd.s32 s10, s9;
	s7 =	sadd.s32 s13, s7  }
0xe: {  	s13 =	sshrl.u32 s22, $0xB;
	s5 =	sadd.s32 s5, s0;
	s0 =	simm.s32 $0xE100  }
0xf: {  	s12 =	sand.u32 $0xFFFFFFFC, s10;
	s10 =	sshll.u32 s10, $0x18;
	s7 =	sadd.s32 $0x1, s7  }
0x10: {  	s13 =	sand.u32 $0x1F, s13;
	s9 =	ssub.s32 s9, s12;
	s10 =	sshra.s32 s10, $0x1A  }
0x11: {  	s14 =	sshll.u32 s7, $0x18;
	s24 =	smul.u32 $0xFFFFFFF4, s13;
	p3 =	slt.s32 s7, $0x1  }
0x12: {  	s12 =	sand.u32 $0xFF, s9;
	s8 =	sadd.s32 s10, s8;
	s10 =	simm.s32 $0x1  }
0x13: {  	s14 =	sshra.s32 s14, $0x1F;
	s9 =	sand.u32 $0x3, s9;
	p1 =	sne.s32 s12, $0x0  }
0x14: {  	s23 =	sand.u32 $0x3, s14;
	s9 =	smul.u32 $0x700, s9;
	p0 =	por !p0, !p1  }
0x15: {  	s12 =	sadd.s32 s21, s24;
	s21 =	smul.u32 $0x3, s13;
	p0 =	por !p0, !p0  }
0x16: {  	s13 =	simm.s32 $0x1;
	s26 =	sshll.u32 s12, $0x18;
	s10 =	simm.s32 @!p0 $0x0  }
0x17: {  	p5 =	slt.s32 s12, $0x1;
	s8 =	ssub.s32 s8, s10;
	s10 =	sadd.s32 s23, s7  }
0x18: {  	s23 =	sshrl.u32 s4, $0x1;
	s8 =	smul.u32 $0x1C00, s8;
	s16 =	sand.u32 $0xFFFFFFFC, s10  }
0x19: {  	s10 =	sshll.u32 s10, $0x18;
	s25 =	ssub.s32 s7, s16;
	s16 =	sshra.s32 s26, $0x1F  }
0x1a: {  	s10 =	sshra.s32 s10, $0x1A;
	s17 =	sand.u32 $0xFF, s25;
	s18 =	sand.u32 $0x3, s16  }
0x1b: {  	s16 =	simm.s32 $0x1;
	s10 =	sadd.s32 s10, s11;
	s14 =	sand.u32 $0x3, s25  }
0x1c: {  	s24 =	sadd.s32 s9, s8;
	p4 =	sne.s32 s17, $0x0;
	s7 =	sadd.s32 s18, s12  }
0x1d: {  	s22 =	smul.u32 $0x700, s14;
	s8 =	sadd.s32 s15, s24;
	s14 =	simm.s32 $0x100  }
0x1e: {  	s18 =	simm.s32 $0x2100;
	s24 =	simm.s32 $0x5100;
	p0 =	por !p3, !p4  }
0x1f: {  	s17 =	sand.u32 $0xFFFFFFFC, s7;
	s7 =	sshll.u32 s7, $0x18;
	p0 =	por !p0, !p0  }
0x20: {  	v0 =	vlaneseq.u32;
	s19 =	ssub.s32 s12, s17;
	s7 =	sshra.s32 s7, $0x1A;
	s12 =	simm.s32 $0x3  }
0x21: {  	v1 =	vshrl.u32 v0, $0x3;
	s17 =	simm.s32 $0x1900;
	s16 =	simm.s32 @!p0 $0x0;
	s20 =	sand.u32 $0xFF, s19  }
0x22: {  	v15 =	vand.u32 $0x7, v0;
	v35 =	vmul.u32 $0x8, v1;
	s7 =	sadd.s32 s7, s21;
	s11 =	sand.u32 $0x3, s19;
	p6 =	sne.s32 s20, $0x0  }
0x23: {  	[tilespmem:$0x1FF70] =	vst v15;
	s19 =	simm.s32 $0x2900;
	s10 =	ssub.s32 s10, s16;
	p0 =	por !p5, !p6  }
0x24: {  	v4 =	vor.u32 $0x8, v0;
	[tilespmem:$0x1FF80] =	vst v35;
	s21 =	simm.s32 $0x3900;
	s10 =	smul.u32 $0x1C00, s10;
	p0 =	por !p0, !p0  }
0x25: {  	v20 =	vor.u32 $0x80, v0;
	[tilespmem:$0x1FF90] =	vst v4;
	s11 =	smul.u32 $0x700, s11;
	s16 =	simm.s32 $0x1100;
	s13 =	simm.s32 @!p0 $0x0  }
0x26: {  	v21 =	vor.u32 $0x90, v0;
	[tilespmem:$0x1FFA0] =	vst v20;
	s20 =	simm.s32 $0x3100;
	s25 =	sadd.s32 s22, s10;
	s7 =	ssub.s32 s7, s13  }
0x27: {  	v22 =	vor.u32 $0xA0, v0;
	[tilespmem:$0x1FFB0] =	vst v21;
	s22 =	simm.s32 $0x4100;
	s13 =	ssub.s32 s4, s23;
	s7 =	smul.u32 $0x1C00, s7  }
0x28: {  	vm0 =	vmmov $0x1;
	vm1 =	vmmov $0xffff;
	v28 =	vor.u32 $0xB0, v0;
	[tilespmem:$0x1FFC0] =	vst v22;
	s4 =	sadd.s32 s1, s6;
	s6 =	simm.s32 $0x1;
	s9 =	sadd.s32 s15, s25  }
0x29: {  	v23 =	vor.u32 $0x10, v0;
	v24 =	vor.u32 $0x20, v0;
	v31 =	vor.u32 $0xC0, v0;
	[tilespmem:$0x1FFD0] =	vst v28;
	s23 =	simm.s32 $0x4900;
	s25 =	simm.s32 $0x5900;
	s26 =	sadd.s32 s11, s7  }
0x2a: {  	v25 =	vor.u32 $0x30, v0;
	v27 =	vor.u32 $0x40, v0;
	v33 =	vor.u32 $0xD0, v0;
	[tilespmem:$0x1FFE0] =	vst v31;
	s7 =	sadd.s32 $0x100, s2;
	s11 =	smax.u32 s13, $0x1;
	s13 =	simm.s32 $0x11900  }
0x2b: {  	v29 =	vor.u32 $0x50, v0;
	v30 =	vor.u32 $0x60, v0;
	v32 =	vor.u32 $0x70, v0;
	[tilespmem:$0x1FFF0] =	vst v33;
	s10 =	sadd.s32 s15, s26;
	s15 =	simm.s32 $0x900;
	s26 =	simm.s32 $0x6100  }
.LBB2_1:
0x2c: {  	[tilespmem:s3], [sflag:$0x3] =	stream.linear.gather [hbm4b:s4+s3], $0xA8, $0x38;
	[tilespmem:$0x15180] =	vst v63  }
0x2d: {  	_ =	swait.ge [sflag:s12], $0xA8  }
0x2e: {  	[sflag:s12] =	ssyncset.done $0x0  }
0x2f: {  	s1 =	simm.s32 $0x15100;
	[sflag:s12] =	ssyncadd.s32 $0xFFFFFF58  }
0x30: {  	[tilespmem:s1], [sflag:$0x3] =	stream.linear.gather [hbm4b:s5+s3], $0x10, $0x38;
	[tilespmem:$0x15180] =	vst v63  }
0x31: {  	_ =	swait.ge [sflag:s12], $0x10  }
0x32: {  	[sflag:s12] =	ssyncset.done $0x0  }
0x33: {  	[sflag:s12] =	ssyncadd.s32 $0xFFFFFFF0  }
0x34: {  	v1 =	vld [tilespmem:$0x0];
	_ =	sdelay $0x4  }
0x35: {  	v2 =	vshll.u32 v1, $0x2  }
0x36: {  	v1 =	vand.u32 $0x7, v1;
	v2 =	vand.u32 $0xFFFFFFE0, v2  }
0x37: {  	v1 =	vor.u32 v1, v2  }
0x38: {  	v2 =	vperm.xlane v1, v15;
	_ =	sdelay $0x1  }
0x39: {  	v2 =	vadd.s32 v35, v2;
	_ =	sdelay $0x1  }
0x3a: {  	v1 =	vperm.xlane v1, v4;
	_ =	sdelay $0x1  }
0x3b: {  	v1 =	vadd.s32 v35, v1  }
0x3c: {  	v3 =	vld [tilespmem:$0x15100];
	[tilespmem:s14], [sflag:$0x1] =	stream.indirect_vreg.gather [hbm4b:s2+s3], $0x80, v2, vm1, $0xb8  }
0x3d: {  	_ = 	snop  }
0x3e: {  	[tilespmem:s15], [sflag:$0x1] =	stream.indirect_vreg.gather [hbm4b:s7+s3], $0x80, v2, vm1, $0xb8;
	[tilespmem:$0x15180] =	vst v63  }
0x3f: {  	_ = 	snop  }
0x40: {  	[tilespmem:s16], [sflag:$0x1] =	stream.indirect_vreg.gather [hbm4b:s2+s3], $0x80, v1, vm1, $0xb8;
	[tilespmem:$0x15180] =	vst v63  }
0x41: {  	_ = 	snop  }
0x42: {  	[tilespmem:s17], [sflag:$0x1] =	stream.indirect_vreg.gather [hbm4b:s7+s3], $0x80, v1, vm1, $0xb8;
	[tilespmem:$0x15180] =	vst v63  }
0x43: {  	v1 =	vld [tilespmem:$0x10];
	_ =	sdelay $0x4  }
0x44: {  	v2 =	vshll.u32 v1, $0x2  }
0x45: {  	v1 =	vand.u32 $0x7, v1;
	v2 =	vand.u32 $0xFFFFFFE0, v2  }
0x46: {  	v1 =	vor.u32 v1, v2  }
0x47: {  	v2 =	vperm.xlane v1, v15;
	_ =	sdelay $0x1  }
0x48: {  	v2 =	vadd.s32 v35, v2;
	_ =	sdelay $0x1  }
0x49: {  	v1 =	vperm.xlane v1, v4;
	_ =	sdelay $0x1  }
0x4a: {  	v1 =	vadd.s32 v35, v1  }
0x4b: {  	[tilespmem:s18], [sflag:$0x1] =	stream.indirect_vreg.gather [hbm4b:s2+s3], $0x80, v2, vm1, $0xb8;
	[tilespmem:$0x15180] =	vst v63  }
0x4c: {  	_ = 	snop  }
0x4d: {  	[tilespmem:s19], [sflag:$0x1] =	stream.indirect_vreg.gather [hbm4b:s7+s3], $0x80, v2, vm1, $0xb8;
	[tilespmem:$0x15180] =	vst v63  }
0x4e: {  	_ = 	snop  }
0x4f: {  	[tilespmem:s20], [sflag:$0x1] =	stream.indirect_vreg.gather [hbm4b:s2+s3], $0x80, v1, vm1, $0xb8;
	[tilespmem:$0x15180] =	vst v63  }
0x50: {  	_ = 	snop  }
0x51: {  	[tilespmem:s21], [sflag:$0x1] =	stream.indirect_vreg.gather [hbm4b:s7+s3], $0x80, v1, vm1, $0xb8;
	[tilespmem:$0x15180] =	vst v63  }
0x52: {  	v1 =	vld [tilespmem:$0x20];
	_ =	sdelay $0x4  }
0x53: {  	v2 =	vshll.u32 v1, $0x2  }
0x54: {  	v1 =	vand.u32 $0x7, v1;
	v2 =	vand.u32 $0xFFFFFFE0, v2  }
0x55: {  	v1 =	vor.u32 v1, v2  }
0x56: {  	v2 =	vperm.xlane v1, v15;
	_ =	sdelay $0x1  }
0x57: {  	v2 =	vadd.s32 v35, v2;
	_ =	sdelay $0x1  }
0x58: {  	v1 =	vperm.xlane v1, v4;
	_ =	sdelay $0x1  }
0x59: {  	v1 =	vadd.s32 v35, v1  }
0x5a: {  	[tilespmem:s22], [sflag:$0x1] =	stream.indirect_vreg.gather [hbm4b:s2+s3], $0x80, v2, vm1, $0xb8;
	[tilespmem:$0x15180] =	vst v63  }
0x5b: {  	_ = 	snop  }
0x5c: {  	[tilespmem:s23], [sflag:$0x1] =	stream.indirect_vreg.gather [hbm4b:s7+s3], $0x80, v2, vm1, $0xb8;
	[tilespmem:$0x15180] =	vst v63  }
0x5d: {  	_ = 	snop  }
0x5e: {  	[tilespmem:s24], [sflag:$0x1] =	stream.indirect_vreg.gather [hbm4b:s2+s3], $0x80, v1, vm1, $0xb8;
	[tilespmem:$0x15180] =	vst v63  }
0x5f: {  	_ = 	snop  }
0x60: {  	[tilespmem:s25], [sflag:$0x1] =	stream.indirect_vreg.gather [hbm4b:s7+s3], $0x80, v1, vm1, $0xb8;
	[tilespmem:$0x15180] =	vst v63  }
0x61: {  	v1 =	vld.msk [tilespmem:$0x30], $0xff;
	_ =	sdelay $0x4  }
0x62: {  	v2 =	vshll.u32 v1, $0x2  }
0x63: {  	v1 =	vand.u32 $0x7, v1;
	v2 =	vand.u32 $0xFFFFFFE0, v2  }
0x64: {  	v1 =	vor.u32 v1, v2  }
0x65: {  	v1 =	vperm.xlane v1, v15;
	_ =	sdelay $0x1  }
0x66: {  	v2 =	vnsel vm0, $0x0, v3;
	v1 =	vadd.s32 v35, v1  }
0x67: {  	(xrf0) =	vadd.scan.msk.s32 $0xffff, v2;
	_ =	sdelay $0x3  }
0x68: {  	[tilespmem:s26], [sflag:$0x1] =	stream.indirect_vreg.gather [hbm4b:s2+s3], $0x80, v1, vm1, $0xb8;
	[tilespmem:$0x15180] =	vst v63  }
0x69: {  	_ = 	snop  }
0x6a: {  	v2, _, _ =	vpop (xrf0);
	[tilespmem:s28], [sflag:$0x1] =	stream.indirect_vreg.gather [hbm4b:s7+s3], $0x80, v1, vm1, $0xb8;
	[tilespmem:$0x15180] =	vst v63  }
0x6b: {  	_ =	swait.ge [sflag:s6], $0x7000  }
0x6c: {  	[sflag:s6] =	ssyncset.done $0x0  }
0x6d: {  	[sflag:s6] =	ssyncadd.s32 $0xFFFF9000  }
0x6e: {  	v1 =	vld [tilespmem:$0x38];
	_ =	sdelay $0x4  }
0x6f: {  	v3 =	vshll.u32 v1, $0x2  }
0x70: {  	v1 =	vand.u32 $0x7, v1;
	v3 =	vand.u32 $0xFFFFFFE0, v3  }
0x71: {  	v1 =	vor.u32 v1, v3  }
0x72: {  	v3 =	vperm.xlane v1, v15;
	_ =	sdelay $0x1  }
0x73: {  	v3 =	vadd.s32 v35, v3;
	_ =	sdelay $0x1  }
0x74: {  	v1 =	vperm.xlane v1, v4;
	_ =	sdelay $0x1  }
0x75: {  	v1 =	vadd.s32 v35, v1  }
0x76: {  	[tilespmem:s29], [sflag:$0x1] =	stream.indirect_vreg.gather [hbm4b:s2+s3], $0x80, v3, vm1, $0xb8;
	[tilespmem:$0x15180] =	vst v63  }
0x77: {  	s1 =	simm.s32 $0x7900  }
0x78: {  	[tilespmem:s1], [sflag:$0x1] =	stream.indirect_vreg.gather [hbm4b:s7+s3], $0x80, v3, vm1, $0xb8;
	[tilespmem:$0x15180] =	vst v63  }
0x79: {  	s1 =	simm.s32 $0x8100  }
0x7a: {  	[tilespmem:s1], [sflag:$0x1] =	stream.indirect_vreg.gather [hbm4b:s2+s3], $0x80, v1, vm1, $0xb8;
	[tilespmem:$0x15180] =	vst v63  }
0x7b: {  	s1 =	simm.s32 $0x8900  }
0x7c: {  	[tilespmem:s1], [sflag:$0x1] =	stream.indirect_vreg.gather [hbm4b:s7+s3], $0x80, v1, vm1, $0xb8;
	[tilespmem:$0x15180] =	vst v63  }
0x7d: {  	v1 =	vld [tilespmem:$0x48];
	_ =	sdelay $0x4  }
0x7e: {  	v3 =	vshll.u32 v1, $0x2  }
0x7f: {  	v1 =	vand.u32 $0x7, v1;
	v3 =	vand.u32 $0xFFFFFFE0, v3  }
0x80: {  	v1 =	vor.u32 v1, v3  }
0x81: {  	v3 =	vperm.xlane v1, v15;
	_ =	sdelay $0x1  }
0x82: {  	v3 =	vadd.s32 v35, v3;
	_ =	sdelay $0x1  }
0x83: {  	v1 =	vperm.xlane v1, v4;
	_ =	sdelay $0x1  }
0x84: {  	s1 =	simm.s32 $0x9100;
	v1 =	vadd.s32 v35, v1  }
0x85: {  	[tilespmem:s1], [sflag:$0x1] =	stream.indirect_vreg.gather [hbm4b:s2+s3], $0x80, v3, vm1, $0xb8;
	[tilespmem:$0x15180] =	vst v63  }
0x86: {  	s1 =	simm.s32 $0x9900  }
0x87: {  	[tilespmem:s1], [sflag:$0x1] =	stream.indirect_vreg.gather [hbm4b:s7+s3], $0x80, v3, vm1, $0xb8;
	[tilespmem:$0x15180] =	vst v63  }
0x88: {  	s1 =	simm.s32 $0xA100  }
0x89: {  	[tilespmem:s1], [sflag:$0x1] =	stream.indirect_vreg.gather [hbm4b:s2+s3], $0x80, v1, vm1, $0xb8;
	[tilespmem:$0x15180] =	vst v63  }
0x8a: {  	s1 =	simm.s32 $0xA900  }
0x8b: {  	[tilespmem:s1], [sflag:$0x1] =	stream.indirect_vreg.gather [hbm4b:s7+s3], $0x80, v1, vm1, $0xb8;
	[tilespmem:$0x15180] =	vst v63  }
0x8c: {  	v1 =	vld [tilespmem:$0x58];
	_ =	sdelay $0x4  }
0x8d: {  	v3 =	vshll.u32 v1, $0x2  }
0x8e: {  	v1 =	vand.u32 $0x7, v1;
	v3 =	vand.u32 $0xFFFFFFE0, v3  }
0x8f: {  	v1 =	vor.u32 v1, v3  }
0x90: {  	v3 =	vperm.xlane v1, v15;
	_ =	sdelay $0x1  }
0x91: {  	v3 =	vadd.s32 v35, v3;
	_ =	sdelay $0x1  }
0x92: {  	v1 =	vperm.xlane v1, v4;
	_ =	sdelay $0x1  }
0x93: {  	v2 =	vbroadcast v2, $0xF;
	s1 =	simm.s32 $0xB100;
	v1 =	vadd.s32 v35, v1  }
0x94: {  	[tilespmem:s1], [sflag:$0x1] =	stream.indirect_vreg.gather [hbm4b:s2+s3], $0x80, v3, vm1, $0xb8;
	[tilespmem:$0x15180] =	vst v63  }
0x95: {  	v5 =	vadd.s32 v24, v2;
	s1 =	simm.s32 $0xB900  }
0x96: {  	v56 =	vand.u32 $0x7F, v5;
	[tilespmem:s1], [sflag:$0x1] =	stream.indirect_vreg.gather [hbm4b:s7+s3], $0x80, v3, vm1, $0xb8;
	v3 =	vadd.s32 v0, v2;
	[tilespmem:$0x15180] =	vst v63  }
0x97: {  	[tilespmem:$0x1FE00] =	vst v56;
	s1 =	simm.s32 $0xC100;
	v37 =	vand.u32 $0x7F, v3  }
0x98: {  	v16 =	vshll.u32 v3, $0x3;
	[tilespmem:s1], [sflag:$0x1] =	stream.indirect_vreg.gather [hbm4b:s2+s3], $0x80, v1, vm1, $0xb8;
	v3 =	vor.u32 $0x280, v37;
	[tilespmem:$0x15180] =	vst v63  }
0x99: {  	s1 =	simm.s32 $0xC900;
	[tilespmem:$0x1F810] =	vst v3  }
0x9a: {  	v3 =	vor.u32 $0x300, v37;
	[tilespmem:s1], [sflag:$0x1] =	stream.indirect_vreg.gather [hbm4b:s7+s3], $0x80, v1, vm1, $0xb8;
	[tilespmem:$0x15180] =	vst v63  }
0x9b: {  	v54 =	vadd.s32 v23, v2;
	v6 =	vadd.s32 v25, v2;
	[tilespmem:$0x1F820] =	vst v3;
	v3 =	vor.u32 $0x380, v37  }
0x9c: {  	v57 =	vand.u32 $0x7F, v6;
	v1 =	vld.msk [tilespmem:$0x68], $0xff;
	[tilespmem:$0x1F830] =	vst v3;
	v3 =	vshll.u32 v54, $0x3  }
0x9d: {  	v7 =	vadd.s32 v27, v2;
	[tilespmem:$0x1FE20] =	vst v57;
	v3 =	vand.u32 $0xFFFFFC00, v3  }
0x9e: {  	v58 =	vand.u32 $0x7F, v7;
	[tilespmem:$0x1F840] =	vst v3;
	v3 =	vshll.u32 v5, $0x3  }
0x9f: {  	v8 =	vadd.s32 v29, v2;
	[tilespmem:$0x1FE40] =	vst v58;
	v3 =	vand.u32 $0xFFFFFC00, v3  }
0xa0: {  	v9 =	vadd.s32 v30, v2;
	v59 =	vand.u32 $0x7F, v8;
	[tilespmem:$0x1F850] =	vst v3;
	v3 =	vshll.u32 v6, $0x3  }
0xa1: {  	v60 =	vand.u32 $0x7F, v9;
	[tilespmem:$0x1FE60] =	vst v59;
	v10 =	vshll.u32 v1, $0x2;
	v3 =	vand.u32 $0xFFFFFC00, v3  }
0xa2: {  	v1 =	vand.u32 $0x7, v1;
	v10 =	vand.u32 $0xFFFFFFE0, v10;
	[tilespmem:$0x1F860] =	vst v3;
	v3 =	vshll.u32 v7, $0x3  }
0xa3: {  	v11 =	vadd.s32 v32, v2;
	[tilespmem:$0x1FE80] =	vst v60;
	v1 =	vor.u32 v1, v10;
	v3 =	vand.u32 $0xFFFFFC00, v3  }
0xa4: {  	v61 =	vand.u32 $0x7F, v11;
	v1 =	vperm.xlane v1, v15;
	[tilespmem:$0x1F870] =	vst v3;
	v3 =	vshll.u32 v8, $0x3  }
0xa5: {  	v12 =	vadd.s32 v20, v2;
	[tilespmem:$0x1FEA0] =	vst v61;
	v3 =	vand.u32 $0xFFFFFC00, v3  }
0xa6: {  	v62 =	vand.u32 $0x7F, v12;
	v1 =	vadd.s32 v35, v1;
	[tilespmem:$0x1F880] =	vst v3;
	v3 =	vshll.u32 v9, $0x3  }
0xa7: {  	v14 =	vadd.s32 v28, v2;
	[tilespmem:$0x1FEC0] =	vst v62;
	v3 =	vand.u32 $0xFFFFFC00, v3  }
0xa8: {  	v63 =	vand.u32 $0x7F, v14;
	[tilespmem:$0x1F890] =	vst v3;
	v3 =	vshll.u32 v11, $0x3  }
0xa9: {  	[tilespmem:$0x1FF20] =	vst v63;
	v3 =	vand.u32 $0xFFFFFC00, v3  }
0xaa: {  	v13 =	vadd.s32 v21, v2;
	s1 =	simm.s32 $0xD100;
	[tilespmem:$0x1F8A0] =	vst v3  }
0xab: {  	v3 =	vshll.u32 v12, $0x3;
	v12 =	vand.u32 $0x7F, v13;
	[tilespmem:s1], [sflag:$0x1] =	stream.indirect_vreg.gather [hbm4b:s2+s3], $0x80, v1, vm1, $0xb8;
	[tilespmem:$0x15180] =	vst v63  }
0xac: {  	v3 =	vand.u32 $0xFFFFFC00, v3;
	[tilespmem:$0x1FEE0] =	vst v12  }
0xad: {  	v55 =	vadd.s32 v22, v2;
	s1 =	simm.s32 $0xD900;
	[tilespmem:$0x1F8B0] =	vst v3  }
0xae: {  	v3 =	vshll.u32 v13, $0x3;
	v13 =	vand.u32 $0x7F, v55;
	[tilespmem:s1], [sflag:$0x1] =	stream.indirect_vreg.gather [hbm4b:s7+s3], $0x80, v1, vm1, $0xb8;
	[tilespmem:$0x15180] =	vst v63  }
0xaf: {  	v3 =	vand.u32 $0xFFFFFC00, v3;
	[tilespmem:$0x1FF00] =	vst v13  }
0xb0: {  	v1 =	vor.u32 $0x380, v60;
	[tilespmem:$0x1F8C0] =	vst v3  }
0xb1: {  	v3 =	vshll.u32 v55, $0x3;
	[tilespmem:$0x1FE90] =	vst v1;
	v1 =	vor.u32 $0x380, v61  }
0xb2: {  	v3 =	vand.u32 $0xFFFFFC00, v3;
	[tilespmem:$0x1FEB0] =	vst v1  }
0xb3: {  	v1 =	vor.u32 $0x380, v62;
	[tilespmem:$0x1F8D0] =	vst v3  }
0xb4: {  	v15 =	vadd.s32 v31, v2;
	[tilespmem:$0x1FED0] =	vst v1;
	v1 =	vor.u32 $0x380, v12  }
0xb5: {  	v3 =	vshll.u32 v14, $0x3;
	v14 =	vand.u32 $0x7F, v15;
	[tilespmem:$0x1FEF0] =	vst v1  }
0xb6: {  	v3 =	vand.u32 $0xFFFFFC00, v3;
	[tilespmem:$0x1FF40] =	vst v14  }
0xb7: {  	v1 =	vor.u32 $0x380, v13;
	[tilespmem:$0x1F8E0] =	vst v3  }
0xb8: {  	v3 =	vshll.u32 v15, $0x3;
	[tilespmem:$0x1FF10] =	vst v1;
	v1 =	vor.u32 $0x380, v63  }
0xb9: {  	v3 =	vand.u32 $0xFFFFFC00, v3;
	[tilespmem:$0x1FF30] =	vst v1  }
0xba: {  	v2 =	vadd.s32 v33, v2;
	v1 =	vor.u32 $0x380, v14;
	[tilespmem:$0x1F8F0] =	vst v3  }
0xbb: {  	v3 =	vand.u32 $0x7F, v2;
	v2 =	vshll.u32 v2, $0x3;
	[tilespmem:$0x1FF50] =	vst v1  }
0xbc: {  	v36 =	vand.u32 $0x7F, v54;
	v2 =	vand.u32 $0xFFFFFC00, v2;
	[tilespmem:$0x1FF60] =	vst v3  }
0xbd: {  	[tilespmem:$0x1F900] =	vst v2;
	v2 =	vor.u32 $0x80, v36  }
0xbe: {  	[tilespmem:$0x1F910] =	vst v2;
	v2 =	vor.u32 $0x80, v56  }
0xbf: {  	[tilespmem:$0x1F920] =	vst v2;
	v2 =	vor.u32 $0x80, v57  }
0xc0: {  	[tilespmem:$0x1F930] =	vst v2;
	v2 =	vor.u32 $0x80, v58  }
0xc1: {  	[tilespmem:$0x1F940] =	vst v2;
	v2 =	vor.u32 $0x80, v59  }
0xc2: {  	[tilespmem:$0x1F950] =	vst v2;
	v2 =	vor.u32 $0x80, v60  }
0xc3: {  	[tilespmem:$0x1F960] =	vst v2;
	v2 =	vor.u32 $0x80, v61  }
0xc4: {  	[tilespmem:$0x1F970] =	vst v2;
	v2 =	vor.u32 $0x80, v62  }
0xc5: {  	[tilespmem:$0x1F980] =	vst v2;
	v2 =	vor.u32 $0x80, v12  }
0xc6: {  	[tilespmem:$0x1F990] =	vst v2;
	v2 =	vor.u32 $0x80, v13  }
0xc7: {  	[tilespmem:$0x1F9A0] =	vst v2;
	v2 =	vor.u32 $0x80, v63  }
0xc8: {  	[tilespmem:$0x1F9B0] =	vst v2;
	v2 =	vor.u32 $0x80, v14  }
0xc9: {  	[tilespmem:$0x1F9C0] =	vst v2;
	v2 =	vor.u32 $0x80, v3  }
0xca: {  	[tilespmem:$0x1F9D0] =	vst v2;
	v2 =	vor.u32 $0x100, v36  }
0xcb: {  	[tilespmem:$0x1F9E0] =	vst v2;
	v2 =	vor.u32 $0x100, v56  }
0xcc: {  	[tilespmem:$0x1F9F0] =	vst v2;
	v2 =	vor.u32 $0x100, v57  }
0xcd: {  	[tilespmem:$0x1FA00] =	vst v2;
	v2 =	vor.u32 $0x100, v58  }
0xce: {  	[tilespmem:$0x1FA10] =	vst v2;
	v2 =	vor.u32 $0x100, v59  }
0xcf: {  	[tilespmem:$0x1FA20] =	vst v2;
	v2 =	vor.u32 $0x100, v60  }
0xd0: {  	[tilespmem:$0x1FA30] =	vst v2;
	v2 =	vor.u32 $0x100, v61  }
0xd1: {  	[tilespmem:$0x1FA40] =	vst v2;
	v2 =	vor.u32 $0x100, v62  }
0xd2: {  	[tilespmem:$0x1FA50] =	vst v2;
	v2 =	vor.u32 $0x100, v12  }
0xd3: {  	[tilespmem:$0x1FA60] =	vst v2;
	v2 =	vor.u32 $0x100, v13  }
0xd4: {  	[tilespmem:$0x1FA70] =	vst v2;
	v2 =	vor.u32 $0x100, v63  }
0xd5: {  	[tilespmem:$0x1FA80] =	vst v2;
	v2 =	vor.u32 $0x100, v14  }
0xd6: {  	[tilespmem:$0x1FA90] =	vst v2;
	v2 =	vor.u32 $0x100, v3  }
0xd7: {  	[tilespmem:$0x1FAA0] =	vst v2;
	v2 =	vor.u32 $0x180, v36  }
0xd8: {  	[tilespmem:$0x1FAB0] =	vst v2;
	v2 =	vor.u32 $0x180, v56  }
0xd9: {  	[tilespmem:$0x1FAC0] =	vst v2;
	v2 =	vor.u32 $0x180, v57  }
0xda: {  	[tilespmem:$0x1FAD0] =	vst v2;
	v2 =	vor.u32 $0x180, v58  }
0xdb: {  	[tilespmem:$0x1FAE0] =	vst v2;
	v2 =	vor.u32 $0x180, v59  }
0xdc: {  	[tilespmem:$0x1FAF0] =	vst v2;
	v2 =	vor.u32 $0x180, v60  }
0xdd: {  	[tilespmem:$0x1FB00] =	vst v2;
	v2 =	vor.u32 $0x180, v61  }
0xde: {  	[tilespmem:$0x1FB10] =	vst v2;
	v2 =	vor.u32 $0x180, v62  }
0xdf: {  	[tilespmem:$0x1FB20] =	vst v2;
	v2 =	vor.u32 $0x180, v12  }
0xe0: {  	[tilespmem:$0x1FB30] =	vst v2;
	v2 =	vor.u32 $0x180, v13  }
0xe1: {  	[tilespmem:$0x1FB40] =	vst v2;
	v2 =	vor.u32 $0x180, v63  }
0xe2: {  	[tilespmem:$0x1FB50] =	vst v2;
	v2 =	vor.u32 $0x180, v14  }
0xe3: {  	[tilespmem:$0x1FB60] =	vst v2;
	v2 =	vor.u32 $0x180, v3  }
0xe4: {  	[tilespmem:$0x1FB70] =	vst v2;
	v2 =	vor.u32 $0x200, v36  }
0xe5: {  	[tilespmem:$0x1FB80] =	vst v2;
	v2 =	vor.u32 $0x200, v56  }
0xe6: {  	[tilespmem:$0x1FB90] =	vst v2;
	v2 =	vor.u32 $0x200, v57  }
0xe7: {  	[tilespmem:$0x1FBA0] =	vst v2;
	v2 =	vor.u32 $0x200, v58  }
0xe8: {  	[tilespmem:$0x1FBB0] =	vst v2;
	v2 =	vor.u32 $0x200, v59  }
0xe9: {  	[tilespmem:$0x1FBC0] =	vst v2;
	v2 =	vor.u32 $0x200, v60  }
0xea: {  	[tilespmem:$0x1FBD0] =	vst v2;
	v2 =	vor.u32 $0x200, v61  }
0xeb: {  	[tilespmem:$0x1FBE0] =	vst v2;
	v2 =	vor.u32 $0x200, v62  }
0xec: {  	[tilespmem:$0x1FBF0] =	vst v2;
	v2 =	vor.u32 $0x200, v12  }
0xed: {  	[tilespmem:$0x1FC00] =	vst v2;
	v2 =	vor.u32 $0x200, v13  }
0xee: {  	[tilespmem:$0x1FC10] =	vst v2;
	v2 =	vor.u32 $0x200, v63  }
0xef: {  	[tilespmem:$0x1FC20] =	vst v2;
	v2 =	vor.u32 $0x200, v14  }
0xf0: {  	[tilespmem:$0x1FC30] =	vst v2;
	v2 =	vor.u32 $0x200, v3  }
0xf1: {  	[tilespmem:$0x1FC40] =	vst v2;
	v2 =	vor.u32 $0x280, v36  }
0xf2: {  	[tilespmem:$0x1FC50] =	vst v2;
	v2 =	vor.u32 $0x280, v56  }
0xf3: {  	[tilespmem:$0x1FC60] =	vst v2;
	v2 =	vor.u32 $0x280, v57  }
0xf4: {  	[tilespmem:$0x1FC70] =	vst v2;
	v2 =	vor.u32 $0x280, v58  }
0xf5: {  	[tilespmem:$0x1FC80] =	vst v2;
	v2 =	vor.u32 $0x280, v59  }
0xf6: {  	[tilespmem:$0x1FC90] =	vst v2;
	v2 =	vor.u32 $0x280, v60  }
0xf7: {  	[tilespmem:$0x1FCA0] =	vst v2;
	v2 =	vor.u32 $0x280, v61  }
0xf8: {  	[tilespmem:$0x1FCB0] =	vst v2;
	v2 =	vor.u32 $0x280, v62  }
0xf9: {  	[tilespmem:$0x1FCC0] =	vst v2;
	v2 =	vor.u32 $0x280, v12  }
0xfa: {  	[tilespmem:$0x1FCD0] =	vst v2;
	v2 =	vor.u32 $0x280, v13  }
0xfb: {  	[tilespmem:$0x1FCE0] =	vst v2;
	v2 =	vor.u32 $0x280, v63  }
0xfc: {  	[tilespmem:$0x1FCF0] =	vst v2;
	v2 =	vor.u32 $0x280, v14  }
0xfd: {  	[tilespmem:$0x1FD00] =	vst v2;
	v2 =	vor.u32 $0x280, v3  }
0xfe: {  	[tilespmem:$0x1FD10] =	vst v2;
	v2 =	vor.u32 $0x300, v36  }
0xff: {  	[tilespmem:$0x1FD20] =	vst v2;
	v2 =	vor.u32 $0x300, v56  }
0x100: {  	[tilespmem:$0x1FD30] =	vst v2;
	v2 =	vor.u32 $0x300, v57  }
0x101: {  	[tilespmem:$0x1FD40] =	vst v2;
	v2 =	vor.u32 $0x300, v58  }
0x102: {  	[tilespmem:$0x1FD50] =	vst v2;
	v2 =	vor.u32 $0x300, v59  }
0x103: {  	[tilespmem:$0x1FD60] =	vst v2;
	v2 =	vor.u32 $0x300, v60  }
0x104: {  	[tilespmem:$0x1FD70] =	vst v2;
	v2 =	vor.u32 $0x300, v61  }
0x105: {  	[tilespmem:$0x1FD80] =	vst v2;
	v2 =	vor.u32 $0x300, v62  }
0x106: {  	[tilespmem:$0x1FD90] =	vst v2;
	v2 =	vor.u32 $0x300, v12  }
0x107: {  	[tilespmem:$0x1FDA0] =	vst v2;
	v2 =	vor.u32 $0x300, v13  }
0x108: {  	[tilespmem:$0x1FDB0] =	vst v2;
	v2 =	vor.u32 $0x300, v63  }
0x109: {  	[tilespmem:$0x1FDC0] =	vst v2;
	v2 =	vor.u32 $0x300, v14  }
0x10a: {  	[tilespmem:$0x1FDD0] =	vst v2;
	v2 =	vor.u32 $0x300, v3  }
0x10b: {  	[tilespmem:$0x1FDE0] =	vst v2;
	v2 =	vor.u32 $0x380, v36  }
0x10c: {  	[tilespmem:$0x1FDF0] =	vst v2;
	v2 =	vor.u32 $0x380, v56  }
0x10d: {  	[tilespmem:$0x1FE10] =	vst v2;
	v2 =	vor.u32 $0x380, v57  }
0x10e: {  	v38 =	vand.u32 $0xFFFFFC00, v16;
	v40 =	vor.u32 $0x80, v37;
	[tilespmem:$0x1FE30] =	vst v2;
	v2 =	vor.u32 $0x380, v58  }
0x10f: {  	v42 =	vor.u32 $0x100, v37;
	v44 =	vor.u32 $0x180, v37;
	[tilespmem:$0x1FE50] =	vst v2;
	v2 =	vor.u32 $0x380, v59  }
0x110: {  	v46 =	vor.u32 $0x200, v37;
	s1 =	simm.s32 $0x7;
	v34 =	vor.u32 $0x380, v3;
	v13 =	vimm.s32 $0x0;
	[tilespmem:$0x1FE70] =	vst v2  }
.LBB2_2:
0x111: {  	v14 =	vshll.u32 v13, $0x9  }
0x112: {  	v1 =	vadd.s32 v38, v14  }
0x113: {  	v2 =	vor.u32 v37, v1;
	_ =	sdelay $0x4  }
0x114: {  	v3 =	vld.idx.msk [tilespmem:v2+s14+$0x0], $0xffff  }
0x115: {  	v26 =	vshll.u32 v13, $0x8;
	v2 =	vld [tilespmem:$0x1F840]  }
0x116: {  	v4 =	vor.u32 v0, v26;
	_ =	sdelay $0x3  }
0x117: {  	v2 =	vadd.s32 v2, v14  }
0x118: {  	[tilespmem:v4+s0+$0x0] =	vst.idx.msk $0xffff, v3;
	v3 =	vld [tilespmem:$0x1F850];
	v5 =	vor.u32 v36, v2  }
0x119: {  	v6 =	vld [tilespmem:$0x1FE00];
	_ =	sdelay $0x3  }
0x11a: {  	v3 =	vadd.s32 v3, v14;
	v4 =	vld.idx.msk [tilespmem:v5+s14+$0x0], $0xffff;
	v5 =	vor.u32 v23, v26  }
0x11b: {  	v6 =	vor.u32 v6, v3;
	_ =	sdelay $0x2  }
0x11c: {  	v7 =	vld [tilespmem:$0x1FE20]  }
0x11d: {  	[tilespmem:v5+s0+$0x0] =	vst.idx.msk $0xffff, v4;
	v4 =	vld [tilespmem:$0x1F860]  }
0x11e: {  	v5 =	vld.idx.msk [tilespmem:v6+s14+$0x0], $0xffff;
	v6 =	vor.u32 v24, v26;
	_ =	sdelay $0x3  }
0x11f: {  	v4 =	vadd.s32 v4, v14  }
0x120: {  	v7 =	vor.u32 v7, v4;
	[tilespmem:v6+s0+$0x0] =	vst.idx.msk $0xffff, v5;
	v5 =	vld [tilespmem:$0x1F870]  }
0x121: {  	v8 =	vld [tilespmem:$0x1FE40];
	_ =	sdelay $0x3  }
0x122: {  	v6 =	vld.idx.msk [tilespmem:v7+s14+$0x0], $0xffff;
	v7 =	vor.u32 v25, v26;
	v5 =	vadd.s32 v5, v14  }
0x123: {  	v8 =	vor.u32 v8, v5;
	_ =	sdelay $0x2  }
0x124: {  	v9 =	vld [tilespmem:$0x1FE60]  }
0x125: {  	[tilespmem:v7+s0+$0x0] =	vst.idx.msk $0xffff, v6;
	v6 =	vld [tilespmem:$0x1F880]  }
0x126: {  	v7 =	vld.idx.msk [tilespmem:v8+s14+$0x0], $0xffff;
	v8 =	vor.u32 v27, v26;
	_ =	sdelay $0x3  }
0x127: {  	v6 =	vadd.s32 v6, v14  }
0x128: {  	v9 =	vor.u32 v9, v6;
	[tilespmem:v8+s0+$0x0] =	vst.idx.msk $0xffff, v7;
	v7 =	vld [tilespmem:$0x1F890]  }
0x129: {  	v10 =	vld [tilespmem:$0x1FE80];
	_ =	sdelay $0x3  }
0x12a: {  	v8 =	vld.idx.msk [tilespmem:v9+s14+$0x0], $0xffff;
	v9 =	vor.u32 v29, v26;
	v7 =	vadd.s32 v7, v14  }
0x12b: {  	v10 =	vor.u32 v10, v7;
	_ =	sdelay $0x2  }
0x12c: {  	v11 =	vld [tilespmem:$0x1FEA0]  }
0x12d: {  	[tilespmem:v9+s0+$0x0] =	vst.idx.msk $0xffff, v8;
	v8 =	vld [tilespmem:$0x1F8A0]  }
0x12e: {  	v9 =	vld.idx.msk [tilespmem:v10+s14+$0x0], $0xffff;
	v10 =	vor.u32 v30, v26;
	_ =	sdelay $0x3  }
0x12f: {  	v8 =	vadd.s32 v8, v14  }
0x130: {  	v11 =	vor.u32 v11, v8;
	[tilespmem:v10+s0+$0x0] =	vst.idx.msk $0xffff, v9;
	v9 =	vld [tilespmem:$0x1F8B0]  }
0x131: {  	v12 =	vld [tilespmem:$0x1FEC0];
	_ =	sdelay $0x3  }
0x132: {  	v10 =	vld.idx.msk [tilespmem:v11+s14+$0x0], $0xffff;
	v11 =	vor.u32 v32, v26;
	v9 =	vadd.s32 v9, v14  }
0x133: {  	v12 =	vor.u32 v12, v9;
	_ =	sdelay $0x3  }
0x134: {  	[tilespmem:v11+s0+$0x0] =	vst.idx.msk $0xffff, v10  }
0x135: {  	v10 =	vor.u32 $0x400, v0;
	v11 =	vld.idx.msk [tilespmem:v12+s14+$0x0], $0xffff  }
0x136: {  	[tilespmem:$0x1F420] =	vst v10;
	v12 =	vor.u32 v10, v26;
	v10 =	vld [tilespmem:$0x1F8C0]  }
0x137: {  	v15 =	vld [tilespmem:$0x1FEE0];
	_ =	sdelay $0x3  }
0x138: {  	v10 =	vadd.s32 v10, v14  }
0x139: {  	v15 =	vor.u32 v15, v10;
	_ =	sdelay $0x3  }
0x13a: {  	[tilespmem:v12+s0+$0x0] =	vst.idx.msk $0xffff, v11  }
0x13b: {  	v11 =	vor.u32 $0x410, v0;
	v12 =	vld.idx.msk [tilespmem:v15+s14+$0x0], $0xffff  }
0x13c: {  	[tilespmem:$0x1F430] =	vst v11;
	v15 =	vor.u32 v11, v26;
	v11 =	vld [tilespmem:$0x1F8D0]  }
0x13d: {  	v16 =	vld [tilespmem:$0x1FF00];
	_ =	sdelay $0x3  }
0x13e: {  	v11 =	vadd.s32 v11, v14  }
0x13f: {  	v16 =	vor.u32 v16, v11;
	_ =	sdelay $0x3  }
0x140: {  	[tilespmem:v15+s0+$0x0] =	vst.idx.msk $0xffff, v12  }
0x141: {  	v12 =	vor.u32 $0x420, v0;
	v15 =	vld.idx.msk [tilespmem:v16+s14+$0x0], $0xffff  }
0x142: {  	[tilespmem:$0x1F440] =	vst v12;
	v16 =	vor.u32 v12, v26;
	v12 =	vld [tilespmem:$0x1F8E0]  }
0x143: {  	v17 =	vld [tilespmem:$0x1FF20];
	_ =	sdelay $0x3  }
0x144: {  	v12 =	vadd.s32 v12, v14  }
0x145: {  	v17 =	vor.u32 v17, v12;
	_ =	sdelay $0x3  }
0x146: {  	[tilespmem:v16+s0+$0x0] =	vst.idx.msk $0xffff, v15  }
0x147: {  	v15 =	vld.idx.msk [tilespmem:v17+s14+$0x0], $0xffff  }
0x148: {  	v17 =	vld [tilespmem:$0x1F8F0];
	_ =	sdelay $0x4  }
0x149: {  	v18 =	vadd.s32 v17, v14;
	v17 =	vld [tilespmem:$0x1FF40];
	_ =	sdelay $0x2  }
0x14a: {  	v16 =	vor.u32 $0x430, v0  }
0x14b: {  	[tilespmem:$0x1F450] =	vst v16;
	v16 =	vor.u32 v16, v26  }
0x14c: {  	v17 =	vor.u32 v17, v18;
	_ =	sdelay $0x3  }
0x14d: {  	[tilespmem:v16+s0+$0x0] =	vst.idx.msk $0xffff, v15  }
0x14e: {  	v15 =	vld.idx.msk [tilespmem:v17+s14+$0x0], $0xffff  }
0x14f: {  	v17 =	vld [tilespmem:$0x1F900];
	_ =	sdelay $0x4  }
0x150: {  	v19 =	vadd.s32 v17, v14;
	v14 =	vld [tilespmem:$0x1FF60];
	_ =	sdelay $0x2  }
0x151: {  	v16 =	vor.u32 $0x440, v0  }
0x152: {  	[tilespmem:$0x1F460] =	vst v16;
	v16 =	vor.u32 v16, v26  }
0x153: {  	v14 =	vor.u32 v14, v19;
	_ =	sdelay $0x3  }
0x154: {  	[tilespmem:v16+s0+$0x0] =	vst.idx.msk $0xffff, v15;
	v15 =	vor.u32 $0x450, v0  }
0x155: {  	[tilespmem:$0x1F470] =	vst v15;
	v15 =	vor.u32 v15, v26;
	v14 =	vld.idx.msk [tilespmem:v14+s14+$0x0], $0xffff  }
0x156: {  	v16 =	vor.u32 v40, v1;
	_ =	sdelay $0x3  }
0x157: {  	[tilespmem:v15+s0+$0x0] =	vst.idx.msk $0xffff, v14  }
0x158: {  	v14 =	vld.idx.msk [tilespmem:v16+s14+$0x0], $0xffff  }
0x159: {  	v16 =	vld [tilespmem:$0x1F910];
	_ =	sdelay $0x3  }
0x15a: {  	v15 =	vor.u32 v20, v26  }
0x15b: {  	v16 =	vor.u32 v16, v2;
	_ =	sdelay $0x3  }
0x15c: {  	[tilespmem:v15+s0+$0x0] =	vst.idx.msk $0xffff, v14  }
0x15d: {  	v14 =	vld.idx.msk [tilespmem:v16+s14+$0x0], $0xffff  }
0x15e: {  	v16 =	vld [tilespmem:$0x1F920];
	_ =	sdelay $0x3  }
0x15f: {  	v15 =	vor.u32 v21, v26  }
0x160: {  	v16 =	vor.u32 v16, v3;
	_ =	sdelay $0x3  }
0x161: {  	[tilespmem:v15+s0+$0x0] =	vst.idx.msk $0xffff, v14  }
0x162: {  	v14 =	vld.idx.msk [tilespmem:v16+s14+$0x0], $0xffff  }
0x163: {  	v16 =	vld [tilespmem:$0x1F930];
	_ =	sdelay $0x3  }
0x164: {  	v15 =	vor.u32 v22, v26  }
0x165: {  	v16 =	vor.u32 v16, v4;
	_ =	sdelay $0x3  }
0x166: {  	[tilespmem:v15+s0+$0x0] =	vst.idx.msk $0xffff, v14  }
0x167: {  	v14 =	vld.idx.msk [tilespmem:v16+s14+$0x0], $0xffff  }
0x168: {  	v16 =	vld [tilespmem:$0x1F940];
	_ =	sdelay $0x3  }
0x169: {  	v15 =	vor.u32 v28, v26  }
0x16a: {  	v16 =	vor.u32 v16, v5;
	_ =	sdelay $0x3  }
0x16b: {  	[tilespmem:v15+s0+$0x0] =	vst.idx.msk $0xffff, v14  }
0x16c: {  	v14 =	vld.idx.msk [tilespmem:v16+s14+$0x0], $0xffff  }
0x16d: {  	v16 =	vld [tilespmem:$0x1F950];
	_ =	sdelay $0x3  }
0x16e: {  	v15 =	vor.u32 v31, v26  }
0x16f: {  	v16 =	vor.u32 v16, v6;
	_ =	sdelay $0x3  }
0x170: {  	[tilespmem:v15+s0+$0x0] =	vst.idx.msk $0xffff, v14  }
0x171: {  	v14 =	vld.idx.msk [tilespmem:v16+s14+$0x0], $0xffff  }
0x172: {  	v16 =	vld [tilespmem:$0x1F960];
	_ =	sdelay $0x3  }
0x173: {  	v15 =	vor.u32 v33, v26  }
0x174: {  	v16 =	vor.u32 v16, v7;
	_ =	sdelay $0x3  }
0x175: {  	[tilespmem:v15+s0+$0x0] =	vst.idx.msk $0xffff, v14  }
0x176: {  	v14 =	vld.idx.msk [tilespmem:v16+s14+$0x0], $0xffff  }
0x177: {  	v16 =	vld [tilespmem:$0x1F970];
	_ =	sdelay $0x2  }
0x178: {  	v15 =	vor.u32 $0xE0, v0  }
0x179: {  	[tilespmem:$0x1F480] =	vst v15;
	v15 =	vor.u32 v15, v26  }
0x17a: {  	v16 =	vor.u32 v16, v8;
	_ =	sdelay $0x3  }
0x17b: {  	[tilespmem:v15+s0+$0x0] =	vst.idx.msk $0xffff, v14  }
0x17c: {  	v14 =	vld.idx.msk [tilespmem:v16+s14+$0x0], $0xffff  }
0x17d: {  	v16 =	vld [tilespmem:$0x1F980];
	_ =	sdelay $0x2  }
0x17e: {  	v15 =	vor.u32 $0xF0, v0  }
0x17f: {  	[tilespmem:$0x1F490] =	vst v15;
	v15 =	vor.u32 v15, v26  }
0x180: {  	v16 =	vor.u32 v16, v9;
	_ =	sdelay $0x3  }
0x181: {  	[tilespmem:v15+s0+$0x0] =	vst.idx.msk $0xffff, v14  }
0x182: {  	v14 =	vld.idx.msk [tilespmem:v16+s14+$0x0], $0xffff  }
0x183: {  	v16 =	vld [tilespmem:$0x1F990];
	_ =	sdelay $0x2  }
0x184: {  	v15 =	vor.u32 $0x480, v0  }
0x185: {  	[tilespmem:$0x1F4A0] =	vst v15;
	v15 =	vor.u32 v15, v26  }
0x186: {  	v16 =	vor.u32 v16, v10;
	_ =	sdelay $0x3  }
0x187: {  	[tilespmem:v15+s0+$0x0] =	vst.idx.msk $0xffff, v14  }
0x188: {  	v14 =	vld.idx.msk [tilespmem:v16+s14+$0x0], $0xffff  }
0x189: {  	v16 =	vld [tilespmem:$0x1F9A0];
	_ =	sdelay $0x2  }
0x18a: {  	v15 =	vor.u32 $0x490, v0  }
0x18b: {  	[tilespmem:$0x1F4B0] =	vst v15;
	v15 =	vor.u32 v15, v26  }
0x18c: {  	v16 =	vor.u32 v16, v11;
	_ =	sdelay $0x3  }
0x18d: {  	[tilespmem:v15+s0+$0x0] =	vst.idx.msk $0xffff, v14  }
0x18e: {  	v14 =	vld.idx.msk [tilespmem:v16+s14+$0x0], $0xffff  }
0x18f: {  	v16 =	vld [tilespmem:$0x1F9B0];
	_ =	sdelay $0x2  }
0x190: {  	v15 =	vor.u32 $0x4A0, v0  }
0x191: {  	[tilespmem:$0x1F4C0] =	vst v15;
	v15 =	vor.u32 v15, v26  }
0x192: {  	v16 =	vor.u32 v16, v12;
	_ =	sdelay $0x3  }
0x193: {  	[tilespmem:v15+s0+$0x0] =	vst.idx.msk $0xffff, v14  }
0x194: {  	v14 =	vld.idx.msk [tilespmem:v16+s14+$0x0], $0xffff  }
0x195: {  	v16 =	vld [tilespmem:$0x1F9C0];
	_ =	sdelay $0x2  }
0x196: {  	v15 =	vor.u32 $0x4B0, v0  }
0x197: {  	[tilespmem:$0x1F4D0] =	vst v15;
	v15 =	vor.u32 v15, v26  }
0x198: {  	v16 =	vor.u32 v16, v18;
	_ =	sdelay $0x3  }
0x199: {  	[tilespmem:v15+s0+$0x0] =	vst.idx.msk $0xffff, v14  }
0x19a: {  	v14 =	vld.idx.msk [tilespmem:v16+s14+$0x0], $0xffff  }
0x19b: {  	v16 =	vld [tilespmem:$0x1F9D0];
	_ =	sdelay $0x2  }
0x19c: {  	v15 =	vor.u32 $0x4C0, v0  }
0x19d: {  	[tilespmem:$0x1F4E0] =	vst v15;
	v15 =	vor.u32 v15, v26  }
0x19e: {  	v16 =	vor.u32 v16, v19;
	_ =	sdelay $0x3  }
0x19f: {  	[tilespmem:v15+s0+$0x0] =	vst.idx.msk $0xffff, v14;
	v15 =	vor.u32 $0x4D0, v0  }
0x1a0: {  	[tilespmem:$0x1F4F0] =	vst v15;
	v15 =	vor.u32 v15, v26;
	v14 =	vld.idx.msk [tilespmem:v16+s14+$0x0], $0xffff  }
0x1a1: {  	v16 =	vor.u32 v42, v1;
	_ =	sdelay $0x3  }
0x1a2: {  	[tilespmem:v15+s0+$0x0] =	vst.idx.msk $0xffff, v14  }
0x1a3: {  	v14 =	vld.idx.msk [tilespmem:v16+s14+$0x0], $0xffff  }
0x1a4: {  	v16 =	vld [tilespmem:$0x1F9E0];
	_ =	sdelay $0x2  }
0x1a5: {  	v15 =	vor.u32 $0x100, v0  }
0x1a6: {  	[tilespmem:$0x1F500] =	vst v15;
	v15 =	vor.u32 v15, v26  }
0x1a7: {  	v16 =	vor.u32 v16, v2;
	_ =	sdelay $0x3  }
0x1a8: {  	[tilespmem:v15+s0+$0x0] =	vst.idx.msk $0xffff, v14  }
0x1a9: {  	v14 =	vld.idx.msk [tilespmem:v16+s14+$0x0], $0xffff  }
0x1aa: {  	v16 =	vld [tilespmem:$0x1F9F0];
	_ =	sdelay $0x2  }
0x1ab: {  	v15 =	vor.u32 $0x110, v0  }
0x1ac: {  	[tilespmem:$0x1F510] =	vst v15;
	v15 =	vor.u32 v15, v26  }
0x1ad: {  	v16 =	vor.u32 v16, v3;
	_ =	sdelay $0x3  }
0x1ae: {  	[tilespmem:v15+s0+$0x0] =	vst.idx.msk $0xffff, v14  }
0x1af: {  	v14 =	vld.idx.msk [tilespmem:v16+s14+$0x0], $0xffff  }
0x1b0: {  	v16 =	vld [tilespmem:$0x1FA00];
	_ =	sdelay $0x2  }
0x1b1: {  	v15 =	vor.u32 $0x120, v0  }
0x1b2: {  	[tilespmem:$0x1F520] =	vst v15;
	v15 =	vor.u32 v15, v26  }
0x1b3: {  	v16 =	vor.u32 v16, v4;
	_ =	sdelay $0x3  }
0x1b4: {  	[tilespmem:v15+s0+$0x0] =	vst.idx.msk $0xffff, v14  }
0x1b5: {  	v14 =	vld.idx.msk [tilespmem:v16+s14+$0x0], $0xffff  }
0x1b6: {  	v16 =	vld [tilespmem:$0x1FA10];
	_ =	sdelay $0x2  }
0x1b7: {  	v15 =	vor.u32 $0x130, v0  }
0x1b8: {  	[tilespmem:$0x1F530] =	vst v15;
	v15 =	vor.u32 v15, v26  }
0x1b9: {  	v16 =	vor.u32 v16, v5;
	_ =	sdelay $0x3  }
0x1ba: {  	[tilespmem:v15+s0+$0x0] =	vst.idx.msk $0xffff, v14  }
0x1bb: {  	v14 =	vld.idx.msk [tilespmem:v16+s14+$0x0], $0xffff  }
0x1bc: {  	v16 =	vld [tilespmem:$0x1FA20];
	_ =	sdelay $0x2  }
0x1bd: {  	v15 =	vor.u32 $0x140, v0  }
0x1be: {  	[tilespmem:$0x1F540] =	vst v15;
	v15 =	vor.u32 v15, v26  }
0x1bf: {  	v16 =	vor.u32 v16, v6;
	_ =	sdelay $0x3  }
0x1c0: {  	[tilespmem:v15+s0+$0x0] =	vst.idx.msk $0xffff, v14  }
0x1c1: {  	v14 =	vld.idx.msk [tilespmem:v16+s14+$0x0], $0xffff  }
0x1c2: {  	v16 =	vld [tilespmem:$0x1FA30];
	_ =	sdelay $0x2  }
0x1c3: {  	v15 =	vor.u32 $0x150, v0  }
0x1c4: {  	[tilespmem:$0x1F550] =	vst v15;
	v15 =	vor.u32 v15, v26  }
0x1c5: {  	v16 =	vor.u32 v16, v7;
	_ =	sdelay $0x3  }
0x1c6: {  	[tilespmem:v15+s0+$0x0] =	vst.idx.msk $0xffff, v14  }
0x1c7: {  	v14 =	vld.idx.msk [tilespmem:v16+s14+$0x0], $0xffff  }
0x1c8: {  	v16 =	vld [tilespmem:$0x1FA40];
	_ =	sdelay $0x2  }
0x1c9: {  	v15 =	vor.u32 $0x160, v0  }
0x1ca: {  	[tilespmem:$0x1F560] =	vst v15;
	v15 =	vor.u32 v15, v26  }
0x1cb: {  	v16 =	vor.u32 v16, v8;
	_ =	sdelay $0x3  }
0x1cc: {  	[tilespmem:v15+s0+$0x0] =	vst.idx.msk $0xffff, v14  }
0x1cd: {  	v14 =	vld.idx.msk [tilespmem:v16+s14+$0x0], $0xffff  }
0x1ce: {  	v16 =	vld [tilespmem:$0x1FA50];
	_ =	sdelay $0x2  }
0x1cf: {  	v15 =	vor.u32 $0x170, v0  }
0x1d0: {  	[tilespmem:$0x1F570] =	vst v15;
	v15 =	vor.u32 v15, v26  }
0x1d1: {  	v16 =	vor.u32 v16, v9;
	_ =	sdelay $0x3  }
0x1d2: {  	[tilespmem:v15+s0+$0x0] =	vst.idx.msk $0xffff, v14  }
0x1d3: {  	v14 =	vld.idx.msk [tilespmem:v16+s14+$0x0], $0xffff  }
0x1d4: {  	v16 =	vld [tilespmem:$0x1FA60];
	_ =	sdelay $0x2  }
0x1d5: {  	v15 =	vor.u32 $0x500, v0  }
0x1d6: {  	[tilespmem:$0x1F580] =	vst v15;
	v15 =	vor.u32 v15, v26  }
0x1d7: {  	v16 =	vor.u32 v16, v10;
	_ =	sdelay $0x3  }
0x1d8: {  	[tilespmem:v15+s0+$0x0] =	vst.idx.msk $0xffff, v14  }
0x1d9: {  	v14 =	vld.idx.msk [tilespmem:v16+s14+$0x0], $0xffff  }
0x1da: {  	v16 =	vld [tilespmem:$0x1FA70];
	_ =	sdelay $0x2  }
0x1db: {  	v15 =	vor.u32 $0x510, v0  }
0x1dc: {  	[tilespmem:$0x1F590] =	vst v15;
	v15 =	vor.u32 v15, v26  }
0x1dd: {  	v16 =	vor.u32 v16, v11;
	_ =	sdelay $0x3  }
0x1de: {  	[tilespmem:v15+s0+$0x0] =	vst.idx.msk $0xffff, v14  }
0x1df: {  	v14 =	vld.idx.msk [tilespmem:v16+s14+$0x0], $0xffff  }
0x1e0: {  	v16 =	vld [tilespmem:$0x1FA80];
	_ =	sdelay $0x2  }
0x1e1: {  	v15 =	vor.u32 $0x520, v0  }
0x1e2: {  	[tilespmem:$0x1F5A0] =	vst v15;
	v15 =	vor.u32 v15, v26  }
0x1e3: {  	v16 =	vor.u32 v16, v12;
	_ =	sdelay $0x3  }
0x1e4: {  	[tilespmem:v15+s0+$0x0] =	vst.idx.msk $0xffff, v14  }
0x1e5: {  	v14 =	vld.idx.msk [tilespmem:v16+s14+$0x0], $0xffff  }
0x1e6: {  	v16 =	vld [tilespmem:$0x1FA90];
	_ =	sdelay $0x2  }
0x1e7: {  	v15 =	vor.u32 $0x530, v0  }
0x1e8: {  	[tilespmem:$0x1F5B0] =	vst v15;
	v15 =	vor.u32 v15, v26  }
0x1e9: {  	v16 =	vor.u32 v16, v18;
	_ =	sdelay $0x3  }
0x1ea: {  	[tilespmem:v15+s0+$0x0] =	vst.idx.msk $0xffff, v14  }
0x1eb: {  	v14 =	vld.idx.msk [tilespmem:v16+s14+$0x0], $0xffff  }
0x1ec: {  	v16 =	vld [tilespmem:$0x1FAA0];
	_ =	sdelay $0x2  }
0x1ed: {  	v15 =	vor.u32 $0x540, v0  }
0x1ee: {  	[tilespmem:$0x1F5C0] =	vst v15;
	v15 =	vor.u32 v15, v26  }
0x1ef: {  	v16 =	vor.u32 v16, v19;
	_ =	sdelay $0x3  }
0x1f0: {  	[tilespmem:v15+s0+$0x0] =	vst.idx.msk $0xffff, v14;
	v15 =	vor.u32 $0x550, v0  }
0x1f1: {  	[tilespmem:$0x1F5D0] =	vst v15;
	v15 =	vor.u32 v15, v26;
	v14 =	vld.idx.msk [tilespmem:v16+s14+$0x0], $0xffff  }
0x1f2: {  	v16 =	vor.u32 v44, v1;
	_ =	sdelay $0x3  }
0x1f3: {  	[tilespmem:v15+s0+$0x0] =	vst.idx.msk $0xffff, v14  }
0x1f4: {  	v14 =	vld.idx.msk [tilespmem:v16+s14+$0x0], $0xffff  }
0x1f5: {  	v16 =	vld [tilespmem:$0x1FAB0];
	_ =	sdelay $0x2  }
0x1f6: {  	v15 =	vor.u32 $0x180, v0  }
0x1f7: {  	[tilespmem:$0x1F5E0] =	vst v15;
	v15 =	vor.u32 v15, v26  }
0x1f8: {  	v16 =	vor.u32 v16, v2;
	_ =	sdelay $0x3  }
0x1f9: {  	[tilespmem:v15+s0+$0x0] =	vst.idx.msk $0xffff, v14  }
0x1fa: {  	v14 =	vld.idx.msk [tilespmem:v16+s14+$0x0], $0xffff  }
0x1fb: {  	v16 =	vld [tilespmem:$0x1FAC0];
	_ =	sdelay $0x2  }
0x1fc: {  	v15 =	vor.u32 $0x190, v0  }
0x1fd: {  	[tilespmem:$0x1F5F0] =	vst v15;
	v15 =	vor.u32 v15, v26  }
0x1fe: {  	v16 =	vor.u32 v16, v3;
	_ =	sdelay $0x3  }
0x1ff: {  	[tilespmem:v15+s0+$0x0] =	vst.idx.msk $0xffff, v14  }
0x200: {  	v14 =	vld.idx.msk [tilespmem:v16+s14+$0x0], $0xffff  }
0x201: {  	v16 =	vld [tilespmem:$0x1FAD0];
	_ =	sdelay $0x2  }
0x202: {  	v15 =	vor.u32 $0x1A0, v0  }
0x203: {  	[tilespmem:$0x1F600] =	vst v15;
	v15 =	vor.u32 v15, v26  }
0x204: {  	v16 =	vor.u32 v16, v4;
	_ =	sdelay $0x3  }
0x205: {  	[tilespmem:v15+s0+$0x0] =	vst.idx.msk $0xffff, v14  }
0x206: {  	v14 =	vld.idx.msk [tilespmem:v16+s14+$0x0], $0xffff  }
0x207: {  	v16 =	vld [tilespmem:$0x1FAE0];
	_ =	sdelay $0x2  }
0x208: {  	v15 =	vor.u32 $0x1B0, v0  }
0x209: {  	[tilespmem:$0x1F610] =	vst v15;
	v15 =	vor.u32 v15, v26  }
0x20a: {  	v16 =	vor.u32 v16, v5;
	_ =	sdelay $0x3  }
0x20b: {  	[tilespmem:v15+s0+$0x0] =	vst.idx.msk $0xffff, v14  }
0x20c: {  	v14 =	vld.idx.msk [tilespmem:v16+s14+$0x0], $0xffff  }
0x20d: {  	v16 =	vld [tilespmem:$0x1FAF0];
	_ =	sdelay $0x2  }
0x20e: {  	v15 =	vor.u32 $0x1C0, v0  }
0x20f: {  	[tilespmem:$0x1F620] =	vst v15;
	v15 =	vor.u32 v15, v26  }
0x210: {  	v16 =	vor.u32 v16, v6;
	_ =	sdelay $0x3  }
0x211: {  	[tilespmem:v15+s0+$0x0] =	vst.idx.msk $0xffff, v14  }
0x212: {  	v14 =	vld.idx.msk [tilespmem:v16+s14+$0x0], $0xffff  }
0x213: {  	v16 =	vld [tilespmem:$0x1FB00];
	_ =	sdelay $0x2  }
0x214: {  	v15 =	vor.u32 $0x1D0, v0  }
0x215: {  	[tilespmem:$0x1F630] =	vst v15;
	v15 =	vor.u32 v15, v26  }
0x216: {  	v16 =	vor.u32 v16, v7;
	_ =	sdelay $0x3  }
0x217: {  	[tilespmem:v15+s0+$0x0] =	vst.idx.msk $0xffff, v14  }
0x218: {  	v14 =	vld.idx.msk [tilespmem:v16+s14+$0x0], $0xffff  }
0x219: {  	v16 =	vld [tilespmem:$0x1FB10];
	_ =	sdelay $0x2  }
0x21a: {  	v15 =	vor.u32 $0x1E0, v0  }
0x21b: {  	[tilespmem:$0x1F640] =	vst v15;
	v15 =	vor.u32 v15, v26  }
0x21c: {  	v16 =	vor.u32 v16, v8;
	_ =	sdelay $0x3  }
0x21d: {  	[tilespmem:v15+s0+$0x0] =	vst.idx.msk $0xffff, v14  }
0x21e: {  	v14 =	vld.idx.msk [tilespmem:v16+s14+$0x0], $0xffff  }
0x21f: {  	v16 =	vld [tilespmem:$0x1FB20];
	_ =	sdelay $0x2  }
0x220: {  	v15 =	vor.u32 $0x1F0, v0  }
0x221: {  	[tilespmem:$0x1F650] =	vst v15;
	v15 =	vor.u32 v15, v26  }
0x222: {  	v16 =	vor.u32 v16, v9;
	_ =	sdelay $0x3  }
0x223: {  	[tilespmem:v15+s0+$0x0] =	vst.idx.msk $0xffff, v14  }
0x224: {  	v14 =	vld.idx.msk [tilespmem:v16+s14+$0x0], $0xffff  }
0x225: {  	v16 =	vld [tilespmem:$0x1FB30];
	_ =	sdelay $0x2  }
0x226: {  	v15 =	vor.u32 $0x580, v0  }
0x227: {  	[tilespmem:$0x1F660] =	vst v15;
	v15 =	vor.u32 v15, v26  }
0x228: {  	v16 =	vor.u32 v16, v10;
	_ =	sdelay $0x3  }
0x229: {  	[tilespmem:v15+s0+$0x0] =	vst.idx.msk $0xffff, v14  }
0x22a: {  	v14 =	vld.idx.msk [tilespmem:v16+s14+$0x0], $0xffff  }
0x22b: {  	v16 =	vld [tilespmem:$0x1FB40];
	_ =	sdelay $0x2  }
0x22c: {  	v15 =	vor.u32 $0x590, v0  }
0x22d: {  	[tilespmem:$0x1F670] =	vst v15;
	v15 =	vor.u32 v15, v26  }
0x22e: {  	v16 =	vor.u32 v16, v11;
	_ =	sdelay $0x3  }
0x22f: {  	[tilespmem:v15+s0+$0x0] =	vst.idx.msk $0xffff, v14  }
0x230: {  	v14 =	vld.idx.msk [tilespmem:v16+s14+$0x0], $0xffff  }
0x231: {  	v16 =	vld [tilespmem:$0x1FB50];
	_ =	sdelay $0x2  }
0x232: {  	v15 =	vor.u32 $0x5A0, v0  }
0x233: {  	[tilespmem:$0x1F680] =	vst v15;
	v15 =	vor.u32 v15, v26  }
0x234: {  	v16 =	vor.u32 v16, v12;
	_ =	sdelay $0x3  }
0x235: {  	[tilespmem:v15+s0+$0x0] =	vst.idx.msk $0xffff, v14  }
0x236: {  	v14 =	vld.idx.msk [tilespmem:v16+s14+$0x0], $0xffff  }
0x237: {  	v16 =	vld [tilespmem:$0x1FB60];
	_ =	sdelay $0x2  }
0x238: {  	v15 =	vor.u32 $0x5B0, v0  }
0x239: {  	[tilespmem:$0x1F690] =	vst v15;
	v15 =	vor.u32 v15, v26  }
0x23a: {  	v16 =	vor.u32 v16, v18;
	_ =	sdelay $0x3  }
0x23b: {  	[tilespmem:v15+s0+$0x0] =	vst.idx.msk $0xffff, v14  }
0x23c: {  	v14 =	vld.idx.msk [tilespmem:v16+s14+$0x0], $0xffff  }
0x23d: {  	v16 =	vld [tilespmem:$0x1FB70];
	_ =	sdelay $0x2  }
0x23e: {  	v15 =	vor.u32 $0x5C0, v0  }
0x23f: {  	[tilespmem:$0x1F6A0] =	vst v15;
	v15 =	vor.u32 v15, v26  }
0x240: {  	v16 =	vor.u32 v16, v19;
	_ =	sdelay $0x3  }
0x241: {  	[tilespmem:v15+s0+$0x0] =	vst.idx.msk $0xffff, v14;
	v15 =	vor.u32 $0x5D0, v0  }
0x242: {  	[tilespmem:$0x1F6B0] =	vst v15;
	v15 =	vor.u32 v15, v26;
	v14 =	vld.idx.msk [tilespmem:v16+s14+$0x0], $0xffff  }
0x243: {  	v16 =	vor.u32 v46, v1;
	_ =	sdelay $0x3  }
0x244: {  	[tilespmem:v15+s0+$0x0] =	vst.idx.msk $0xffff, v14  }
0x245: {  	v14 =	vld.idx.msk [tilespmem:v16+s14+$0x0], $0xffff  }
0x246: {  	v16 =	vld [tilespmem:$0x1FB80];
	_ =	sdelay $0x2  }
0x247: {  	v15 =	vor.u32 $0x200, v0  }
0x248: {  	[tilespmem:$0x1F6C0] =	vst v15;
	v15 =	vor.u32 v15, v26  }
0x249: {  	v16 =	vor.u32 v16, v2;
	_ =	sdelay $0x3  }
0x24a: {  	[tilespmem:v15+s0+$0x0] =	vst.idx.msk $0xffff, v14  }
0x24b: {  	v14 =	vld.idx.msk [tilespmem:v16+s14+$0x0], $0xffff  }
0x24c: {  	v16 =	vld [tilespmem:$0x1FB90];
	_ =	sdelay $0x2  }
0x24d: {  	v15 =	vor.u32 $0x210, v0  }
0x24e: {  	[tilespmem:$0x1F6D0] =	vst v15;
	v15 =	vor.u32 v15, v26  }
0x24f: {  	v16 =	vor.u32 v16, v3;
	_ =	sdelay $0x3  }
0x250: {  	[tilespmem:v15+s0+$0x0] =	vst.idx.msk $0xffff, v14  }
0x251: {  	v14 =	vld.idx.msk [tilespmem:v16+s14+$0x0], $0xffff  }
0x252: {  	v16 =	vld [tilespmem:$0x1FBA0];
	_ =	sdelay $0x2  }
0x253: {  	v15 =	vor.u32 $0x220, v0  }
0x254: {  	[tilespmem:$0x1F6E0] =	vst v15;
	v15 =	vor.u32 v15, v26  }
0x255: {  	v16 =	vor.u32 v16, v4;
	_ =	sdelay $0x3  }
0x256: {  	[tilespmem:v15+s0+$0x0] =	vst.idx.msk $0xffff, v14  }
0x257: {  	v14 =	vld.idx.msk [tilespmem:v16+s14+$0x0], $0xffff  }
0x258: {  	v16 =	vld [tilespmem:$0x1FBB0];
	_ =	sdelay $0x2  }
0x259: {  	v15 =	vor.u32 $0x230, v0  }
0x25a: {  	[tilespmem:$0x1F6F0] =	vst v15;
	v15 =	vor.u32 v15, v26  }
0x25b: {  	v16 =	vor.u32 v16, v5;
	_ =	sdelay $0x3  }
0x25c: {  	[tilespmem:v15+s0+$0x0] =	vst.idx.msk $0xffff, v14  }
0x25d: {  	v14 =	vld.idx.msk [tilespmem:v16+s14+$0x0], $0xffff  }
0x25e: {  	v16 =	vld [tilespmem:$0x1FBC0];
	_ =	sdelay $0x2  }
0x25f: {  	v15 =	vor.u32 $0x240, v0  }
0x260: {  	[tilespmem:$0x1F700] =	vst v15;
	v15 =	vor.u32 v15, v26  }
0x261: {  	v16 =	vor.u32 v16, v6;
	_ =	sdelay $0x3  }
0x262: {  	[tilespmem:v15+s0+$0x0] =	vst.idx.msk $0xffff, v14  }
0x263: {  	v14 =	vld.idx.msk [tilespmem:v16+s14+$0x0], $0xffff  }
0x264: {  	v16 =	vld [tilespmem:$0x1FBD0];
	_ =	sdelay $0x2  }
0x265: {  	v15 =	vor.u32 $0x250, v0  }
0x266: {  	[tilespmem:$0x1F710] =	vst v15;
	v15 =	vor.u32 v15, v26  }
0x267: {  	v16 =	vor.u32 v16, v7;
	_ =	sdelay $0x3  }
0x268: {  	[tilespmem:v15+s0+$0x0] =	vst.idx.msk $0xffff, v14  }
0x269: {  	v14 =	vld.idx.msk [tilespmem:v16+s14+$0x0], $0xffff  }
0x26a: {  	v16 =	vld [tilespmem:$0x1FBE0];
	_ =	sdelay $0x2  }
0x26b: {  	v15 =	vor.u32 $0x260, v0  }
0x26c: {  	[tilespmem:$0x1F720] =	vst v15;
	v15 =	vor.u32 v15, v26  }
0x26d: {  	v16 =	vor.u32 v16, v8;
	_ =	sdelay $0x3  }
0x26e: {  	[tilespmem:v15+s0+$0x0] =	vst.idx.msk $0xffff, v14  }
0x26f: {  	v14 =	vld.idx.msk [tilespmem:v16+s14+$0x0], $0xffff  }
0x270: {  	v16 =	vld [tilespmem:$0x1FBF0];
	_ =	sdelay $0x2  }
0x271: {  	v15 =	vor.u32 $0x270, v0  }
0x272: {  	[tilespmem:$0x1F730] =	vst v15;
	v15 =	vor.u32 v15, v26  }
0x273: {  	v16 =	vor.u32 v16, v9;
	_ =	sdelay $0x3  }
0x274: {  	[tilespmem:v15+s0+$0x0] =	vst.idx.msk $0xffff, v14  }
0x275: {  	v14 =	vld.idx.msk [tilespmem:v16+s14+$0x0], $0xffff  }
0x276: {  	v16 =	vld [tilespmem:$0x1FC00];
	_ =	sdelay $0x2  }
0x277: {  	v15 =	vor.u32 $0x600, v0  }
0x278: {  	[tilespmem:$0x1F740] =	vst v15;
	v15 =	vor.u32 v15, v26  }
0x279: {  	v16 =	vor.u32 v16, v10;
	_ =	sdelay $0x3  }
0x27a: {  	[tilespmem:v15+s0+$0x0] =	vst.idx.msk $0xffff, v14  }
0x27b: {  	v14 =	vld.idx.msk [tilespmem:v16+s14+$0x0], $0xffff  }
0x27c: {  	v16 =	vld [tilespmem:$0x1FC10];
	_ =	sdelay $0x2  }
0x27d: {  	v15 =	vor.u32 $0x610, v0  }
0x27e: {  	[tilespmem:$0x1F750] =	vst v15;
	v15 =	vor.u32 v15, v26  }
0x27f: {  	v16 =	vor.u32 v16, v11;
	_ =	sdelay $0x3  }
0x280: {  	[tilespmem:v15+s0+$0x0] =	vst.idx.msk $0xffff, v14  }
0x281: {  	v14 =	vld.idx.msk [tilespmem:v16+s14+$0x0], $0xffff  }
0x282: {  	v16 =	vld [tilespmem:$0x1FC20];
	_ =	sdelay $0x2  }
0x283: {  	v15 =	vor.u32 $0x620, v0  }
0x284: {  	[tilespmem:$0x1F760] =	vst v15;
	v15 =	vor.u32 v15, v26  }
0x285: {  	v16 =	vor.u32 v16, v12;
	_ =	sdelay $0x3  }
0x286: {  	[tilespmem:v15+s0+$0x0] =	vst.idx.msk $0xffff, v14  }
0x287: {  	v14 =	vld.idx.msk [tilespmem:v16+s14+$0x0], $0xffff  }
0x288: {  	v16 =	vld [tilespmem:$0x1FC30];
	_ =	sdelay $0x2  }
0x289: {  	v15 =	vor.u32 $0x630, v0  }
0x28a: {  	[tilespmem:$0x1F770] =	vst v15;
	v15 =	vor.u32 v15, v26  }
0x28b: {  	v16 =	vor.u32 v16, v18;
	_ =	sdelay $0x3  }
0x28c: {  	[tilespmem:v15+s0+$0x0] =	vst.idx.msk $0xffff, v14  }
0x28d: {  	v14 =	vld.idx.msk [tilespmem:v16+s14+$0x0], $0xffff  }
0x28e: {  	v16 =	vld [tilespmem:$0x1FC40];
	_ =	sdelay $0x2  }
0x28f: {  	v15 =	vor.u32 $0x640, v0  }
0x290: {  	[tilespmem:$0x1F780] =	vst v15;
	v15 =	vor.u32 v15, v26  }
0x291: {  	v16 =	vor.u32 v16, v19;
	_ =	sdelay $0x3  }
0x292: {  	[tilespmem:v15+s0+$0x0] =	vst.idx.msk $0xffff, v14  }
0x293: {  	v14 =	vld.idx.msk [tilespmem:v16+s14+$0x0], $0xffff  }
0x294: {  	v16 =	vld [tilespmem:$0x1F810];
	_ =	sdelay $0x2  }
0x295: {  	v15 =	vor.u32 $0x650, v0  }
0x296: {  	[tilespmem:$0x1F790] =	vst v15;
	v15 =	vor.u32 v15, v26  }
0x297: {  	v16 =	vor.u32 v16, v1;
	_ =	sdelay $0x3  }
0x298: {  	[tilespmem:v15+s0+$0x0] =	vst.idx.msk $0xffff, v14  }
0x299: {  	v14 =	vld.idx.msk [tilespmem:v16+s14+$0x0], $0xffff  }
0x29a: {  	v16 =	vld [tilespmem:$0x1FC50];
	_ =	sdelay $0x2  }
0x29b: {  	v15 =	vor.u32 $0x280, v0  }
0x29c: {  	[tilespmem:$0x1F7A0] =	vst v15;
	v15 =	vor.u32 v15, v26  }
0x29d: {  	v16 =	vor.u32 v16, v2;
	_ =	sdelay $0x3  }
0x29e: {  	[tilespmem:v15+s0+$0x0] =	vst.idx.msk $0xffff, v14  }
0x29f: {  	v14 =	vld.idx.msk [tilespmem:v16+s14+$0x0], $0xffff  }
0x2a0: {  	v16 =	vld [tilespmem:$0x1FC60];
	_ =	sdelay $0x2  }
0x2a1: {  	v15 =	vor.u32 $0x290, v0  }
0x2a2: {  	[tilespmem:$0x1F7B0] =	vst v15;
	v15 =	vor.u32 v15, v26  }
0x2a3: {  	v16 =	vor.u32 v16, v3;
	_ =	sdelay $0x3  }
0x2a4: {  	[tilespmem:v15+s0+$0x0] =	vst.idx.msk $0xffff, v14  }
0x2a5: {  	v14 =	vld.idx.msk [tilespmem:v16+s14+$0x0], $0xffff  }
0x2a6: {  	v16 =	vld [tilespmem:$0x1FC70];
	_ =	sdelay $0x2  }
0x2a7: {  	v15 =	vor.u32 $0x2A0, v0  }
0x2a8: {  	[tilespmem:$0x1F7C0] =	vst v15;
	v15 =	vor.u32 v15, v26  }
0x2a9: {  	v16 =	vor.u32 v16, v4;
	_ =	sdelay $0x3  }
0x2aa: {  	[tilespmem:v15+s0+$0x0] =	vst.idx.msk $0xffff, v14  }
0x2ab: {  	v14 =	vld.idx.msk [tilespmem:v16+s14+$0x0], $0xffff  }
0x2ac: {  	v16 =	vld [tilespmem:$0x1FC80];
	_ =	sdelay $0x2  }
0x2ad: {  	v15 =	vor.u32 $0x2B0, v0  }
0x2ae: {  	[tilespmem:$0x1F7D0] =	vst v15;
	v15 =	vor.u32 v15, v26  }
0x2af: {  	v16 =	vor.u32 v16, v5;
	_ =	sdelay $0x3  }
0x2b0: {  	[tilespmem:v15+s0+$0x0] =	vst.idx.msk $0xffff, v14  }
0x2b1: {  	v14 =	vld.idx.msk [tilespmem:v16+s14+$0x0], $0xffff  }
0x2b2: {  	v16 =	vld [tilespmem:$0x1FC90];
	_ =	sdelay $0x2  }
0x2b3: {  	v15 =	vor.u32 $0x2C0, v0  }
0x2b4: {  	[tilespmem:$0x1F7E0] =	vst v15;
	v15 =	vor.u32 v15, v26  }
0x2b5: {  	v16 =	vor.u32 v16, v6;
	_ =	sdelay $0x3  }
0x2b6: {  	[tilespmem:v15+s0+$0x0] =	vst.idx.msk $0xffff, v14  }
0x2b7: {  	v14 =	vld.idx.msk [tilespmem:v16+s14+$0x0], $0xffff  }
0x2b8: {  	v16 =	vld [tilespmem:$0x1FCA0];
	_ =	sdelay $0x2  }
0x2b9: {  	v15 =	vor.u32 $0x2D0, v0  }
0x2ba: {  	[tilespmem:$0x1F7F0] =	vst v15;
	v15 =	vor.u32 v15, v26  }
0x2bb: {  	v16 =	vor.u32 v16, v7;
	_ =	sdelay $0x3  }
0x2bc: {  	[tilespmem:v15+s0+$0x0] =	vst.idx.msk $0xffff, v14  }
0x2bd: {  	v14 =	vld.idx.msk [tilespmem:v16+s14+$0x0], $0xffff  }
0x2be: {  	v16 =	vld [tilespmem:$0x1FCB0];
	_ =	sdelay $0x2  }
0x2bf: {  	v15 =	vor.u32 $0x2E0, v0  }
0x2c0: {  	[tilespmem:$0x1F800] =	vst v15;
	v15 =	vor.u32 v15, v26  }
0x2c1: {  	v16 =	vor.u32 v16, v8;
	_ =	sdelay $0x3  }
0x2c2: {  	[tilespmem:v15+s0+$0x0] =	vst.idx.msk $0xffff, v14  }
0x2c3: {  	v14 =	vld.idx.msk [tilespmem:v16+s14+$0x0], $0xffff  }
0x2c4: {  	v16 =	vld [tilespmem:$0x1FCC0];
	_ =	sdelay $0x2  }
0x2c5: {  	v39 =	vor.u32 $0x2F0, v0  }
0x2c6: {  	v15 =	vor.u32 v39, v26  }
0x2c7: {  	v16 =	vor.u32 v16, v9;
	_ =	sdelay $0x3  }
0x2c8: {  	[tilespmem:v15+s0+$0x0] =	vst.idx.msk $0xffff, v14  }
0x2c9: {  	v14 =	vld.idx.msk [tilespmem:v16+s14+$0x0], $0xffff  }
0x2ca: {  	v16 =	vld [tilespmem:$0x1FCD0];
	_ =	sdelay $0x2  }
0x2cb: {  	v41 =	vor.u32 $0x680, v0  }
0x2cc: {  	v15 =	vor.u32 v41, v26  }
0x2cd: {  	v16 =	vor.u32 v16, v10;
	_ =	sdelay $0x3  }
0x2ce: {  	[tilespmem:v15+s0+$0x0] =	vst.idx.msk $0xffff, v14  }
0x2cf: {  	v14 =	vld.idx.msk [tilespmem:v16+s14+$0x0], $0xffff  }
0x2d0: {  	v16 =	vld [tilespmem:$0x1FCE0];
	_ =	sdelay $0x2  }
0x2d1: {  	v43 =	vor.u32 $0x690, v0  }
0x2d2: {  	v15 =	vor.u32 v43, v26  }
0x2d3: {  	v16 =	vor.u32 v16, v11;
	_ =	sdelay $0x3  }
0x2d4: {  	[tilespmem:v15+s0+$0x0] =	vst.idx.msk $0xffff, v14  }
0x2d5: {  	v14 =	vld.idx.msk [tilespmem:v16+s14+$0x0], $0xffff  }
0x2d6: {  	v16 =	vld [tilespmem:$0x1FCF0];
	_ =	sdelay $0x2  }
0x2d7: {  	v45 =	vor.u32 $0x6A0, v0  }
0x2d8: {  	v15 =	vor.u32 v45, v26  }
0x2d9: {  	v16 =	vor.u32 v16, v12;
	_ =	sdelay $0x3  }
0x2da: {  	[tilespmem:v15+s0+$0x0] =	vst.idx.msk $0xffff, v14  }
0x2db: {  	v14 =	vld.idx.msk [tilespmem:v16+s14+$0x0], $0xffff  }
0x2dc: {  	v16 =	vld [tilespmem:$0x1FD00];
	_ =	sdelay $0x2  }
0x2dd: {  	v47 =	vor.u32 $0x6B0, v0  }
0x2de: {  	v15 =	vor.u32 v47, v26  }
0x2df: {  	v16 =	vor.u32 v16, v18;
	_ =	sdelay $0x3  }
0x2e0: {  	[tilespmem:v15+s0+$0x0] =	vst.idx.msk $0xffff, v14  }
0x2e1: {  	v14 =	vld.idx.msk [tilespmem:v16+s14+$0x0], $0xffff  }
0x2e2: {  	v16 =	vld [tilespmem:$0x1FD10];
	_ =	sdelay $0x2  }
0x2e3: {  	v49 =	vor.u32 $0x6C0, v0  }
0x2e4: {  	v15 =	vor.u32 v49, v26  }
0x2e5: {  	v16 =	vor.u32 v16, v19;
	_ =	sdelay $0x3  }
0x2e6: {  	[tilespmem:v15+s0+$0x0] =	vst.idx.msk $0xffff, v14  }
0x2e7: {  	v14 =	vld.idx.msk [tilespmem:v16+s14+$0x0], $0xffff  }
0x2e8: {  	v16 =	vld [tilespmem:$0x1F820];
	_ =	sdelay $0x2  }
0x2e9: {  	v51 =	vor.u32 $0x6D0, v0  }
0x2ea: {  	v15 =	vor.u32 v51, v26  }
0x2eb: {  	v16 =	vor.u32 v16, v1;
	_ =	sdelay $0x3  }
0x2ec: {  	[tilespmem:v15+s0+$0x0] =	vst.idx.msk $0xffff, v14  }
0x2ed: {  	v14 =	vld.idx.msk [tilespmem:v16+s14+$0x0], $0xffff  }
0x2ee: {  	v16 =	vld [tilespmem:$0x1FD20];
	_ =	sdelay $0x2  }
0x2ef: {  	v52 =	vor.u32 $0x300, v0  }
0x2f0: {  	v15 =	vor.u32 v52, v26  }
0x2f1: {  	v16 =	vor.u32 v16, v2;
	_ =	sdelay $0x3  }
0x2f2: {  	[tilespmem:v15+s0+$0x0] =	vst.idx.msk $0xffff, v14  }
0x2f3: {  	v14 =	vld.idx.msk [tilespmem:v16+s14+$0x0], $0xffff  }
0x2f4: {  	v16 =	vld [tilespmem:$0x1FD30];
	_ =	sdelay $0x2  }
0x2f5: {  	v53 =	vor.u32 $0x310, v0  }
0x2f6: {  	v15 =	vor.u32 v53, v26  }
0x2f7: {  	v16 =	vor.u32 v16, v3;
	_ =	sdelay $0x3  }
0x2f8: {  	[tilespmem:v15+s0+$0x0] =	vst.idx.msk $0xffff, v14  }
0x2f9: {  	v14 =	vld.idx.msk [tilespmem:v16+s14+$0x0], $0xffff  }
0x2fa: {  	v16 =	vld [tilespmem:$0x1FD40];
	_ =	sdelay $0x2  }
0x2fb: {  	v54 =	vor.u32 $0x320, v0  }
0x2fc: {  	v15 =	vor.u32 v54, v26  }
0x2fd: {  	v16 =	vor.u32 v16, v4;
	_ =	sdelay $0x3  }
0x2fe: {  	[tilespmem:v15+s0+$0x0] =	vst.idx.msk $0xffff, v14  }
0x2ff: {  	v14 =	vld.idx.msk [tilespmem:v16+s14+$0x0], $0xffff  }
0x300: {  	v16 =	vld [tilespmem:$0x1FD50];
	_ =	sdelay $0x2  }
0x301: {  	v55 =	vor.u32 $0x330, v0  }
0x302: {  	v15 =	vor.u32 v55, v26  }
0x303: {  	v16 =	vor.u32 v16, v5;
	_ =	sdelay $0x3  }
0x304: {  	[tilespmem:v15+s0+$0x0] =	vst.idx.msk $0xffff, v14  }
0x305: {  	v14 =	vld.idx.msk [tilespmem:v16+s14+$0x0], $0xffff  }
0x306: {  	v16 =	vld [tilespmem:$0x1FD60];
	_ =	sdelay $0x2  }
0x307: {  	v56 =	vor.u32 $0x340, v0  }
0x308: {  	v15 =	vor.u32 v56, v26  }
0x309: {  	v16 =	vor.u32 v16, v6;
	_ =	sdelay $0x3  }
0x30a: {  	[tilespmem:v15+s0+$0x0] =	vst.idx.msk $0xffff, v14  }
0x30b: {  	v14 =	vld.idx.msk [tilespmem:v16+s14+$0x0], $0xffff  }
0x30c: {  	v16 =	vld [tilespmem:$0x1FD70];
	_ =	sdelay $0x2  }
0x30d: {  	v57 =	vor.u32 $0x350, v0  }
0x30e: {  	v15 =	vor.u32 v57, v26  }
0x30f: {  	v16 =	vor.u32 v16, v7;
	_ =	sdelay $0x3  }
0x310: {  	[tilespmem:v15+s0+$0x0] =	vst.idx.msk $0xffff, v14  }
0x311: {  	v14 =	vld.idx.msk [tilespmem:v16+s14+$0x0], $0xffff  }
0x312: {  	v16 =	vld [tilespmem:$0x1FD80];
	_ =	sdelay $0x2  }
0x313: {  	v58 =	vor.u32 $0x360, v0  }
0x314: {  	v15 =	vor.u32 v58, v26  }
0x315: {  	v16 =	vor.u32 v16, v8;
	_ =	sdelay $0x3  }
0x316: {  	[tilespmem:v15+s0+$0x0] =	vst.idx.msk $0xffff, v14  }
0x317: {  	v14 =	vld.idx.msk [tilespmem:v16+s14+$0x0], $0xffff  }
0x318: {  	v16 =	vld [tilespmem:$0x1FD90];
	_ =	sdelay $0x2  }
0x319: {  	v59 =	vor.u32 $0x370, v0  }
0x31a: {  	v15 =	vor.u32 v59, v26  }
0x31b: {  	v16 =	vor.u32 v16, v9;
	_ =	sdelay $0x3  }
0x31c: {  	[tilespmem:v15+s0+$0x0] =	vst.idx.msk $0xffff, v14  }
0x31d: {  	v14 =	vld.idx.msk [tilespmem:v16+s14+$0x0], $0xffff  }
0x31e: {  	v16 =	vld [tilespmem:$0x1FDA0];
	_ =	sdelay $0x2  }
0x31f: {  	v60 =	vor.u32 $0x700, v0  }
0x320: {  	v15 =	vor.u32 v60, v26  }
0x321: {  	v16 =	vor.u32 v16, v10;
	_ =	sdelay $0x3  }
0x322: {  	[tilespmem:v15+s0+$0x0] =	vst.idx.msk $0xffff, v14  }
0x323: {  	v14 =	vld.idx.msk [tilespmem:v16+s14+$0x0], $0xffff  }
0x324: {  	v16 =	vld [tilespmem:$0x1FDB0];
	_ =	sdelay $0x2  }
0x325: {  	v61 =	vor.u32 $0x710, v0  }
0x326: {  	v15 =	vor.u32 v61, v26  }
0x327: {  	v16 =	vor.u32 v16, v11;
	_ =	sdelay $0x3  }
0x328: {  	[tilespmem:v15+s0+$0x0] =	vst.idx.msk $0xffff, v14  }
0x329: {  	v14 =	vld.idx.msk [tilespmem:v16+s14+$0x0], $0xffff  }
0x32a: {  	v16 =	vld [tilespmem:$0x1FDC0];
	_ =	sdelay $0x2  }
0x32b: {  	v62 =	vor.u32 $0x720, v0  }
0x32c: {  	v15 =	vor.u32 v62, v26  }
0x32d: {  	v16 =	vor.u32 v16, v12;
	_ =	sdelay $0x3  }
0x32e: {  	[tilespmem:v15+s0+$0x0] =	vst.idx.msk $0xffff, v14  }
0x32f: {  	v14 =	vld.idx.msk [tilespmem:v16+s14+$0x0], $0xffff  }
0x330: {  	v16 =	vld [tilespmem:$0x1FDD0];
	_ =	sdelay $0x2  }
0x331: {  	v63 =	vor.u32 $0x730, v0  }
0x332: {  	v15 =	vor.u32 v63, v26  }
0x333: {  	v17 =	vor.u32 v16, v18;
	_ =	sdelay $0x3  }
0x334: {  	[tilespmem:v15+s0+$0x0] =	vst.idx.msk $0xffff, v14  }
0x335: {  	v14 =	vld.idx.msk [tilespmem:v17+s14+$0x0], $0xffff  }
0x336: {  	v17 =	vld [tilespmem:$0x1FDE0];
	_ =	sdelay $0x2  }
0x337: {  	v16 =	vor.u32 $0x740, v0  }
0x338: {  	v15 =	vor.u32 v16, v26  }
0x339: {  	v17 =	vor.u32 v17, v19  }
0x33a: {  	v50 =	vld [tilespmem:$0x1F830];
	_ =	sdelay $0x2  }
0x33b: {  	[tilespmem:v15+s0+$0x0] =	vst.idx.msk $0xffff, v14;
	v14 =	vor.u32 $0x750, v0  }
0x33c: {  	v15 =	vld.idx.msk [tilespmem:v17+s14+$0x0], $0xffff;
	v17 =	vor.u32 v14, v26  }
0x33d: {  	v1 =	vor.u32 v50, v1  }
0x33e: {  	v50 =	vmov v34;
	v34 =	vld [tilespmem:$0x1FDF0];
	_ =	sdelay $0x2  }
0x33f: {  	[tilespmem:v17+s0+$0x0] =	vst.idx.msk $0xffff, v15;
	v15 =	vor.u32 $0x380, v0  }
0x340: {  	v1 =	vld.idx.msk [tilespmem:v1+s14+$0x0], $0xffff;
	v17 =	vor.u32 v15, v26  }
0x341: {  	v2 =	vor.u32 v34, v2  }
0x342: {  	v34 =	vld [tilespmem:$0x1FE10];
	_ =	sdelay $0x2  }
0x343: {  	[tilespmem:v17+s0+$0x0] =	vst.idx.msk $0xffff, v1;
	v1 =	vor.u32 $0x390, v0  }
0x344: {  	v2 =	vld.idx.msk [tilespmem:v2+s14+$0x0], $0xffff;
	v17 =	vor.u32 v1, v26  }
0x345: {  	v3 =	vor.u32 v34, v3  }
0x346: {  	v34 =	vld [tilespmem:$0x1FE30];
	_ =	sdelay $0x2  }
0x347: {  	[tilespmem:v17+s0+$0x0] =	vst.idx.msk $0xffff, v2;
	v2 =	vor.u32 $0x3A0, v0  }
0x348: {  	v3 =	vld.idx.msk [tilespmem:v3+s14+$0x0], $0xffff;
	v17 =	vor.u32 v2, v26  }
0x349: {  	v4 =	vor.u32 v34, v4  }
0x34a: {  	v34 =	vld [tilespmem:$0x1FE50];
	_ =	sdelay $0x2  }
0x34b: {  	[tilespmem:v17+s0+$0x0] =	vst.idx.msk $0xffff, v3;
	v3 =	vor.u32 $0x3B0, v0  }
0x34c: {  	v4 =	vld.idx.msk [tilespmem:v4+s14+$0x0], $0xffff;
	v17 =	vor.u32 v3, v26  }
0x34d: {  	v5 =	vor.u32 v34, v5  }
0x34e: {  	v34 =	vld [tilespmem:$0x1FE70];
	_ =	sdelay $0x2  }
0x34f: {  	[tilespmem:v17+s0+$0x0] =	vst.idx.msk $0xffff, v4;
	v4 =	vor.u32 $0x3C0, v0  }
0x350: {  	v5 =	vld.idx.msk [tilespmem:v5+s14+$0x0], $0xffff;
	v17 =	vor.u32 v4, v26  }
0x351: {  	v6 =	vor.u32 v34, v6  }
0x352: {  	v34 =	vld [tilespmem:$0x1FE90];
	_ =	sdelay $0x2  }
0x353: {  	[tilespmem:v17+s0+$0x0] =	vst.idx.msk $0xffff, v5;
	v5 =	vor.u32 $0x3D0, v0  }
0x354: {  	v6 =	vld.idx.msk [tilespmem:v6+s14+$0x0], $0xffff;
	v17 =	vor.u32 v5, v26  }
0x355: {  	v7 =	vor.u32 v34, v7  }
0x356: {  	v34 =	vld [tilespmem:$0x1FEB0];
	_ =	sdelay $0x2  }
0x357: {  	[tilespmem:v17+s0+$0x0] =	vst.idx.msk $0xffff, v6;
	v6 =	vor.u32 $0x3E0, v0  }
0x358: {  	v7 =	vld.idx.msk [tilespmem:v7+s14+$0x0], $0xffff;
	v17 =	vor.u32 v6, v26  }
0x359: {  	v8 =	vor.u32 v34, v8  }
0x35a: {  	v34 =	vld [tilespmem:$0x1FED0];
	_ =	sdelay $0x2  }
0x35b: {  	[tilespmem:v17+s0+$0x0] =	vst.idx.msk $0xffff, v7;
	v17 =	vor.u32 $0x3F0, v0  }
0x35c: {  	v7 =	vld.idx.msk [tilespmem:v8+s14+$0x0], $0xffff;
	v8 =	vor.u32 v17, v26  }
0x35d: {  	v9 =	vor.u32 v34, v9  }
0x35e: {  	v34 =	vld [tilespmem:$0x1FEF0];
	_ =	sdelay $0x2  }
0x35f: {  	[tilespmem:v8+s0+$0x0] =	vst.idx.msk $0xffff, v7;
	v7 =	vor.u32 $0x780, v0  }
0x360: {  	v8 =	vld.idx.msk [tilespmem:v9+s14+$0x0], $0xffff;
	v9 =	vor.u32 v7, v26  }
0x361: {  	v10 =	vor.u32 v34, v10  }
0x362: {  	v34 =	vld [tilespmem:$0x1FF10];
	_ =	sdelay $0x2  }
0x363: {  	[tilespmem:v9+s0+$0x0] =	vst.idx.msk $0xffff, v8;
	v8 =	vor.u32 $0x790, v0  }
0x364: {  	v9 =	vld.idx.msk [tilespmem:v10+s14+$0x0], $0xffff;
	v10 =	vor.u32 v8, v26  }
0x365: {  	v11 =	vor.u32 v34, v11  }
0x366: {  	v34 =	vld [tilespmem:$0x1FF30];
	_ =	sdelay $0x2  }
0x367: {  	[tilespmem:v10+s0+$0x0] =	vst.idx.msk $0xffff, v9;
	v9 =	vor.u32 $0x7A0, v0  }
0x368: {  	v10 =	vld.idx.msk [tilespmem:v11+s14+$0x0], $0xffff;
	v11 =	vor.u32 v9, v26  }
0x369: {  	v12 =	vor.u32 v34, v12  }
0x36a: {  	v34 =	vld [tilespmem:$0x1FF50];
	_ =	sdelay $0x2  }
0x36b: {  	[tilespmem:v11+s0+$0x0] =	vst.idx.msk $0xffff, v10;
	v10 =	vor.u32 $0x7B0, v0  }
0x36c: {  	v11 =	vld.idx.msk [tilespmem:v12+s14+$0x0], $0xffff;
	v12 =	vor.u32 v10, v26  }
0x36d: {  	v18 =	vor.u32 v34, v18;
	_ =	sdelay $0x3  }
0x36e: {  	[tilespmem:v12+s0+$0x0] =	vst.idx.msk $0xffff, v11;
	v11 =	vor.u32 $0x7C0, v0  }
0x36f: {  	v12 =	vld.idx.msk [tilespmem:v18+s14+$0x0], $0xffff;
	v18 =	vor.u32 v11, v26  }
0x370: {  	v19 =	vor.u32 v50, v19;
	_ =	sdelay $0x3  }
0x371: {  	[tilespmem:v18+s0+$0x0] =	vst.idx.msk $0xffff, v12;
	v12 =	vor.u32 $0x7D0, v0  }
0x372: {  	p0 =	sne.s32 s1, $0x1;
	v18 =	vld.idx.msk [tilespmem:v19+s14+$0x0], $0xffff;
	v19 =	vor.u32 v12, v26  }
.Ltmp0:
0x373: {  	_ = 	snop;
	(pc) =	sbr.rel @p0 .LBB2_2-.Ltmp0, $3  }
0x374: {  	_ =	sdelay $0x1  }
0x375: {  	v48 =	vmov v36  }
0x376: {  	v13 =	vadd.s32 $0x8, v13;
	s1 =	sadd.s32 $0xFFFFFFFF, s1;
	v36 =	vmov v48;
	v34 =	vmov v50;
	[tilespmem:v19+s0+$0x0] =	vst.idx.msk $0xffff, v18  }
0x377: {  	[hbm4b:s8+s3] =	stream.linear.scatter [tilespmem:s0], [sflag:$0x2], $0x3800, $0x38;
	[tilespmem:$0x15180] =	vst v63  }
0x378: {  	_ =	swait.ge [sflag:s6], $0x7000  }
0x379: {  	[sflag:s6] =	ssyncset.done $0x0  }
0x37a: {  	[sflag:s6] =	ssyncadd.s32 $0xFFFF9000  }
0x37b: {  	v13 =	vld [tilespmem:$0x70];
	_ =	sdelay $0x2  }
0x37c: {  	v19 =	vld [tilespmem:$0x1FF70];
	_ =	sdelay $0x1  }
0x37d: {  	v18 =	vshll.u32 v13, $0x2  }
0x37e: {  	v13 =	vand.u32 $0x7, v13;
	v18 =	vand.u32 $0xFFFFFFE0, v18  }
0x37f: {  	v26 =	vld [tilespmem:$0x1FF90];
	v13 =	vor.u32 v13, v18  }
0x380: {  	v18 =	vperm.xlane v13, v19;
	_ =	sdelay $0x1  }
0x381: {  	v18 =	vadd.s32 v35, v18;
	_ =	sdelay $0x1  }
0x382: {  	v13 =	vperm.xlane v13, v26;
	_ =	sdelay $0x1  }
0x383: {  	v13 =	vadd.s32 v35, v13  }
0x384: {  	[tilespmem:s14], [sflag:$0x1] =	stream.indirect_vreg.gather [hbm4b:s2+s3], $0x80, v18, vm1, $0xb8;
	[tilespmem:$0x15180] =	vst v63  }
0x385: {  	_ = 	snop  }
0x386: {  	[tilespmem:s15], [sflag:$0x1] =	stream.indirect_vreg.gather [hbm4b:s7+s3], $0x80, v18, vm1, $0xb8;
	[tilespmem:$0x15180] =	vst v63  }
0x387: {  	_ = 	snop  }
0x388: {  	[tilespmem:s16], [sflag:$0x1] =	stream.indirect_vreg.gather [hbm4b:s2+s3], $0x80, v13, vm1, $0xb8;
	[tilespmem:$0x15180] =	vst v63  }
0x389: {  	_ = 	snop  }
0x38a: {  	[tilespmem:s17], [sflag:$0x1] =	stream.indirect_vreg.gather [hbm4b:s7+s3], $0x80, v13, vm1, $0xb8;
	[tilespmem:$0x15180] =	vst v63  }
0x38b: {  	v13 =	vld [tilespmem:$0x80];
	_ =	sdelay $0x4  }
0x38c: {  	v18 =	vshll.u32 v13, $0x2  }
0x38d: {  	v13 =	vand.u32 $0x7, v13;
	v18 =	vand.u32 $0xFFFFFFE0, v18  }
0x38e: {  	v13 =	vor.u32 v13, v18  }
0x38f: {  	v18 =	vperm.xlane v13, v19;
	_ =	sdelay $0x1  }
0x390: {  	v18 =	vadd.s32 v35, v18;
	_ =	sdelay $0x1  }
0x391: {  	v13 =	vperm.xlane v13, v26;
	_ =	sdelay $0x1  }
0x392: {  	v13 =	vadd.s32 v35, v13  }
0x393: {  	[tilespmem:s18], [sflag:$0x1] =	stream.indirect_vreg.gather [hbm4b:s2+s3], $0x80, v18, vm1, $0xb8;
	[tilespmem:$0x15180] =	vst v63  }
0x394: {  	_ = 	snop  }
0x395: {  	[tilespmem:s19], [sflag:$0x1] =	stream.indirect_vreg.gather [hbm4b:s7+s3], $0x80, v18, vm1, $0xb8;
	[tilespmem:$0x15180] =	vst v63  }
0x396: {  	_ = 	snop  }
0x397: {  	[tilespmem:s20], [sflag:$0x1] =	stream.indirect_vreg.gather [hbm4b:s2+s3], $0x80, v13, vm1, $0xb8;
	[tilespmem:$0x15180] =	vst v63  }
0x398: {  	_ = 	snop  }
0x399: {  	[tilespmem:s21], [sflag:$0x1] =	stream.indirect_vreg.gather [hbm4b:s7+s3], $0x80, v13, vm1, $0xb8;
	[tilespmem:$0x15180] =	vst v63  }
0x39a: {  	v13 =	vld [tilespmem:$0x90];
	_ =	sdelay $0x4  }
0x39b: {  	v18 =	vshll.u32 v13, $0x2  }
0x39c: {  	v13 =	vand.u32 $0x7, v13;
	v18 =	vand.u32 $0xFFFFFFE0, v18  }
0x39d: {  	v13 =	vor.u32 v13, v18  }
0x39e: {  	v18 =	vperm.xlane v13, v19;
	_ =	sdelay $0x1  }
0x39f: {  	v18 =	vadd.s32 v35, v18;
	_ =	sdelay $0x1  }
0x3a0: {  	v13 =	vperm.xlane v13, v26;
	_ =	sdelay $0x1  }
0x3a1: {  	v13 =	vadd.s32 v35, v13  }
0x3a2: {  	[tilespmem:s22], [sflag:$0x1] =	stream.indirect_vreg.gather [hbm4b:s2+s3], $0x80, v18, vm1, $0xb8;
	[tilespmem:$0x15180] =	vst v63  }
0x3a3: {  	_ = 	snop  }
0x3a4: {  	[tilespmem:s23], [sflag:$0x1] =	stream.indirect_vreg.gather [hbm4b:s7+s3], $0x80, v18, vm1, $0xb8;
	[tilespmem:$0x15180] =	vst v63  }
0x3a5: {  	_ = 	snop  }
0x3a6: {  	[tilespmem:s24], [sflag:$0x1] =	stream.indirect_vreg.gather [hbm4b:s2+s3], $0x80, v13, vm1, $0xb8;
	[tilespmem:$0x15180] =	vst v63  }
0x3a7: {  	_ = 	snop  }
0x3a8: {  	[tilespmem:s25], [sflag:$0x1] =	stream.indirect_vreg.gather [hbm4b:s7+s3], $0x80, v13, vm1, $0xb8;
	[tilespmem:$0x15180] =	vst v63  }
0x3a9: {  	v13 =	vld.msk [tilespmem:$0xA0], $0xff;
	_ =	sdelay $0x4  }
0x3aa: {  	v18 =	vshll.u32 v13, $0x2  }
0x3ab: {  	v13 =	vand.u32 $0x7, v13;
	v18 =	vand.u32 $0xFFFFFFE0, v18  }
0x3ac: {  	v13 =	vor.u32 v13, v18  }
0x3ad: {  	v13 =	vperm.xlane v13, v19;
	_ =	sdelay $0x1  }
0x3ae: {  	[tilespmem:$0x1F3C0] =	vst v40;
	v13 =	vadd.s32 v35, v13  }
0x3af: {  	[tilespmem:$0x1F3D0] =	vst v42  }
0x3b0: {  	[tilespmem:$0x1F3E0] =	vst v44  }
0x3b1: {  	[tilespmem:$0x1F3F0] =	vst v46  }
0x3b2: {  	[tilespmem:$0x1F400] =	vst v39  }
0x3b3: {  	[tilespmem:s26], [sflag:$0x1] =	stream.indirect_vreg.gather [hbm4b:s2+s3], $0x80, v13, vm1, $0xb8;
	[tilespmem:$0x15180] =	vst v63  }
0x3b4: {  	s1 =	simm.s32 $0x7;
	[tilespmem:$0x1F410] =	vst v41  }
0x3b5: {  	v19 =	vmov v38;
	v18 =	vmov v37;
	[tilespmem:s28], [sflag:$0x1] =	stream.indirect_vreg.gather [hbm4b:s7+s3], $0x80, v13, vm1, $0xb8;
	v13 =	vimm.s32 $0x0;
	[tilespmem:$0x15180] =	vst v63  }
.LBB2_4:
0x3b6: {  	v34 =	vshll.u32 v13, $0x9  }
0x3b7: {  	v41 =	vmov v19;
	v19 =	vadd.s32 v19, v34  }
0x3b8: {  	v22 =	vld [tilespmem:$0x1F840];
	v20 =	vor.u32 v18, v19;
	_ =	sdelay $0x3  }
0x3b9: {  	v39 =	vmov v18;
	v18 =	vshll.u32 v13, $0x8  }
0x3ba: {  	v21 =	vor.u32 v0, v18;
	v26 =	vadd.s32 v22, v34;
	v20 =	vld.idx.msk [tilespmem:v20+s29+$0x0], $0xffff  }
0x3bb: {  	v22 =	vor.u32 v36, v26;
	_ =	sdelay $0x3  }
0x3bc: {  	[tilespmem:v21+s13+$0x0] =	vst.idx.msk $0xffff, v20;
	v20 =	vld [tilespmem:$0x1F850]  }
0x3bd: {  	v21 =	vld.idx.msk [tilespmem:v22+s29+$0x0], $0xffff  }
0x3be: {  	v35 =	vmov v23;
	v22 =	vor.u32 v23, v18;
	v23 =	vld [tilespmem:$0x1FE00];
	_ =	sdelay $0x3  }
0x3bf: {  	v20 =	vadd.s32 v20, v34  }
0x3c0: {  	v23 =	vor.u32 v23, v20;
	_ =	sdelay $0x3  }
0x3c1: {  	[tilespmem:v22+s13+$0x0] =	vst.idx.msk $0xffff, v21  }
0x3c2: {  	v21 =	vld.idx.msk [tilespmem:v23+s29+$0x0], $0xffff  }
0x3c3: {  	v23 =	vld [tilespmem:$0x1F860];
	_ =	sdelay $0x4  }
0x3c4: {  	v22 =	vor.u32 v24, v18;
	v28 =	vadd.s32 v23, v34;
	v23 =	vld [tilespmem:$0x1FE20];
	_ =	sdelay $0x4  }
0x3c5: {  	[tilespmem:v22+s13+$0x0] =	vst.idx.msk $0xffff, v21;
	v21 =	vld [tilespmem:$0x1F870];
	v23 =	vor.u32 v23, v28  }
0x3c6: {  	v37 =	vmov v24;
	v24 =	vld [tilespmem:$0x1FE40];
	_ =	sdelay $0x3  }
0x3c7: {  	v21 =	vadd.s32 v21, v34;
	v22 =	vld.idx.msk [tilespmem:v23+s29+$0x0], $0xffff;
	v23 =	vor.u32 v25, v18  }
0x3c8: {  	v24 =	vor.u32 v24, v21;
	_ =	sdelay $0x2  }
0x3c9: {  	v38 =	vmov v25;
	v25 =	vld [tilespmem:$0x1FE60]  }
0x3ca: {  	[tilespmem:v23+s13+$0x0] =	vst.idx.msk $0xffff, v22;
	v22 =	vld [tilespmem:$0x1F880]  }
0x3cb: {  	v23 =	vld.idx.msk [tilespmem:v24+s29+$0x0], $0xffff;
	v24 =	vor.u32 v27, v18;
	_ =	sdelay $0x3  }
0x3cc: {  	v22 =	vadd.s32 v22, v34  }
0x3cd: {  	v25 =	vor.u32 v25, v22;
	[tilespmem:v24+s13+$0x0] =	vst.idx.msk $0xffff, v23;
	v23 =	vld [tilespmem:$0x1F890]  }
0x3ce: {  	v40 =	vmov v27;
	v27 =	vld [tilespmem:$0x1FE80];
	_ =	sdelay $0x3  }
0x3cf: {  	v24 =	vld.idx.msk [tilespmem:v25+s29+$0x0], $0xffff;
	v25 =	vor.u32 v29, v18;
	v23 =	vadd.s32 v23, v34  }
0x3d0: {  	v27 =	vor.u32 v27, v23;
	_ =	sdelay $0x3  }
0x3d1: {  	[tilespmem:v25+s13+$0x0] =	vst.idx.msk $0xffff, v24  }
0x3d2: {  	v24 =	vld.idx.msk [tilespmem:v27+s29+$0x0], $0xffff  }
0x3d3: {  	v27 =	vld [tilespmem:$0x1F8A0];
	_ =	sdelay $0x4  }
0x3d4: {  	v44 =	vmov v30;
	v25 =	vor.u32 v30, v18;
	v30 =	vadd.s32 v27, v34;
	v27 =	vld [tilespmem:$0x1FEA0];
	_ =	sdelay $0x4  }
0x3d5: {  	[tilespmem:v25+s13+$0x0] =	vst.idx.msk $0xffff, v24;
	v24 =	vld [tilespmem:$0x1F8B0];
	v27 =	vor.u32 v27, v30  }
0x3d6: {  	v42 =	vmov v29;
	v29 =	vld [tilespmem:$0x1FEC0];
	_ =	sdelay $0x3  }
0x3d7: {  	v24 =	vadd.s32 v24, v34;
	v25 =	vld.idx.msk [tilespmem:v27+s29+$0x0], $0xffff;
	v27 =	vor.u32 v32, v18  }
0x3d8: {  	v29 =	vor.u32 v29, v24;
	_ =	sdelay $0x3  }
0x3d9: {  	[tilespmem:v27+s13+$0x0] =	vst.idx.msk $0xffff, v25  }
0x3da: {  	v25 =	vld.idx.msk [tilespmem:v29+s29+$0x0], $0xffff  }
0x3db: {  	v29 =	vld [tilespmem:$0x1F8C0]  }
0x3dc: {  	v27 =	vld [tilespmem:$0x1F420];
	_ =	sdelay $0x3  }
0x3dd: {  	v46 =	vmov v32;
	v32 =	vadd.s32 v29, v34;
	v29 =	vld [tilespmem:$0x1FEE0]  }
0x3de: {  	v27 =	vor.u32 v27, v18;
	_ =	sdelay $0x3  }
0x3df: {  	v29 =	vor.u32 v29, v32  }
0x3e0: {  	[tilespmem:v27+s13+$0x0] =	vst.idx.msk $0xffff, v25;
	v25 =	vld [tilespmem:$0x1F430];
	_ =	sdelay $0x3  }
0x3e1: {  	v27 =	vld.idx.msk [tilespmem:v29+s29+$0x0], $0xffff  }
0x3e2: {  	v29 =	vor.u32 v25, v18;
	v25 =	vld [tilespmem:$0x1F8D0]  }
0x3e3: {  	v31 =	vld [tilespmem:$0x1FF00];
	_ =	sdelay $0x3  }
0x3e4: {  	v25 =	vadd.s32 v25, v34  }
0x3e5: {  	v31 =	vor.u32 v31, v25  }
0x3e6: {  	[tilespmem:v29+s13+$0x0] =	vst.idx.msk $0xffff, v27;
	v27 =	vld [tilespmem:$0x1F440];
	_ =	sdelay $0x3  }
0x3e7: {  	v29 =	vld.idx.msk [tilespmem:v31+s29+$0x0], $0xffff  }
0x3e8: {  	v31 =	vor.u32 v27, v18;
	v27 =	vld [tilespmem:$0x1F8E0]  }
0x3e9: {  	v33 =	vld [tilespmem:$0x1FF20];
	_ =	sdelay $0x3  }
0x3ea: {  	v27 =	vadd.s32 v27, v34  }
0x3eb: {  	v33 =	vor.u32 v33, v27  }
0x3ec: {  	[tilespmem:v31+s13+$0x0] =	vst.idx.msk $0xffff, v29;
	v29 =	vld [tilespmem:$0x1F450];
	_ =	sdelay $0x3  }
0x3ed: {  	v31 =	vld.idx.msk [tilespmem:v33+s29+$0x0], $0xffff  }
0x3ee: {  	v33 =	vor.u32 v29, v18;
	v29 =	vld [tilespmem:$0x1F8F0]  }
0x3ef: {  	v36 =	vld [tilespmem:$0x1FF40];
	_ =	sdelay $0x3  }
0x3f0: {  	v29 =	vadd.s32 v29, v34  }
0x3f1: {  	v36 =	vor.u32 v36, v29;
	_ =	sdelay $0x3  }
0x3f2: {  	[tilespmem:v33+s13+$0x0] =	vst.idx.msk $0xffff, v31  }
0x3f3: {  	v31 =	vld.idx.msk [tilespmem:v36+s29+$0x0], $0xffff  }
0x3f4: {  	v36 =	vld [tilespmem:$0x1F460];
	_ =	sdelay $0x4  }
0x3f5: {  	v33 =	vor.u32 v36, v18;
	v36 =	vld [tilespmem:$0x1F900];
	_ =	sdelay $0x4  }
0x3f6: {  	v34 =	vadd.s32 v36, v34;
	v36 =	vld [tilespmem:$0x1FF60];
	_ =	sdelay $0x4  }
0x3f7: {  	v36 =	vor.u32 v36, v34;
	_ =	sdelay $0x3  }
0x3f8: {  	[tilespmem:v33+s13+$0x0] =	vst.idx.msk $0xffff, v31  }
0x3f9: {  	v31 =	vld.idx.msk [tilespmem:v36+s29+$0x0], $0xffff  }
0x3fa: {  	v36 =	vld [tilespmem:$0x1F470];
	_ =	sdelay $0x4  }
0x3fb: {  	v33 =	vor.u32 v36, v18;
	v36 =	vld [tilespmem:$0x1F3C0];
	_ =	sdelay $0x4  }
0x3fc: {  	v36 =	vor.u32 v36, v19;
	_ =	sdelay $0x3  }
0x3fd: {  	[tilespmem:v33+s13+$0x0] =	vst.idx.msk $0xffff, v31  }
0x3fe: {  	v31 =	vld.idx.msk [tilespmem:v36+s29+$0x0], $0xffff  }
0x3ff: {  	v36 =	vld [tilespmem:$0x1FFA0];
	_ =	sdelay $0x4  }
0x400: {  	v33 =	vor.u32 v36, v18;
	v36 =	vld [tilespmem:$0x1F910];
	_ =	sdelay $0x4  }
0x401: {  	v36 =	vor.u32 v36, v26;
	_ =	sdelay $0x3  }
0x402: {  	[tilespmem:v33+s13+$0x0] =	vst.idx.msk $0xffff, v31  }
0x403: {  	v31 =	vld.idx.msk [tilespmem:v36+s29+$0x0], $0xffff  }
0x404: {  	v36 =	vld [tilespmem:$0x1FFB0];
	_ =	sdelay $0x4  }
0x405: {  	v33 =	vor.u32 v36, v18;
	v36 =	vld [tilespmem:$0x1F920];
	_ =	sdelay $0x4  }
0x406: {  	v36 =	vor.u32 v36, v20;
	_ =	sdelay $0x3  }
0x407: {  	[tilespmem:v33+s13+$0x0] =	vst.idx.msk $0xffff, v31  }
0x408: {  	v31 =	vld.idx.msk [tilespmem:v36+s29+$0x0], $0xffff  }
0x409: {  	v36 =	vld [tilespmem:$0x1FFC0];
	_ =	sdelay $0x4  }
0x40a: {  	v33 =	vor.u32 v36, v18;
	v36 =	vld [tilespmem:$0x1F930];
	_ =	sdelay $0x4  }
0x40b: {  	v36 =	vor.u32 v36, v28;
	_ =	sdelay $0x3  }
0x40c: {  	[tilespmem:v33+s13+$0x0] =	vst.idx.msk $0xffff, v31  }
0x40d: {  	v31 =	vld.idx.msk [tilespmem:v36+s29+$0x0], $0xffff  }
0x40e: {  	v36 =	vld [tilespmem:$0x1FFD0];
	_ =	sdelay $0x4  }
0x40f: {  	v33 =	vor.u32 v36, v18;
	v36 =	vld [tilespmem:$0x1F940];
	_ =	sdelay $0x4  }
0x410: {  	v36 =	vor.u32 v36, v21;
	_ =	sdelay $0x3  }
0x411: {  	[tilespmem:v33+s13+$0x0] =	vst.idx.msk $0xffff, v31  }
0x412: {  	v31 =	vld.idx.msk [tilespmem:v36+s29+$0x0], $0xffff  }
0x413: {  	v36 =	vld [tilespmem:$0x1FFE0];
	_ =	sdelay $0x4  }
0x414: {  	v33 =	vor.u32 v36, v18;
	v36 =	vld [tilespmem:$0x1F950];
	_ =	sdelay $0x4  }
0x415: {  	v36 =	vor.u32 v36, v22;
	_ =	sdelay $0x3  }
0x416: {  	[tilespmem:v33+s13+$0x0] =	vst.idx.msk $0xffff, v31  }
0x417: {  	v31 =	vld.idx.msk [tilespmem:v36+s29+$0x0], $0xffff  }
0x418: {  	v36 =	vld [tilespmem:$0x1FFF0];
	_ =	sdelay $0x4  }
0x419: {  	v33 =	vor.u32 v36, v18;
	v36 =	vld [tilespmem:$0x1F960];
	_ =	sdelay $0x4  }
0x41a: {  	v36 =	vor.u32 v36, v23;
	_ =	sdelay $0x3  }
0x41b: {  	[tilespmem:v33+s13+$0x0] =	vst.idx.msk $0xffff, v31  }
0x41c: {  	v31 =	vld.idx.msk [tilespmem:v36+s29+$0x0], $0xffff  }
0x41d: {  	v36 =	vld [tilespmem:$0x1F480];
	_ =	sdelay $0x4  }
0x41e: {  	v33 =	vor.u32 v36, v18;
	v36 =	vld [tilespmem:$0x1F970];
	_ =	sdelay $0x4  }
0x41f: {  	v36 =	vor.u32 v36, v30;
	_ =	sdelay $0x3  }
0x420: {  	[tilespmem:v33+s13+$0x0] =	vst.idx.msk $0xffff, v31  }
0x421: {  	v31 =	vld.idx.msk [tilespmem:v36+s29+$0x0], $0xffff  }
0x422: {  	v36 =	vld [tilespmem:$0x1F490];
	_ =	sdelay $0x4  }
0x423: {  	v33 =	vor.u32 v36, v18;
	v36 =	vld [tilespmem:$0x1F980];
	_ =	sdelay $0x4  }
0x424: {  	v36 =	vor.u32 v36, v24;
	_ =	sdelay $0x3  }
0x425: {  	[tilespmem:v33+s13+$0x0] =	vst.idx.msk $0xffff, v31  }
0x426: {  	v31 =	vld.idx.msk [tilespmem:v36+s29+$0x0], $0xffff  }
0x427: {  	v36 =	vld [tilespmem:$0x1F4A0];
	_ =	sdelay $0x4  }
0x428: {  	v33 =	vor.u32 v36, v18;
	v36 =	vld [tilespmem:$0x1F990];
	_ =	sdelay $0x4  }
0x429: {  	v36 =	vor.u32 v36, v32;
	_ =	sdelay $0x3  }
0x42a: {  	[tilespmem:v33+s13+$0x0] =	vst.idx.msk $0xffff, v31  }
0x42b: {  	v31 =	vld.idx.msk [tilespmem:v36+s29+$0x0], $0xffff  }
0x42c: {  	v36 =	vld [tilespmem:$0x1F4B0];
	_ =	sdelay $0x4  }
0x42d: {  	v33 =	vor.u32 v36, v18;
	v36 =	vld [tilespmem:$0x1F9A0];
	_ =	sdelay $0x4  }
0x42e: {  	v36 =	vor.u32 v36, v25;
	_ =	sdelay $0x3  }
0x42f: {  	[tilespmem:v33+s13+$0x0] =	vst.idx.msk $0xffff, v31  }
0x430: {  	v31 =	vld.idx.msk [tilespmem:v36+s29+$0x0], $0xffff  }
0x431: {  	v36 =	vld [tilespmem:$0x1F4C0];
	_ =	sdelay $0x4  }
0x432: {  	v33 =	vor.u32 v36, v18;
	v36 =	vld [tilespmem:$0x1F9B0];
	_ =	sdelay $0x4  }
0x433: {  	v36 =	vor.u32 v36, v27;
	_ =	sdelay $0x3  }
0x434: {  	[tilespmem:v33+s13+$0x0] =	vst.idx.msk $0xffff, v31  }
0x435: {  	v31 =	vld.idx.msk [tilespmem:v36+s29+$0x0], $0xffff  }
0x436: {  	v36 =	vld [tilespmem:$0x1F4D0];
	_ =	sdelay $0x4  }
0x437: {  	v33 =	vor.u32 v36, v18;
	v36 =	vld [tilespmem:$0x1F9C0];
	_ =	sdelay $0x4  }
0x438: {  	v36 =	vor.u32 v36, v29;
	_ =	sdelay $0x3  }
0x439: {  	[tilespmem:v33+s13+$0x0] =	vst.idx.msk $0xffff, v31  }
0x43a: {  	v31 =	vld.idx.msk [tilespmem:v36+s29+$0x0], $0xffff  }
0x43b: {  	v36 =	vld [tilespmem:$0x1F4E0];
	_ =	sdelay $0x4  }
0x43c: {  	v33 =	vor.u32 v36, v18;
	v36 =	vld [tilespmem:$0x1F9D0];
	_ =	sdelay $0x4  }
0x43d: {  	v36 =	vor.u32 v36, v34;
	_ =	sdelay $0x3  }
0x43e: {  	[tilespmem:v33+s13+$0x0] =	vst.idx.msk $0xffff, v31  }
0x43f: {  	v31 =	vld.idx.msk [tilespmem:v36+s29+$0x0], $0xffff  }
0x440: {  	v36 =	vld [tilespmem:$0x1F4F0];
	_ =	sdelay $0x4  }
0x441: {  	v33 =	vor.u32 v36, v18;
	v36 =	vld [tilespmem:$0x1F3D0];
	_ =	sdelay $0x4  }
0x442: {  	v36 =	vor.u32 v36, v19;
	_ =	sdelay $0x3  }
0x443: {  	[tilespmem:v33+s13+$0x0] =	vst.idx.msk $0xffff, v31  }
0x444: {  	v31 =	vld.idx.msk [tilespmem:v36+s29+$0x0], $0xffff  }
0x445: {  	v36 =	vld [tilespmem:$0x1F500];
	_ =	sdelay $0x4  }
0x446: {  	v33 =	vor.u32 v36, v18;
	v36 =	vld [tilespmem:$0x1F9E0];
	_ =	sdelay $0x4  }
0x447: {  	v36 =	vor.u32 v36, v26;
	_ =	sdelay $0x3  }
0x448: {  	[tilespmem:v33+s13+$0x0] =	vst.idx.msk $0xffff, v31  }
0x449: {  	v31 =	vld.idx.msk [tilespmem:v36+s29+$0x0], $0xffff  }
0x44a: {  	v36 =	vld [tilespmem:$0x1F510];
	_ =	sdelay $0x4  }
0x44b: {  	v33 =	vor.u32 v36, v18;
	v36 =	vld [tilespmem:$0x1F9F0];
	_ =	sdelay $0x4  }
0x44c: {  	v36 =	vor.u32 v36, v20;
	_ =	sdelay $0x3  }
0x44d: {  	[tilespmem:v33+s13+$0x0] =	vst.idx.msk $0xffff, v31  }
0x44e: {  	v31 =	vld.idx.msk [tilespmem:v36+s29+$0x0], $0xffff  }
0x44f: {  	v36 =	vld [tilespmem:$0x1F520];
	_ =	sdelay $0x4  }
0x450: {  	v33 =	vor.u32 v36, v18;
	v36 =	vld [tilespmem:$0x1FA00];
	_ =	sdelay $0x4  }
0x451: {  	v36 =	vor.u32 v36, v28;
	_ =	sdelay $0x3  }
0x452: {  	[tilespmem:v33+s13+$0x0] =	vst.idx.msk $0xffff, v31  }
0x453: {  	v31 =	vld.idx.msk [tilespmem:v36+s29+$0x0], $0xffff  }
0x454: {  	v36 =	vld [tilespmem:$0x1F530];
	_ =	sdelay $0x4  }
0x455: {  	v33 =	vor.u32 v36, v18;
	v36 =	vld [tilespmem:$0x1FA10];
	_ =	sdelay $0x4  }
0x456: {  	v36 =	vor.u32 v36, v21;
	_ =	sdelay $0x3  }
0x457: {  	[tilespmem:v33+s13+$0x0] =	vst.idx.msk $0xffff, v31  }
0x458: {  	v31 =	vld.idx.msk [tilespmem:v36+s29+$0x0], $0xffff  }
0x459: {  	v36 =	vld [tilespmem:$0x1F540];
	_ =	sdelay $0x4  }
0x45a: {  	v33 =	vor.u32 v36, v18;
	v36 =	vld [tilespmem:$0x1FA20];
	_ =	sdelay $0x4  }
0x45b: {  	v36 =	vor.u32 v36, v22;
	_ =	sdelay $0x3  }
0x45c: {  	[tilespmem:v33+s13+$0x0] =	vst.idx.msk $0xffff, v31  }
0x45d: {  	v31 =	vld.idx.msk [tilespmem:v36+s29+$0x0], $0xffff  }
0x45e: {  	v36 =	vld [tilespmem:$0x1F550];
	_ =	sdelay $0x4  }
0x45f: {  	v33 =	vor.u32 v36, v18;
	v36 =	vld [tilespmem:$0x1FA30];
	_ =	sdelay $0x4  }
0x460: {  	v36 =	vor.u32 v36, v23;
	_ =	sdelay $0x3  }
0x461: {  	[tilespmem:v33+s13+$0x0] =	vst.idx.msk $0xffff, v31  }
0x462: {  	v31 =	vld.idx.msk [tilespmem:v36+s29+$0x0], $0xffff  }
0x463: {  	v36 =	vld [tilespmem:$0x1F560];
	_ =	sdelay $0x4  }
0x464: {  	v33 =	vor.u32 v36, v18;
	v36 =	vld [tilespmem:$0x1FA40];
	_ =	sdelay $0x4  }
0x465: {  	v36 =	vor.u32 v36, v30;
	_ =	sdelay $0x3  }
0x466: {  	[tilespmem:v33+s13+$0x0] =	vst.idx.msk $0xffff, v31  }
0x467: {  	v31 =	vld.idx.msk [tilespmem:v36+s29+$0x0], $0xffff  }
0x468: {  	v36 =	vld [tilespmem:$0x1F570];
	_ =	sdelay $0x4  }
0x469: {  	v33 =	vor.u32 v36, v18;
	v36 =	vld [tilespmem:$0x1FA50];
	_ =	sdelay $0x4  }
0x46a: {  	v36 =	vor.u32 v36, v24;
	_ =	sdelay $0x3  }
0x46b: {  	[tilespmem:v33+s13+$0x0] =	vst.idx.msk $0xffff, v31  }
0x46c: {  	v31 =	vld.idx.msk [tilespmem:v36+s29+$0x0], $0xffff  }
0x46d: {  	v36 =	vld [tilespmem:$0x1F580];
	_ =	sdelay $0x4  }
0x46e: {  	v33 =	vor.u32 v36, v18;
	v36 =	vld [tilespmem:$0x1FA60];
	_ =	sdelay $0x4  }
0x46f: {  	v36 =	vor.u32 v36, v32;
	_ =	sdelay $0x3  }
0x470: {  	[tilespmem:v33+s13+$0x0] =	vst.idx.msk $0xffff, v31  }
0x471: {  	v31 =	vld.idx.msk [tilespmem:v36+s29+$0x0], $0xffff  }
0x472: {  	v36 =	vld [tilespmem:$0x1F590];
	_ =	sdelay $0x4  }
0x473: {  	v33 =	vor.u32 v36, v18;
	v36 =	vld [tilespmem:$0x1FA70];
	_ =	sdelay $0x4  }
0x474: {  	v36 =	vor.u32 v36, v25;
	_ =	sdelay $0x3  }
0x475: {  	[tilespmem:v33+s13+$0x0] =	vst.idx.msk $0xffff, v31  }
0x476: {  	v31 =	vld.idx.msk [tilespmem:v36+s29+$0x0], $0xffff  }
0x477: {  	v36 =	vld [tilespmem:$0x1F5A0];
	_ =	sdelay $0x4  }
0x478: {  	v33 =	vor.u32 v36, v18;
	v36 =	vld [tilespmem:$0x1FA80];
	_ =	sdelay $0x4  }
0x479: {  	v36 =	vor.u32 v36, v27;
	_ =	sdelay $0x3  }
0x47a: {  	[tilespmem:v33+s13+$0x0] =	vst.idx.msk $0xffff, v31  }
0x47b: {  	v31 =	vld.idx.msk [tilespmem:v36+s29+$0x0], $0xffff  }
0x47c: {  	v36 =	vld [tilespmem:$0x1F5B0];
	_ =	sdelay $0x4  }
0x47d: {  	v33 =	vor.u32 v36, v18;
	v36 =	vld [tilespmem:$0x1FA90];
	_ =	sdelay $0x4  }
0x47e: {  	v36 =	vor.u32 v36, v29;
	_ =	sdelay $0x3  }
0x47f: {  	[tilespmem:v33+s13+$0x0] =	vst.idx.msk $0xffff, v31  }
0x480: {  	v31 =	vld.idx.msk [tilespmem:v36+s29+$0x0], $0xffff  }
0x481: {  	v36 =	vld [tilespmem:$0x1F5C0];
	_ =	sdelay $0x4  }
0x482: {  	v33 =	vor.u32 v36, v18;
	v36 =	vld [tilespmem:$0x1FAA0];
	_ =	sdelay $0x4  }
0x483: {  	v36 =	vor.u32 v36, v34;
	_ =	sdelay $0x3  }
0x484: {  	[tilespmem:v33+s13+$0x0] =	vst.idx.msk $0xffff, v31  }
0x485: {  	v31 =	vld.idx.msk [tilespmem:v36+s29+$0x0], $0xffff  }
0x486: {  	v36 =	vld [tilespmem:$0x1F5D0];
	_ =	sdelay $0x4  }
0x487: {  	v33 =	vor.u32 v36, v18;
	v36 =	vld [tilespmem:$0x1F3E0];
	_ =	sdelay $0x4  }
0x488: {  	v36 =	vor.u32 v36, v19;
	_ =	sdelay $0x3  }
0x489: {  	[tilespmem:v33+s13+$0x0] =	vst.idx.msk $0xffff, v31  }
0x48a: {  	v31 =	vld.idx.msk [tilespmem:v36+s29+$0x0], $0xffff  }
0x48b: {  	v36 =	vld [tilespmem:$0x1F5E0];
	_ =	sdelay $0x4  }
0x48c: {  	v33 =	vor.u32 v36, v18;
	v36 =	vld [tilespmem:$0x1FAB0];
	_ =	sdelay $0x4  }
0x48d: {  	v36 =	vor.u32 v36, v26;
	_ =	sdelay $0x3  }
0x48e: {  	[tilespmem:v33+s13+$0x0] =	vst.idx.msk $0xffff, v31  }
0x48f: {  	v31 =	vld.idx.msk [tilespmem:v36+s29+$0x0], $0xffff  }
0x490: {  	v36 =	vld [tilespmem:$0x1F5F0];
	_ =	sdelay $0x4  }
0x491: {  	v33 =	vor.u32 v36, v18;
	v36 =	vld [tilespmem:$0x1FAC0];
	_ =	sdelay $0x4  }
0x492: {  	v36 =	vor.u32 v36, v20;
	_ =	sdelay $0x3  }
0x493: {  	[tilespmem:v33+s13+$0x0] =	vst.idx.msk $0xffff, v31  }
0x494: {  	v31 =	vld.idx.msk [tilespmem:v36+s29+$0x0], $0xffff  }
0x495: {  	v36 =	vld [tilespmem:$0x1F600];
	_ =	sdelay $0x4  }
0x496: {  	v33 =	vor.u32 v36, v18;
	v36 =	vld [tilespmem:$0x1FAD0];
	_ =	sdelay $0x4  }
0x497: {  	v36 =	vor.u32 v36, v28;
	_ =	sdelay $0x3  }
0x498: {  	[tilespmem:v33+s13+$0x0] =	vst.idx.msk $0xffff, v31  }
0x499: {  	v31 =	vld.idx.msk [tilespmem:v36+s29+$0x0], $0xffff  }
0x49a: {  	v36 =	vld [tilespmem:$0x1F610];
	_ =	sdelay $0x4  }
0x49b: {  	v33 =	vor.u32 v36, v18;
	v36 =	vld [tilespmem:$0x1FAE0];
	_ =	sdelay $0x4  }
0x49c: {  	v36 =	vor.u32 v36, v21;
	_ =	sdelay $0x3  }
0x49d: {  	[tilespmem:v33+s13+$0x0] =	vst.idx.msk $0xffff, v31  }
0x49e: {  	v31 =	vld.idx.msk [tilespmem:v36+s29+$0x0], $0xffff  }
0x49f: {  	v36 =	vld [tilespmem:$0x1F620];
	_ =	sdelay $0x4  }
0x4a0: {  	v33 =	vor.u32 v36, v18;
	v36 =	vld [tilespmem:$0x1FAF0];
	_ =	sdelay $0x4  }
0x4a1: {  	v36 =	vor.u32 v36, v22;
	_ =	sdelay $0x3  }
0x4a2: {  	[tilespmem:v33+s13+$0x0] =	vst.idx.msk $0xffff, v31  }
0x4a3: {  	v31 =	vld.idx.msk [tilespmem:v36+s29+$0x0], $0xffff  }
0x4a4: {  	v36 =	vld [tilespmem:$0x1F630];
	_ =	sdelay $0x4  }
0x4a5: {  	v33 =	vor.u32 v36, v18;
	v36 =	vld [tilespmem:$0x1FB00];
	_ =	sdelay $0x4  }
0x4a6: {  	v36 =	vor.u32 v36, v23;
	_ =	sdelay $0x3  }
0x4a7: {  	[tilespmem:v33+s13+$0x0] =	vst.idx.msk $0xffff, v31  }
0x4a8: {  	v31 =	vld.idx.msk [tilespmem:v36+s29+$0x0], $0xffff  }
0x4a9: {  	v36 =	vld [tilespmem:$0x1F640];
	_ =	sdelay $0x4  }
0x4aa: {  	v33 =	vor.u32 v36, v18;
	v36 =	vld [tilespmem:$0x1FB10];
	_ =	sdelay $0x4  }
0x4ab: {  	v36 =	vor.u32 v36, v30;
	_ =	sdelay $0x3  }
0x4ac: {  	[tilespmem:v33+s13+$0x0] =	vst.idx.msk $0xffff, v31  }
0x4ad: {  	v31 =	vld.idx.msk [tilespmem:v36+s29+$0x0], $0xffff  }
0x4ae: {  	v36 =	vld [tilespmem:$0x1F650];
	_ =	sdelay $0x4  }
0x4af: {  	v33 =	vor.u32 v36, v18;
	v36 =	vld [tilespmem:$0x1FB20];
	_ =	sdelay $0x4  }
0x4b0: {  	v36 =	vor.u32 v36, v24;
	_ =	sdelay $0x3  }
0x4b1: {  	[tilespmem:v33+s13+$0x0] =	vst.idx.msk $0xffff, v31  }
0x4b2: {  	v31 =	vld.idx.msk [tilespmem:v36+s29+$0x0], $0xffff  }
0x4b3: {  	v36 =	vld [tilespmem:$0x1F660];
	_ =	sdelay $0x4  }
0x4b4: {  	v33 =	vor.u32 v36, v18;
	v36 =	vld [tilespmem:$0x1FB30];
	_ =	sdelay $0x4  }
0x4b5: {  	v36 =	vor.u32 v36, v32;
	_ =	sdelay $0x3  }
0x4b6: {  	[tilespmem:v33+s13+$0x0] =	vst.idx.msk $0xffff, v31  }
0x4b7: {  	v31 =	vld.idx.msk [tilespmem:v36+s29+$0x0], $0xffff  }
0x4b8: {  	v36 =	vld [tilespmem:$0x1F670];
	_ =	sdelay $0x4  }
0x4b9: {  	v33 =	vor.u32 v36, v18;
	v36 =	vld [tilespmem:$0x1FB40];
	_ =	sdelay $0x4  }
0x4ba: {  	v36 =	vor.u32 v36, v25;
	_ =	sdelay $0x3  }
0x4bb: {  	[tilespmem:v33+s13+$0x0] =	vst.idx.msk $0xffff, v31  }
0x4bc: {  	v31 =	vld.idx.msk [tilespmem:v36+s29+$0x0], $0xffff  }
0x4bd: {  	v36 =	vld [tilespmem:$0x1F680];
	_ =	sdelay $0x4  }
0x4be: {  	v33 =	vor.u32 v36, v18;
	v36 =	vld [tilespmem:$0x1FB50];
	_ =	sdelay $0x4  }
0x4bf: {  	v36 =	vor.u32 v36, v27;
	_ =	sdelay $0x3  }
0x4c0: {  	[tilespmem:v33+s13+$0x0] =	vst.idx.msk $0xffff, v31  }
0x4c1: {  	v31 =	vld.idx.msk [tilespmem:v36+s29+$0x0], $0xffff  }
0x4c2: {  	v36 =	vld [tilespmem:$0x1F690];
	_ =	sdelay $0x4  }
0x4c3: {  	v33 =	vor.u32 v36, v18;
	v36 =	vld [tilespmem:$0x1FB60];
	_ =	sdelay $0x4  }
0x4c4: {  	v36 =	vor.u32 v36, v29;
	_ =	sdelay $0x3  }
0x4c5: {  	[tilespmem:v33+s13+$0x0] =	vst.idx.msk $0xffff, v31  }
0x4c6: {  	v31 =	vld.idx.msk [tilespmem:v36+s29+$0x0], $0xffff  }
0x4c7: {  	v36 =	vld [tilespmem:$0x1F6A0];
	_ =	sdelay $0x4  }
0x4c8: {  	v33 =	vor.u32 v36, v18;
	v36 =	vld [tilespmem:$0x1FB70];
	_ =	sdelay $0x4  }
0x4c9: {  	v36 =	vor.u32 v36, v34;
	_ =	sdelay $0x3  }
0x4ca: {  	[tilespmem:v33+s13+$0x0] =	vst.idx.msk $0xffff, v31  }
0x4cb: {  	v31 =	vld.idx.msk [tilespmem:v36+s29+$0x0], $0xffff  }
0x4cc: {  	v36 =	vld [tilespmem:$0x1F6B0];
	_ =	sdelay $0x4  }
0x4cd: {  	v33 =	vor.u32 v36, v18;
	v36 =	vld [tilespmem:$0x1F3F0];
	_ =	sdelay $0x4  }
0x4ce: {  	v36 =	vor.u32 v36, v19;
	_ =	sdelay $0x3  }
0x4cf: {  	[tilespmem:v33+s13+$0x0] =	vst.idx.msk $0xffff, v31  }
0x4d0: {  	v31 =	vld.idx.msk [tilespmem:v36+s29+$0x0], $0xffff  }
0x4d1: {  	v36 =	vld [tilespmem:$0x1F6C0];
	_ =	sdelay $0x4  }
0x4d2: {  	v33 =	vor.u32 v36, v18;
	v36 =	vld [tilespmem:$0x1FB80];
	_ =	sdelay $0x4  }
0x4d3: {  	v36 =	vor.u32 v36, v26;
	_ =	sdelay $0x3  }
0x4d4: {  	[tilespmem:v33+s13+$0x0] =	vst.idx.msk $0xffff, v31  }
0x4d5: {  	v31 =	vld.idx.msk [tilespmem:v36+s29+$0x0], $0xffff  }
0x4d6: {  	v36 =	vld [tilespmem:$0x1F6D0];
	_ =	sdelay $0x4  }
0x4d7: {  	v33 =	vor.u32 v36, v18;
	v36 =	vld [tilespmem:$0x1FB90];
	_ =	sdelay $0x4  }
0x4d8: {  	v36 =	vor.u32 v36, v20;
	_ =	sdelay $0x3  }
0x4d9: {  	[tilespmem:v33+s13+$0x0] =	vst.idx.msk $0xffff, v31  }
0x4da: {  	v31 =	vld.idx.msk [tilespmem:v36+s29+$0x0], $0xffff  }
0x4db: {  	v36 =	vld [tilespmem:$0x1F6E0];
	_ =	sdelay $0x4  }
0x4dc: {  	v33 =	vor.u32 v36, v18;
	v36 =	vld [tilespmem:$0x1FBA0];
	_ =	sdelay $0x4  }
0x4dd: {  	v36 =	vor.u32 v36, v28;
	_ =	sdelay $0x3  }
0x4de: {  	[tilespmem:v33+s13+$0x0] =	vst.idx.msk $0xffff, v31  }
0x4df: {  	v31 =	vld.idx.msk [tilespmem:v36+s29+$0x0], $0xffff  }
0x4e0: {  	v36 =	vld [tilespmem:$0x1F6F0];
	_ =	sdelay $0x4  }
0x4e1: {  	v33 =	vor.u32 v36, v18;
	v36 =	vld [tilespmem:$0x1FBB0];
	_ =	sdelay $0x4  }
0x4e2: {  	v36 =	vor.u32 v36, v21;
	_ =	sdelay $0x3  }
0x4e3: {  	[tilespmem:v33+s13+$0x0] =	vst.idx.msk $0xffff, v31  }
0x4e4: {  	v31 =	vld.idx.msk [tilespmem:v36+s29+$0x0], $0xffff  }
0x4e5: {  	v36 =	vld [tilespmem:$0x1F700];
	_ =	sdelay $0x4  }
0x4e6: {  	v33 =	vor.u32 v36, v18;
	v36 =	vld [tilespmem:$0x1FBC0];
	_ =	sdelay $0x4  }
0x4e7: {  	v36 =	vor.u32 v36, v22;
	_ =	sdelay $0x3  }
0x4e8: {  	[tilespmem:v33+s13+$0x0] =	vst.idx.msk $0xffff, v31  }
0x4e9: {  	v31 =	vld.idx.msk [tilespmem:v36+s29+$0x0], $0xffff  }
0x4ea: {  	v36 =	vld [tilespmem:$0x1F710];
	_ =	sdelay $0x4  }
0x4eb: {  	v33 =	vor.u32 v36, v18;
	v36 =	vld [tilespmem:$0x1FBD0];
	_ =	sdelay $0x4  }
0x4ec: {  	v36 =	vor.u32 v36, v23;
	_ =	sdelay $0x3  }
0x4ed: {  	[tilespmem:v33+s13+$0x0] =	vst.idx.msk $0xffff, v31  }
0x4ee: {  	v31 =	vld.idx.msk [tilespmem:v36+s29+$0x0], $0xffff  }
0x4ef: {  	v36 =	vld [tilespmem:$0x1F720];
	_ =	sdelay $0x4  }
0x4f0: {  	v33 =	vor.u32 v36, v18;
	v36 =	vld [tilespmem:$0x1FBE0];
	_ =	sdelay $0x4  }
0x4f1: {  	v36 =	vor.u32 v36, v30;
	_ =	sdelay $0x3  }
0x4f2: {  	[tilespmem:v33+s13+$0x0] =	vst.idx.msk $0xffff, v31  }
0x4f3: {  	v31 =	vld.idx.msk [tilespmem:v36+s29+$0x0], $0xffff  }
0x4f4: {  	v36 =	vld [tilespmem:$0x1F730];
	_ =	sdelay $0x4  }
0x4f5: {  	v33 =	vor.u32 v36, v18;
	v36 =	vld [tilespmem:$0x1FBF0];
	_ =	sdelay $0x4  }
0x4f6: {  	v36 =	vor.u32 v36, v24;
	_ =	sdelay $0x3  }
0x4f7: {  	[tilespmem:v33+s13+$0x0] =	vst.idx.msk $0xffff, v31  }
0x4f8: {  	v31 =	vld.idx.msk [tilespmem:v36+s29+$0x0], $0xffff  }
0x4f9: {  	v36 =	vld [tilespmem:$0x1F740];
	_ =	sdelay $0x4  }
0x4fa: {  	v33 =	vor.u32 v36, v18;
	v36 =	vld [tilespmem:$0x1FC00];
	_ =	sdelay $0x4  }
0x4fb: {  	v36 =	vor.u32 v36, v32;
	_ =	sdelay $0x3  }
0x4fc: {  	[tilespmem:v33+s13+$0x0] =	vst.idx.msk $0xffff, v31  }
0x4fd: {  	v31 =	vld.idx.msk [tilespmem:v36+s29+$0x0], $0xffff  }
0x4fe: {  	v36 =	vld [tilespmem:$0x1F750];
	_ =	sdelay $0x4  }
0x4ff: {  	v33 =	vor.u32 v36, v18;
	v36 =	vld [tilespmem:$0x1FC10];
	_ =	sdelay $0x4  }
0x500: {  	v36 =	vor.u32 v36, v25;
	_ =	sdelay $0x3  }
0x501: {  	[tilespmem:v33+s13+$0x0] =	vst.idx.msk $0xffff, v31  }
0x502: {  	v31 =	vld.idx.msk [tilespmem:v36+s29+$0x0], $0xffff  }
0x503: {  	v36 =	vld [tilespmem:$0x1F760];
	_ =	sdelay $0x4  }
0x504: {  	v33 =	vor.u32 v36, v18;
	v36 =	vld [tilespmem:$0x1FC20];
	_ =	sdelay $0x4  }
0x505: {  	v36 =	vor.u32 v36, v27;
	_ =	sdelay $0x3  }
0x506: {  	[tilespmem:v33+s13+$0x0] =	vst.idx.msk $0xffff, v31  }
0x507: {  	v31 =	vld.idx.msk [tilespmem:v36+s29+$0x0], $0xffff  }
0x508: {  	v36 =	vld [tilespmem:$0x1F770];
	_ =	sdelay $0x4  }
0x509: {  	v33 =	vor.u32 v36, v18;
	v36 =	vld [tilespmem:$0x1FC30];
	_ =	sdelay $0x4  }
0x50a: {  	v36 =	vor.u32 v36, v29;
	_ =	sdelay $0x3  }
0x50b: {  	[tilespmem:v33+s13+$0x0] =	vst.idx.msk $0xffff, v31  }
0x50c: {  	v31 =	vld.idx.msk [tilespmem:v36+s29+$0x0], $0xffff  }
0x50d: {  	v36 =	vld [tilespmem:$0x1F780];
	_ =	sdelay $0x4  }
0x50e: {  	v33 =	vor.u32 v36, v18;
	v36 =	vld [tilespmem:$0x1FC40];
	_ =	sdelay $0x4  }
0x50f: {  	v36 =	vor.u32 v36, v34;
	_ =	sdelay $0x3  }
0x510: {  	[tilespmem:v33+s13+$0x0] =	vst.idx.msk $0xffff, v31  }
0x511: {  	v31 =	vld.idx.msk [tilespmem:v36+s29+$0x0], $0xffff  }
0x512: {  	v36 =	vld [tilespmem:$0x1F790];
	_ =	sdelay $0x4  }
0x513: {  	v33 =	vor.u32 v36, v18;
	v36 =	vld [tilespmem:$0x1F810];
	_ =	sdelay $0x4  }
0x514: {  	v36 =	vor.u32 v36, v19;
	_ =	sdelay $0x3  }
0x515: {  	[tilespmem:v33+s13+$0x0] =	vst.idx.msk $0xffff, v31  }
0x516: {  	v31 =	vld.idx.msk [tilespmem:v36+s29+$0x0], $0xffff  }
0x517: {  	v36 =	vld [tilespmem:$0x1F7A0];
	_ =	sdelay $0x4  }
0x518: {  	v33 =	vor.u32 v36, v18;
	v36 =	vld [tilespmem:$0x1FC50];
	_ =	sdelay $0x4  }
0x519: {  	v36 =	vor.u32 v36, v26;
	_ =	sdelay $0x3  }
0x51a: {  	[tilespmem:v33+s13+$0x0] =	vst.idx.msk $0xffff, v31  }
0x51b: {  	v31 =	vld.idx.msk [tilespmem:v36+s29+$0x0], $0xffff  }
0x51c: {  	v36 =	vld [tilespmem:$0x1F7B0];
	_ =	sdelay $0x4  }
0x51d: {  	v33 =	vor.u32 v36, v18;
	v36 =	vld [tilespmem:$0x1FC60];
	_ =	sdelay $0x4  }
0x51e: {  	v36 =	vor.u32 v36, v20;
	_ =	sdelay $0x3  }
0x51f: {  	[tilespmem:v33+s13+$0x0] =	vst.idx.msk $0xffff, v31  }
0x520: {  	v31 =	vld.idx.msk [tilespmem:v36+s29+$0x0], $0xffff  }
0x521: {  	v36 =	vld [tilespmem:$0x1F7C0];
	_ =	sdelay $0x4  }
0x522: {  	v33 =	vor.u32 v36, v18;
	v36 =	vld [tilespmem:$0x1FC70];
	_ =	sdelay $0x4  }
0x523: {  	v36 =	vor.u32 v36, v28;
	_ =	sdelay $0x3  }
0x524: {  	[tilespmem:v33+s13+$0x0] =	vst.idx.msk $0xffff, v31  }
0x525: {  	v31 =	vld.idx.msk [tilespmem:v36+s29+$0x0], $0xffff  }
0x526: {  	v36 =	vld [tilespmem:$0x1F7D0];
	_ =	sdelay $0x4  }
0x527: {  	v33 =	vor.u32 v36, v18;
	v36 =	vld [tilespmem:$0x1FC80];
	_ =	sdelay $0x4  }
0x528: {  	v36 =	vor.u32 v36, v21;
	_ =	sdelay $0x3  }
0x529: {  	[tilespmem:v33+s13+$0x0] =	vst.idx.msk $0xffff, v31  }
0x52a: {  	v31 =	vld.idx.msk [tilespmem:v36+s29+$0x0], $0xffff  }
0x52b: {  	v36 =	vld [tilespmem:$0x1F7E0];
	_ =	sdelay $0x4  }
0x52c: {  	v33 =	vor.u32 v36, v18;
	v36 =	vld [tilespmem:$0x1FC90];
	_ =	sdelay $0x4  }
0x52d: {  	v36 =	vor.u32 v36, v22;
	_ =	sdelay $0x3  }
0x52e: {  	[tilespmem:v33+s13+$0x0] =	vst.idx.msk $0xffff, v31  }
0x52f: {  	v31 =	vld.idx.msk [tilespmem:v36+s29+$0x0], $0xffff  }
0x530: {  	v36 =	vld [tilespmem:$0x1F7F0];
	_ =	sdelay $0x4  }
0x531: {  	v33 =	vor.u32 v36, v18;
	v36 =	vld [tilespmem:$0x1FCA0];
	_ =	sdelay $0x4  }
0x532: {  	v36 =	vor.u32 v36, v23;
	_ =	sdelay $0x3  }
0x533: {  	[tilespmem:v33+s13+$0x0] =	vst.idx.msk $0xffff, v31  }
0x534: {  	v31 =	vld.idx.msk [tilespmem:v36+s29+$0x0], $0xffff  }
0x535: {  	v36 =	vld [tilespmem:$0x1F800];
	_ =	sdelay $0x4  }
0x536: {  	v33 =	vor.u32 v36, v18;
	v36 =	vld [tilespmem:$0x1FCB0];
	_ =	sdelay $0x4  }
0x537: {  	v36 =	vor.u32 v36, v30;
	_ =	sdelay $0x3  }
0x538: {  	[tilespmem:v33+s13+$0x0] =	vst.idx.msk $0xffff, v31  }
0x539: {  	v31 =	vld.idx.msk [tilespmem:v36+s29+$0x0], $0xffff  }
0x53a: {  	v36 =	vld [tilespmem:$0x1F400];
	_ =	sdelay $0x4  }
0x53b: {  	v33 =	vor.u32 v36, v18;
	v36 =	vld [tilespmem:$0x1FCC0];
	_ =	sdelay $0x4  }
0x53c: {  	v36 =	vor.u32 v36, v24;
	_ =	sdelay $0x3  }
0x53d: {  	[tilespmem:v33+s13+$0x0] =	vst.idx.msk $0xffff, v31  }
0x53e: {  	v31 =	vld.idx.msk [tilespmem:v36+s29+$0x0], $0xffff  }
0x53f: {  	v36 =	vld [tilespmem:$0x1F410];
	_ =	sdelay $0x4  }
0x540: {  	v33 =	vor.u32 v36, v18;
	v36 =	vld [tilespmem:$0x1FCD0];
	_ =	sdelay $0x4  }
0x541: {  	v36 =	vor.u32 v36, v32;
	_ =	sdelay $0x3  }
0x542: {  	[tilespmem:v33+s13+$0x0] =	vst.idx.msk $0xffff, v31  }
0x543: {  	v31 =	vld.idx.msk [tilespmem:v36+s29+$0x0], $0xffff  }
0x544: {  	v36 =	vld [tilespmem:$0x1FCE0];
	_ =	sdelay $0x3  }
0x545: {  	v33 =	vor.u32 v43, v18  }
0x546: {  	v36 =	vor.u32 v36, v25;
	_ =	sdelay $0x3  }
0x547: {  	[tilespmem:v33+s13+$0x0] =	vst.idx.msk $0xffff, v31  }
0x548: {  	v31 =	vld.idx.msk [tilespmem:v36+s29+$0x0], $0xffff  }
0x549: {  	v36 =	vld [tilespmem:$0x1FCF0];
	_ =	sdelay $0x3  }
0x54a: {  	v33 =	vor.u32 v45, v18  }
0x54b: {  	v36 =	vor.u32 v36, v27;
	_ =	sdelay $0x3  }
0x54c: {  	[tilespmem:v33+s13+$0x0] =	vst.idx.msk $0xffff, v31  }
0x54d: {  	v31 =	vld.idx.msk [tilespmem:v36+s29+$0x0], $0xffff  }
0x54e: {  	v36 =	vld [tilespmem:$0x1FD00];
	_ =	sdelay $0x3  }
0x54f: {  	v33 =	vor.u32 v47, v18  }
0x550: {  	v36 =	vor.u32 v36, v29;
	_ =	sdelay $0x3  }
0x551: {  	[tilespmem:v33+s13+$0x0] =	vst.idx.msk $0xffff, v31  }
0x552: {  	v31 =	vld.idx.msk [tilespmem:v36+s29+$0x0], $0xffff  }
0x553: {  	v36 =	vld [tilespmem:$0x1FD10];
	_ =	sdelay $0x3  }
0x554: {  	v33 =	vor.u32 v49, v18  }
0x555: {  	v36 =	vor.u32 v36, v34;
	_ =	sdelay $0x3  }
0x556: {  	[tilespmem:v33+s13+$0x0] =	vst.idx.msk $0xffff, v31  }
0x557: {  	v31 =	vld.idx.msk [tilespmem:v36+s29+$0x0], $0xffff  }
0x558: {  	v36 =	vld [tilespmem:$0x1F820];
	_ =	sdelay $0x3  }
0x559: {  	v33 =	vor.u32 v51, v18  }
0x55a: {  	v36 =	vor.u32 v36, v19;
	_ =	sdelay $0x3  }
0x55b: {  	[tilespmem:v33+s13+$0x0] =	vst.idx.msk $0xffff, v31  }
0x55c: {  	v31 =	vld.idx.msk [tilespmem:v36+s29+$0x0], $0xffff  }
0x55d: {  	v36 =	vld [tilespmem:$0x1FD20];
	_ =	sdelay $0x3  }
0x55e: {  	v33 =	vor.u32 v52, v18  }
0x55f: {  	v36 =	vor.u32 v36, v26;
	_ =	sdelay $0x3  }
0x560: {  	[tilespmem:v33+s13+$0x0] =	vst.idx.msk $0xffff, v31  }
0x561: {  	v31 =	vld.idx.msk [tilespmem:v36+s29+$0x0], $0xffff  }
0x562: {  	v36 =	vld [tilespmem:$0x1FD30];
	_ =	sdelay $0x3  }
0x563: {  	v33 =	vor.u32 v53, v18  }
0x564: {  	v36 =	vor.u32 v36, v20;
	_ =	sdelay $0x3  }
0x565: {  	[tilespmem:v33+s13+$0x0] =	vst.idx.msk $0xffff, v31  }
0x566: {  	v31 =	vld.idx.msk [tilespmem:v36+s29+$0x0], $0xffff  }
0x567: {  	v36 =	vld [tilespmem:$0x1FD40];
	_ =	sdelay $0x3  }
0x568: {  	v33 =	vor.u32 v54, v18  }
0x569: {  	v36 =	vor.u32 v36, v28;
	_ =	sdelay $0x3  }
0x56a: {  	[tilespmem:v33+s13+$0x0] =	vst.idx.msk $0xffff, v31  }
0x56b: {  	v31 =	vld.idx.msk [tilespmem:v36+s29+$0x0], $0xffff  }
0x56c: {  	v36 =	vld [tilespmem:$0x1FD50];
	_ =	sdelay $0x3  }
0x56d: {  	v33 =	vor.u32 v55, v18  }
0x56e: {  	v36 =	vor.u32 v36, v21;
	_ =	sdelay $0x3  }
0x56f: {  	[tilespmem:v33+s13+$0x0] =	vst.idx.msk $0xffff, v31  }
0x570: {  	v31 =	vld.idx.msk [tilespmem:v36+s29+$0x0], $0xffff  }
0x571: {  	v36 =	vld [tilespmem:$0x1FD60];
	_ =	sdelay $0x3  }
0x572: {  	v33 =	vor.u32 v56, v18  }
0x573: {  	v36 =	vor.u32 v36, v22;
	_ =	sdelay $0x3  }
0x574: {  	[tilespmem:v33+s13+$0x0] =	vst.idx.msk $0xffff, v31  }
0x575: {  	v31 =	vld.idx.msk [tilespmem:v36+s29+$0x0], $0xffff  }
0x576: {  	v36 =	vld [tilespmem:$0x1FD70];
	_ =	sdelay $0x3  }
0x577: {  	v33 =	vor.u32 v57, v18  }
0x578: {  	v36 =	vor.u32 v36, v23;
	_ =	sdelay $0x3  }
0x579: {  	[tilespmem:v33+s13+$0x0] =	vst.idx.msk $0xffff, v31  }
0x57a: {  	v31 =	vld.idx.msk [tilespmem:v36+s29+$0x0], $0xffff  }
0x57b: {  	v36 =	vld [tilespmem:$0x1FD80];
	_ =	sdelay $0x3  }
0x57c: {  	v33 =	vor.u32 v58, v18  }
0x57d: {  	v36 =	vor.u32 v36, v30;
	_ =	sdelay $0x3  }
0x57e: {  	[tilespmem:v33+s13+$0x0] =	vst.idx.msk $0xffff, v31  }
0x57f: {  	v31 =	vld.idx.msk [tilespmem:v36+s29+$0x0], $0xffff  }
0x580: {  	v36 =	vld [tilespmem:$0x1FD90];
	_ =	sdelay $0x3  }
0x581: {  	v33 =	vor.u32 v59, v18  }
0x582: {  	v36 =	vor.u32 v36, v24;
	_ =	sdelay $0x3  }
0x583: {  	[tilespmem:v33+s13+$0x0] =	vst.idx.msk $0xffff, v31  }
0x584: {  	v31 =	vld.idx.msk [tilespmem:v36+s29+$0x0], $0xffff  }
0x585: {  	v36 =	vld [tilespmem:$0x1FDA0];
	_ =	sdelay $0x3  }
0x586: {  	v33 =	vor.u32 v60, v18  }
0x587: {  	v36 =	vor.u32 v36, v32;
	_ =	sdelay $0x3  }
0x588: {  	[tilespmem:v33+s13+$0x0] =	vst.idx.msk $0xffff, v31  }
0x589: {  	v31 =	vld.idx.msk [tilespmem:v36+s29+$0x0], $0xffff  }
0x58a: {  	v36 =	vld [tilespmem:$0x1FDB0];
	_ =	sdelay $0x3  }
0x58b: {  	v33 =	vor.u32 v61, v18  }
0x58c: {  	v36 =	vor.u32 v36, v25;
	_ =	sdelay $0x3  }
0x58d: {  	[tilespmem:v33+s13+$0x0] =	vst.idx.msk $0xffff, v31  }
0x58e: {  	v31 =	vld.idx.msk [tilespmem:v36+s29+$0x0], $0xffff  }
0x58f: {  	v36 =	vld [tilespmem:$0x1FDC0];
	_ =	sdelay $0x3  }
0x590: {  	v33 =	vor.u32 v62, v18  }
0x591: {  	v36 =	vor.u32 v36, v27;
	_ =	sdelay $0x3  }
0x592: {  	[tilespmem:v33+s13+$0x0] =	vst.idx.msk $0xffff, v31  }
0x593: {  	v31 =	vld.idx.msk [tilespmem:v36+s29+$0x0], $0xffff  }
0x594: {  	v36 =	vld [tilespmem:$0x1FDD0];
	_ =	sdelay $0x3  }
0x595: {  	v33 =	vor.u32 v63, v18  }
0x596: {  	v36 =	vor.u32 v36, v29;
	_ =	sdelay $0x3  }
0x597: {  	[tilespmem:v33+s13+$0x0] =	vst.idx.msk $0xffff, v31  }
0x598: {  	v31 =	vld.idx.msk [tilespmem:v36+s29+$0x0], $0xffff  }
0x599: {  	v36 =	vld [tilespmem:$0x1FDE0];
	_ =	sdelay $0x3  }
0x59a: {  	v33 =	vor.u32 v16, v18  }
0x59b: {  	v36 =	vor.u32 v36, v34;
	_ =	sdelay $0x3  }
0x59c: {  	[tilespmem:v33+s13+$0x0] =	vst.idx.msk $0xffff, v31  }
0x59d: {  	v31 =	vld.idx.msk [tilespmem:v36+s29+$0x0], $0xffff  }
0x59e: {  	v36 =	vld [tilespmem:$0x1F830]  }
0x59f: {  	v33 =	vor.u32 v14, v18;
	_ =	sdelay $0x3  }
0x5a0: {  	v19 =	vor.u32 v36, v19  }
0x5a1: {  	[tilespmem:v33+s13+$0x0] =	vst.idx.msk $0xffff, v31;
	v33 =	vld [tilespmem:$0x1FDF0];
	_ =	sdelay $0x3  }
0x5a2: {  	v31 =	vor.u32 v15, v18;
	v19 =	vld.idx.msk [tilespmem:v19+s29+$0x0], $0xffff  }
0x5a3: {  	v26 =	vor.u32 v33, v26;
	_ =	sdelay $0x3  }
0x5a4: {  	[tilespmem:v31+s13+$0x0] =	vst.idx.msk $0xffff, v19;
	v31 =	vld [tilespmem:$0x1FE10]  }
0x5a5: {  	v19 =	vld.idx.msk [tilespmem:v26+s29+$0x0], $0xffff;
	v26 =	vor.u32 v1, v18;
	_ =	sdelay $0x3  }
0x5a6: {  	v20 =	vor.u32 v31, v20  }
0x5a7: {  	[tilespmem:v26+s13+$0x0] =	vst.idx.msk $0xffff, v19;
	v26 =	vld [tilespmem:$0x1FE30];
	_ =	sdelay $0x3  }
0x5a8: {  	v19 =	vld.idx.msk [tilespmem:v20+s29+$0x0], $0xffff;
	v20 =	vor.u32 v2, v18  }
0x5a9: {  	v26 =	vor.u32 v26, v28;
	_ =	sdelay $0x3  }
0x5aa: {  	[tilespmem:v20+s13+$0x0] =	vst.idx.msk $0xffff, v19  }
0x5ab: {  	v19 =	vld.idx.msk [tilespmem:v26+s29+$0x0], $0xffff  }
0x5ac: {  	v26 =	vld [tilespmem:$0x1FE50];
	_ =	sdelay $0x3  }
0x5ad: {  	v20 =	vor.u32 v3, v18  }
0x5ae: {  	v21 =	vor.u32 v26, v21;
	_ =	sdelay $0x3  }
0x5af: {  	[tilespmem:v20+s13+$0x0] =	vst.idx.msk $0xffff, v19  }
0x5b0: {  	v19 =	vld.idx.msk [tilespmem:v21+s29+$0x0], $0xffff  }
0x5b1: {  	v21 =	vld [tilespmem:$0x1FE70];
	_ =	sdelay $0x3  }
0x5b2: {  	v20 =	vor.u32 v4, v18  }
0x5b3: {  	v21 =	vor.u32 v21, v22;
	_ =	sdelay $0x3  }
0x5b4: {  	[tilespmem:v20+s13+$0x0] =	vst.idx.msk $0xffff, v19  }
0x5b5: {  	v19 =	vld.idx.msk [tilespmem:v21+s29+$0x0], $0xffff  }
0x5b6: {  	v21 =	vld [tilespmem:$0x1FE90];
	_ =	sdelay $0x3  }
0x5b7: {  	v20 =	vor.u32 v5, v18  }
0x5b8: {  	v21 =	vor.u32 v21, v23;
	_ =	sdelay $0x3  }
0x5b9: {  	[tilespmem:v20+s13+$0x0] =	vst.idx.msk $0xffff, v19  }
0x5ba: {  	v19 =	vld.idx.msk [tilespmem:v21+s29+$0x0], $0xffff  }
0x5bb: {  	v21 =	vld [tilespmem:$0x1FEB0];
	_ =	sdelay $0x3  }
0x5bc: {  	v20 =	vor.u32 v6, v18  }
0x5bd: {  	v21 =	vor.u32 v21, v30;
	_ =	sdelay $0x3  }
0x5be: {  	[tilespmem:v20+s13+$0x0] =	vst.idx.msk $0xffff, v19  }
0x5bf: {  	v19 =	vld.idx.msk [tilespmem:v21+s29+$0x0], $0xffff  }
0x5c0: {  	v21 =	vld [tilespmem:$0x1FED0];
	_ =	sdelay $0x3  }
0x5c1: {  	v20 =	vor.u32 v17, v18  }
0x5c2: {  	v21 =	vor.u32 v21, v24;
	_ =	sdelay $0x3  }
0x5c3: {  	[tilespmem:v20+s13+$0x0] =	vst.idx.msk $0xffff, v19  }
0x5c4: {  	v19 =	vld.idx.msk [tilespmem:v21+s29+$0x0], $0xffff  }
0x5c5: {  	v21 =	vld [tilespmem:$0x1FEF0];
	_ =	sdelay $0x3  }
0x5c6: {  	v20 =	vor.u32 v7, v18  }
0x5c7: {  	v21 =	vor.u32 v21, v32;
	_ =	sdelay $0x3  }
0x5c8: {  	[tilespmem:v20+s13+$0x0] =	vst.idx.msk $0xffff, v19  }
0x5c9: {  	v19 =	vld.idx.msk [tilespmem:v21+s29+$0x0], $0xffff  }
0x5ca: {  	v21 =	vld [tilespmem:$0x1FF10];
	_ =	sdelay $0x3  }
0x5cb: {  	v20 =	vor.u32 v8, v18  }
0x5cc: {  	v21 =	vor.u32 v21, v25;
	_ =	sdelay $0x3  }
0x5cd: {  	[tilespmem:v20+s13+$0x0] =	vst.idx.msk $0xffff, v19  }
0x5ce: {  	v19 =	vld.idx.msk [tilespmem:v21+s29+$0x0], $0xffff  }
0x5cf: {  	v21 =	vld [tilespmem:$0x1FF30];
	_ =	sdelay $0x3  }
0x5d0: {  	v20 =	vor.u32 v9, v18  }
0x5d1: {  	v21 =	vor.u32 v21, v27;
	_ =	sdelay $0x3  }
0x5d2: {  	[tilespmem:v20+s13+$0x0] =	vst.idx.msk $0xffff, v19  }
0x5d3: {  	v19 =	vld.idx.msk [tilespmem:v21+s29+$0x0], $0xffff  }
0x5d4: {  	v21 =	vld [tilespmem:$0x1FF50];
	_ =	sdelay $0x3  }
0x5d5: {  	v20 =	vor.u32 v10, v18  }
0x5d6: {  	v21 =	vor.u32 v21, v29;
	_ =	sdelay $0x3  }
0x5d7: {  	[tilespmem:v20+s13+$0x0] =	vst.idx.msk $0xffff, v19  }
0x5d8: {  	v20 =	vor.u32 v11, v18;
	v19 =	vld.idx.msk [tilespmem:v21+s29+$0x0], $0xffff  }
0x5d9: {  	v21 =	vor.u32 v50, v34;
	_ =	sdelay $0x3  }
0x5da: {  	[tilespmem:v20+s13+$0x0] =	vst.idx.msk $0xffff, v19  }
0x5db: {  	p0 =	sne.s32 s1, $0x1;
	v18 =	vor.u32 v12, v18;
	v19 =	vld.idx.msk [tilespmem:v21+s29+$0x0], $0xffff  }
.Ltmp1:
0x5dc: {  	_ = 	snop;
	(pc) =	sbr.rel @p0 .LBB2_4-.Ltmp1, $4  }
0x5dd: {  	_ = 	snop  }
0x5de: {  	v13 =	vadd.s32 $0x8, v13  }
0x5df: {  	v36 =	vmovc v48;
	v23 =	vmovc v35;
	v30 =	vmov v44;
	v24 =	vmov v37;
	v32 =	vmov v46  }
0x5e0: {  	s1 =	sadd.s32 $0xFFFFFFFF, s1;
	v25 =	vmovc v38;
	v27 =	vmovc v40;
	v29 =	vmov v42;
	[tilespmem:v18+s13+$0x0] =	vst.idx.msk $0xffff, v19;
	v19 =	vmov v41;
	v18 =	vmov v39  }
0x5e1: {  	[hbm4b:s9+s3] =	stream.linear.scatter [tilespmem:s13], [sflag:$0x2], $0x3800, $0x38;
	[tilespmem:$0x15180] =	vst v63  }
0x5e2: {  	_ =	swait.ge [sflag:s6], $0x7000  }
0x5e3: {  	[sflag:s6] =	ssyncset.done $0x0  }
0x5e4: {  	[sflag:s6] =	ssyncadd.s32 $0xFFFF9000  }
0x5e5: {  	_ =	swait.ge [sflag:s30], $0x3800  }
0x5e6: {  	[sflag:s30] =	ssyncset.done $0x0  }
0x5e7: {  	v13 =	vimm.s32 $0x0;
	s1 =	simm.s32 $0x7;
	[sflag:s30] =	ssyncadd.s32 $0xFFFFC800  }
.LBB2_6:
0x5e8: {  	v31 =	vshll.u32 v13, $0x9  }
0x5e9: {  	v19 =	vadd.s32 v41, v31  }
0x5ea: {  	v22 =	vld [tilespmem:$0x1F840];
	v20 =	vor.u32 v18, v19;
	_ =	sdelay $0x3  }
0x5eb: {  	v18 =	vshll.u32 v13, $0x8  }
0x5ec: {  	v21 =	vor.u32 v0, v18;
	v26 =	vadd.s32 v22, v31;
	v20 =	vld.idx.msk [tilespmem:v20+s14+$0x0], $0xffff  }
0x5ed: {  	v22 =	vor.u32 v36, v26;
	_ =	sdelay $0x3  }
0x5ee: {  	[tilespmem:v21+s0+$0x0] =	vst.idx.msk $0xffff, v20;
	v20 =	vld [tilespmem:$0x1F850]  }
0x5ef: {  	v21 =	vld.idx.msk [tilespmem:v22+s14+$0x0], $0xffff  }
0x5f0: {  	v22 =	vor.u32 v23, v18;
	v23 =	vld [tilespmem:$0x1FE00];
	_ =	sdelay $0x3  }
0x5f1: {  	v20 =	vadd.s32 v20, v31  }
0x5f2: {  	v23 =	vor.u32 v23, v20;
	_ =	sdelay $0x3  }
0x5f3: {  	[tilespmem:v22+s0+$0x0] =	vst.idx.msk $0xffff, v21  }
0x5f4: {  	v21 =	vld.idx.msk [tilespmem:v23+s14+$0x0], $0xffff  }
0x5f5: {  	v23 =	vld [tilespmem:$0x1F860];
	_ =	sdelay $0x4  }
0x5f6: {  	v22 =	vor.u32 v24, v18;
	v28 =	vadd.s32 v23, v31;
	v23 =	vld [tilespmem:$0x1FE20];
	_ =	sdelay $0x4  }
0x5f7: {  	[tilespmem:v22+s0+$0x0] =	vst.idx.msk $0xffff, v21;
	v21 =	vld [tilespmem:$0x1F870];
	v23 =	vor.u32 v23, v28  }
0x5f8: {  	v24 =	vld [tilespmem:$0x1FE40];
	_ =	sdelay $0x3  }
0x5f9: {  	v21 =	vadd.s32 v21, v31;
	v22 =	vld.idx.msk [tilespmem:v23+s14+$0x0], $0xffff;
	v23 =	vor.u32 v25, v18  }
0x5fa: {  	v24 =	vor.u32 v24, v21;
	_ =	sdelay $0x2  }
0x5fb: {  	v25 =	vld [tilespmem:$0x1FE60]  }
0x5fc: {  	[tilespmem:v23+s0+$0x0] =	vst.idx.msk $0xffff, v22;
	v22 =	vld [tilespmem:$0x1F880]  }
0x5fd: {  	v23 =	vld.idx.msk [tilespmem:v24+s14+$0x0], $0xffff;
	v24 =	vor.u32 v27, v18;
	_ =	sdelay $0x3  }
0x5fe: {  	v22 =	vadd.s32 v22, v31  }
0x5ff: {  	v25 =	vor.u32 v25, v22;
	[tilespmem:v24+s0+$0x0] =	vst.idx.msk $0xffff, v23;
	v23 =	vld [tilespmem:$0x1F890]  }
0x600: {  	v27 =	vld [tilespmem:$0x1FE80];
	_ =	sdelay $0x3  }
0x601: {  	v24 =	vld.idx.msk [tilespmem:v25+s14+$0x0], $0xffff;
	v25 =	vor.u32 v29, v18;
	v23 =	vadd.s32 v23, v31  }
0x602: {  	v27 =	vor.u32 v27, v23;
	_ =	sdelay $0x3  }
0x603: {  	[tilespmem:v25+s0+$0x0] =	vst.idx.msk $0xffff, v24  }
0x604: {  	v24 =	vld.idx.msk [tilespmem:v27+s14+$0x0], $0xffff  }
0x605: {  	v27 =	vld [tilespmem:$0x1F8A0];
	_ =	sdelay $0x4  }
0x606: {  	v25 =	vor.u32 v30, v18;
	v30 =	vadd.s32 v27, v31;
	v27 =	vld [tilespmem:$0x1FEA0];
	_ =	sdelay $0x4  }
0x607: {  	[tilespmem:v25+s0+$0x0] =	vst.idx.msk $0xffff, v24;
	v24 =	vld [tilespmem:$0x1F8B0];
	v27 =	vor.u32 v27, v30  }
0x608: {  	v29 =	vld [tilespmem:$0x1FEC0];
	_ =	sdelay $0x3  }
0x609: {  	v24 =	vadd.s32 v24, v31;
	v25 =	vld.idx.msk [tilespmem:v27+s14+$0x0], $0xffff;
	v27 =	vor.u32 v32, v18  }
0x60a: {  	v29 =	vor.u32 v29, v24;
	_ =	sdelay $0x3  }
0x60b: {  	[tilespmem:v27+s0+$0x0] =	vst.idx.msk $0xffff, v25;
	v27 =	vld [tilespmem:$0x1F420]  }
0x60c: {  	v25 =	vld.idx.msk [tilespmem:v29+s14+$0x0], $0xffff  }
0x60d: {  	v29 =	vld [tilespmem:$0x1F8C0];
	_ =	sdelay $0x4  }
0x60e: {  	v27 =	vor.u32 v27, v18;
	v32 =	vadd.s32 v29, v31;
	v29 =	vld [tilespmem:$0x1FEE0];
	_ =	sdelay $0x4  }
0x60f: {  	[tilespmem:v27+s0+$0x0] =	vst.idx.msk $0xffff, v25;
	v25 =	vld [tilespmem:$0x1F430];
	v29 =	vor.u32 v29, v32;
	_ =	sdelay $0x4  }
0x610: {  	v27 =	vld.idx.msk [tilespmem:v29+s14+$0x0], $0xffff;
	v29 =	vor.u32 v25, v18  }
0x611: {  	v25 =	vld [tilespmem:$0x1F8D0]  }
0x612: {  	v33 =	vld [tilespmem:$0x1FF00];
	_ =	sdelay $0x2  }
0x613: {  	[tilespmem:v29+s0+$0x0] =	vst.idx.msk $0xffff, v27;
	v27 =	vld [tilespmem:$0x1F440]  }
0x614: {  	v25 =	vadd.s32 v25, v31  }
0x615: {  	v33 =	vor.u32 v33, v25;
	_ =	sdelay $0x2  }
0x616: {  	v36 =	vor.u32 v27, v18;
	v27 =	vld [tilespmem:$0x1F8E0]  }
0x617: {  	v34 =	vld [tilespmem:$0x1FF20]  }
0x618: {  	v29 =	vld.idx.msk [tilespmem:v33+s14+$0x0], $0xffff;
	_ =	sdelay $0x2  }
0x619: {  	v27 =	vadd.s32 v27, v31  }
0x61a: {  	v34 =	vor.u32 v34, v27  }
0x61b: {  	[tilespmem:v36+s0+$0x0] =	vst.idx.msk $0xffff, v29;
	v29 =	vld [tilespmem:$0x1F450];
	_ =	sdelay $0x3  }
0x61c: {  	v33 =	vld.idx.msk [tilespmem:v34+s14+$0x0], $0xffff  }
0x61d: {  	v34 =	vor.u32 v29, v18;
	v29 =	vld [tilespmem:$0x1F8F0]  }
0x61e: {  	v36 =	vld [tilespmem:$0x1FF40];
	_ =	sdelay $0x3  }
0x61f: {  	v29 =	vadd.s32 v29, v31  }
0x620: {  	v36 =	vor.u32 v36, v29;
	_ =	sdelay $0x3  }
0x621: {  	[tilespmem:v34+s0+$0x0] =	vst.idx.msk $0xffff, v33  }
0x622: {  	v33 =	vld.idx.msk [tilespmem:v36+s14+$0x0], $0xffff  }
0x623: {  	v36 =	vld [tilespmem:$0x1F460];
	_ =	sdelay $0x3  }
0x624: {  	v34 =	vld [tilespmem:$0x1F900]  }
0x625: {  	v36 =	vor.u32 v36, v18;
	_ =	sdelay $0x3  }
0x626: {  	v34 =	vadd.s32 v34, v31;
	v31 =	vld [tilespmem:$0x1FF60]  }
0x627: {  	[tilespmem:v36+s0+$0x0] =	vst.idx.msk $0xffff, v33;
	v36 =	vld [tilespmem:$0x1F470];
	_ =	sdelay $0x3  }
0x628: {  	v31 =	vor.u32 v31, v34  }
0x629: {  	v33 =	vor.u32 v36, v18;
	v36 =	vld [tilespmem:$0x1F3C0];
	_ =	sdelay $0x3  }
0x62a: {  	v31 =	vld.idx.msk [tilespmem:v31+s14+$0x0], $0xffff  }
0x62b: {  	v36 =	vor.u32 v36, v19;
	_ =	sdelay $0x3  }
0x62c: {  	[tilespmem:v33+s0+$0x0] =	vst.idx.msk $0xffff, v31  }
0x62d: {  	v31 =	vld.idx.msk [tilespmem:v36+s14+$0x0], $0xffff  }
0x62e: {  	v36 =	vld [tilespmem:$0x1FFA0];
	_ =	sdelay $0x4  }
0x62f: {  	v33 =	vor.u32 v36, v18;
	v36 =	vld [tilespmem:$0x1F910];
	_ =	sdelay $0x4  }
0x630: {  	v36 =	vor.u32 v36, v26;
	_ =	sdelay $0x3  }
0x631: {  	[tilespmem:v33+s0+$0x0] =	vst.idx.msk $0xffff, v31  }
0x632: {  	v31 =	vld.idx.msk [tilespmem:v36+s14+$0x0], $0xffff  }
0x633: {  	v36 =	vld [tilespmem:$0x1FFB0];
	_ =	sdelay $0x4  }
0x634: {  	v33 =	vor.u32 v36, v18;
	v36 =	vld [tilespmem:$0x1F920];
	_ =	sdelay $0x4  }
0x635: {  	v36 =	vor.u32 v36, v20;
	_ =	sdelay $0x3  }
0x636: {  	[tilespmem:v33+s0+$0x0] =	vst.idx.msk $0xffff, v31  }
0x637: {  	v31 =	vld.idx.msk [tilespmem:v36+s14+$0x0], $0xffff  }
0x638: {  	v36 =	vld [tilespmem:$0x1FFC0];
	_ =	sdelay $0x4  }
0x639: {  	v33 =	vor.u32 v36, v18;
	v36 =	vld [tilespmem:$0x1F930];
	_ =	sdelay $0x4  }
0x63a: {  	v36 =	vor.u32 v36, v28;
	_ =	sdelay $0x3  }
0x63b: {  	[tilespmem:v33+s0+$0x0] =	vst.idx.msk $0xffff, v31  }
0x63c: {  	v31 =	vld.idx.msk [tilespmem:v36+s14+$0x0], $0xffff  }
0x63d: {  	v36 =	vld [tilespmem:$0x1FFD0];
	_ =	sdelay $0x4  }
0x63e: {  	v33 =	vor.u32 v36, v18;
	v36 =	vld [tilespmem:$0x1F940];
	_ =	sdelay $0x4  }
0x63f: {  	v36 =	vor.u32 v36, v21;
	_ =	sdelay $0x3  }
0x640: {  	[tilespmem:v33+s0+$0x0] =	vst.idx.msk $0xffff, v31  }
0x641: {  	v31 =	vld.idx.msk [tilespmem:v36+s14+$0x0], $0xffff  }
0x642: {  	v36 =	vld [tilespmem:$0x1FFE0];
	_ =	sdelay $0x4  }
0x643: {  	v33 =	vor.u32 v36, v18;
	v36 =	vld [tilespmem:$0x1F950];
	_ =	sdelay $0x4  }
0x644: {  	v36 =	vor.u32 v36, v22;
	_ =	sdelay $0x3  }
0x645: {  	[tilespmem:v33+s0+$0x0] =	vst.idx.msk $0xffff, v31  }
0x646: {  	v31 =	vld.idx.msk [tilespmem:v36+s14+$0x0], $0xffff  }
0x647: {  	v36 =	vld [tilespmem:$0x1FFF0];
	_ =	sdelay $0x4  }
0x648: {  	v33 =	vor.u32 v36, v18;
	v36 =	vld [tilespmem:$0x1F960];
	_ =	sdelay $0x4  }
0x649: {  	v36 =	vor.u32 v36, v23;
	_ =	sdelay $0x3  }
0x64a: {  	[tilespmem:v33+s0+$0x0] =	vst.idx.msk $0xffff, v31  }
0x64b: {  	v31 =	vld.idx.msk [tilespmem:v36+s14+$0x0], $0xffff  }
0x64c: {  	v36 =	vld [tilespmem:$0x1F480];
	_ =	sdelay $0x4  }
0x64d: {  	v33 =	vor.u32 v36, v18;
	v36 =	vld [tilespmem:$0x1F970];
	_ =	sdelay $0x4  }
0x64e: {  	v36 =	vor.u32 v36, v30;
	_ =	sdelay $0x3  }
0x64f: {  	[tilespmem:v33+s0+$0x0] =	vst.idx.msk $0xffff, v31  }
0x650: {  	v31 =	vld.idx.msk [tilespmem:v36+s14+$0x0], $0xffff  }
0x651: {  	v36 =	vld [tilespmem:$0x1F490];
	_ =	sdelay $0x4  }
0x652: {  	v33 =	vor.u32 v36, v18;
	v36 =	vld [tilespmem:$0x1F980];
	_ =	sdelay $0x4  }
0x653: {  	v36 =	vor.u32 v36, v24;
	_ =	sdelay $0x3  }
0x654: {  	[tilespmem:v33+s0+$0x0] =	vst.idx.msk $0xffff, v31  }
0x655: {  	v31 =	vld.idx.msk [tilespmem:v36+s14+$0x0], $0xffff  }
0x656: {  	v36 =	vld [tilespmem:$0x1F4A0];
	_ =	sdelay $0x4  }
0x657: {  	v33 =	vor.u32 v36, v18;
	v36 =	vld [tilespmem:$0x1F990];
	_ =	sdelay $0x4  }
0x658: {  	v36 =	vor.u32 v36, v32;
	_ =	sdelay $0x3  }
0x659: {  	[tilespmem:v33+s0+$0x0] =	vst.idx.msk $0xffff, v31  }
0x65a: {  	v31 =	vld.idx.msk [tilespmem:v36+s14+$0x0], $0xffff  }
0x65b: {  	v36 =	vld [tilespmem:$0x1F4B0];
	_ =	sdelay $0x4  }
0x65c: {  	v33 =	vor.u32 v36, v18;
	v36 =	vld [tilespmem:$0x1F9A0];
	_ =	sdelay $0x4  }
0x65d: {  	v36 =	vor.u32 v36, v25;
	_ =	sdelay $0x3  }
0x65e: {  	[tilespmem:v33+s0+$0x0] =	vst.idx.msk $0xffff, v31  }
0x65f: {  	v31 =	vld.idx.msk [tilespmem:v36+s14+$0x0], $0xffff  }
0x660: {  	v36 =	vld [tilespmem:$0x1F4C0];
	_ =	sdelay $0x4  }
0x661: {  	v33 =	vor.u32 v36, v18;
	v36 =	vld [tilespmem:$0x1F9B0];
	_ =	sdelay $0x4  }
0x662: {  	v36 =	vor.u32 v36, v27;
	_ =	sdelay $0x3  }
0x663: {  	[tilespmem:v33+s0+$0x0] =	vst.idx.msk $0xffff, v31  }
0x664: {  	v31 =	vld.idx.msk [tilespmem:v36+s14+$0x0], $0xffff  }
0x665: {  	v36 =	vld [tilespmem:$0x1F4D0];
	_ =	sdelay $0x4  }
0x666: {  	v33 =	vor.u32 v36, v18;
	v36 =	vld [tilespmem:$0x1F9C0];
	_ =	sdelay $0x4  }
0x667: {  	v36 =	vor.u32 v36, v29;
	_ =	sdelay $0x3  }
0x668: {  	[tilespmem:v33+s0+$0x0] =	vst.idx.msk $0xffff, v31  }
0x669: {  	v31 =	vld.idx.msk [tilespmem:v36+s14+$0x0], $0xffff  }
0x66a: {  	v36 =	vld [tilespmem:$0x1F4E0];
	_ =	sdelay $0x4  }
0x66b: {  	v33 =	vor.u32 v36, v18;
	v36 =	vld [tilespmem:$0x1F9D0];
	_ =	sdelay $0x4  }
0x66c: {  	v36 =	vor.u32 v36, v34;
	_ =	sdelay $0x3  }
0x66d: {  	[tilespmem:v33+s0+$0x0] =	vst.idx.msk $0xffff, v31  }
0x66e: {  	v31 =	vld.idx.msk [tilespmem:v36+s14+$0x0], $0xffff  }
0x66f: {  	v36 =	vld [tilespmem:$0x1F4F0];
	_ =	sdelay $0x4  }
0x670: {  	v33 =	vor.u32 v36, v18;
	v36 =	vld [tilespmem:$0x1F3D0];
	_ =	sdelay $0x4  }
0x671: {  	v36 =	vor.u32 v36, v19;
	_ =	sdelay $0x3  }
0x672: {  	[tilespmem:v33+s0+$0x0] =	vst.idx.msk $0xffff, v31  }
0x673: {  	v31 =	vld.idx.msk [tilespmem:v36+s14+$0x0], $0xffff  }
0x674: {  	v36 =	vld [tilespmem:$0x1F500];
	_ =	sdelay $0x4  }
0x675: {  	v33 =	vor.u32 v36, v18;
	v36 =	vld [tilespmem:$0x1F9E0];
	_ =	sdelay $0x4  }
0x676: {  	v36 =	vor.u32 v36, v26;
	_ =	sdelay $0x3  }
0x677: {  	[tilespmem:v33+s0+$0x0] =	vst.idx.msk $0xffff, v31  }
0x678: {  	v31 =	vld.idx.msk [tilespmem:v36+s14+$0x0], $0xffff  }
0x679: {  	v36 =	vld [tilespmem:$0x1F510];
	_ =	sdelay $0x4  }
0x67a: {  	v33 =	vor.u32 v36, v18;
	v36 =	vld [tilespmem:$0x1F9F0];
	_ =	sdelay $0x4  }
0x67b: {  	v36 =	vor.u32 v36, v20;
	_ =	sdelay $0x3  }
0x67c: {  	[tilespmem:v33+s0+$0x0] =	vst.idx.msk $0xffff, v31  }
0x67d: {  	v31 =	vld.idx.msk [tilespmem:v36+s14+$0x0], $0xffff  }
0x67e: {  	v36 =	vld [tilespmem:$0x1F520];
	_ =	sdelay $0x4  }
0x67f: {  	v33 =	vor.u32 v36, v18;
	v36 =	vld [tilespmem:$0x1FA00];
	_ =	sdelay $0x4  }
0x680: {  	v36 =	vor.u32 v36, v28;
	_ =	sdelay $0x3  }
0x681: {  	[tilespmem:v33+s0+$0x0] =	vst.idx.msk $0xffff, v31  }
0x682: {  	v31 =	vld.idx.msk [tilespmem:v36+s14+$0x0], $0xffff  }
0x683: {  	v36 =	vld [tilespmem:$0x1F530];
	_ =	sdelay $0x4  }
0x684: {  	v33 =	vor.u32 v36, v18;
	v36 =	vld [tilespmem:$0x1FA10];
	_ =	sdelay $0x4  }
0x685: {  	v36 =	vor.u32 v36, v21;
	_ =	sdelay $0x3  }
0x686: {  	[tilespmem:v33+s0+$0x0] =	vst.idx.msk $0xffff, v31  }
0x687: {  	v31 =	vld.idx.msk [tilespmem:v36+s14+$0x0], $0xffff  }
0x688: {  	v36 =	vld [tilespmem:$0x1F540];
	_ =	sdelay $0x4  }
0x689: {  	v33 =	vor.u32 v36, v18;
	v36 =	vld [tilespmem:$0x1FA20];
	_ =	sdelay $0x4  }
0x68a: {  	v36 =	vor.u32 v36, v22;
	_ =	sdelay $0x3  }
0x68b: {  	[tilespmem:v33+s0+$0x0] =	vst.idx.msk $0xffff, v31  }
0x68c: {  	v31 =	vld.idx.msk [tilespmem:v36+s14+$0x0], $0xffff  }
0x68d: {  	v36 =	vld [tilespmem:$0x1F550];
	_ =	sdelay $0x4  }
0x68e: {  	v33 =	vor.u32 v36, v18;
	v36 =	vld [tilespmem:$0x1FA30];
	_ =	sdelay $0x4  }
0x68f: {  	v36 =	vor.u32 v36, v23;
	_ =	sdelay $0x3  }
0x690: {  	[tilespmem:v33+s0+$0x0] =	vst.idx.msk $0xffff, v31  }
0x691: {  	v31 =	vld.idx.msk [tilespmem:v36+s14+$0x0], $0xffff  }
0x692: {  	v36 =	vld [tilespmem:$0x1F560];
	_ =	sdelay $0x4  }
0x693: {  	v33 =	vor.u32 v36, v18;
	v36 =	vld [tilespmem:$0x1FA40];
	_ =	sdelay $0x4  }
0x694: {  	v36 =	vor.u32 v36, v30;
	_ =	sdelay $0x3  }
0x695: {  	[tilespmem:v33+s0+$0x0] =	vst.idx.msk $0xffff, v31  }
0x696: {  	v31 =	vld.idx.msk [tilespmem:v36+s14+$0x0], $0xffff  }
0x697: {  	v36 =	vld [tilespmem:$0x1F570];
	_ =	sdelay $0x4  }
0x698: {  	v33 =	vor.u32 v36, v18;
	v36 =	vld [tilespmem:$0x1FA50];
	_ =	sdelay $0x4  }
0x699: {  	v36 =	vor.u32 v36, v24;
	_ =	sdelay $0x3  }
0x69a: {  	[tilespmem:v33+s0+$0x0] =	vst.idx.msk $0xffff, v31  }
0x69b: {  	v31 =	vld.idx.msk [tilespmem:v36+s14+$0x0], $0xffff  }
0x69c: {  	v36 =	vld [tilespmem:$0x1F580];
	_ =	sdelay $0x4  }
0x69d: {  	v33 =	vor.u32 v36, v18;
	v36 =	vld [tilespmem:$0x1FA60];
	_ =	sdelay $0x4  }
0x69e: {  	v36 =	vor.u32 v36, v32;
	_ =	sdelay $0x3  }
0x69f: {  	[tilespmem:v33+s0+$0x0] =	vst.idx.msk $0xffff, v31  }
0x6a0: {  	v31 =	vld.idx.msk [tilespmem:v36+s14+$0x0], $0xffff  }
0x6a1: {  	v36 =	vld [tilespmem:$0x1F590];
	_ =	sdelay $0x4  }
0x6a2: {  	v33 =	vor.u32 v36, v18;
	v36 =	vld [tilespmem:$0x1FA70];
	_ =	sdelay $0x4  }
0x6a3: {  	v36 =	vor.u32 v36, v25;
	_ =	sdelay $0x3  }
0x6a4: {  	[tilespmem:v33+s0+$0x0] =	vst.idx.msk $0xffff, v31  }
0x6a5: {  	v31 =	vld.idx.msk [tilespmem:v36+s14+$0x0], $0xffff  }
0x6a6: {  	v36 =	vld [tilespmem:$0x1F5A0];
	_ =	sdelay $0x4  }
0x6a7: {  	v33 =	vor.u32 v36, v18;
	v36 =	vld [tilespmem:$0x1FA80];
	_ =	sdelay $0x4  }
0x6a8: {  	v36 =	vor.u32 v36, v27;
	_ =	sdelay $0x3  }
0x6a9: {  	[tilespmem:v33+s0+$0x0] =	vst.idx.msk $0xffff, v31  }
0x6aa: {  	v31 =	vld.idx.msk [tilespmem:v36+s14+$0x0], $0xffff  }
0x6ab: {  	v36 =	vld [tilespmem:$0x1F5B0];
	_ =	sdelay $0x4  }
0x6ac: {  	v33 =	vor.u32 v36, v18;
	v36 =	vld [tilespmem:$0x1FA90];
	_ =	sdelay $0x4  }
0x6ad: {  	v36 =	vor.u32 v36, v29;
	_ =	sdelay $0x3  }
0x6ae: {  	[tilespmem:v33+s0+$0x0] =	vst.idx.msk $0xffff, v31  }
0x6af: {  	v31 =	vld.idx.msk [tilespmem:v36+s14+$0x0], $0xffff  }
0x6b0: {  	v36 =	vld [tilespmem:$0x1F5C0];
	_ =	sdelay $0x4  }
0x6b1: {  	v33 =	vor.u32 v36, v18;
	v36 =	vld [tilespmem:$0x1FAA0];
	_ =	sdelay $0x4  }
0x6b2: {  	v36 =	vor.u32 v36, v34;
	_ =	sdelay $0x3  }
0x6b3: {  	[tilespmem:v33+s0+$0x0] =	vst.idx.msk $0xffff, v31  }
0x6b4: {  	v31 =	vld.idx.msk [tilespmem:v36+s14+$0x0], $0xffff  }
0x6b5: {  	v36 =	vld [tilespmem:$0x1F5D0];
	_ =	sdelay $0x4  }
0x6b6: {  	v33 =	vor.u32 v36, v18;
	v36 =	vld [tilespmem:$0x1F3E0];
	_ =	sdelay $0x4  }
0x6b7: {  	v36 =	vor.u32 v36, v19;
	_ =	sdelay $0x3  }
0x6b8: {  	[tilespmem:v33+s0+$0x0] =	vst.idx.msk $0xffff, v31  }
0x6b9: {  	v31 =	vld.idx.msk [tilespmem:v36+s14+$0x0], $0xffff  }
0x6ba: {  	v36 =	vld [tilespmem:$0x1F5E0];
	_ =	sdelay $0x4  }
0x6bb: {  	v33 =	vor.u32 v36, v18;
	v36 =	vld [tilespmem:$0x1FAB0];
	_ =	sdelay $0x4  }
0x6bc: {  	v36 =	vor.u32 v36, v26;
	_ =	sdelay $0x3  }
0x6bd: {  	[tilespmem:v33+s0+$0x0] =	vst.idx.msk $0xffff, v31  }
0x6be: {  	v31 =	vld.idx.msk [tilespmem:v36+s14+$0x0], $0xffff  }
0x6bf: {  	v36 =	vld [tilespmem:$0x1F5F0];
	_ =	sdelay $0x4  }
0x6c0: {  	v33 =	vor.u32 v36, v18;
	v36 =	vld [tilespmem:$0x1FAC0];
	_ =	sdelay $0x4  }
0x6c1: {  	v36 =	vor.u32 v36, v20;
	_ =	sdelay $0x3  }
0x6c2: {  	[tilespmem:v33+s0+$0x0] =	vst.idx.msk $0xffff, v31  }
0x6c3: {  	v31 =	vld.idx.msk [tilespmem:v36+s14+$0x0], $0xffff  }
0x6c4: {  	v36 =	vld [tilespmem:$0x1F600];
	_ =	sdelay $0x4  }
0x6c5: {  	v33 =	vor.u32 v36, v18;
	v36 =	vld [tilespmem:$0x1FAD0];
	_ =	sdelay $0x4  }
0x6c6: {  	v36 =	vor.u32 v36, v28;
	_ =	sdelay $0x3  }
0x6c7: {  	[tilespmem:v33+s0+$0x0] =	vst.idx.msk $0xffff, v31  }
0x6c8: {  	v31 =	vld.idx.msk [tilespmem:v36+s14+$0x0], $0xffff  }
0x6c9: {  	v36 =	vld [tilespmem:$0x1F610];
	_ =	sdelay $0x4  }
0x6ca: {  	v33 =	vor.u32 v36, v18;
	v36 =	vld [tilespmem:$0x1FAE0];
	_ =	sdelay $0x4  }
0x6cb: {  	v36 =	vor.u32 v36, v21;
	_ =	sdelay $0x3  }
0x6cc: {  	[tilespmem:v33+s0+$0x0] =	vst.idx.msk $0xffff, v31  }
0x6cd: {  	v31 =	vld.idx.msk [tilespmem:v36+s14+$0x0], $0xffff  }
0x6ce: {  	v36 =	vld [tilespmem:$0x1F620];
	_ =	sdelay $0x4  }
0x6cf: {  	v33 =	vor.u32 v36, v18;
	v36 =	vld [tilespmem:$0x1FAF0];
	_ =	sdelay $0x4  }
0x6d0: {  	v36 =	vor.u32 v36, v22;
	_ =	sdelay $0x3  }
0x6d1: {  	[tilespmem:v33+s0+$0x0] =	vst.idx.msk $0xffff, v31  }
0x6d2: {  	v31 =	vld.idx.msk [tilespmem:v36+s14+$0x0], $0xffff  }
0x6d3: {  	v36 =	vld [tilespmem:$0x1F630];
	_ =	sdelay $0x4  }
0x6d4: {  	v33 =	vor.u32 v36, v18;
	v36 =	vld [tilespmem:$0x1FB00];
	_ =	sdelay $0x4  }
0x6d5: {  	v36 =	vor.u32 v36, v23;
	_ =	sdelay $0x3  }
0x6d6: {  	[tilespmem:v33+s0+$0x0] =	vst.idx.msk $0xffff, v31  }
0x6d7: {  	v31 =	vld.idx.msk [tilespmem:v36+s14+$0x0], $0xffff  }
0x6d8: {  	v36 =	vld [tilespmem:$0x1F640];
	_ =	sdelay $0x4  }
0x6d9: {  	v33 =	vor.u32 v36, v18;
	v36 =	vld [tilespmem:$0x1FB10];
	_ =	sdelay $0x4  }
0x6da: {  	v36 =	vor.u32 v36, v30;
	_ =	sdelay $0x3  }
0x6db: {  	[tilespmem:v33+s0+$0x0] =	vst.idx.msk $0xffff, v31  }
0x6dc: {  	v31 =	vld.idx.msk [tilespmem:v36+s14+$0x0], $0xffff  }
0x6dd: {  	v36 =	vld [tilespmem:$0x1F650];
	_ =	sdelay $0x4  }
0x6de: {  	v33 =	vor.u32 v36, v18;
	v36 =	vld [tilespmem:$0x1FB20];
	_ =	sdelay $0x4  }
0x6df: {  	v36 =	vor.u32 v36, v24;
	_ =	sdelay $0x3  }
0x6e0: {  	[tilespmem:v33+s0+$0x0] =	vst.idx.msk $0xffff, v31  }
0x6e1: {  	v31 =	vld.idx.msk [tilespmem:v36+s14+$0x0], $0xffff  }
0x6e2: {  	v36 =	vld [tilespmem:$0x1F660];
	_ =	sdelay $0x4  }
0x6e3: {  	v33 =	vor.u32 v36, v18;
	v36 =	vld [tilespmem:$0x1FB30];
	_ =	sdelay $0x4  }
0x6e4: {  	v36 =	vor.u32 v36, v32;
	_ =	sdelay $0x3  }
0x6e5: {  	[tilespmem:v33+s0+$0x0] =	vst.idx.msk $0xffff, v31  }
0x6e6: {  	v31 =	vld.idx.msk [tilespmem:v36+s14+$0x0], $0xffff  }
0x6e7: {  	v36 =	vld [tilespmem:$0x1F670];
	_ =	sdelay $0x4  }
0x6e8: {  	v33 =	vor.u32 v36, v18;
	v36 =	vld [tilespmem:$0x1FB40];
	_ =	sdelay $0x4  }
0x6e9: {  	v36 =	vor.u32 v36, v25;
	_ =	sdelay $0x3  }
0x6ea: {  	[tilespmem:v33+s0+$0x0] =	vst.idx.msk $0xffff, v31  }
0x6eb: {  	v31 =	vld.idx.msk [tilespmem:v36+s14+$0x0], $0xffff  }
0x6ec: {  	v36 =	vld [tilespmem:$0x1F680];
	_ =	sdelay $0x4  }
0x6ed: {  	v33 =	vor.u32 v36, v18;
	v36 =	vld [tilespmem:$0x1FB50];
	_ =	sdelay $0x4  }
0x6ee: {  	v36 =	vor.u32 v36, v27;
	_ =	sdelay $0x3  }
0x6ef: {  	[tilespmem:v33+s0+$0x0] =	vst.idx.msk $0xffff, v31  }
0x6f0: {  	v31 =	vld.idx.msk [tilespmem:v36+s14+$0x0], $0xffff  }
0x6f1: {  	v36 =	vld [tilespmem:$0x1F690];
	_ =	sdelay $0x4  }
0x6f2: {  	v33 =	vor.u32 v36, v18;
	v36 =	vld [tilespmem:$0x1FB60];
	_ =	sdelay $0x4  }
0x6f3: {  	v36 =	vor.u32 v36, v29;
	_ =	sdelay $0x3  }
0x6f4: {  	[tilespmem:v33+s0+$0x0] =	vst.idx.msk $0xffff, v31  }
0x6f5: {  	v31 =	vld.idx.msk [tilespmem:v36+s14+$0x0], $0xffff  }
0x6f6: {  	v36 =	vld [tilespmem:$0x1F6A0];
	_ =	sdelay $0x4  }
0x6f7: {  	v33 =	vor.u32 v36, v18;
	v36 =	vld [tilespmem:$0x1FB70];
	_ =	sdelay $0x4  }
0x6f8: {  	v36 =	vor.u32 v36, v34;
	_ =	sdelay $0x3  }
0x6f9: {  	[tilespmem:v33+s0+$0x0] =	vst.idx.msk $0xffff, v31  }
0x6fa: {  	v31 =	vld.idx.msk [tilespmem:v36+s14+$0x0], $0xffff  }
0x6fb: {  	v36 =	vld [tilespmem:$0x1F6B0];
	_ =	sdelay $0x4  }
0x6fc: {  	v33 =	vor.u32 v36, v18;
	v36 =	vld [tilespmem:$0x1F3F0];
	_ =	sdelay $0x4  }
0x6fd: {  	v36 =	vor.u32 v36, v19;
	_ =	sdelay $0x3  }
0x6fe: {  	[tilespmem:v33+s0+$0x0] =	vst.idx.msk $0xffff, v31  }
0x6ff: {  	v31 =	vld.idx.msk [tilespmem:v36+s14+$0x0], $0xffff  }
0x700: {  	v36 =	vld [tilespmem:$0x1F6C0];
	_ =	sdelay $0x4  }
0x701: {  	v33 =	vor.u32 v36, v18;
	v36 =	vld [tilespmem:$0x1FB80];
	_ =	sdelay $0x4  }
0x702: {  	v36 =	vor.u32 v36, v26;
	_ =	sdelay $0x3  }
0x703: {  	[tilespmem:v33+s0+$0x0] =	vst.idx.msk $0xffff, v31  }
0x704: {  	v31 =	vld.idx.msk [tilespmem:v36+s14+$0x0], $0xffff  }
0x705: {  	v36 =	vld [tilespmem:$0x1F6D0];
	_ =	sdelay $0x4  }
0x706: {  	v33 =	vor.u32 v36, v18;
	v36 =	vld [tilespmem:$0x1FB90];
	_ =	sdelay $0x4  }
0x707: {  	v36 =	vor.u32 v36, v20;
	_ =	sdelay $0x3  }
0x708: {  	[tilespmem:v33+s0+$0x0] =	vst.idx.msk $0xffff, v31  }
0x709: {  	v31 =	vld.idx.msk [tilespmem:v36+s14+$0x0], $0xffff  }
0x70a: {  	v36 =	vld [tilespmem:$0x1F6E0];
	_ =	sdelay $0x4  }
0x70b: {  	v33 =	vor.u32 v36, v18;
	v36 =	vld [tilespmem:$0x1FBA0];
	_ =	sdelay $0x4  }
0x70c: {  	v36 =	vor.u32 v36, v28;
	_ =	sdelay $0x3  }
0x70d: {  	[tilespmem:v33+s0+$0x0] =	vst.idx.msk $0xffff, v31  }
0x70e: {  	v31 =	vld.idx.msk [tilespmem:v36+s14+$0x0], $0xffff  }
0x70f: {  	v36 =	vld [tilespmem:$0x1F6F0];
	_ =	sdelay $0x4  }
0x710: {  	v33 =	vor.u32 v36, v18;
	v36 =	vld [tilespmem:$0x1FBB0];
	_ =	sdelay $0x4  }
0x711: {  	v36 =	vor.u32 v36, v21;
	_ =	sdelay $0x3  }
0x712: {  	[tilespmem:v33+s0+$0x0] =	vst.idx.msk $0xffff, v31  }
0x713: {  	v31 =	vld.idx.msk [tilespmem:v36+s14+$0x0], $0xffff  }
0x714: {  	v36 =	vld [tilespmem:$0x1F700];
	_ =	sdelay $0x4  }
0x715: {  	v33 =	vor.u32 v36, v18;
	v36 =	vld [tilespmem:$0x1FBC0];
	_ =	sdelay $0x4  }
0x716: {  	v36 =	vor.u32 v36, v22;
	_ =	sdelay $0x3  }
0x717: {  	[tilespmem:v33+s0+$0x0] =	vst.idx.msk $0xffff, v31  }
0x718: {  	v31 =	vld.idx.msk [tilespmem:v36+s14+$0x0], $0xffff  }
0x719: {  	v36 =	vld [tilespmem:$0x1F710];
	_ =	sdelay $0x4  }
0x71a: {  	v33 =	vor.u32 v36, v18;
	v36 =	vld [tilespmem:$0x1FBD0];
	_ =	sdelay $0x4  }
0x71b: {  	v36 =	vor.u32 v36, v23;
	_ =	sdelay $0x3  }
0x71c: {  	[tilespmem:v33+s0+$0x0] =	vst.idx.msk $0xffff, v31  }
0x71d: {  	v31 =	vld.idx.msk [tilespmem:v36+s14+$0x0], $0xffff  }
0x71e: {  	v36 =	vld [tilespmem:$0x1F720];
	_ =	sdelay $0x4  }
0x71f: {  	v33 =	vor.u32 v36, v18;
	v36 =	vld [tilespmem:$0x1FBE0];
	_ =	sdelay $0x4  }
0x720: {  	v36 =	vor.u32 v36, v30;
	_ =	sdelay $0x3  }
0x721: {  	[tilespmem:v33+s0+$0x0] =	vst.idx.msk $0xffff, v31  }
0x722: {  	v31 =	vld.idx.msk [tilespmem:v36+s14+$0x0], $0xffff  }
0x723: {  	v36 =	vld [tilespmem:$0x1F730];
	_ =	sdelay $0x4  }
0x724: {  	v33 =	vor.u32 v36, v18;
	v36 =	vld [tilespmem:$0x1FBF0];
	_ =	sdelay $0x4  }
0x725: {  	v36 =	vor.u32 v36, v24;
	_ =	sdelay $0x3  }
0x726: {  	[tilespmem:v33+s0+$0x0] =	vst.idx.msk $0xffff, v31  }
0x727: {  	v31 =	vld.idx.msk [tilespmem:v36+s14+$0x0], $0xffff  }
0x728: {  	v36 =	vld [tilespmem:$0x1F740];
	_ =	sdelay $0x4  }
0x729: {  	v33 =	vor.u32 v36, v18;
	v36 =	vld [tilespmem:$0x1FC00];
	_ =	sdelay $0x4  }
0x72a: {  	v36 =	vor.u32 v36, v32;
	_ =	sdelay $0x3  }
0x72b: {  	[tilespmem:v33+s0+$0x0] =	vst.idx.msk $0xffff, v31  }
0x72c: {  	v31 =	vld.idx.msk [tilespmem:v36+s14+$0x0], $0xffff  }
0x72d: {  	v36 =	vld [tilespmem:$0x1F750];
	_ =	sdelay $0x4  }
0x72e: {  	v33 =	vor.u32 v36, v18;
	v36 =	vld [tilespmem:$0x1FC10];
	_ =	sdelay $0x4  }
0x72f: {  	v36 =	vor.u32 v36, v25;
	_ =	sdelay $0x3  }
0x730: {  	[tilespmem:v33+s0+$0x0] =	vst.idx.msk $0xffff, v31  }
0x731: {  	v31 =	vld.idx.msk [tilespmem:v36+s14+$0x0], $0xffff  }
0x732: {  	v36 =	vld [tilespmem:$0x1F760];
	_ =	sdelay $0x4  }
0x733: {  	v33 =	vor.u32 v36, v18;
	v36 =	vld [tilespmem:$0x1FC20];
	_ =	sdelay $0x4  }
0x734: {  	v36 =	vor.u32 v36, v27;
	_ =	sdelay $0x3  }
0x735: {  	[tilespmem:v33+s0+$0x0] =	vst.idx.msk $0xffff, v31  }
0x736: {  	v31 =	vld.idx.msk [tilespmem:v36+s14+$0x0], $0xffff  }
0x737: {  	v36 =	vld [tilespmem:$0x1F770];
	_ =	sdelay $0x4  }
0x738: {  	v33 =	vor.u32 v36, v18;
	v36 =	vld [tilespmem:$0x1FC30];
	_ =	sdelay $0x4  }
0x739: {  	v36 =	vor.u32 v36, v29;
	_ =	sdelay $0x3  }
0x73a: {  	[tilespmem:v33+s0+$0x0] =	vst.idx.msk $0xffff, v31  }
0x73b: {  	v31 =	vld.idx.msk [tilespmem:v36+s14+$0x0], $0xffff  }
0x73c: {  	v36 =	vld [tilespmem:$0x1F780];
	_ =	sdelay $0x4  }
0x73d: {  	v33 =	vor.u32 v36, v18;
	v36 =	vld [tilespmem:$0x1FC40];
	_ =	sdelay $0x4  }
0x73e: {  	v36 =	vor.u32 v36, v34;
	_ =	sdelay $0x3  }
0x73f: {  	[tilespmem:v33+s0+$0x0] =	vst.idx.msk $0xffff, v31  }
0x740: {  	v31 =	vld.idx.msk [tilespmem:v36+s14+$0x0], $0xffff  }
0x741: {  	v36 =	vld [tilespmem:$0x1F790];
	_ =	sdelay $0x4  }
0x742: {  	v33 =	vor.u32 v36, v18;
	v36 =	vld [tilespmem:$0x1F810];
	_ =	sdelay $0x4  }
0x743: {  	v36 =	vor.u32 v36, v19;
	_ =	sdelay $0x3  }
0x744: {  	[tilespmem:v33+s0+$0x0] =	vst.idx.msk $0xffff, v31  }
0x745: {  	v31 =	vld.idx.msk [tilespmem:v36+s14+$0x0], $0xffff  }
0x746: {  	v36 =	vld [tilespmem:$0x1F7A0];
	_ =	sdelay $0x4  }
0x747: {  	v33 =	vor.u32 v36, v18;
	v36 =	vld [tilespmem:$0x1FC50];
	_ =	sdelay $0x4  }
0x748: {  	v36 =	vor.u32 v36, v26;
	_ =	sdelay $0x3  }
0x749: {  	[tilespmem:v33+s0+$0x0] =	vst.idx.msk $0xffff, v31  }
0x74a: {  	v31 =	vld.idx.msk [tilespmem:v36+s14+$0x0], $0xffff  }
0x74b: {  	v36 =	vld [tilespmem:$0x1F7B0];
	_ =	sdelay $0x4  }
0x74c: {  	v33 =	vor.u32 v36, v18;
	v36 =	vld [tilespmem:$0x1FC60];
	_ =	sdelay $0x4  }
0x74d: {  	v36 =	vor.u32 v36, v20;
	_ =	sdelay $0x3  }
0x74e: {  	[tilespmem:v33+s0+$0x0] =	vst.idx.msk $0xffff, v31  }
0x74f: {  	v31 =	vld.idx.msk [tilespmem:v36+s14+$0x0], $0xffff  }
0x750: {  	v36 =	vld [tilespmem:$0x1F7C0];
	_ =	sdelay $0x4  }
0x751: {  	v33 =	vor.u32 v36, v18;
	v36 =	vld [tilespmem:$0x1FC70];
	_ =	sdelay $0x4  }
0x752: {  	v36 =	vor.u32 v36, v28;
	_ =	sdelay $0x3  }
0x753: {  	[tilespmem:v33+s0+$0x0] =	vst.idx.msk $0xffff, v31  }
0x754: {  	v31 =	vld.idx.msk [tilespmem:v36+s14+$0x0], $0xffff  }
0x755: {  	v36 =	vld [tilespmem:$0x1F7D0];
	_ =	sdelay $0x4  }
0x756: {  	v33 =	vor.u32 v36, v18;
	v36 =	vld [tilespmem:$0x1FC80];
	_ =	sdelay $0x4  }
0x757: {  	v36 =	vor.u32 v36, v21;
	_ =	sdelay $0x3  }
0x758: {  	[tilespmem:v33+s0+$0x0] =	vst.idx.msk $0xffff, v31  }
0x759: {  	v31 =	vld.idx.msk [tilespmem:v36+s14+$0x0], $0xffff  }
0x75a: {  	v36 =	vld [tilespmem:$0x1F7E0];
	_ =	sdelay $0x4  }
0x75b: {  	v33 =	vor.u32 v36, v18;
	v36 =	vld [tilespmem:$0x1FC90];
	_ =	sdelay $0x4  }
0x75c: {  	v36 =	vor.u32 v36, v22;
	_ =	sdelay $0x3  }
0x75d: {  	[tilespmem:v33+s0+$0x0] =	vst.idx.msk $0xffff, v31  }
0x75e: {  	v31 =	vld.idx.msk [tilespmem:v36+s14+$0x0], $0xffff  }
0x75f: {  	v36 =	vld [tilespmem:$0x1F7F0];
	_ =	sdelay $0x4  }
0x760: {  	v33 =	vor.u32 v36, v18;
	v36 =	vld [tilespmem:$0x1FCA0];
	_ =	sdelay $0x4  }
0x761: {  	v36 =	vor.u32 v36, v23;
	_ =	sdelay $0x3  }
0x762: {  	[tilespmem:v33+s0+$0x0] =	vst.idx.msk $0xffff, v31  }
0x763: {  	v31 =	vld.idx.msk [tilespmem:v36+s14+$0x0], $0xffff  }
0x764: {  	v36 =	vld [tilespmem:$0x1F800];
	_ =	sdelay $0x4  }
0x765: {  	v33 =	vor.u32 v36, v18;
	v36 =	vld [tilespmem:$0x1FCB0];
	_ =	sdelay $0x4  }
0x766: {  	v36 =	vor.u32 v36, v30;
	_ =	sdelay $0x3  }
0x767: {  	[tilespmem:v33+s0+$0x0] =	vst.idx.msk $0xffff, v31  }
0x768: {  	v31 =	vld.idx.msk [tilespmem:v36+s14+$0x0], $0xffff  }
0x769: {  	v36 =	vld [tilespmem:$0x1F400];
	_ =	sdelay $0x4  }
0x76a: {  	v33 =	vor.u32 v36, v18;
	v36 =	vld [tilespmem:$0x1FCC0];
	_ =	sdelay $0x4  }
0x76b: {  	v36 =	vor.u32 v36, v24;
	_ =	sdelay $0x3  }
0x76c: {  	[tilespmem:v33+s0+$0x0] =	vst.idx.msk $0xffff, v31  }
0x76d: {  	v31 =	vld.idx.msk [tilespmem:v36+s14+$0x0], $0xffff  }
0x76e: {  	v36 =	vld [tilespmem:$0x1F410];
	_ =	sdelay $0x4  }
0x76f: {  	v33 =	vor.u32 v36, v18;
	v36 =	vld [tilespmem:$0x1FCD0];
	_ =	sdelay $0x4  }
0x770: {  	v36 =	vor.u32 v36, v32;
	_ =	sdelay $0x3  }
0x771: {  	[tilespmem:v33+s0+$0x0] =	vst.idx.msk $0xffff, v31  }
0x772: {  	v31 =	vld.idx.msk [tilespmem:v36+s14+$0x0], $0xffff  }
0x773: {  	v36 =	vld [tilespmem:$0x1FCE0];
	_ =	sdelay $0x3  }
0x774: {  	v33 =	vor.u32 v43, v18  }
0x775: {  	v36 =	vor.u32 v36, v25;
	_ =	sdelay $0x3  }
0x776: {  	[tilespmem:v33+s0+$0x0] =	vst.idx.msk $0xffff, v31  }
0x777: {  	v31 =	vld.idx.msk [tilespmem:v36+s14+$0x0], $0xffff  }
0x778: {  	v36 =	vld [tilespmem:$0x1FCF0];
	_ =	sdelay $0x3  }
0x779: {  	v33 =	vor.u32 v45, v18  }
0x77a: {  	v36 =	vor.u32 v36, v27;
	_ =	sdelay $0x3  }
0x77b: {  	[tilespmem:v33+s0+$0x0] =	vst.idx.msk $0xffff, v31  }
0x77c: {  	v31 =	vld.idx.msk [tilespmem:v36+s14+$0x0], $0xffff  }
0x77d: {  	v36 =	vld [tilespmem:$0x1FD00];
	_ =	sdelay $0x3  }
0x77e: {  	v33 =	vor.u32 v47, v18  }
0x77f: {  	v36 =	vor.u32 v36, v29;
	_ =	sdelay $0x3  }
0x780: {  	[tilespmem:v33+s0+$0x0] =	vst.idx.msk $0xffff, v31  }
0x781: {  	v31 =	vld.idx.msk [tilespmem:v36+s14+$0x0], $0xffff  }
0x782: {  	v36 =	vld [tilespmem:$0x1FD10];
	_ =	sdelay $0x3  }
0x783: {  	v33 =	vor.u32 v49, v18  }
0x784: {  	v36 =	vor.u32 v36, v34;
	_ =	sdelay $0x3  }
0x785: {  	[tilespmem:v33+s0+$0x0] =	vst.idx.msk $0xffff, v31  }
0x786: {  	v31 =	vld.idx.msk [tilespmem:v36+s14+$0x0], $0xffff  }
0x787: {  	v36 =	vld [tilespmem:$0x1F820];
	_ =	sdelay $0x3  }
0x788: {  	v33 =	vor.u32 v51, v18  }
0x789: {  	v36 =	vor.u32 v36, v19;
	_ =	sdelay $0x3  }
0x78a: {  	[tilespmem:v33+s0+$0x0] =	vst.idx.msk $0xffff, v31  }
0x78b: {  	v31 =	vld.idx.msk [tilespmem:v36+s14+$0x0], $0xffff  }
0x78c: {  	v36 =	vld [tilespmem:$0x1FD20];
	_ =	sdelay $0x3  }
0x78d: {  	v33 =	vor.u32 v52, v18  }
0x78e: {  	v36 =	vor.u32 v36, v26;
	_ =	sdelay $0x3  }
0x78f: {  	[tilespmem:v33+s0+$0x0] =	vst.idx.msk $0xffff, v31  }
0x790: {  	v31 =	vld.idx.msk [tilespmem:v36+s14+$0x0], $0xffff  }
0x791: {  	v36 =	vld [tilespmem:$0x1FD30];
	_ =	sdelay $0x3  }
0x792: {  	v33 =	vor.u32 v53, v18  }
0x793: {  	v36 =	vor.u32 v36, v20;
	_ =	sdelay $0x3  }
0x794: {  	[tilespmem:v33+s0+$0x0] =	vst.idx.msk $0xffff, v31  }
0x795: {  	v31 =	vld.idx.msk [tilespmem:v36+s14+$0x0], $0xffff  }
0x796: {  	v36 =	vld [tilespmem:$0x1FD40];
	_ =	sdelay $0x3  }
0x797: {  	v33 =	vor.u32 v54, v18  }
0x798: {  	v36 =	vor.u32 v36, v28;
	_ =	sdelay $0x3  }
0x799: {  	[tilespmem:v33+s0+$0x0] =	vst.idx.msk $0xffff, v31  }
0x79a: {  	v31 =	vld.idx.msk [tilespmem:v36+s14+$0x0], $0xffff  }
0x79b: {  	v36 =	vld [tilespmem:$0x1FD50];
	_ =	sdelay $0x3  }
0x79c: {  	v33 =	vor.u32 v55, v18  }
0x79d: {  	v36 =	vor.u32 v36, v21;
	_ =	sdelay $0x3  }
0x79e: {  	[tilespmem:v33+s0+$0x0] =	vst.idx.msk $0xffff, v31  }
0x79f: {  	v31 =	vld.idx.msk [tilespmem:v36+s14+$0x0], $0xffff  }
0x7a0: {  	v36 =	vld [tilespmem:$0x1FD60];
	_ =	sdelay $0x3  }
0x7a1: {  	v33 =	vor.u32 v56, v18  }
0x7a2: {  	v36 =	vor.u32 v36, v22;
	_ =	sdelay $0x3  }
0x7a3: {  	[tilespmem:v33+s0+$0x0] =	vst.idx.msk $0xffff, v31  }
0x7a4: {  	v31 =	vld.idx.msk [tilespmem:v36+s14+$0x0], $0xffff  }
0x7a5: {  	v36 =	vld [tilespmem:$0x1FD70];
	_ =	sdelay $0x3  }
0x7a6: {  	v33 =	vor.u32 v57, v18  }
0x7a7: {  	v36 =	vor.u32 v36, v23;
	_ =	sdelay $0x3  }
0x7a8: {  	[tilespmem:v33+s0+$0x0] =	vst.idx.msk $0xffff, v31  }
0x7a9: {  	v31 =	vld.idx.msk [tilespmem:v36+s14+$0x0], $0xffff  }
0x7aa: {  	v36 =	vld [tilespmem:$0x1FD80];
	_ =	sdelay $0x3  }
0x7ab: {  	v33 =	vor.u32 v58, v18  }
0x7ac: {  	v36 =	vor.u32 v36, v30;
	_ =	sdelay $0x3  }
0x7ad: {  	[tilespmem:v33+s0+$0x0] =	vst.idx.msk $0xffff, v31  }
0x7ae: {  	v31 =	vld.idx.msk [tilespmem:v36+s14+$0x0], $0xffff  }
0x7af: {  	v36 =	vld [tilespmem:$0x1FD90];
	_ =	sdelay $0x3  }
0x7b0: {  	v33 =	vor.u32 v59, v18  }
0x7b1: {  	v36 =	vor.u32 v36, v24;
	_ =	sdelay $0x3  }
0x7b2: {  	[tilespmem:v33+s0+$0x0] =	vst.idx.msk $0xffff, v31  }
0x7b3: {  	v31 =	vld.idx.msk [tilespmem:v36+s14+$0x0], $0xffff  }
0x7b4: {  	v36 =	vld [tilespmem:$0x1FDA0];
	_ =	sdelay $0x3  }
0x7b5: {  	v33 =	vor.u32 v60, v18  }
0x7b6: {  	v36 =	vor.u32 v36, v32;
	_ =	sdelay $0x3  }
0x7b7: {  	[tilespmem:v33+s0+$0x0] =	vst.idx.msk $0xffff, v31  }
0x7b8: {  	v31 =	vld.idx.msk [tilespmem:v36+s14+$0x0], $0xffff  }
0x7b9: {  	v36 =	vld [tilespmem:$0x1FDB0];
	_ =	sdelay $0x3  }
0x7ba: {  	v33 =	vor.u32 v61, v18  }
0x7bb: {  	v36 =	vor.u32 v36, v25;
	_ =	sdelay $0x3  }
0x7bc: {  	[tilespmem:v33+s0+$0x0] =	vst.idx.msk $0xffff, v31  }
0x7bd: {  	v31 =	vld.idx.msk [tilespmem:v36+s14+$0x0], $0xffff  }
0x7be: {  	v36 =	vld [tilespmem:$0x1FDC0];
	_ =	sdelay $0x3  }
0x7bf: {  	v33 =	vor.u32 v62, v18  }
0x7c0: {  	v36 =	vor.u32 v36, v27;
	_ =	sdelay $0x3  }
0x7c1: {  	[tilespmem:v33+s0+$0x0] =	vst.idx.msk $0xffff, v31  }
0x7c2: {  	v31 =	vld.idx.msk [tilespmem:v36+s14+$0x0], $0xffff  }
0x7c3: {  	v36 =	vld [tilespmem:$0x1FDD0];
	_ =	sdelay $0x3  }
0x7c4: {  	v33 =	vor.u32 v63, v18  }
0x7c5: {  	v36 =	vor.u32 v36, v29;
	_ =	sdelay $0x3  }
0x7c6: {  	[tilespmem:v33+s0+$0x0] =	vst.idx.msk $0xffff, v31  }
0x7c7: {  	v31 =	vld.idx.msk [tilespmem:v36+s14+$0x0], $0xffff  }
0x7c8: {  	v36 =	vld [tilespmem:$0x1FDE0];
	_ =	sdelay $0x3  }
0x7c9: {  	v33 =	vor.u32 v16, v18  }
0x7ca: {  	v36 =	vor.u32 v36, v34;
	_ =	sdelay $0x3  }
0x7cb: {  	[tilespmem:v33+s0+$0x0] =	vst.idx.msk $0xffff, v31  }
0x7cc: {  	v31 =	vld.idx.msk [tilespmem:v36+s14+$0x0], $0xffff  }
0x7cd: {  	v36 =	vld [tilespmem:$0x1F830]  }
0x7ce: {  	v33 =	vor.u32 v14, v18;
	_ =	sdelay $0x3  }
0x7cf: {  	v19 =	vor.u32 v36, v19  }
0x7d0: {  	[tilespmem:v33+s0+$0x0] =	vst.idx.msk $0xffff, v31;
	v33 =	vld [tilespmem:$0x1FDF0];
	_ =	sdelay $0x3  }
0x7d1: {  	v31 =	vor.u32 v15, v18;
	v19 =	vld.idx.msk [tilespmem:v19+s14+$0x0], $0xffff  }
0x7d2: {  	v26 =	vor.u32 v33, v26;
	_ =	sdelay $0x3  }
0x7d3: {  	[tilespmem:v31+s0+$0x0] =	vst.idx.msk $0xffff, v19;
	v31 =	vld [tilespmem:$0x1FE10]  }
0x7d4: {  	v19 =	vld.idx.msk [tilespmem:v26+s14+$0x0], $0xffff;
	v26 =	vor.u32 v1, v18;
	_ =	sdelay $0x3  }
0x7d5: {  	v20 =	vor.u32 v31, v20  }
0x7d6: {  	[tilespmem:v26+s0+$0x0] =	vst.idx.msk $0xffff, v19;
	v26 =	vld [tilespmem:$0x1FE30];
	_ =	sdelay $0x3  }
0x7d7: {  	v19 =	vld.idx.msk [tilespmem:v20+s14+$0x0], $0xffff;
	v20 =	vor.u32 v2, v18  }
0x7d8: {  	v26 =	vor.u32 v26, v28;
	_ =	sdelay $0x3  }
0x7d9: {  	[tilespmem:v20+s0+$0x0] =	vst.idx.msk $0xffff, v19  }
0x7da: {  	v19 =	vld.idx.msk [tilespmem:v26+s14+$0x0], $0xffff  }
0x7db: {  	v26 =	vld [tilespmem:$0x1FE50];
	_ =	sdelay $0x3  }
0x7dc: {  	v20 =	vor.u32 v3, v18  }
0x7dd: {  	v21 =	vor.u32 v26, v21;
	_ =	sdelay $0x3  }
0x7de: {  	[tilespmem:v20+s0+$0x0] =	vst.idx.msk $0xffff, v19  }
0x7df: {  	v19 =	vld.idx.msk [tilespmem:v21+s14+$0x0], $0xffff  }
0x7e0: {  	v21 =	vld [tilespmem:$0x1FE70];
	_ =	sdelay $0x3  }
0x7e1: {  	v20 =	vor.u32 v4, v18  }
0x7e2: {  	v21 =	vor.u32 v21, v22;
	_ =	sdelay $0x3  }
0x7e3: {  	[tilespmem:v20+s0+$0x0] =	vst.idx.msk $0xffff, v19  }
0x7e4: {  	v19 =	vld.idx.msk [tilespmem:v21+s14+$0x0], $0xffff  }
0x7e5: {  	v21 =	vld [tilespmem:$0x1FE90];
	_ =	sdelay $0x3  }
0x7e6: {  	v20 =	vor.u32 v5, v18  }
0x7e7: {  	v21 =	vor.u32 v21, v23;
	_ =	sdelay $0x3  }
0x7e8: {  	[tilespmem:v20+s0+$0x0] =	vst.idx.msk $0xffff, v19  }
0x7e9: {  	v19 =	vld.idx.msk [tilespmem:v21+s14+$0x0], $0xffff  }
0x7ea: {  	v21 =	vld [tilespmem:$0x1FEB0];
	_ =	sdelay $0x3  }
0x7eb: {  	v20 =	vor.u32 v6, v18  }
0x7ec: {  	v21 =	vor.u32 v21, v30;
	_ =	sdelay $0x3  }
0x7ed: {  	[tilespmem:v20+s0+$0x0] =	vst.idx.msk $0xffff, v19  }
0x7ee: {  	v19 =	vld.idx.msk [tilespmem:v21+s14+$0x0], $0xffff  }
0x7ef: {  	v21 =	vld [tilespmem:$0x1FED0];
	_ =	sdelay $0x3  }
0x7f0: {  	v20 =	vor.u32 v17, v18  }
0x7f1: {  	v21 =	vor.u32 v21, v24;
	_ =	sdelay $0x3  }
0x7f2: {  	[tilespmem:v20+s0+$0x0] =	vst.idx.msk $0xffff, v19  }
0x7f3: {  	v19 =	vld.idx.msk [tilespmem:v21+s14+$0x0], $0xffff  }
0x7f4: {  	v21 =	vld [tilespmem:$0x1FEF0];
	_ =	sdelay $0x3  }
0x7f5: {  	v20 =	vor.u32 v7, v18  }
0x7f6: {  	v21 =	vor.u32 v21, v32;
	_ =	sdelay $0x3  }
0x7f7: {  	[tilespmem:v20+s0+$0x0] =	vst.idx.msk $0xffff, v19  }
0x7f8: {  	v19 =	vld.idx.msk [tilespmem:v21+s14+$0x0], $0xffff  }
0x7f9: {  	v21 =	vld [tilespmem:$0x1FF10];
	_ =	sdelay $0x3  }
0x7fa: {  	v20 =	vor.u32 v8, v18  }
0x7fb: {  	v21 =	vor.u32 v21, v25;
	_ =	sdelay $0x3  }
0x7fc: {  	[tilespmem:v20+s0+$0x0] =	vst.idx.msk $0xffff, v19  }
0x7fd: {  	v19 =	vld.idx.msk [tilespmem:v21+s14+$0x0], $0xffff  }
0x7fe: {  	v21 =	vld [tilespmem:$0x1FF30];
	_ =	sdelay $0x3  }
0x7ff: {  	v20 =	vor.u32 v9, v18  }
0x800: {  	v21 =	vor.u32 v21, v27;
	_ =	sdelay $0x3  }
0x801: {  	[tilespmem:v20+s0+$0x0] =	vst.idx.msk $0xffff, v19  }
0x802: {  	v19 =	vld.idx.msk [tilespmem:v21+s14+$0x0], $0xffff  }
0x803: {  	v21 =	vld [tilespmem:$0x1FF50];
	_ =	sdelay $0x3  }
0x804: {  	v20 =	vor.u32 v10, v18  }
0x805: {  	v21 =	vor.u32 v21, v29;
	_ =	sdelay $0x3  }
0x806: {  	[tilespmem:v20+s0+$0x0] =	vst.idx.msk $0xffff, v19  }
0x807: {  	v20 =	vor.u32 v11, v18;
	v19 =	vld.idx.msk [tilespmem:v21+s14+$0x0], $0xffff  }
0x808: {  	v21 =	vor.u32 v50, v34;
	_ =	sdelay $0x3  }
0x809: {  	[tilespmem:v20+s0+$0x0] =	vst.idx.msk $0xffff, v19  }
0x80a: {  	p0 =	sne.s32 s1, $0x1;
	v18 =	vor.u32 v12, v18;
	v19 =	vld.idx.msk [tilespmem:v21+s14+$0x0], $0xffff  }
.Ltmp2:
0x80b: {  	_ = 	snop;
	(pc) =	sbr.rel @p0 .LBB2_6-.Ltmp2, $3  }
0x80c: {  	_ =	sdelay $0x1  }
0x80d: {  	v13 =	vadd.s32 $0x8, v13;
	v36 =	vmovc v48;
	v23 =	vmovc v35;
	v30 =	vmov v44;
	v24 =	vmov v37  }
0x80e: {  	s1 =	sadd.s32 $0xFFFFFFFF, s1;
	v32 =	vmovc v46;
	v25 =	vmovc v38;
	v27 =	vmov v40;
	v29 =	vmov v42;
	[tilespmem:v18+s0+$0x0] =	vst.idx.msk $0xffff, v19;
	v18 =	vmov v39  }
0x80f: {  	[hbm4b:s10+s3] =	stream.linear.scatter [tilespmem:s0], [sflag:$0x2], $0x3800, $0x38;
	[tilespmem:$0x15180] =	vst v63  }
0x810: {  	_ =	swait.ge [sflag:s30], $0x3800  }
0x811: {  	[sflag:s30] =	ssyncset.done $0x0  }
0x812: {  	[sflag:s30] =	ssyncadd.s32 $0xFFFFC800  }
0x813: {  	_ =	swait.ge [sflag:s30], $0x3800  }
0x814: {  	v20 =	vld [tilespmem:$0x1FFA0]  }
0x815: {  	v21 =	vld [tilespmem:$0x1FFB0]  }
0x816: {  	s31 =	sadd.s32 $0x1, s31;
	v22 =	vld [tilespmem:$0x1FFC0]  }
0x817: {  	p0 =	sne.s32 s31, s11;
	v28 =	vld [tilespmem:$0x1FFD0]  }
.Ltmp3:
0x818: {  	v31 =	vld [tilespmem:$0x1FFE0];
	(pc) =	sbr.rel @p0 .LBB2_1-.Ltmp3, $4  }
0x819: {  	v33 =	vld [tilespmem:$0x1FFF0]  }
0x81a: {  	v15 =	vld [tilespmem:$0x1FF70]  }
0x81b: {  	[sflag:s30] =	ssyncset.done $0x0;
	v35 =	vld [tilespmem:$0x1FF80]  }
0x81c: {  	v4 =	vld [tilespmem:$0x1FF90];
	[sflag:s30] =	ssyncadd.s32 $0xFFFFC800  }
0x81d: {  	_ =	sfence.sel $0x180000  }
0x81e: {  	[bflag:$0x0] =	sbarrier.arrive $0xFFFF  }
0x81f: {  	_ =	strace $0x90000047  }
0x820: {  	s0 =	stileid.u32;
	[bflag:$0x2] =	sbarrier.arrive $0xFFFF  }
0x821: {  	p0 =	sne.s32 s0, $0x0;
	s0 =	rddreg [dreg:$0x3]  }
0x822: {  	s0 =	sadd.s32 @!p0 $0x100000, s0  }
0x823: {  	[sflag:s0] =	ssyncadd.tile.s32 @!p0 $0x1;
	_ =	shalt  }
.Lfunc_end2:
_tile_overlayer_lowered:
.L_overlay_start_2:
0x824: {  	(tag) =	ssettag $0x2  }
0x825: {  	s0 =	rddreg [dreg:$0x0];
	s2 =	stileid.u32  }
0x826: {  	s1 =	rddreg [dreg:$0x1];
	p0 =	sne.s32 s2, $0x0  }
0x827: {  	s3 =	rddreg [dreg:$0x2];
	[bflag:$0x3] =	sbarrier.arrive $0xFFFF;
	s2 =	simm.s32 @!p0 $0x1C03  }
0x828: {  	[timem:s3], [sflag:s2] =	dma.local @!p0 [hbm:s0], s1  }
0x829: {  	s0 =	simm.s32 @!p0 $0x3  }
0x82a: {  	_ =	swait.ge @!p0 [sflag:s0], s1  }
0x82b: {  	s1 =	ssub.s32 @!p0 $0x0, s1;
	[sflag:s0] =	ssyncset.done @!p0 $0x0  }
0x82c: {  	[sflag:s0] =	ssyncadd.s32 @!p0 s1  }
0x82d: {  	[bflag:$0x3] =	sbarrier.arrive $0xFFFF  }
0x82e: {  	_ =	shalt  }

</sc_bundles>
